<compile_context>
chip_gen: v7x
topology: tpu7x:2x2x1
jax: 0.10.2.dev20260603
libtpu: 0.0.44.dev20260713+nightly
codegen_flags: <defaults>
</compile_context>

<pallas_src>
import functools

import jax
import jax.numpy as jnp
from jax import lax
from jax.experimental import pallas as pl
from jax.experimental.pallas import tpu as pltpu
from jax.experimental.pallas import tpu_sc as plsc

N = 500000
D = 128
NUM_BATCHES = 16
SIZE = 256
NSEG = NUM_BATCHES * SIZE

NC = 2
NS = 16
L = 16

NEC = 4
NFS = NC * NS // NEC
NE = N // NEC
T = 1000
NT = NE // T

NPAD = 512000


def _cluster_body(px_ref, py_ref, b_ref, out_ref):
    gx = jnp.clip(jnp.floor(px_ref[...] * 16.0), 0.0, 15.0).astype(jnp.int32)
    gy = jnp.clip(jnp.floor(py_ref[...] * 16.0), 0.0, 15.0).astype(jnp.int32)
    out_ref[...] = b_ref[...] * SIZE + gx * 16 + gy


def _scatter_body(x_hbm, cl_hbm, part_hbm, acc, idx0, idx1, xs0, xs1,
                  sem0, sem1):
    cid = lax.axis_index("c")
    sid = lax.axis_index("s")
    wid = sid * NC + cid
    e = wid // NFS
    f = wid % NFS
    col = f * L
    sems = (sem0, sem1)
    idxbs = (idx0, idx1)
    xsbs = (xs0, xs1)

    neg = jnp.full((L,), -jnp.inf, jnp.float32)

    def init_body(i, carry):
        acc[i] = neg
        return carry

    lax.fori_loop(0, NSEG, init_body, 0)

    base0 = e * NE

    def start(t, b):
        base = base0 + t * T
        pltpu.async_copy(cl_hbm.at[pl.ds(base, T)], idxbs[b], sems[b])
        pltpu.async_copy(
            x_hbm.at[pl.ds(base, T), pl.ds(col, L)], xsbs[b], sems[b])

    def wait(b):
        pltpu.make_async_copy(
            cl_hbm.at[pl.ds(0, T)], idxbs[b], sems[b]).wait()
        pltpu.make_async_copy(
            x_hbm.at[pl.ds(0, T), pl.ds(col, L)], xsbs[b], sems[b]).wait()

    def group16(b, i0):
        cvec = idxbs[b][pl.ds(i0, L)]
        cs = [cvec[j] for j in range(L)]
        ms = [
            jnp.maximum(acc[cs[j]], xsbs[b][i0 + j]) for j in range(L)
        ]
        counts, _ = plsc.scan_count(cvec)
        uni = jnp.broadcast_to(counts[0], (L,))
        ndup = plsc.all_reduce_population_count(counts != uni)[0]
        for j in range(L):
            acc[cs[j]] = ms[j]

        @pl.when(ndup == 1)
        def _():
            mr = [
                jnp.maximum(acc[cs[j]], xsbs[b][i0 + j]) for j in range(L)
            ]
            for j in reversed(range(L)):
                acc[cs[j]] = mr[j]

        @pl.when(ndup >= 2)
        def _():
            for j in range(L):
                acc[cs[j]] = jnp.maximum(acc[cs[j]], xsbs[b][i0 + j])

    def compute(b):
        def group_body(g, c2):
            group16(b, g * L)
            return c2

        lax.fori_loop(0, T // L, group_body, 0)
        group16(b, T - L)

    start(0, 0)
    start(1, 1)

    def outer_body(i, carry):
        for b in range(2):
            t = i * 2 + b
            wait(b)
            compute(b)

            @pl.when(t + 2 < NT)
            def _():
                start(t + 2, b)

        return carry

    lax.fori_loop(0, (NT - 1) // 2, outer_body, 0)
    wait(0)
    compute(0)
    pltpu.sync_copy(acc, part_hbm.at[e, :, pl.ds(col, L)])


def _merge_body(p_ref, o_ref):
    m = jnp.max(p_ref[...], axis=0)
    o_ref[...] = jnp.where(m == -jnp.inf, jnp.zeros_like(m), m)


@jax.jit
def kernel(x, pos, batch):
    px = jnp.pad(pos[:, 0], (0, NPAD - N)).reshape(NPAD // D, D)
    py = jnp.pad(pos[:, 1], (0, NPAD - N)).reshape(NPAD // D, D)
    b2 = jnp.pad(batch, (0, NPAD - N)).reshape(NPAD // D, D)
    cl2 = pl.pallas_call(
        _cluster_body,
        out_shape=jax.ShapeDtypeStruct((NPAD // D, D), jnp.int32),
    )(px, py, b2)
    cluster_pad = cl2.reshape(NPAD)
    cluster = cluster_pad[:N]

    scatter = functools.partial(
        pl.kernel,
        out_type=jax.ShapeDtypeStruct((NEC, NSEG, D), jnp.float32),
        mesh=plsc.VectorSubcoreMesh(
            core_axis_name="c", subcore_axis_name="s", num_cores=NC,
            num_subcores=NS,
        ),
        scratch_types=[
            pltpu.VMEM((NSEG, L), jnp.float32),
            pltpu.VMEM((T,), jnp.int32),
            pltpu.VMEM((T,), jnp.int32),
            pltpu.VMEM((T, L), jnp.float32),
            pltpu.VMEM((T, L), jnp.float32),
            pltpu.SemaphoreType.DMA,
            pltpu.SemaphoreType.DMA,
        ],
        compiler_params=pltpu.CompilerParams(
            use_tc_tiling_on_sc=False, needs_layout_passes=False),
    )(_scatter_body)
    partials = scatter(x, cluster)

    out = pl.pallas_call(
        _merge_body,
        out_shape=jax.ShapeDtypeStruct((NSEG, D), jnp.float32),
    )(partials)
    return out, cluster

# --- scband reference (transcript-rebuilt; emitter-appended) ---
"""Pipeline reference for scband-max-pooling-x-738734375752 (READ-ONLY COPY).

The authoritative reference and input builder live on the scoring server;
editing this copy changes nothing except your own understanding.
"""

import jax, jax.numpy as jnp
import numpy as np

N = 500000
D = 128
VOXEL_SIZE = np.array([0.0625, 0.0625], dtype=np.float32)
FULL_SHAPE = np.array([1.0, 1.0], dtype=np.float32)
SIZE = 256  # voxels per sample (16*16)
NUM_BATCHES = 16


def setup_inputs(seed: int = 0) -> dict:
    key = jax.random.key(seed)
    k1, k2, k3 = jax.random.split(key, 3)
    x = jax.random.normal(k1, (N, D), dtype=jnp.float32)
    pos = jax.random.uniform(k2, (N, 2), dtype=jnp.float32)
    batch = jnp.sort(jax.random.randint(k3, (N,), 0, NUM_BATCHES)).astype(jnp.int32)
    return {"x": x, "pos": pos, "batch": batch}


def _fixed_voxel_grid(pos, batch):
    # floor-divide positions by voxel size into a fixed grid derived from full_shape,
    # then offset cluster ids per batch element so clusters are globally unique.
    voxel_size = jnp.asarray(VOXEL_SIZE, dtype=pos.dtype)
    full_shape = jnp.asarray(FULL_SHAPE, dtype=pos.dtype)
    n = jnp.ceil(full_shape / voxel_size).astype(jnp.int32)  # [16, 16]
    g = jnp.floor(pos / voxel_size).astype(jnp.int32)
    g = jnp.clip(g, 0, n - 1)
    voxel = g[:, 0] * n[1] + g[:, 1]
    cluster = batch.astype(jnp.int32) * SIZE + voxel
    return cluster


def reference(x, pos, batch):
    cluster = _fixed_voxel_grid(pos, batch)
    batch_size = NUM_BATCHES
    num_segments = batch_size * SIZE
    out = jax.ops.segment_max(x, cluster, num_segments=num_segments)
    # torch_scatter's max-reduce leaves untouched (empty) segments at 0;
    # jax segment_max fills them with -inf, so replace to match.
    out = jnp.where(jnp.isneginf(out), jnp.zeros_like(out), out)
    return out, cluster

if __name__ == "__main__":
    import jax
    _d = setup_inputs()
    print(jax.jit(kernel)(*tuple(_d.values())))

</pallas_src>

<mosaic_0001>
#map = affine_map<(d0, d1) -> (0, 0)>
#map1 = affine_map<(d0, d1) -> (0)>
#map2 = affine_map<(d0, d1) -> (0, 0, 0)>
module attributes {stable_mosaic.version = 14 : i64} {
  func.func @_scatter_body(%arg0: i32, %arg1: i32, %arg2: memref<500000x128xf32, #tpu.memory_space<hbm>>, %arg3: memref<500000xi32, #tpu.memory_space<hbm>>, %arg4: memref<4x4096x128xf32, #tpu.memory_space<hbm>>, %arg5: memref<4096x16xf32, #tpu.memory_space<vmem>>, %arg6: memref<1000xi32, #tpu.memory_space<vmem>>, %arg7: memref<1000xi32, #tpu.memory_space<vmem>>, %arg8: memref<1000x16xf32, #tpu.memory_space<vmem>>, %arg9: memref<1000x16xf32, #tpu.memory_space<vmem>>, %arg10: memref<!tpu.dma_semaphore, #tpu.memory_space<semaphore_mem>>, %arg11: memref<!tpu.dma_semaphore, #tpu.memory_space<semaphore_mem>>) attributes {dimension_semantics = [#tpu.dimension_semantics<core_parallel>, #tpu.dimension_semantics<subcore_parallel>], iteration_bounds = array<i64: 2, 16>, scalar_prefetch = 0 : i64, scratch_operands = 7 : i64, tpu.core_type = #tpu.core_type<sc_vector_subcore>, window_params = [{transform_indices = #map}, {transform_indices = #map1}, {transform_indices = #map2}]} {
    %mul3A = arith.constant 2 : i32
    %mul3A_0 = arith.muli %arg1, %mul3A : i32
    %add3A = arith.addi %mul3A_0, %arg0 : i32
    %jit3A = arith.constant 8 : i32
    %div3A = arith.divsi %add3A, %jit3A : i32
    %sign3A = arith.constant 0 : i32
    %sign3A_1 = arith.cmpi sgt, %add3A, %sign3A : i32
    %sign3A_2 = arith.extui %sign3A_1 : i1 to i32
    %sign3A_3 = arith.constant 0 : i32
    %sign3A_4 = arith.cmpi slt, %add3A, %sign3A_3 : i32
    %sign3A_5 = arith.extui %sign3A_4 : i1 to i32
    %sign3A_6 = arith.subi %sign3A_2, %sign3A_5 : i32
    %sign3A_7 = arith.constant 0 : i32
    %sign3A_8 = arith.cmpi sgt, %jit3A, %sign3A_7 : i32
    %sign3A_9 = arith.extui %sign3A_8 : i1 to i32
    %sign3A_10 = arith.constant 0 : i32
    %sign3A_11 = arith.cmpi slt, %jit3A, %sign3A_10 : i32
    %sign3A_12 = arith.extui %sign3A_11 : i1 to i32
    %sign3A_13 = arith.subi %sign3A_9, %sign3A_12 : i32
    %ne3A = arith.cmpi ne, %sign3A_6, %sign3A_13 : i32
    %rem3A = arith.remsi %add3A, %jit3A : i32
    %ne3A_14 = arith.constant 0 : i32
    %ne3A_15 = arith.cmpi ne, %rem3A, %ne3A_14 : i32
    %and3A = arith.andi %ne3A, %ne3A_15 : i1
    %sub3A = arith.constant 1 : i32
    %sub3A_16 = arith.subi %div3A, %sub3A : i32
    %select_n3A = arith.select %and3A, %sub3A_16, %div3A : i32
    %jit3A_17 = arith.constant 8 : i32
    %eq3A = arith.constant 0 : i32
    %eq3A_18 = arith.cmpi eq, %jit3A_17, %eq3A : i32
    %jit3A_19 = arith.constant 1 : i32
    %select_n3A_20 = arith.select %eq3A_18, %jit3A_19, %jit3A_17 : i32
    %rem3A_21 = arith.remsi %add3A, %select_n3A_20 : i32
    %ne3A_22 = arith.constant 0 : i32
    %ne3A_23 = arith.cmpi ne, %rem3A_21, %ne3A_22 : i32
    %lt3A = arith.constant 0 : i32
    %lt3A_24 = arith.cmpi slt, %rem3A_21, %lt3A : i32
    %lt3A_25 = arith.constant 0 : i32
    %lt3A_26 = arith.cmpi slt, %select_n3A_20, %lt3A_25 : i32
    %ne3A_27 = arith.xori %lt3A_24, %lt3A_26 : i1
    %and3A_28 = arith.andi %ne3A_27, %ne3A_23 : i1
    %add3A_29 = arith.addi %rem3A_21, %select_n3A_20 : i32
    %select_n3A_30 = arith.select %and3A_28, %add3A_29, %rem3A_21 : i32
    %mul3A_31 = arith.constant 16 : i32
    %mul3A_32 = arith.muli %select_n3A_30, %mul3A_31 : i32
    %broadcast_in_dim3A = arith.constant 0xFF800000 : f32
    %broadcast_in_dim3A_33 = vector.broadcast %broadcast_in_dim3A : f32 to vector<16xf32>
    %scan3A = arith.constant 0 : i32
    %scan3A_34 = arith.constant 0 : i32
    %scan3A_35 = arith.constant 4096 : i32
    %scan3A_36 = arith.addi %scan3A_34, %scan3A_35 : i32
    %scan3A_37 = arith.constant 1 : i32
    scf.for %scan3A_292 = %scan3A_34 to %scan3A_36 step %scan3A_37  : i32 {
      %swap3A_293 = arith.index_cast %scan3A_292 : i32 to index
      %swap3A_294 = arith.constant 0 : index
      %swap3A_295 = tpu.vector_load %arg5[%swap3A_293, %swap3A_294] {strides = array<i32>} : memref<4096x16xf32, #tpu.memory_space<vmem>>, vector<16xf32>,
      tpu.vector_store %arg5[%swap3A_293, %swap3A_294], %broadcast_in_dim3A_33 {strides = array<i32>} : memref<4096x16xf32, #tpu.memory_space<vmem>>, vector<16xf32>,
    }
    %scan3A_38 = arith.constant 4096 : i32
    %mul3A_39 = arith.constant 125000 : i32
    %mul3A_40 = arith.muli %select_n3A, %mul3A_39 : i32
    %add3A_41 = arith.constant 0 : i32
    %add3A_42 = arith.addi %mul3A_40, %add3A_41 : i32
    %dma_start3A = tpu.memref_slice %arg3[%add3A_42] : memref<500000xi32, #tpu.memory_space<hbm>> -> memref<1000xi32, #tpu.memory_space<hbm>>
    %dma_start3A_43 = tpu.memref_slice %arg3[%add3A_42] : memref<500000xi32, #tpu.memory_space<hbm>> -> memref<1000xi32, #tpu.memory_space<hbm>>
    tpu.enqueue_dma source(%dma_start3A_43 : memref<1000xi32, #tpu.memory_space<hbm>>) target(%arg6 : memref<1000xi32, #tpu.memory_space<vmem>>) target_semaphore(%arg10 : memref<!tpu.dma_semaphore, #tpu.memory_space<semaphore_mem>>)
    %dma_start3A_44 = tpu.memref_slice %arg2[%add3A_42, %mul3A_32] : memref<500000x128xf32, #tpu.memory_space<hbm>> -> memref<1000x16xf32, #tpu.memory_space<hbm>>
    %dma_start3A_45 = tpu.memref_slice %arg2[%add3A_42, %mul3A_32] : memref<500000x128xf32, #tpu.memory_space<hbm>> -> memref<1000x16xf32, #tpu.memory_space<hbm>>
    tpu.enqueue_dma source(%dma_start3A_45 : memref<1000x16xf32, #tpu.memory_space<hbm>>) target(%arg8 : memref<1000x16xf32, #tpu.memory_space<vmem>>) target_semaphore(%arg10 : memref<!tpu.dma_semaphore, #tpu.memory_space<semaphore_mem>>)
    %add3A_46 = arith.constant 1000 : i32
    %add3A_47 = arith.addi %mul3A_40, %add3A_46 : i32
    %dma_start3A_48 = tpu.memref_slice %arg3[%add3A_47] : memref<500000xi32, #tpu.memory_space<hbm>> -> memref<1000xi32, #tpu.memory_space<hbm>>
    %dma_start3A_49 = tpu.memref_slice %arg3[%add3A_47] : memref<500000xi32, #tpu.memory_space<hbm>> -> memref<1000xi32, #tpu.memory_space<hbm>>
    tpu.enqueue_dma source(%dma_start3A_49 : memref<1000xi32, #tpu.memory_space<hbm>>) target(%arg7 : memref<1000xi32, #tpu.memory_space<vmem>>) target_semaphore(%arg11 : memref<!tpu.dma_semaphore, #tpu.memory_space<semaphore_mem>>)
    %dma_start3A_50 = tpu.memref_slice %arg2[%add3A_47, %mul3A_32] : memref<500000x128xf32, #tpu.memory_space<hbm>> -> memref<1000x16xf32, #tpu.memory_space<hbm>>
    %dma_start3A_51 = tpu.memref_slice %arg2[%add3A_47, %mul3A_32] : memref<500000x128xf32, #tpu.memory_space<hbm>> -> memref<1000x16xf32, #tpu.memory_space<hbm>>
    tpu.enqueue_dma source(%dma_start3A_51 : memref<1000x16xf32, #tpu.memory_space<hbm>>) target(%arg9 : memref<1000x16xf32, #tpu.memory_space<vmem>>) target_semaphore(%arg11 : memref<!tpu.dma_semaphore, #tpu.memory_space<semaphore_mem>>)
    %scan3A_52 = arith.constant 0 : i32
    %scan3A_53 = arith.constant 0 : i32
    %scan3A_54 = arith.constant 62 : i32
    %scan3A_55 = arith.addi %scan3A_53, %scan3A_54 : i32
    %scan3A_56 = arith.constant 1 : i32
    scf.for %scan3A_292 = %scan3A_53 to %scan3A_55 step %scan3A_56  : i32 {
      %mul3A_293 = arith.constant 2 : i32
      %mul3A_294 = arith.muli %scan3A_292, %mul3A_293 : i32
      %add3A_295 = arith.constant 0 : i32
      %add3A_296 = arith.addi %mul3A_294, %add3A_295 : i32
      %dma_wait3A_297 = arith.constant 0 : i32
      %dma_wait3A_298 = tpu.memref_slice %arg3[%dma_wait3A_297] : memref<500000xi32, #tpu.memory_space<hbm>> -> memref<1000xi32, #tpu.memory_space<hbm>>
      %dma_wait3A_299 = arith.constant 0 : i32
      %dma_wait3A_300 = tpu.memref_slice %arg3[%dma_wait3A_299] : memref<500000xi32, #tpu.memory_space<hbm>> -> memref<1000xi32, #tpu.memory_space<hbm>>
      tpu.wait_dma2 semaphore(%arg10 : memref<!tpu.dma_semaphore, #tpu.memory_space<semaphore_mem>>) src(%dma_wait3A_300 : memref<1000xi32, #tpu.memory_space<hbm>>) dst(%arg6 : memref<1000xi32, #tpu.memory_space<vmem>>)
      %dma_wait3A_301 = arith.constant 0 : i32
      %dma_wait3A_302 = tpu.memref_slice %arg2[%dma_wait3A_301, %mul3A_32] : memref<500000x128xf32, #tpu.memory_space<hbm>> -> memref<1000x16xf32, #tpu.memory_space<hbm>>
      %dma_wait3A_303 = arith.constant 0 : i32
      %dma_wait3A_304 = tpu.memref_slice %arg2[%dma_wait3A_303, %mul3A_32] : memref<500000x128xf32, #tpu.memory_space<hbm>> -> memref<1000x16xf32, #tpu.memory_space<hbm>>
      tpu.wait_dma2 semaphore(%arg10 : memref<!tpu.dma_semaphore, #tpu.memory_space<semaphore_mem>>) src(%dma_wait3A_304 : memref<1000x16xf32, #tpu.memory_space<hbm>>) dst(%arg8 : memref<1000x16xf32, #tpu.memory_space<vmem>>)
      %scan3A_305 = arith.constant 0 : i32
      %scan3A_306 = arith.constant 0 : i32
      %scan3A_307 = arith.constant 62 : i32
      %scan3A_308 = arith.addi %scan3A_306, %scan3A_307 : i32
      %scan3A_309 = arith.constant 1 : i32
      scf.for %scan3A_805 = %scan3A_306 to %scan3A_308 step %scan3A_309  : i32 {
        %mul3A_806 = arith.constant 16 : i32
        %mul3A_807 = arith.muli %scan3A_805, %mul3A_806 : i32
        %get3A_808 = arith.index_cast %mul3A_807 : i32 to index
        %get3A_809 = tpu.vector_load %arg6[%get3A_808] {strides = array<i32>} : memref<1000xi32, #tpu.memory_space<vmem>>, vector<16xi32>,
        %slice3A_810 = vector.extract_strided_slice %get3A_809 {offsets = [0], sizes = [1], strides = [1]} : vector<16xi32> to vector<1xi32>
        %squeeze3A_811 = vector.extract %slice3A_810[0] : i32 from vector<1xi32>
        %slice3A_812 = vector.extract_strided_slice %get3A_809 {offsets = [1], sizes = [1], strides = [1]} : vector<16xi32> to vector<1xi32>
        %squeeze3A_813 = vector.extract %slice3A_812[0] : i32 from vector<1xi32>
        %slice3A_814 = vector.extract_strided_slice %get3A_809 {offsets = [2], sizes = [1], strides = [1]} : vector<16xi32> to vector<1xi32>
        %squeeze3A_815 = vector.extract %slice3A_814[0] : i32 from vector<1xi32>
        %slice3A_816 = vector.extract_strided_slice %get3A_809 {offsets = [3], sizes = [1], strides = [1]} : vector<16xi32> to vector<1xi32>
        %squeeze3A_817 = vector.extract %slice3A_816[0] : i32 from vector<1xi32>
        %slice3A_818 = vector.extract_strided_slice %get3A_809 {offsets = [4], sizes = [1], strides = [1]} : vector<16xi32> to vector<1xi32>
        %squeeze3A_819 = vector.extract %slice3A_818[0] : i32 from vector<1xi32>
        %slice3A_820 = vector.extract_strided_slice %get3A_809 {offsets = [5], sizes = [1], strides = [1]} : vector<16xi32> to vector<1xi32>
        %squeeze3A_821 = vector.extract %slice3A_820[0] : i32 from vector<1xi32>
        %slice3A_822 = vector.extract_strided_slice %get3A_809 {offsets = [6], sizes = [1], strides = [1]} : vector<16xi32> to vector<1xi32>
        %squeeze3A_823 = vector.extract %slice3A_822[0] : i32 from vector<1xi32>
        %slice3A_824 = vector.extract_strided_slice %get3A_809 {offsets = [7], sizes = [1], strides = [1]} : vector<16xi32> to vector<1xi32>
        %squeeze3A_825 = vector.extract %slice3A_824[0] : i32 from vector<1xi32>
        %slice3A_826 = vector.extract_strided_slice %get3A_809 {offsets = [8], sizes = [1], strides = [1]} : vector<16xi32> to vector<1xi32>
        %squeeze3A_827 = vector.extract %slice3A_826[0] : i32 from vector<1xi32>
        %slice3A_828 = vector.extract_strided_slice %get3A_809 {offsets = [9], sizes = [1], strides = [1]} : vector<16xi32> to vector<1xi32>
        %squeeze3A_829 = vector.extract %slice3A_828[0] : i32 from vector<1xi32>
        %slice3A_830 = vector.extract_strided_slice %get3A_809 {offsets = [10], sizes = [1], strides = [1]} : vector<16xi32> to vector<1xi32>
        %squeeze3A_831 = vector.extract %slice3A_830[0] : i32 from vector<1xi32>
        %slice3A_832 = vector.extract_strided_slice %get3A_809 {offsets = [11], sizes = [1], strides = [1]} : vector<16xi32> to vector<1xi32>
        %squeeze3A_833 = vector.extract %slice3A_832[0] : i32 from vector<1xi32>
        %slice3A_834 = vector.extract_strided_slice %get3A_809 {offsets = [12], sizes = [1], strides = [1]} : vector<16xi32> to vector<1xi32>
        %squeeze3A_835 = vector.extract %slice3A_834[0] : i32 from vector<1xi32>
        %slice3A_836 = vector.extract_strided_slice %get3A_809 {offsets = [13], sizes = [1], strides = [1]} : vector<16xi32> to vector<1xi32>
        %squeeze3A_837 = vector.extract %slice3A_836[0] : i32 from vector<1xi32>
        %slice3A_838 = vector.extract_strided_slice %get3A_809 {offsets = [14], sizes = [1], strides = [1]} : vector<16xi32> to vector<1xi32>
        %squeeze3A_839 = vector.extract %slice3A_838[0] : i32 from vector<1xi32>
        %slice3A_840 = vector.extract_strided_slice %get3A_809 {offsets = [15], sizes = [1], strides = [1]} : vector<16xi32> to vector<1xi32>
        %squeeze3A_841 = vector.extract %slice3A_840[0] : i32 from vector<1xi32>
        %get3A_842 = arith.index_cast %squeeze3A_811 : i32 to index
        %get3A_843 = arith.constant 0 : index
        %get3A_844 = tpu.vector_load %arg5[%get3A_842, %get3A_843] {strides = array<i32>} : memref<4096x16xf32, #tpu.memory_space<vmem>>, vector<16xf32>,
        %add3A_845 = arith.constant 0 : i32
        %add3A_846 = arith.addi %mul3A_807, %add3A_845 : i32
        %get3A_847 = arith.index_cast %add3A_846 : i32 to index
        %get3A_848 = arith.constant 0 : index
        %get3A_849 = tpu.vector_load %arg8[%get3A_847, %get3A_848] {strides = array<i32>} : memref<1000x16xf32, #tpu.memory_space<vmem>>, vector<16xf32>,
        %max3A_850 = arith.maximumf %get3A_844, %get3A_849 : vector<16xf32>
        %get3A_851 = arith.index_cast %squeeze3A_813 : i32 to index
        %get3A_852 = arith.constant 0 : index
        %get3A_853 = tpu.vector_load %arg5[%get3A_851, %get3A_852] {strides = array<i32>} : memref<4096x16xf32, #tpu.memory_space<vmem>>, vector<16xf32>,
        %add3A_854 = arith.constant 1 : i32
        %add3A_855 = arith.addi %mul3A_807, %add3A_854 : i32
        %get3A_856 = arith.index_cast %add3A_855 : i32 to index
        %get3A_857 = arith.constant 0 : index
        %get3A_858 = tpu.vector_load %arg8[%get3A_856, %get3A_857] {strides = array<i32>} : memref<1000x16xf32, #tpu.memory_space<vmem>>, vector<16xf32>,
        %max3A_859 = arith.maximumf %get3A_853, %get3A_858 : vector<16xf32>
        %get3A_860 = arith.index_cast %squeeze3A_815 : i32 to index
        %get3A_861 = arith.constant 0 : index
        %get3A_862 = tpu.vector_load %arg5[%get3A_860, %get3A_861] {strides = array<i32>} : memref<4096x16xf32, #tpu.memory_space<vmem>>, vector<16xf32>,
        %add3A_863 = arith.constant 2 : i32
        %add3A_864 = arith.addi %mul3A_807, %add3A_863 : i32
        %get3A_865 = arith.index_cast %add3A_864 : i32 to index
        %get3A_866 = arith.constant 0 : index
        %get3A_867 = tpu.vector_load %arg8[%get3A_865, %get3A_866] {strides = array<i32>} : memref<1000x16xf32, #tpu.memory_space<vmem>>, vector<16xf32>,
        %max3A_868 = arith.maximumf %get3A_862, %get3A_867 : vector<16xf32>
        %get3A_869 = arith.index_cast %squeeze3A_817 : i32 to index
        %get3A_870 = arith.constant 0 : index
        %get3A_871 = tpu.vector_load %arg5[%get3A_869, %get3A_870] {strides = array<i32>} : memref<4096x16xf32, #tpu.memory_space<vmem>>, vector<16xf32>,
        %add3A_872 = arith.constant 3 : i32
        %add3A_873 = arith.addi %mul3A_807, %add3A_872 : i32
        %get3A_874 = arith.index_cast %add3A_873 : i32 to index
        %get3A_875 = arith.constant 0 : index
        %get3A_876 = tpu.vector_load %arg8[%get3A_874, %get3A_875] {strides = array<i32>} : memref<1000x16xf32, #tpu.memory_space<vmem>>, vector<16xf32>,
        %max3A_877 = arith.maximumf %get3A_871, %get3A_876 : vector<16xf32>
        %get3A_878 = arith.index_cast %squeeze3A_819 : i32 to index
        %get3A_879 = arith.constant 0 : index
        %get3A_880 = tpu.vector_load %arg5[%get3A_878, %get3A_879] {strides = array<i32>} : memref<4096x16xf32, #tpu.memory_space<vmem>>, vector<16xf32>,
        %add3A_881 = arith.constant 4 : i32
        %add3A_882 = arith.addi %mul3A_807, %add3A_881 : i32
        %get3A_883 = arith.index_cast %add3A_882 : i32 to index
        %get3A_884 = arith.constant 0 : index
        %get3A_885 = tpu.vector_load %arg8[%get3A_883, %get3A_884] {strides = array<i32>} : memref<1000x16xf32, #tpu.memory_space<vmem>>, vector<16xf32>,
        %max3A_886 = arith.maximumf %get3A_880, %get3A_885 : vector<16xf32>
        %get3A_887 = arith.index_cast %squeeze3A_821 : i32 to index
        %get3A_888 = arith.constant 0 : index
        %get3A_889 = tpu.vector_load %arg5[%get3A_887, %get3A_888] {strides = array<i32>} : memref<4096x16xf32, #tpu.memory_space<vmem>>, vector<16xf32>,
        %add3A_890 = arith.constant 5 : i32
        %add3A_891 = arith.addi %mul3A_807, %add3A_890 : i32
        %get3A_892 = arith.index_cast %add3A_891 : i32 to index
        %get3A_893 = arith.constant 0 : index
        %get3A_894 = tpu.vector_load %arg8[%get3A_892, %get3A_893] {strides = array<i32>} : memref<1000x16xf32, #tpu.memory_space<vmem>>, vector<16xf32>,
        %max3A_895 = arith.maximumf %get3A_889, %get3A_894 : vector<16xf32>
        %get3A_896 = arith.index_cast %squeeze3A_823 : i32 to index
        %get3A_897 = arith.constant 0 : index
        %get3A_898 = tpu.vector_load %arg5[%get3A_896, %get3A_897] {strides = array<i32>} : memref<4096x16xf32, #tpu.memory_space<vmem>>, vector<16xf32>,
        %add3A_899 = arith.constant 6 : i32
        %add3A_900 = arith.addi %mul3A_807, %add3A_899 : i32
        %get3A_901 = arith.index_cast %add3A_900 : i32 to index
        %get3A_902 = arith.constant 0 : index
        %get3A_903 = tpu.vector_load %arg8[%get3A_901, %get3A_902] {strides = array<i32>} : memref<1000x16xf32, #tpu.memory_space<vmem>>, vector<16xf32>,
        %max3A_904 = arith.maximumf %get3A_898, %get3A_903 : vector<16xf32>
        %get3A_905 = arith.index_cast %squeeze3A_825 : i32 to index
        %get3A_906 = arith.constant 0 : index
        %get3A_907 = tpu.vector_load %arg5[%get3A_905, %get3A_906] {strides = array<i32>} : memref<4096x16xf32, #tpu.memory_space<vmem>>, vector<16xf32>,
        %add3A_908 = arith.constant 7 : i32
        %add3A_909 = arith.addi %mul3A_807, %add3A_908 : i32
        %get3A_910 = arith.index_cast %add3A_909 : i32 to index
        %get3A_911 = arith.constant 0 : index
        %get3A_912 = tpu.vector_load %arg8[%get3A_910, %get3A_911] {strides = array<i32>} : memref<1000x16xf32, #tpu.memory_space<vmem>>, vector<16xf32>,
        %max3A_913 = arith.maximumf %get3A_907, %get3A_912 : vector<16xf32>
        %get3A_914 = arith.index_cast %squeeze3A_827 : i32 to index
        %get3A_915 = arith.constant 0 : index
        %get3A_916 = tpu.vector_load %arg5[%get3A_914, %get3A_915] {strides = array<i32>} : memref<4096x16xf32, #tpu.memory_space<vmem>>, vector<16xf32>,
        %add3A_917 = arith.constant 8 : i32
        %add3A_918 = arith.addi %mul3A_807, %add3A_917 : i32
        %get3A_919 = arith.index_cast %add3A_918 : i32 to index
        %get3A_920 = arith.constant 0 : index
        %get3A_921 = tpu.vector_load %arg8[%get3A_919, %get3A_920] {strides = array<i32>} : memref<1000x16xf32, #tpu.memory_space<vmem>>, vector<16xf32>,
        %max3A_922 = arith.maximumf %get3A_916, %get3A_921 : vector<16xf32>
        %get3A_923 = arith.index_cast %squeeze3A_829 : i32 to index
        %get3A_924 = arith.constant 0 : index
        %get3A_925 = tpu.vector_load %arg5[%get3A_923, %get3A_924] {strides = array<i32>} : memref<4096x16xf32, #tpu.memory_space<vmem>>, vector<16xf32>,
        %add3A_926 = arith.constant 9 : i32
        %add3A_927 = arith.addi %mul3A_807, %add3A_926 : i32
        %get3A_928 = arith.index_cast %add3A_927 : i32 to index
        %get3A_929 = arith.constant 0 : index
        %get3A_930 = tpu.vector_load %arg8[%get3A_928, %get3A_929] {strides = array<i32>} : memref<1000x16xf32, #tpu.memory_space<vmem>>, vector<16xf32>,
        %max3A_931 = arith.maximumf %get3A_925, %get3A_930 : vector<16xf32>
        %get3A_932 = arith.index_cast %squeeze3A_831 : i32 to index
        %get3A_933 = arith.constant 0 : index
        %get3A_934 = tpu.vector_load %arg5[%get3A_932, %get3A_933] {strides = array<i32>} : memref<4096x16xf32, #tpu.memory_space<vmem>>, vector<16xf32>,
        %add3A_935 = arith.constant 10 : i32
        %add3A_936 = arith.addi %mul3A_807, %add3A_935 : i32
        %get3A_937 = arith.index_cast %add3A_936 : i32 to index
        %get3A_938 = arith.constant 0 : index
        %get3A_939 = tpu.vector_load %arg8[%get3A_937, %get3A_938] {strides = array<i32>} : memref<1000x16xf32, #tpu.memory_space<vmem>>, vector<16xf32>,
        %max3A_940 = arith.maximumf %get3A_934, %get3A_939 : vector<16xf32>
        %get3A_941 = arith.index_cast %squeeze3A_833 : i32 to index
        %get3A_942 = arith.constant 0 : index
        %get3A_943 = tpu.vector_load %arg5[%get3A_941, %get3A_942] {strides = array<i32>} : memref<4096x16xf32, #tpu.memory_space<vmem>>, vector<16xf32>,
        %add3A_944 = arith.constant 11 : i32
        %add3A_945 = arith.addi %mul3A_807, %add3A_944 : i32
        %get3A_946 = arith.index_cast %add3A_945 : i32 to index
        %get3A_947 = arith.constant 0 : index
        %get3A_948 = tpu.vector_load %arg8[%get3A_946, %get3A_947] {strides = array<i32>} : memref<1000x16xf32, #tpu.memory_space<vmem>>, vector<16xf32>,
        %max3A_949 = arith.maximumf %get3A_943, %get3A_948 : vector<16xf32>
        %get3A_950 = arith.index_cast %squeeze3A_835 : i32 to index
        %get3A_951 = arith.constant 0 : index
        %get3A_952 = tpu.vector_load %arg5[%get3A_950, %get3A_951] {strides = array<i32>} : memref<4096x16xf32, #tpu.memory_space<vmem>>, vector<16xf32>,
        %add3A_953 = arith.constant 12 : i32
        %add3A_954 = arith.addi %mul3A_807, %add3A_953 : i32
        %get3A_955 = arith.index_cast %add3A_954 : i32 to index
        %get3A_956 = arith.constant 0 : index
        %get3A_957 = tpu.vector_load %arg8[%get3A_955, %get3A_956] {strides = array<i32>} : memref<1000x16xf32, #tpu.memory_space<vmem>>, vector<16xf32>,
        %max3A_958 = arith.maximumf %get3A_952, %get3A_957 : vector<16xf32>
        %get3A_959 = arith.index_cast %squeeze3A_837 : i32 to index
        %get3A_960 = arith.constant 0 : index
        %get3A_961 = tpu.vector_load %arg5[%get3A_959, %get3A_960] {strides = array<i32>} : memref<4096x16xf32, #tpu.memory_space<vmem>>, vector<16xf32>,
        %add3A_962 = arith.constant 13 : i32
        %add3A_963 = arith.addi %mul3A_807, %add3A_962 : i32
        %get3A_964 = arith.index_cast %add3A_963 : i32 to index
        %get3A_965 = arith.constant 0 : index
        %get3A_966 = tpu.vector_load %arg8[%get3A_964, %get3A_965] {strides = array<i32>} : memref<1000x16xf32, #tpu.memory_space<vmem>>, vector<16xf32>,
        %max3A_967 = arith.maximumf %get3A_961, %get3A_966 : vector<16xf32>
        %get3A_968 = arith.index_cast %squeeze3A_839 : i32 to index
        %get3A_969 = arith.constant 0 : index
        %get3A_970 = tpu.vector_load %arg5[%get3A_968, %get3A_969] {strides = array<i32>} : memref<4096x16xf32, #tpu.memory_space<vmem>>, vector<16xf32>,
        %add3A_971 = arith.constant 14 : i32
        %add3A_972 = arith.addi %mul3A_807, %add3A_971 : i32
        %get3A_973 = arith.index_cast %add3A_972 : i32 to index
        %get3A_974 = arith.constant 0 : index
        %get3A_975 = tpu.vector_load %arg8[%get3A_973, %get3A_974] {strides = array<i32>} : memref<1000x16xf32, #tpu.memory_space<vmem>>, vector<16xf32>,
        %max3A_976 = arith.maximumf %get3A_970, %get3A_975 : vector<16xf32>
        %get3A_977 = arith.index_cast %squeeze3A_841 : i32 to index
        %get3A_978 = arith.constant 0 : index
        %get3A_979 = tpu.vector_load %arg5[%get3A_977, %get3A_978] {strides = array<i32>} : memref<4096x16xf32, #tpu.memory_space<vmem>>, vector<16xf32>,
        %add3A_980 = arith.constant 15 : i32
        %add3A_981 = arith.addi %mul3A_807, %add3A_980 : i32
        %get3A_982 = arith.index_cast %add3A_981 : i32 to index
        %get3A_983 = arith.constant 0 : index
        %get3A_984 = tpu.vector_load %arg8[%get3A_982, %get3A_983] {strides = array<i32>} : memref<1000x16xf32, #tpu.memory_space<vmem>>, vector<16xf32>,
        %max3A_985 = arith.maximumf %get3A_979, %get3A_984 : vector<16xf32>
        %broadcast_in_dim3A_986 = arith.constant true
        %broadcast_in_dim3A_987 = vector.broadcast %broadcast_in_dim3A_986 : i1 to vector<16xi1>
        %unique3A_988, %unique3A_989 = tpu.scan_count mask(%broadcast_in_dim3A_987 : vector<16xi1>) value(%get3A_809 : vector<16xi32>) : vector<16xi1>, vector<16xi32>
        %slice3A_990 = vector.extract_strided_slice %unique3A_989 {offsets = [0], sizes = [1], strides = [1]} : vector<16xi32> to vector<1xi32>
        %squeeze3A_991 = vector.extract %slice3A_990[0] : i32 from vector<1xi32>
        %broadcast_in_dim3A_992 = vector.broadcast %squeeze3A_991 : i32 to vector<16xi32>
        %ne3A_993 = arith.cmpi ne, %unique3A_989, %broadcast_in_dim3A_992 : vector<16xi32>
        %all_reduce_population_count3A_994 = tpu.all_reduce %ne3A_993 {dim = 0 : i64, kind = #tpu.reduction_kind<sum>} : vector<16xi1> -> vector<16xi32>
        %slice3A_995 = vector.extract_strided_slice %all_reduce_population_count3A_994 {offsets = [0], sizes = [1], strides = [1]} : vector<16xi32> to vector<1xi32>
        %squeeze3A_996 = vector.extract %slice3A_995[0] : i32 from vector<1xi32>
        %swap3A_997 = arith.index_cast %squeeze3A_811 : i32 to index
        %swap3A_998 = arith.constant 0 : index
        %swap3A_999 = tpu.vector_load %arg5[%swap3A_997, %swap3A_998] {strides = array<i32>} : memref<4096x16xf32, #tpu.memory_space<vmem>>, vector<16xf32>,
        tpu.vector_store %arg5[%swap3A_997, %swap3A_998], %max3A_850 {strides = array<i32>} : memref<4096x16xf32, #tpu.memory_space<vmem>>, vector<16xf32>,
        %swap3A_1000 = arith.index_cast %squeeze3A_813 : i32 to index
        %swap3A_1001 = arith.constant 0 : index
        %swap3A_1002 = tpu.vector_load %arg5[%swap3A_1000, %swap3A_1001] {strides = array<i32>} : memref<4096x16xf32, #tpu.memory_space<vmem>>, vector<16xf32>,
        tpu.vector_store %arg5[%swap3A_1000, %swap3A_1001], %max3A_859 {strides = array<i32>} : memref<4096x16xf32, #tpu.memory_space<vmem>>, vector<16xf32>,
        %swap3A_1003 = arith.index_cast %squeeze3A_815 : i32 to index
        %swap3A_1004 = arith.constant 0 : index
        %swap3A_1005 = tpu.vector_load %arg5[%swap3A_1003, %swap3A_1004] {strides = array<i32>} : memref<4096x16xf32, #tpu.memory_space<vmem>>, vector<16xf32>,
        tpu.vector_store %arg5[%swap3A_1003, %swap3A_1004], %max3A_868 {strides = array<i32>} : memref<4096x16xf32, #tpu.memory_space<vmem>>, vector<16xf32>,
        %swap3A_1006 = arith.index_cast %squeeze3A_817 : i32 to index
        %swap3A_1007 = arith.constant 0 : index
        %swap3A_1008 = tpu.vector_load %arg5[%swap3A_1006, %swap3A_1007] {strides = array<i32>} : memref<4096x16xf32, #tpu.memory_space<vmem>>, vector<16xf32>,
        tpu.vector_store %arg5[%swap3A_1006, %swap3A_1007], %max3A_877 {strides = array<i32>} : memref<4096x16xf32, #tpu.memory_space<vmem>>, vector<16xf32>,
        %swap3A_1009 = arith.index_cast %squeeze3A_819 : i32 to index
        %swap3A_1010 = arith.constant 0 : index
        %swap3A_1011 = tpu.vector_load %arg5[%swap3A_1009, %swap3A_1010] {strides = array<i32>} : memref<4096x16xf32, #tpu.memory_space<vmem>>, vector<16xf32>,
        tpu.vector_store %arg5[%swap3A_1009, %swap3A_1010], %max3A_886 {strides = array<i32>} : memref<4096x16xf32, #tpu.memory_space<vmem>>, vector<16xf32>,
        %swap3A_1012 = arith.index_cast %squeeze3A_821 : i32 to index
        %swap3A_1013 = arith.constant 0 : index
        %swap3A_1014 = tpu.vector_load %arg5[%swap3A_1012, %swap3A_1013] {strides = array<i32>} : memref<4096x16xf32, #tpu.memory_space<vmem>>, vector<16xf32>,
        tpu.vector_store %arg5[%swap3A_1012, %swap3A_1013], %max3A_895 {strides = array<i32>} : memref<4096x16xf32, #tpu.memory_space<vmem>>, vector<16xf32>,
        %swap3A_1015 = arith.index_cast %squeeze3A_823 : i32 to index
        %swap3A_1016 = arith.constant 0 : index
        %swap3A_1017 = tpu.vector_load %arg5[%swap3A_1015, %swap3A_1016] {strides = array<i32>} : memref<4096x16xf32, #tpu.memory_space<vmem>>, vector<16xf32>,
        tpu.vector_store %arg5[%swap3A_1015, %swap3A_1016], %max3A_904 {strides = array<i32>} : memref<4096x16xf32, #tpu.memory_space<vmem>>, vector<16xf32>,
        %swap3A_1018 = arith.index_cast %squeeze3A_825 : i32 to index
        %swap3A_1019 = arith.constant 0 : index
        %swap3A_1020 = tpu.vector_load %arg5[%swap3A_1018, %swap3A_1019] {strides = array<i32>} : memref<4096x16xf32, #tpu.memory_space<vmem>>, vector<16xf32>,
        tpu.vector_store %arg5[%swap3A_1018, %swap3A_1019], %max3A_913 {strides = array<i32>} : memref<4096x16xf32, #tpu.memory_space<vmem>>, vector<16xf32>,
        %swap3A_1021 = arith.index_cast %squeeze3A_827 : i32 to index
        %swap3A_1022 = arith.constant 0 : index
        %swap3A_1023 = tpu.vector_load %arg5[%swap3A_1021, %swap3A_1022] {strides = array<i32>} : memref<4096x16xf32, #tpu.memory_space<vmem>>, vector<16xf32>,
        tpu.vector_store %arg5[%swap3A_1021, %swap3A_1022], %max3A_922 {strides = array<i32>} : memref<4096x16xf32, #tpu.memory_space<vmem>>, vector<16xf32>,
        %swap3A_1024 = arith.index_cast %squeeze3A_829 : i32 to index
        %swap3A_1025 = arith.constant 0 : index
        %swap3A_1026 = tpu.vector_load %arg5[%swap3A_1024, %swap3A_1025] {strides = array<i32>} : memref<4096x16xf32, #tpu.memory_space<vmem>>, vector<16xf32>,
        tpu.vector_store %arg5[%swap3A_1024, %swap3A_1025], %max3A_931 {strides = array<i32>} : memref<4096x16xf32, #tpu.memory_space<vmem>>, vector<16xf32>,
        %swap3A_1027 = arith.index_cast %squeeze3A_831 : i32 to index
        %swap3A_1028 = arith.constant 0 : index
        %swap3A_1029 = tpu.vector_load %arg5[%swap3A_1027, %swap3A_1028] {strides = array<i32>} : memref<4096x16xf32, #tpu.memory_space<vmem>>, vector<16xf32>,
        tpu.vector_store %arg5[%swap3A_1027, %swap3A_1028], %max3A_940 {strides = array<i32>} : memref<4096x16xf32, #tpu.memory_space<vmem>>, vector<16xf32>,
        %swap3A_1030 = arith.index_cast %squeeze3A_833 : i32 to index
        %swap3A_1031 = arith.constant 0 : index
        %swap3A_1032 = tpu.vector_load %arg5[%swap3A_1030, %swap3A_1031] {strides = array<i32>} : memref<4096x16xf32, #tpu.memory_space<vmem>>, vector<16xf32>,
        tpu.vector_store %arg5[%swap3A_1030, %swap3A_1031], %max3A_949 {strides = array<i32>} : memref<4096x16xf32, #tpu.memory_space<vmem>>, vector<16xf32>,
        %swap3A_1033 = arith.index_cast %squeeze3A_835 : i32 to index
        %swap3A_1034 = arith.constant 0 : index
        %swap3A_1035 = tpu.vector_load %arg5[%swap3A_1033, %swap3A_1034] {strides = array<i32>} : memref<4096x16xf32, #tpu.memory_space<vmem>>, vector<16xf32>,
        tpu.vector_store %arg5[%swap3A_1033, %swap3A_1034], %max3A_958 {strides = array<i32>} : memref<4096x16xf32, #tpu.memory_space<vmem>>, vector<16xf32>,
        %swap3A_1036 = arith.index_cast %squeeze3A_837 : i32 to index
        %swap3A_1037 = arith.constant 0 : index
        %swap3A_1038 = tpu.vector_load %arg5[%swap3A_1036, %swap3A_1037] {strides = array<i32>} : memref<4096x16xf32, #tpu.memory_space<vmem>>, vector<16xf32>,
        tpu.vector_store %arg5[%swap3A_1036, %swap3A_1037], %max3A_967 {strides = array<i32>} : memref<4096x16xf32, #tpu.memory_space<vmem>>, vector<16xf32>,
        %swap3A_1039 = arith.index_cast %squeeze3A_839 : i32 to index
        %swap3A_1040 = arith.constant 0 : index
        %swap3A_1041 = tpu.vector_load %arg5[%swap3A_1039, %swap3A_1040] {strides = array<i32>} : memref<4096x16xf32, #tpu.memory_space<vmem>>, vector<16xf32>,
        tpu.vector_store %arg5[%swap3A_1039, %swap3A_1040], %max3A_976 {strides = array<i32>} : memref<4096x16xf32, #tpu.memory_space<vmem>>, vector<16xf32>,
        %swap3A_1042 = arith.index_cast %squeeze3A_841 : i32 to index
        %swap3A_1043 = arith.constant 0 : index
        %swap3A_1044 = tpu.vector_load %arg5[%swap3A_1042, %swap3A_1043] {strides = array<i32>} : memref<4096x16xf32, #tpu.memory_space<vmem>>, vector<16xf32>,
        tpu.vector_store %arg5[%swap3A_1042, %swap3A_1043], %max3A_985 {strides = array<i32>} : memref<4096x16xf32, #tpu.memory_space<vmem>>, vector<16xf32>,
        %eq3A_1045 = arith.constant 1 : i32
        %eq3A_1046 = arith.cmpi eq, %squeeze3A_996, %eq3A_1045 : i32
        %convert_element_type3A_1047 = arith.extui %eq3A_1046 : i1 to i32
        %cond3A_1048 = arith.constant 0 : i32
        %cond3A_1049 = arith.cmpi ne, %convert_element_type3A_1047, %cond3A_1048 : i32
        scf.if %cond3A_1049 {
          %get3A_1055 = arith.index_cast %squeeze3A_811 : i32 to index
          %get3A_1056 = arith.constant 0 : index
          %get3A_1057 = tpu.vector_load %arg5[%get3A_1055, %get3A_1056] {strides = array<i32>} : memref<4096x16xf32, #tpu.memory_space<vmem>>, vector<16xf32>,
          %add3A_1058 = arith.constant 0 : i32
          %add3A_1059 = arith.addi %mul3A_807, %add3A_1058 : i32
          %get3A_1060 = arith.index_cast %add3A_1059 : i32 to index
          %get3A_1061 = arith.constant 0 : index
          %get3A_1062 = tpu.vector_load %arg8[%get3A_1060, %get3A_1061] {strides = array<i32>} : memref<1000x16xf32, #tpu.memory_space<vmem>>, vector<16xf32>,
          %max3A_1063 = arith.maximumf %get3A_1057, %get3A_1062 : vector<16xf32>
          %get3A_1064 = arith.index_cast %squeeze3A_813 : i32 to index
          %get3A_1065 = arith.constant 0 : index
          %get3A_1066 = tpu.vector_load %arg5[%get3A_1064, %get3A_1065] {strides = array<i32>} : memref<4096x16xf32, #tpu.memory_space<vmem>>, vector<16xf32>,
          %add3A_1067 = arith.constant 1 : i32
          %add3A_1068 = arith.addi %mul3A_807, %add3A_1067 : i32
          %get3A_1069 = arith.index_cast %add3A_1068 : i32 to index
          %get3A_1070 = arith.constant 0 : index
          %get3A_1071 = tpu.vector_load %arg8[%get3A_1069, %get3A_1070] {strides = array<i32>} : memref<1000x16xf32, #tpu.memory_space<vmem>>, vector<16xf32>,
          %max3A_1072 = arith.maximumf %get3A_1066, %get3A_1071 : vector<16xf32>
          %get3A_1073 = arith.index_cast %squeeze3A_815 : i32 to index
          %get3A_1074 = arith.constant 0 : index
          %get3A_1075 = tpu.vector_load %arg5[%get3A_1073, %get3A_1074] {strides = array<i32>} : memref<4096x16xf32, #tpu.memory_space<vmem>>, vector<16xf32>,
          %add3A_1076 = arith.constant 2 : i32
          %add3A_1077 = arith.addi %mul3A_807, %add3A_1076 : i32
          %get3A_1078 = arith.index_cast %add3A_1077 : i32 to index
          %get3A_1079 = arith.constant 0 : index
          %get3A_1080 = tpu.vector_load %arg8[%get3A_1078, %get3A_1079] {strides = array<i32>} : memref<1000x16xf32, #tpu.memory_space<vmem>>, vector<16xf32>,
          %max3A_1081 = arith.maximumf %get3A_1075, %get3A_1080 : vector<16xf32>
          %get3A_1082 = arith.index_cast %squeeze3A_817 : i32 to index
          %get3A_1083 = arith.constant 0 : index
          %get3A_1084 = tpu.vector_load %arg5[%get3A_1082, %get3A_1083] {strides = array<i32>} : memref<4096x16xf32, #tpu.memory_space<vmem>>, vector<16xf32>,
          %add3A_1085 = arith.constant 3 : i32
          %add3A_1086 = arith.addi %mul3A_807, %add3A_1085 : i32
          %get3A_1087 = arith.index_cast %add3A_1086 : i32 to index
          %get3A_1088 = arith.constant 0 : index
          %get3A_1089 = tpu.vector_load %arg8[%get3A_1087, %get3A_1088] {strides = array<i32>} : memref<1000x16xf32, #tpu.memory_space<vmem>>, vector<16xf32>,
          %max3A_1090 = arith.maximumf %get3A_1084, %get3A_1089 : vector<16xf32>
          %get3A_1091 = arith.index_cast %squeeze3A_819 : i32 to index
          %get3A_1092 = arith.constant 0 : index
          %get3A_1093 = tpu.vector_load %arg5[%get3A_1091, %get3A_1092] {strides = array<i32>} : memref<4096x16xf32, #tpu.memory_space<vmem>>, vector<16xf32>,
          %add3A_1094 = arith.constant 4 : i32
          %add3A_1095 = arith.addi %mul3A_807, %add3A_1094 : i32
          %get3A_1096 = arith.index_cast %add3A_1095 : i32 to index
          %get3A_1097 = arith.constant 0 : index
          %get3A_1098 = tpu.vector_load %arg8[%get3A_1096, %get3A_1097] {strides = array<i32>} : memref<1000x16xf32, #tpu.memory_space<vmem>>, vector<16xf32>,
          %max3A_1099 = arith.maximumf %get3A_1093, %get3A_1098 : vector<16xf32>
          %get3A_1100 = arith.index_cast %squeeze3A_821 : i32 to index
          %get3A_1101 = arith.constant 0 : index
          %get3A_1102 = tpu.vector_load %arg5[%get3A_1100, %get3A_1101] {strides = array<i32>} : memref<4096x16xf32, #tpu.memory_space<vmem>>, vector<16xf32>,
          %add3A_1103 = arith.constant 5 : i32
          %add3A_1104 = arith.addi %mul3A_807, %add3A_1103 : i32
          %get3A_1105 = arith.index_cast %add3A_1104 : i32 to index
          %get3A_1106 = arith.constant 0 : index
          %get3A_1107 = tpu.vector_load %arg8[%get3A_1105, %get3A_1106] {strides = array<i32>} : memref<1000x16xf32, #tpu.memory_space<vmem>>, vector<16xf32>,
          %max3A_1108 = arith.maximumf %get3A_1102, %get3A_1107 : vector<16xf32>
          %get3A_1109 = arith.index_cast %squeeze3A_823 : i32 to index
          %get3A_1110 = arith.constant 0 : index
          %get3A_1111 = tpu.vector_load %arg5[%get3A_1109, %get3A_1110] {strides = array<i32>} : memref<4096x16xf32, #tpu.memory_space<vmem>>, vector<16xf32>,
          %add3A_1112 = arith.constant 6 : i32
          %add3A_1113 = arith.addi %mul3A_807, %add3A_1112 : i32
          %get3A_1114 = arith.index_cast %add3A_1113 : i32 to index
          %get3A_1115 = arith.constant 0 : index
          %get3A_1116 = tpu.vector_load %arg8[%get3A_1114, %get3A_1115] {strides = array<i32>} : memref<1000x16xf32, #tpu.memory_space<vmem>>, vector<16xf32>,
          %max3A_1117 = arith.maximumf %get3A_1111, %get3A_1116 : vector<16xf32>
          %get3A_1118 = arith.index_cast %squeeze3A_825 : i32 to index
          %get3A_1119 = arith.constant 0 : index
          %get3A_1120 = tpu.vector_load %arg5[%get3A_1118, %get3A_1119] {strides = array<i32>} : memref<4096x16xf32, #tpu.memory_space<vmem>>, vector<16xf32>,
          %add3A_1121 = arith.constant 7 : i32
          %add3A_1122 = arith.addi %mul3A_807, %add3A_1121 : i32
          %get3A_1123 = arith.index_cast %add3A_1122 : i32 to index
          %get3A_1124 = arith.constant 0 : index
          %get3A_1125 = tpu.vector_load %arg8[%get3A_1123, %get3A_1124] {strides = array<i32>} : memref<1000x16xf32, #tpu.memory_space<vmem>>, vector<16xf32>,
          %max3A_1126 = arith.maximumf %get3A_1120, %get3A_1125 : vector<16xf32>
          %get3A_1127 = arith.index_cast %squeeze3A_827 : i32 to index
          %get3A_1128 = arith.constant 0 : index
          %get3A_1129 = tpu.vector_load %arg5[%get3A_1127, %get3A_1128] {strides = array<i32>} : memref<4096x16xf32, #tpu.memory_space<vmem>>, vector<16xf32>,
          %add3A_1130 = arith.constant 8 : i32
          %add3A_1131 = arith.addi %mul3A_807, %add3A_1130 : i32
          %get3A_1132 = arith.index_cast %add3A_1131 : i32 to index
          %get3A_1133 = arith.constant 0 : index
          %get3A_1134 = tpu.vector_load %arg8[%get3A_1132, %get3A_1133] {strides = array<i32>} : memref<1000x16xf32, #tpu.memory_space<vmem>>, vector<16xf32>,
          %max3A_1135 = arith.maximumf %get3A_1129, %get3A_1134 : vector<16xf32>
          %get3A_1136 = arith.index_cast %squeeze3A_829 : i32 to index
          %get3A_1137 = arith.constant 0 : index
          %get3A_1138 = tpu.vector_load %arg5[%get3A_1136, %get3A_1137] {strides = array<i32>} : memref<4096x16xf32, #tpu.memory_space<vmem>>, vector<16xf32>,
          %add3A_1139 = arith.constant 9 : i32
          %add3A_1140 = arith.addi %mul3A_807, %add3A_1139 : i32
          %get3A_1141 = arith.index_cast %add3A_1140 : i32 to index
          %get3A_1142 = arith.constant 0 : index
          %get3A_1143 = tpu.vector_load %arg8[%get3A_1141, %get3A_1142] {strides = array<i32>} : memref<1000x16xf32, #tpu.memory_space<vmem>>, vector<16xf32>,
          %max3A_1144 = arith.maximumf %get3A_1138, %get3A_1143 : vector<16xf32>
          %get3A_1145 = arith.index_cast %squeeze3A_831 : i32 to index
          %get3A_1146 = arith.constant 0 : index
          %get3A_1147 = tpu.vector_load %arg5[%get3A_1145, %get3A_1146] {strides = array<i32>} : memref<4096x16xf32, #tpu.memory_space<vmem>>, vector<16xf32>,
          %add3A_1148 = arith.constant 10 : i32
          %add3A_1149 = arith.addi %mul3A_807, %add3A_1148 : i32
          %get3A_1150 = arith.index_cast %add3A_1149 : i32 to index
          %get3A_1151 = arith.constant 0 : index
          %get3A_1152 = tpu.vector_load %arg8[%get3A_1150, %get3A_1151] {strides = array<i32>} : memref<1000x16xf32, #tpu.memory_space<vmem>>, vector<16xf32>,
          %max3A_1153 = arith.maximumf %get3A_1147, %get3A_1152 : vector<16xf32>
          %get3A_1154 = arith.index_cast %squeeze3A_833 : i32 to index
          %get3A_1155 = arith.constant 0 : index
          %get3A_1156 = tpu.vector_load %arg5[%get3A_1154, %get3A_1155] {strides = array<i32>} : memref<4096x16xf32, #tpu.memory_space<vmem>>, vector<16xf32>,
          %add3A_1157 = arith.constant 11 : i32
          %add3A_1158 = arith.addi %mul3A_807, %add3A_1157 : i32
          %get3A_1159 = arith.index_cast %add3A_1158 : i32 to index
          %get3A_1160 = arith.constant 0 : index
          %get3A_1161 = tpu.vector_load %arg8[%get3A_1159, %get3A_1160] {strides = array<i32>} : memref<1000x16xf32, #tpu.memory_space<vmem>>, vector<16xf32>,
          %max3A_1162 = arith.maximumf %get3A_1156, %get3A_1161 : vector<16xf32>
          %get3A_1163 = arith.index_cast %squeeze3A_835 : i32 to index
          %get3A_1164 = arith.constant 0 : index
          %get3A_1165 = tpu.vector_load %arg5[%get3A_1163, %get3A_1164] {strides = array<i32>} : memref<4096x16xf32, #tpu.memory_space<vmem>>, vector<16xf32>,
          %add3A_1166 = arith.constant 12 : i32
          %add3A_1167 = arith.addi %mul3A_807, %add3A_1166 : i32
          %get3A_1168 = arith.index_cast %add3A_1167 : i32 to index
          %get3A_1169 = arith.constant 0 : index
          %get3A_1170 = tpu.vector_load %arg8[%get3A_1168, %get3A_1169] {strides = array<i32>} : memref<1000x16xf32, #tpu.memory_space<vmem>>, vector<16xf32>,
          %max3A_1171 = arith.maximumf %get3A_1165, %get3A_1170 : vector<16xf32>
          %get3A_1172 = arith.index_cast %squeeze3A_837 : i32 to index
          %get3A_1173 = arith.constant 0 : index
          %get3A_1174 = tpu.vector_load %arg5[%get3A_1172, %get3A_1173] {strides = array<i32>} : memref<4096x16xf32, #tpu.memory_space<vmem>>, vector<16xf32>,
          %add3A_1175 = arith.constant 13 : i32
          %add3A_1176 = arith.addi %mul3A_807, %add3A_1175 : i32
          %get3A_1177 = arith.index_cast %add3A_1176 : i32 to index
          %get3A_1178 = arith.constant 0 : index
          %get3A_1179 = tpu.vector_load %arg8[%get3A_1177, %get3A_1178] {strides = array<i32>} : memref<1000x16xf32, #tpu.memory_space<vmem>>, vector<16xf32>,
          %max3A_1180 = arith.maximumf %get3A_1174, %get3A_1179 : vector<16xf32>
          %get3A_1181 = arith.index_cast %squeeze3A_839 : i32 to index
          %get3A_1182 = arith.constant 0 : index
          %get3A_1183 = tpu.vector_load %arg5[%get3A_1181, %get3A_1182] {strides = array<i32>} : memref<4096x16xf32, #tpu.memory_space<vmem>>, vector<16xf32>,
          %add3A_1184 = arith.constant 14 : i32
          %add3A_1185 = arith.addi %mul3A_807, %add3A_1184 : i32
          %get3A_1186 = arith.index_cast %add3A_1185 : i32 to index
          %get3A_1187 = arith.constant 0 : index
          %get3A_1188 = tpu.vector_load %arg8[%get3A_1186, %get3A_1187] {strides = array<i32>} : memref<1000x16xf32, #tpu.memory_space<vmem>>, vector<16xf32>,
          %max3A_1189 = arith.maximumf %get3A_1183, %get3A_1188 : vector<16xf32>
          %get3A_1190 = arith.index_cast %squeeze3A_841 : i32 to index
          %get3A_1191 = arith.constant 0 : index
          %get3A_1192 = tpu.vector_load %arg5[%get3A_1190, %get3A_1191] {strides = array<i32>} : memref<4096x16xf32, #tpu.memory_space<vmem>>, vector<16xf32>,
          %add3A_1193 = arith.constant 15 : i32
          %add3A_1194 = arith.addi %mul3A_807, %add3A_1193 : i32
          %get3A_1195 = arith.index_cast %add3A_1194 : i32 to index
          %get3A_1196 = arith.constant 0 : index
          %get3A_1197 = tpu.vector_load %arg8[%get3A_1195, %get3A_1196] {strides = array<i32>} : memref<1000x16xf32, #tpu.memory_space<vmem>>, vector<16xf32>,
          %max3A_1198 = arith.maximumf %get3A_1192, %get3A_1197 : vector<16xf32>
          %swap3A_1199 = arith.index_cast %squeeze3A_841 : i32 to index
          %swap3A_1200 = arith.constant 0 : index
          %swap3A_1201 = tpu.vector_load %arg5[%swap3A_1199, %swap3A_1200] {strides = array<i32>} : memref<4096x16xf32, #tpu.memory_space<vmem>>, vector<16xf32>,
          tpu.vector_store %arg5[%swap3A_1199, %swap3A_1200], %max3A_1198 {strides = array<i32>} : memref<4096x16xf32, #tpu.memory_space<vmem>>, vector<16xf32>,
          %swap3A_1202 = arith.index_cast %squeeze3A_839 : i32 to index
          %swap3A_1203 = arith.constant 0 : index
          %swap3A_1204 = tpu.vector_load %arg5[%swap3A_1202, %swap3A_1203] {strides = array<i32>} : memref<4096x16xf32, #tpu.memory_space<vmem>>, vector<16xf32>,
          tpu.vector_store %arg5[%swap3A_1202, %swap3A_1203], %max3A_1189 {strides = array<i32>} : memref<4096x16xf32, #tpu.memory_space<vmem>>, vector<16xf32>,
          %swap3A_1205 = arith.index_cast %squeeze3A_837 : i32 to index
          %swap3A_1206 = arith.constant 0 : index
          %swap3A_1207 = tpu.vector_load %arg5[%swap3A_1205, %swap3A_1206] {strides = array<i32>} : memref<4096x16xf32, #tpu.memory_space<vmem>>, vector<16xf32>,
          tpu.vector_store %arg5[%swap3A_1205, %swap3A_1206], %max3A_1180 {strides = array<i32>} : memref<4096x16xf32, #tpu.memory_space<vmem>>, vector<16xf32>,
          %swap3A_1208 = arith.index_cast %squeeze3A_835 : i32 to index
          %swap3A_1209 = arith.constant 0 : index
          %swap3A_1210 = tpu.vector_load %arg5[%swap3A_1208, %swap3A_1209] {strides = array<i32>} : memref<4096x16xf32, #tpu.memory_space<vmem>>, vector<16xf32>,
          tpu.vector_store %arg5[%swap3A_1208, %swap3A_1209], %max3A_1171 {strides = array<i32>} : memref<4096x16xf32, #tpu.memory_space<vmem>>, vector<16xf32>,
          %swap3A_1211 = arith.index_cast %squeeze3A_833 : i32 to index
          %swap3A_1212 = arith.constant 0 : index
          %swap3A_1213 = tpu.vector_load %arg5[%swap3A_1211, %swap3A_1212] {strides = array<i32>} : memref<4096x16xf32, #tpu.memory_space<vmem>>, vector<16xf32>,
          tpu.vector_store %arg5[%swap3A_1211, %swap3A_1212], %max3A_1162 {strides = array<i32>} : memref<4096x16xf32, #tpu.memory_space<vmem>>, vector<16xf32>,
          %swap3A_1214 = arith.index_cast %squeeze3A_831 : i32 to index
          %swap3A_1215 = arith.constant 0 : index
          %swap3A_1216 = tpu.vector_load %arg5[%swap3A_1214, %swap3A_1215] {strides = array<i32>} : memref<4096x16xf32, #tpu.memory_space<vmem>>, vector<16xf32>,
          tpu.vector_store %arg5[%swap3A_1214, %swap3A_1215], %max3A_1153 {strides = array<i32>} : memref<4096x16xf32, #tpu.memory_space<vmem>>, vector<16xf32>,
          %swap3A_1217 = arith.index_cast %squeeze3A_829 : i32 to index
          %swap3A_1218 = arith.constant 0 : index
          %swap3A_1219 = tpu.vector_load %arg5[%swap3A_1217, %swap3A_1218] {strides = array<i32>} : memref<4096x16xf32, #tpu.memory_space<vmem>>, vector<16xf32>,
          tpu.vector_store %arg5[%swap3A_1217, %swap3A_1218], %max3A_1144 {strides = array<i32>} : memref<4096x16xf32, #tpu.memory_space<vmem>>, vector<16xf32>,
          %swap3A_1220 = arith.index_cast %squeeze3A_827 : i32 to index
          %swap3A_1221 = arith.constant 0 : index
          %swap3A_1222 = tpu.vector_load %arg5[%swap3A_1220, %swap3A_1221] {strides = array<i32>} : memref<4096x16xf32, #tpu.memory_space<vmem>>, vector<16xf32>,
          tpu.vector_store %arg5[%swap3A_1220, %swap3A_1221], %max3A_1135 {strides = array<i32>} : memref<4096x16xf32, #tpu.memory_space<vmem>>, vector<16xf32>,
          %swap3A_1223 = arith.index_cast %squeeze3A_825 : i32 to index
          %swap3A_1224 = arith.constant 0 : index
          %swap3A_1225 = tpu.vector_load %arg5[%swap3A_1223, %swap3A_1224] {strides = array<i32>} : memref<4096x16xf32, #tpu.memory_space<vmem>>, vector<16xf32>,
          tpu.vector_store %arg5[%swap3A_1223, %swap3A_1224], %max3A_1126 {strides = array<i32>} : memref<4096x16xf32, #tpu.memory_space<vmem>>, vector<16xf32>,
          %swap3A_1226 = arith.index_cast %squeeze3A_823 : i32 to index
          %swap3A_1227 = arith.constant 0 : index
          %swap3A_1228 = tpu.vector_load %arg5[%swap3A_1226, %swap3A_1227] {strides = array<i32>} : memref<4096x16xf32, #tpu.memory_space<vmem>>, vector<16xf32>,
          tpu.vector_store %arg5[%swap3A_1226, %swap3A_1227], %max3A_1117 {strides = array<i32>} : memref<4096x16xf32, #tpu.memory_space<vmem>>, vector<16xf32>,
          %swap3A_1229 = arith.index_cast %squeeze3A_821 : i32 to index
          %swap3A_1230 = arith.constant 0 : index
          %swap3A_1231 = tpu.vector_load %arg5[%swap3A_1229, %swap3A_1230] {strides = array<i32>} : memref<4096x16xf32, #tpu.memory_space<vmem>>, vector<16xf32>,
          tpu.vector_store %arg5[%swap3A_1229, %swap3A_1230], %max3A_1108 {strides = array<i32>} : memref<4096x16xf32, #tpu.memory_space<vmem>>, vector<16xf32>,
          %swap3A_1232 = arith.index_cast %squeeze3A_819 : i32 to index
          %swap3A_1233 = arith.constant 0 : index
          %swap3A_1234 = tpu.vector_load %arg5[%swap3A_1232, %swap3A_1233] {strides = array<i32>} : memref<4096x16xf32, #tpu.memory_space<vmem>>, vector<16xf32>,
          tpu.vector_store %arg5[%swap3A_1232, %swap3A_1233], %max3A_1099 {strides = array<i32>} : memref<4096x16xf32, #tpu.memory_space<vmem>>, vector<16xf32>,
          %swap3A_1235 = arith.index_cast %squeeze3A_817 : i32 to index
          %swap3A_1236 = arith.constant 0 : index
          %swap3A_1237 = tpu.vector_load %arg5[%swap3A_1235, %swap3A_1236] {strides = array<i32>} : memref<4096x16xf32, #tpu.memory_space<vmem>>, vector<16xf32>,
          tpu.vector_store %arg5[%swap3A_1235, %swap3A_1236], %max3A_1090 {strides = array<i32>} : memref<4096x16xf32, #tpu.memory_space<vmem>>, vector<16xf32>,
          %swap3A_1238 = arith.index_cast %squeeze3A_815 : i32 to index
          %swap3A_1239 = arith.constant 0 : index
          %swap3A_1240 = tpu.vector_load %arg5[%swap3A_1238, %swap3A_1239] {strides = array<i32>} : memref<4096x16xf32, #tpu.memory_space<vmem>>, vector<16xf32>,
          tpu.vector_store %arg5[%swap3A_1238, %swap3A_1239], %max3A_1081 {strides = array<i32>} : memref<4096x16xf32, #tpu.memory_space<vmem>>, vector<16xf32>,
          %swap3A_1241 = arith.index_cast %squeeze3A_813 : i32 to index
          %swap3A_1242 = arith.constant 0 : index
          %swap3A_1243 = tpu.vector_load %arg5[%swap3A_1241, %swap3A_1242] {strides = array<i32>} : memref<4096x16xf32, #tpu.memory_space<vmem>>, vector<16xf32>,
          tpu.vector_store %arg5[%swap3A_1241, %swap3A_1242], %max3A_1072 {strides = array<i32>} : memref<4096x16xf32, #tpu.memory_space<vmem>>, vector<16xf32>,
          %swap3A_1244 = arith.index_cast %squeeze3A_811 : i32 to index
          %swap3A_1245 = arith.constant 0 : index
          %swap3A_1246 = tpu.vector_load %arg5[%swap3A_1244, %swap3A_1245] {strides = array<i32>} : memref<4096x16xf32, #tpu.memory_space<vmem>>, vector<16xf32>,
          tpu.vector_store %arg5[%swap3A_1244, %swap3A_1245], %max3A_1063 {strides = array<i32>} : memref<4096x16xf32, #tpu.memory_space<vmem>>, vector<16xf32>,
        } else {
        }
        %ge3A_1050 = arith.constant 2 : i32
        %ge3A_1051 = arith.cmpi sge, %squeeze3A_996, %ge3A_1050 : i32
        %convert_element_type3A_1052 = arith.extui %ge3A_1051 : i1 to i32
        %cond3A_1053 = arith.constant 0 : i32
        %cond3A_1054 = arith.cmpi ne, %convert_element_type3A_1052, %cond3A_1053 : i32
        scf.if %cond3A_1054 {
          %get3A_1055 = arith.index_cast %squeeze3A_811 : i32 to index
          %get3A_1056 = arith.constant 0 : index
          %get3A_1057 = tpu.vector_load %arg5[%get3A_1055, %get3A_1056] {strides = array<i32>} : memref<4096x16xf32, #tpu.memory_space<vmem>>, vector<16xf32>,
          %add3A_1058 = arith.constant 0 : i32
          %add3A_1059 = arith.addi %mul3A_807, %add3A_1058 : i32
          %get3A_1060 = arith.index_cast %add3A_1059 : i32 to index
          %get3A_1061 = arith.constant 0 : index
          %get3A_1062 = tpu.vector_load %arg8[%get3A_1060, %get3A_1061] {strides = array<i32>} : memref<1000x16xf32, #tpu.memory_space<vmem>>, vector<16xf32>,
          %max3A_1063 = arith.maximumf %get3A_1057, %get3A_1062 : vector<16xf32>
          %swap3A_1064 = arith.index_cast %squeeze3A_811 : i32 to index
          %swap3A_1065 = arith.constant 0 : index
          %swap3A_1066 = tpu.vector_load %arg5[%swap3A_1064, %swap3A_1065] {strides = array<i32>} : memref<4096x16xf32, #tpu.memory_space<vmem>>, vector<16xf32>,
          tpu.vector_store %arg5[%swap3A_1064, %swap3A_1065], %max3A_1063 {strides = array<i32>} : memref<4096x16xf32, #tpu.memory_space<vmem>>, vector<16xf32>,
          %get3A_1067 = arith.index_cast %squeeze3A_813 : i32 to index
          %get3A_1068 = arith.constant 0 : index
          %get3A_1069 = tpu.vector_load %arg5[%get3A_1067, %get3A_1068] {strides = array<i32>} : memref<4096x16xf32, #tpu.memory_space<vmem>>, vector<16xf32>,
          %add3A_1070 = arith.constant 1 : i32
          %add3A_1071 = arith.addi %mul3A_807, %add3A_1070 : i32
          %get3A_1072 = arith.index_cast %add3A_1071 : i32 to index
          %get3A_1073 = arith.constant 0 : index
          %get3A_1074 = tpu.vector_load %arg8[%get3A_1072, %get3A_1073] {strides = array<i32>} : memref<1000x16xf32, #tpu.memory_space<vmem>>, vector<16xf32>,
          %max3A_1075 = arith.maximumf %get3A_1069, %get3A_1074 : vector<16xf32>
          %swap3A_1076 = arith.index_cast %squeeze3A_813 : i32 to index
          %swap3A_1077 = arith.constant 0 : index
          %swap3A_1078 = tpu.vector_load %arg5[%swap3A_1076, %swap3A_1077] {strides = array<i32>} : memref<4096x16xf32, #tpu.memory_space<vmem>>, vector<16xf32>,
          tpu.vector_store %arg5[%swap3A_1076, %swap3A_1077], %max3A_1075 {strides = array<i32>} : memref<4096x16xf32, #tpu.memory_space<vmem>>, vector<16xf32>,
          %get3A_1079 = arith.index_cast %squeeze3A_815 : i32 to index
          %get3A_1080 = arith.constant 0 : index
          %get3A_1081 = tpu.vector_load %arg5[%get3A_1079, %get3A_1080] {strides = array<i32>} : memref<4096x16xf32, #tpu.memory_space<vmem>>, vector<16xf32>,
          %add3A_1082 = arith.constant 2 : i32
          %add3A_1083 = arith.addi %mul3A_807, %add3A_1082 : i32
          %get3A_1084 = arith.index_cast %add3A_1083 : i32 to index
          %get3A_1085 = arith.constant 0 : index
          %get3A_1086 = tpu.vector_load %arg8[%get3A_1084, %get3A_1085] {strides = array<i32>} : memref<1000x16xf32, #tpu.memory_space<vmem>>, vector<16xf32>,
          %max3A_1087 = arith.maximumf %get3A_1081, %get3A_1086 : vector<16xf32>
          %swap3A_1088 = arith.index_cast %squeeze3A_815 : i32 to index
          %swap3A_1089 = arith.constant 0 : index
          %swap3A_1090 = tpu.vector_load %arg5[%swap3A_1088, %swap3A_1089] {strides = array<i32>} : memref<4096x16xf32, #tpu.memory_space<vmem>>, vector<16xf32>,
          tpu.vector_store %arg5[%swap3A_1088, %swap3A_1089], %max3A_1087 {strides = array<i32>} : memref<4096x16xf32, #tpu.memory_space<vmem>>, vector<16xf32>,
          %get3A_1091 = arith.index_cast %squeeze3A_817 : i32 to index
          %get3A_1092 = arith.constant 0 : index
          %get3A_1093 = tpu.vector_load %arg5[%get3A_1091, %get3A_1092] {strides = array<i32>} : memref<4096x16xf32, #tpu.memory_space<vmem>>, vector<16xf32>,
          %add3A_1094 = arith.constant 3 : i32
          %add3A_1095 = arith.addi %mul3A_807, %add3A_1094 : i32
          %get3A_1096 = arith.index_cast %add3A_1095 : i32 to index
          %get3A_1097 = arith.constant 0 : index
          %get3A_1098 = tpu.vector_load %arg8[%get3A_1096, %get3A_1097] {strides = array<i32>} : memref<1000x16xf32, #tpu.memory_space<vmem>>, vector<16xf32>,
          %max3A_1099 = arith.maximumf %get3A_1093, %get3A_1098 : vector<16xf32>
          %swap3A_1100 = arith.index_cast %squeeze3A_817 : i32 to index
          %swap3A_1101 = arith.constant 0 : index
          %swap3A_1102 = tpu.vector_load %arg5[%swap3A_1100, %swap3A_1101] {strides = array<i32>} : memref<4096x16xf32, #tpu.memory_space<vmem>>, vector<16xf32>,
          tpu.vector_store %arg5[%swap3A_1100, %swap3A_1101], %max3A_1099 {strides = array<i32>} : memref<4096x16xf32, #tpu.memory_space<vmem>>, vector<16xf32>,
          %get3A_1103 = arith.index_cast %squeeze3A_819 : i32 to index
          %get3A_1104 = arith.constant 0 : index
          %get3A_1105 = tpu.vector_load %arg5[%get3A_1103, %get3A_1104] {strides = array<i32>} : memref<4096x16xf32, #tpu.memory_space<vmem>>, vector<16xf32>,
          %add3A_1106 = arith.constant 4 : i32
          %add3A_1107 = arith.addi %mul3A_807, %add3A_1106 : i32
          %get3A_1108 = arith.index_cast %add3A_1107 : i32 to index
          %get3A_1109 = arith.constant 0 : index
          %get3A_1110 = tpu.vector_load %arg8[%get3A_1108, %get3A_1109] {strides = array<i32>} : memref<1000x16xf32, #tpu.memory_space<vmem>>, vector<16xf32>,
          %max3A_1111 = arith.maximumf %get3A_1105, %get3A_1110 : vector<16xf32>
          %swap3A_1112 = arith.index_cast %squeeze3A_819 : i32 to index
          %swap3A_1113 = arith.constant 0 : index
          %swap3A_1114 = tpu.vector_load %arg5[%swap3A_1112, %swap3A_1113] {strides = array<i32>} : memref<4096x16xf32, #tpu.memory_space<vmem>>, vector<16xf32>,
          tpu.vector_store %arg5[%swap3A_1112, %swap3A_1113], %max3A_1111 {strides = array<i32>} : memref<4096x16xf32, #tpu.memory_space<vmem>>, vector<16xf32>,
          %get3A_1115 = arith.index_cast %squeeze3A_821 : i32 to index
          %get3A_1116 = arith.constant 0 : index
          %get3A_1117 = tpu.vector_load %arg5[%get3A_1115, %get3A_1116] {strides = array<i32>} : memref<4096x16xf32, #tpu.memory_space<vmem>>, vector<16xf32>,
          %add3A_1118 = arith.constant 5 : i32
          %add3A_1119 = arith.addi %mul3A_807, %add3A_1118 : i32
          %get3A_1120 = arith.index_cast %add3A_1119 : i32 to index
          %get3A_1121 = arith.constant 0 : index
          %get3A_1122 = tpu.vector_load %arg8[%get3A_1120, %get3A_1121] {strides = array<i32>} : memref<1000x16xf32, #tpu.memory_space<vmem>>, vector<16xf32>,
          %max3A_1123 = arith.maximumf %get3A_1117, %get3A_1122 : vector<16xf32>
          %swap3A_1124 = arith.index_cast %squeeze3A_821 : i32 to index
          %swap3A_1125 = arith.constant 0 : index
          %swap3A_1126 = tpu.vector_load %arg5[%swap3A_1124, %swap3A_1125] {strides = array<i32>} : memref<4096x16xf32, #tpu.memory_space<vmem>>, vector<16xf32>,
          tpu.vector_store %arg5[%swap3A_1124, %swap3A_1125], %max3A_1123 {strides = array<i32>} : memref<4096x16xf32, #tpu.memory_space<vmem>>, vector<16xf32>,
          %get3A_1127 = arith.index_cast %squeeze3A_823 : i32 to index
          %get3A_1128 = arith.constant 0 : index
          %get3A_1129 = tpu.vector_load %arg5[%get3A_1127, %get3A_1128] {strides = array<i32>} : memref<4096x16xf32, #tpu.memory_space<vmem>>, vector<16xf32>,
          %add3A_1130 = arith.constant 6 : i32
          %add3A_1131 = arith.addi %mul3A_807, %add3A_1130 : i32
          %get3A_1132 = arith.index_cast %add3A_1131 : i32 to index
          %get3A_1133 = arith.constant 0 : index
          %get3A_1134 = tpu.vector_load %arg8[%get3A_1132, %get3A_1133] {strides = array<i32>} : memref<1000x16xf32, #tpu.memory_space<vmem>>, vector<16xf32>,
          %max3A_1135 = arith.maximumf %get3A_1129, %get3A_1134 : vector<16xf32>
          %swap3A_1136 = arith.index_cast %squeeze3A_823 : i32 to index
          %swap3A_1137 = arith.constant 0 : index
          %swap3A_1138 = tpu.vector_load %arg5[%swap3A_1136, %swap3A_1137] {strides = array<i32>} : memref<4096x16xf32, #tpu.memory_space<vmem>>, vector<16xf32>,
          tpu.vector_store %arg5[%swap3A_1136, %swap3A_1137], %max3A_1135 {strides = array<i32>} : memref<4096x16xf32, #tpu.memory_space<vmem>>, vector<16xf32>,
          %get3A_1139 = arith.index_cast %squeeze3A_825 : i32 to index
          %get3A_1140 = arith.constant 0 : index
          %get3A_1141 = tpu.vector_load %arg5[%get3A_1139, %get3A_1140] {strides = array<i32>} : memref<4096x16xf32, #tpu.memory_space<vmem>>, vector<16xf32>,
          %add3A_1142 = arith.constant 7 : i32
          %add3A_1143 = arith.addi %mul3A_807, %add3A_1142 : i32
          %get3A_1144 = arith.index_cast %add3A_1143 : i32 to index
          %get3A_1145 = arith.constant 0 : index
          %get3A_1146 = tpu.vector_load %arg8[%get3A_1144, %get3A_1145] {strides = array<i32>} : memref<1000x16xf32, #tpu.memory_space<vmem>>, vector<16xf32>,
          %max3A_1147 = arith.maximumf %get3A_1141, %get3A_1146 : vector<16xf32>
          %swap3A_1148 = arith.index_cast %squeeze3A_825 : i32 to index
          %swap3A_1149 = arith.constant 0 : index
          %swap3A_1150 = tpu.vector_load %arg5[%swap3A_1148, %swap3A_1149] {strides = array<i32>} : memref<4096x16xf32, #tpu.memory_space<vmem>>, vector<16xf32>,
          tpu.vector_store %arg5[%swap3A_1148, %swap3A_1149], %max3A_1147 {strides = array<i32>} : memref<4096x16xf32, #tpu.memory_space<vmem>>, vector<16xf32>,
          %get3A_1151 = arith.index_cast %squeeze3A_827 : i32 to index
          %get3A_1152 = arith.constant 0 : index
          %get3A_1153 = tpu.vector_load %arg5[%get3A_1151, %get3A_1152] {strides = array<i32>} : memref<4096x16xf32, #tpu.memory_space<vmem>>, vector<16xf32>,
          %add3A_1154 = arith.constant 8 : i32
          %add3A_1155 = arith.addi %mul3A_807, %add3A_1154 : i32
          %get3A_1156 = arith.index_cast %add3A_1155 : i32 to index
          %get3A_1157 = arith.constant 0 : index
          %get3A_1158 = tpu.vector_load %arg8[%get3A_1156, %get3A_1157] {strides = array<i32>} : memref<1000x16xf32, #tpu.memory_space<vmem>>, vector<16xf32>,
          %max3A_1159 = arith.maximumf %get3A_1153, %get3A_1158 : vector<16xf32>
          %swap3A_1160 = arith.index_cast %squeeze3A_827 : i32 to index
          %swap3A_1161 = arith.constant 0 : index
          %swap3A_1162 = tpu.vector_load %arg5[%swap3A_1160, %swap3A_1161] {strides = array<i32>} : memref<4096x16xf32, #tpu.memory_space<vmem>>, vector<16xf32>,
          tpu.vector_store %arg5[%swap3A_1160, %swap3A_1161], %max3A_1159 {strides = array<i32>} : memref<4096x16xf32, #tpu.memory_space<vmem>>, vector<16xf32>,
          %get3A_1163 = arith.index_cast %squeeze3A_829 : i32 to index
          %get3A_1164 = arith.constant 0 : index
          %get3A_1165 = tpu.vector_load %arg5[%get3A_1163, %get3A_1164] {strides = array<i32>} : memref<4096x16xf32, #tpu.memory_space<vmem>>, vector<16xf32>,
          %add3A_1166 = arith.constant 9 : i32
          %add3A_1167 = arith.addi %mul3A_807, %add3A_1166 : i32
          %get3A_1168 = arith.index_cast %add3A_1167 : i32 to index
          %get3A_1169 = arith.constant 0 : index
          %get3A_1170 = tpu.vector_load %arg8[%get3A_1168, %get3A_1169] {strides = array<i32>} : memref<1000x16xf32, #tpu.memory_space<vmem>>, vector<16xf32>,
          %max3A_1171 = arith.maximumf %get3A_1165, %get3A_1170 : vector<16xf32>
          %swap3A_1172 = arith.index_cast %squeeze3A_829 : i32 to index
          %swap3A_1173 = arith.constant 0 : index
          %swap3A_1174 = tpu.vector_load %arg5[%swap3A_1172, %swap3A_1173] {strides = array<i32>} : memref<4096x16xf32, #tpu.memory_space<vmem>>, vector<16xf32>,
          tpu.vector_store %arg5[%swap3A_1172, %swap3A_1173], %max3A_1171 {strides = array<i32>} : memref<4096x16xf32, #tpu.memory_space<vmem>>, vector<16xf32>,
          %get3A_1175 = arith.index_cast %squeeze3A_831 : i32 to index
          %get3A_1176 = arith.constant 0 : index
          %get3A_1177 = tpu.vector_load %arg5[%get3A_1175, %get3A_1176] {strides = array<i32>} : memref<4096x16xf32, #tpu.memory_space<vmem>>, vector<16xf32>,
          %add3A_1178 = arith.constant 10 : i32
          %add3A_1179 = arith.addi %mul3A_807, %add3A_1178 : i32
          %get3A_1180 = arith.index_cast %add3A_1179 : i32 to index
          %get3A_1181 = arith.constant 0 : index
          %get3A_1182 = tpu.vector_load %arg8[%get3A_1180, %get3A_1181] {strides = array<i32>} : memref<1000x16xf32, #tpu.memory_space<vmem>>, vector<16xf32>,
          %max3A_1183 = arith.maximumf %get3A_1177, %get3A_1182 : vector<16xf32>
          %swap3A_1184 = arith.index_cast %squeeze3A_831 : i32 to index
          %swap3A_1185 = arith.constant 0 : index
          %swap3A_1186 = tpu.vector_load %arg5[%swap3A_1184, %swap3A_1185] {strides = array<i32>} : memref<4096x16xf32, #tpu.memory_space<vmem>>, vector<16xf32>,
          tpu.vector_store %arg5[%swap3A_1184, %swap3A_1185], %max3A_1183 {strides = array<i32>} : memref<4096x16xf32, #tpu.memory_space<vmem>>, vector<16xf32>,
          %get3A_1187 = arith.index_cast %squeeze3A_833 : i32 to index
          %get3A_1188 = arith.constant 0 : index
          %get3A_1189 = tpu.vector_load %arg5[%get3A_1187, %get3A_1188] {strides = array<i32>} : memref<4096x16xf32, #tpu.memory_space<vmem>>, vector<16xf32>,
          %add3A_1190 = arith.constant 11 : i32
          %add3A_1191 = arith.addi %mul3A_807, %add3A_1190 : i32
          %get3A_1192 = arith.index_cast %add3A_1191 : i32 to index
          %get3A_1193 = arith.constant 0 : index
          %get3A_1194 = tpu.vector_load %arg8[%get3A_1192, %get3A_1193] {strides = array<i32>} : memref<1000x16xf32, #tpu.memory_space<vmem>>, vector<16xf32>,
          %max3A_1195 = arith.maximumf %get3A_1189, %get3A_1194 : vector<16xf32>
          %swap3A_1196 = arith.index_cast %squeeze3A_833 : i32 to index
          %swap3A_1197 = arith.constant 0 : index
          %swap3A_1198 = tpu.vector_load %arg5[%swap3A_1196, %swap3A_1197] {strides = array<i32>} : memref<4096x16xf32, #tpu.memory_space<vmem>>, vector<16xf32>,
          tpu.vector_store %arg5[%swap3A_1196, %swap3A_1197], %max3A_1195 {strides = array<i32>} : memref<4096x16xf32, #tpu.memory_space<vmem>>, vector<16xf32>,
          %get3A_1199 = arith.index_cast %squeeze3A_835 : i32 to index
          %get3A_1200 = arith.constant 0 : index
          %get3A_1201 = tpu.vector_load %arg5[%get3A_1199, %get3A_1200] {strides = array<i32>} : memref<4096x16xf32, #tpu.memory_space<vmem>>, vector<16xf32>,
          %add3A_1202 = arith.constant 12 : i32
          %add3A_1203 = arith.addi %mul3A_807, %add3A_1202 : i32
          %get3A_1204 = arith.index_cast %add3A_1203 : i32 to index
          %get3A_1205 = arith.constant 0 : index
          %get3A_1206 = tpu.vector_load %arg8[%get3A_1204, %get3A_1205] {strides = array<i32>} : memref<1000x16xf32, #tpu.memory_space<vmem>>, vector<16xf32>,
          %max3A_1207 = arith.maximumf %get3A_1201, %get3A_1206 : vector<16xf32>
          %swap3A_1208 = arith.index_cast %squeeze3A_835 : i32 to index
          %swap3A_1209 = arith.constant 0 : index
          %swap3A_1210 = tpu.vector_load %arg5[%swap3A_1208, %swap3A_1209] {strides = array<i32>} : memref<4096x16xf32, #tpu.memory_space<vmem>>, vector<16xf32>,
          tpu.vector_store %arg5[%swap3A_1208, %swap3A_1209], %max3A_1207 {strides = array<i32>} : memref<4096x16xf32, #tpu.memory_space<vmem>>, vector<16xf32>,
          %get3A_1211 = arith.index_cast %squeeze3A_837 : i32 to index
          %get3A_1212 = arith.constant 0 : index
          %get3A_1213 = tpu.vector_load %arg5[%get3A_1211, %get3A_1212] {strides = array<i32>} : memref<4096x16xf32, #tpu.memory_space<vmem>>, vector<16xf32>,
          %add3A_1214 = arith.constant 13 : i32
          %add3A_1215 = arith.addi %mul3A_807, %add3A_1214 : i32
          %get3A_1216 = arith.index_cast %add3A_1215 : i32 to index
          %get3A_1217 = arith.constant 0 : index
          %get3A_1218 = tpu.vector_load %arg8[%get3A_1216, %get3A_1217] {strides = array<i32>} : memref<1000x16xf32, #tpu.memory_space<vmem>>, vector<16xf32>,
          %max3A_1219 = arith.maximumf %get3A_1213, %get3A_1218 : vector<16xf32>
          %swap3A_1220 = arith.index_cast %squeeze3A_837 : i32 to index
          %swap3A_1221 = arith.constant 0 : index
          %swap3A_1222 = tpu.vector_load %arg5[%swap3A_1220, %swap3A_1221] {strides = array<i32>} : memref<4096x16xf32, #tpu.memory_space<vmem>>, vector<16xf32>,
          tpu.vector_store %arg5[%swap3A_1220, %swap3A_1221], %max3A_1219 {strides = array<i32>} : memref<4096x16xf32, #tpu.memory_space<vmem>>, vector<16xf32>,
          %get3A_1223 = arith.index_cast %squeeze3A_839 : i32 to index
          %get3A_1224 = arith.constant 0 : index
          %get3A_1225 = tpu.vector_load %arg5[%get3A_1223, %get3A_1224] {strides = array<i32>} : memref<4096x16xf32, #tpu.memory_space<vmem>>, vector<16xf32>,
          %add3A_1226 = arith.constant 14 : i32
          %add3A_1227 = arith.addi %mul3A_807, %add3A_1226 : i32
          %get3A_1228 = arith.index_cast %add3A_1227 : i32 to index
          %get3A_1229 = arith.constant 0 : index
          %get3A_1230 = tpu.vector_load %arg8[%get3A_1228, %get3A_1229] {strides = array<i32>} : memref<1000x16xf32, #tpu.memory_space<vmem>>, vector<16xf32>,
          %max3A_1231 = arith.maximumf %get3A_1225, %get3A_1230 : vector<16xf32>
          %swap3A_1232 = arith.index_cast %squeeze3A_839 : i32 to index
          %swap3A_1233 = arith.constant 0 : index
          %swap3A_1234 = tpu.vector_load %arg5[%swap3A_1232, %swap3A_1233] {strides = array<i32>} : memref<4096x16xf32, #tpu.memory_space<vmem>>, vector<16xf32>,
          tpu.vector_store %arg5[%swap3A_1232, %swap3A_1233], %max3A_1231 {strides = array<i32>} : memref<4096x16xf32, #tpu.memory_space<vmem>>, vector<16xf32>,
          %get3A_1235 = arith.index_cast %squeeze3A_841 : i32 to index
          %get3A_1236 = arith.constant 0 : index
          %get3A_1237 = tpu.vector_load %arg5[%get3A_1235, %get3A_1236] {strides = array<i32>} : memref<4096x16xf32, #tpu.memory_space<vmem>>, vector<16xf32>,
          %add3A_1238 = arith.constant 15 : i32
          %add3A_1239 = arith.addi %mul3A_807, %add3A_1238 : i32
          %get3A_1240 = arith.index_cast %add3A_1239 : i32 to index
          %get3A_1241 = arith.constant 0 : index
          %get3A_1242 = tpu.vector_load %arg8[%get3A_1240, %get3A_1241] {strides = array<i32>} : memref<1000x16xf32, #tpu.memory_space<vmem>>, vector<16xf32>,
          %max3A_1243 = arith.maximumf %get3A_1237, %get3A_1242 : vector<16xf32>
          %swap3A_1244 = arith.index_cast %squeeze3A_841 : i32 to index
          %swap3A_1245 = arith.constant 0 : index
          %swap3A_1246 = tpu.vector_load %arg5[%swap3A_1244, %swap3A_1245] {strides = array<i32>} : memref<4096x16xf32, #tpu.memory_space<vmem>>, vector<16xf32>,
          tpu.vector_store %arg5[%swap3A_1244, %swap3A_1245], %max3A_1243 {strides = array<i32>} : memref<4096x16xf32, #tpu.memory_space<vmem>>, vector<16xf32>,
        } else {
        }
      }
      %scan3A_310 = arith.constant 62 : i32
      %get3A_311 = arith.constant 984 : index
      %get3A_312 = tpu.vector_load %arg6[%get3A_311] {strides = array<i32>} : memref<1000xi32, #tpu.memory_space<vmem>>, vector<16xi32>,
      %slice3A_313 = vector.extract_strided_slice %get3A_312 {offsets = [0], sizes = [1], strides = [1]} : vector<16xi32> to vector<1xi32>
      %squeeze3A_314 = vector.extract %slice3A_313[0] : i32 from vector<1xi32>
      %slice3A_315 = vector.extract_strided_slice %get3A_312 {offsets = [1], sizes = [1], strides = [1]} : vector<16xi32> to vector<1xi32>
      %squeeze3A_316 = vector.extract %slice3A_315[0] : i32 from vector<1xi32>
      %slice3A_317 = vector.extract_strided_slice %get3A_312 {offsets = [2], sizes = [1], strides = [1]} : vector<16xi32> to vector<1xi32>
      %squeeze3A_318 = vector.extract %slice3A_317[0] : i32 from vector<1xi32>
      %slice3A_319 = vector.extract_strided_slice %get3A_312 {offsets = [3], sizes = [1], strides = [1]} : vector<16xi32> to vector<1xi32>
      %squeeze3A_320 = vector.extract %slice3A_319[0] : i32 from vector<1xi32>
      %slice3A_321 = vector.extract_strided_slice %get3A_312 {offsets = [4], sizes = [1], strides = [1]} : vector<16xi32> to vector<1xi32>
      %squeeze3A_322 = vector.extract %slice3A_321[0] : i32 from vector<1xi32>
      %slice3A_323 = vector.extract_strided_slice %get3A_312 {offsets = [5], sizes = [1], strides = [1]} : vector<16xi32> to vector<1xi32>
      %squeeze3A_324 = vector.extract %slice3A_323[0] : i32 from vector<1xi32>
      %slice3A_325 = vector.extract_strided_slice %get3A_312 {offsets = [6], sizes = [1], strides = [1]} : vector<16xi32> to vector<1xi32>
      %squeeze3A_326 = vector.extract %slice3A_325[0] : i32 from vector<1xi32>
      %slice3A_327 = vector.extract_strided_slice %get3A_312 {offsets = [7], sizes = [1], strides = [1]} : vector<16xi32> to vector<1xi32>
      %squeeze3A_328 = vector.extract %slice3A_327[0] : i32 from vector<1xi32>
      %slice3A_329 = vector.extract_strided_slice %get3A_312 {offsets = [8], sizes = [1], strides = [1]} : vector<16xi32> to vector<1xi32>
      %squeeze3A_330 = vector.extract %slice3A_329[0] : i32 from vector<1xi32>
      %slice3A_331 = vector.extract_strided_slice %get3A_312 {offsets = [9], sizes = [1], strides = [1]} : vector<16xi32> to vector<1xi32>
      %squeeze3A_332 = vector.extract %slice3A_331[0] : i32 from vector<1xi32>
      %slice3A_333 = vector.extract_strided_slice %get3A_312 {offsets = [10], sizes = [1], strides = [1]} : vector<16xi32> to vector<1xi32>
      %squeeze3A_334 = vector.extract %slice3A_333[0] : i32 from vector<1xi32>
      %slice3A_335 = vector.extract_strided_slice %get3A_312 {offsets = [11], sizes = [1], strides = [1]} : vector<16xi32> to vector<1xi32>
      %squeeze3A_336 = vector.extract %slice3A_335[0] : i32 from vector<1xi32>
      %slice3A_337 = vector.extract_strided_slice %get3A_312 {offsets = [12], sizes = [1], strides = [1]} : vector<16xi32> to vector<1xi32>
      %squeeze3A_338 = vector.extract %slice3A_337[0] : i32 from vector<1xi32>
      %slice3A_339 = vector.extract_strided_slice %get3A_312 {offsets = [13], sizes = [1], strides = [1]} : vector<16xi32> to vector<1xi32>
      %squeeze3A_340 = vector.extract %slice3A_339[0] : i32 from vector<1xi32>
      %slice3A_341 = vector.extract_strided_slice %get3A_312 {offsets = [14], sizes = [1], strides = [1]} : vector<16xi32> to vector<1xi32>
      %squeeze3A_342 = vector.extract %slice3A_341[0] : i32 from vector<1xi32>
      %slice3A_343 = vector.extract_strided_slice %get3A_312 {offsets = [15], sizes = [1], strides = [1]} : vector<16xi32> to vector<1xi32>
      %squeeze3A_344 = vector.extract %slice3A_343[0] : i32 from vector<1xi32>
      %get3A_345 = arith.index_cast %squeeze3A_314 : i32 to index
      %get3A_346 = arith.constant 0 : index
      %get3A_347 = tpu.vector_load %arg5[%get3A_345, %get3A_346] {strides = array<i32>} : memref<4096x16xf32, #tpu.memory_space<vmem>>, vector<16xf32>,
      %get3A_348 = arith.constant 984 : i32
      %get3A_349 = arith.index_cast %get3A_348 : i32 to index
      %get3A_350 = arith.constant 0 : index
      %get3A_351 = tpu.vector_load %arg8[%get3A_349, %get3A_350] {strides = array<i32>} : memref<1000x16xf32, #tpu.memory_space<vmem>>, vector<16xf32>,
      %max3A_352 = arith.maximumf %get3A_347, %get3A_351 : vector<16xf32>
      %get3A_353 = arith.index_cast %squeeze3A_316 : i32 to index
      %get3A_354 = arith.constant 0 : index
      %get3A_355 = tpu.vector_load %arg5[%get3A_353, %get3A_354] {strides = array<i32>} : memref<4096x16xf32, #tpu.memory_space<vmem>>, vector<16xf32>,
      %get3A_356 = arith.constant 985 : i32
      %get3A_357 = arith.index_cast %get3A_356 : i32 to index
      %get3A_358 = arith.constant 0 : index
      %get3A_359 = tpu.vector_load %arg8[%get3A_357, %get3A_358] {strides = array<i32>} : memref<1000x16xf32, #tpu.memory_space<vmem>>, vector<16xf32>,
      %max3A_360 = arith.maximumf %get3A_355, %get3A_359 : vector<16xf32>
      %get3A_361 = arith.index_cast %squeeze3A_318 : i32 to index
      %get3A_362 = arith.constant 0 : index
      %get3A_363 = tpu.vector_load %arg5[%get3A_361, %get3A_362] {strides = array<i32>} : memref<4096x16xf32, #tpu.memory_space<vmem>>, vector<16xf32>,
      %get3A_364 = arith.constant 986 : i32
      %get3A_365 = arith.index_cast %get3A_364 : i32 to index
      %get3A_366 = arith.constant 0 : index
      %get3A_367 = tpu.vector_load %arg8[%get3A_365, %get3A_366] {strides = array<i32>} : memref<1000x16xf32, #tpu.memory_space<vmem>>, vector<16xf32>,
      %max3A_368 = arith.maximumf %get3A_363, %get3A_367 : vector<16xf32>
      %get3A_369 = arith.index_cast %squeeze3A_320 : i32 to index
      %get3A_370 = arith.constant 0 : index
      %get3A_371 = tpu.vector_load %arg5[%get3A_369, %get3A_370] {strides = array<i32>} : memref<4096x16xf32, #tpu.memory_space<vmem>>, vector<16xf32>,
      %get3A_372 = arith.constant 987 : i32
      %get3A_373 = arith.index_cast %get3A_372 : i32 to index
      %get3A_374 = arith.constant 0 : index
      %get3A_375 = tpu.vector_load %arg8[%get3A_373, %get3A_374] {strides = array<i32>} : memref<1000x16xf32, #tpu.memory_space<vmem>>, vector<16xf32>,
      %max3A_376 = arith.maximumf %get3A_371, %get3A_375 : vector<16xf32>
      %get3A_377 = arith.index_cast %squeeze3A_322 : i32 to index
      %get3A_378 = arith.constant 0 : index
      %get3A_379 = tpu.vector_load %arg5[%get3A_377, %get3A_378] {strides = array<i32>} : memref<4096x16xf32, #tpu.memory_space<vmem>>, vector<16xf32>,
      %get3A_380 = arith.constant 988 : i32
      %get3A_381 = arith.index_cast %get3A_380 : i32 to index
      %get3A_382 = arith.constant 0 : index
      %get3A_383 = tpu.vector_load %arg8[%get3A_381, %get3A_382] {strides = array<i32>} : memref<1000x16xf32, #tpu.memory_space<vmem>>, vector<16xf32>,
      %max3A_384 = arith.maximumf %get3A_379, %get3A_383 : vector<16xf32>
      %get3A_385 = arith.index_cast %squeeze3A_324 : i32 to index
      %get3A_386 = arith.constant 0 : index
      %get3A_387 = tpu.vector_load %arg5[%get3A_385, %get3A_386] {strides = array<i32>} : memref<4096x16xf32, #tpu.memory_space<vmem>>, vector<16xf32>,
      %get3A_388 = arith.constant 989 : i32
      %get3A_389 = arith.index_cast %get3A_388 : i32 to index
      %get3A_390 = arith.constant 0 : index
      %get3A_391 = tpu.vector_load %arg8[%get3A_389, %get3A_390] {strides = array<i32>} : memref<1000x16xf32, #tpu.memory_space<vmem>>, vector<16xf32>,
      %max3A_392 = arith.maximumf %get3A_387, %get3A_391 : vector<16xf32>
      %get3A_393 = arith.index_cast %squeeze3A_326 : i32 to index
      %get3A_394 = arith.constant 0 : index
      %get3A_395 = tpu.vector_load %arg5[%get3A_393, %get3A_394] {strides = array<i32>} : memref<4096x16xf32, #tpu.memory_space<vmem>>, vector<16xf32>,
      %get3A_396 = arith.constant 990 : i32
      %get3A_397 = arith.index_cast %get3A_396 : i32 to index
      %get3A_398 = arith.constant 0 : index
      %get3A_399 = tpu.vector_load %arg8[%get3A_397, %get3A_398] {strides = array<i32>} : memref<1000x16xf32, #tpu.memory_space<vmem>>, vector<16xf32>,
      %max3A_400 = arith.maximumf %get3A_395, %get3A_399 : vector<16xf32>
      %get3A_401 = arith.index_cast %squeeze3A_328 : i32 to index
      %get3A_402 = arith.constant 0 : index
      %get3A_403 = tpu.vector_load %arg5[%get3A_401, %get3A_402] {strides = array<i32>} : memref<4096x16xf32, #tpu.memory_space<vmem>>, vector<16xf32>,
      %get3A_404 = arith.constant 991 : i32
      %get3A_405 = arith.index_cast %get3A_404 : i32 to index
      %get3A_406 = arith.constant 0 : index
      %get3A_407 = tpu.vector_load %arg8[%get3A_405, %get3A_406] {strides = array<i32>} : memref<1000x16xf32, #tpu.memory_space<vmem>>, vector<16xf32>,
      %max3A_408 = arith.maximumf %get3A_403, %get3A_407 : vector<16xf32>
      %get3A_409 = arith.index_cast %squeeze3A_330 : i32 to index
      %get3A_410 = arith.constant 0 : index
      %get3A_411 = tpu.vector_load %arg5[%get3A_409, %get3A_410] {strides = array<i32>} : memref<4096x16xf32, #tpu.memory_space<vmem>>, vector<16xf32>,
      %get3A_412 = arith.constant 992 : i32
      %get3A_413 = arith.index_cast %get3A_412 : i32 to index
      %get3A_414 = arith.constant 0 : index
      %get3A_415 = tpu.vector_load %arg8[%get3A_413, %get3A_414] {strides = array<i32>} : memref<1000x16xf32, #tpu.memory_space<vmem>>, vector<16xf32>,
      %max3A_416 = arith.maximumf %get3A_411, %get3A_415 : vector<16xf32>
      %get3A_417 = arith.index_cast %squeeze3A_332 : i32 to index
      %get3A_418 = arith.constant 0 : index
      %get3A_419 = tpu.vector_load %arg5[%get3A_417, %get3A_418] {strides = array<i32>} : memref<4096x16xf32, #tpu.memory_space<vmem>>, vector<16xf32>,
      %get3A_420 = arith.constant 993 : i32
      %get3A_421 = arith.index_cast %get3A_420 : i32 to index
      %get3A_422 = arith.constant 0 : index
      %get3A_423 = tpu.vector_load %arg8[%get3A_421, %get3A_422] {strides = array<i32>} : memref<1000x16xf32, #tpu.memory_space<vmem>>, vector<16xf32>,
      %max3A_424 = arith.maximumf %get3A_419, %get3A_423 : vector<16xf32>
      %get3A_425 = arith.index_cast %squeeze3A_334 : i32 to index
      %get3A_426 = arith.constant 0 : index
      %get3A_427 = tpu.vector_load %arg5[%get3A_425, %get3A_426] {strides = array<i32>} : memref<4096x16xf32, #tpu.memory_space<vmem>>, vector<16xf32>,
      %get3A_428 = arith.constant 994 : i32
      %get3A_429 = arith.index_cast %get3A_428 : i32 to index
      %get3A_430 = arith.constant 0 : index
      %get3A_431 = tpu.vector_load %arg8[%get3A_429, %get3A_430] {strides = array<i32>} : memref<1000x16xf32, #tpu.memory_space<vmem>>, vector<16xf32>,
      %max3A_432 = arith.maximumf %get3A_427, %get3A_431 : vector<16xf32>
      %get3A_433 = arith.index_cast %squeeze3A_336 : i32 to index
      %get3A_434 = arith.constant 0 : index
      %get3A_435 = tpu.vector_load %arg5[%get3A_433, %get3A_434] {strides = array<i32>} : memref<4096x16xf32, #tpu.memory_space<vmem>>, vector<16xf32>,
      %get3A_436 = arith.constant 995 : i32
      %get3A_437 = arith.index_cast %get3A_436 : i32 to index
      %get3A_438 = arith.constant 0 : index
      %get3A_439 = tpu.vector_load %arg8[%get3A_437, %get3A_438] {strides = array<i32>} : memref<1000x16xf32, #tpu.memory_space<vmem>>, vector<16xf32>,
      %max3A_440 = arith.maximumf %get3A_435, %get3A_439 : vector<16xf32>
      %get3A_441 = arith.index_cast %squeeze3A_338 : i32 to index
      %get3A_442 = arith.constant 0 : index
      %get3A_443 = tpu.vector_load %arg5[%get3A_441, %get3A_442] {strides = array<i32>} : memref<4096x16xf32, #tpu.memory_space<vmem>>, vector<16xf32>,
      %get3A_444 = arith.constant 996 : i32
      %get3A_445 = arith.index_cast %get3A_444 : i32 to index
      %get3A_446 = arith.constant 0 : index
      %get3A_447 = tpu.vector_load %arg8[%get3A_445, %get3A_446] {strides = array<i32>} : memref<1000x16xf32, #tpu.memory_space<vmem>>, vector<16xf32>,
      %max3A_448 = arith.maximumf %get3A_443, %get3A_447 : vector<16xf32>
      %get3A_449 = arith.index_cast %squeeze3A_340 : i32 to index
      %get3A_450 = arith.constant 0 : index
      %get3A_451 = tpu.vector_load %arg5[%get3A_449, %get3A_450] {strides = array<i32>} : memref<4096x16xf32, #tpu.memory_space<vmem>>, vector<16xf32>,
      %get3A_452 = arith.constant 997 : i32
      %get3A_453 = arith.index_cast %get3A_452 : i32 to index
      %get3A_454 = arith.constant 0 : index
      %get3A_455 = tpu.vector_load %arg8[%get3A_453, %get3A_454] {strides = array<i32>} : memref<1000x16xf32, #tpu.memory_space<vmem>>, vector<16xf32>,
      %max3A_456 = arith.maximumf %get3A_451, %get3A_455 : vector<16xf32>
      %get3A_457 = arith.index_cast %squeeze3A_342 : i32 to index
      %get3A_458 = arith.constant 0 : index
      %get3A_459 = tpu.vector_load %arg5[%get3A_457, %get3A_458] {strides = array<i32>} : memref<4096x16xf32, #tpu.memory_space<vmem>>, vector<16xf32>,
      %get3A_460 = arith.constant 998 : i32
      %get3A_461 = arith.index_cast %get3A_460 : i32 to index
      %get3A_462 = arith.constant 0 : index
      %get3A_463 = tpu.vector_load %arg8[%get3A_461, %get3A_462] {strides = array<i32>} : memref<1000x16xf32, #tpu.memory_space<vmem>>, vector<16xf32>,
      %max3A_464 = arith.maximumf %get3A_459, %get3A_463 : vector<16xf32>
      %get3A_465 = arith.index_cast %squeeze3A_344 : i32 to index
      %get3A_466 = arith.constant 0 : index
      %get3A_467 = tpu.vector_load %arg5[%get3A_465, %get3A_466] {strides = array<i32>} : memref<4096x16xf32, #tpu.memory_space<vmem>>, vector<16xf32>,
      %get3A_468 = arith.constant 999 : i32
      %get3A_469 = arith.index_cast %get3A_468 : i32 to index
      %get3A_470 = arith.constant 0 : index
      %get3A_471 = tpu.vector_load %arg8[%get3A_469, %get3A_470] {strides = array<i32>} : memref<1000x16xf32, #tpu.memory_space<vmem>>, vector<16xf32>,
      %max3A_472 = arith.maximumf %get3A_467, %get3A_471 : vector<16xf32>
      %broadcast_in_dim3A_473 = arith.constant true
      %broadcast_in_dim3A_474 = vector.broadcast %broadcast_in_dim3A_473 : i1 to vector<16xi1>
      %unique3A_475, %unique3A_476 = tpu.scan_count mask(%broadcast_in_dim3A_474 : vector<16xi1>) value(%get3A_312 : vector<16xi32>) : vector<16xi1>, vector<16xi32>
      %slice3A_477 = vector.extract_strided_slice %unique3A_476 {offsets = [0], sizes = [1], strides = [1]} : vector<16xi32> to vector<1xi32>
      %squeeze3A_478 = vector.extract %slice3A_477[0] : i32 from vector<1xi32>
      %broadcast_in_dim3A_479 = vector.broadcast %squeeze3A_478 : i32 to vector<16xi32>
      %ne3A_480 = arith.cmpi ne, %unique3A_476, %broadcast_in_dim3A_479 : vector<16xi32>
      %all_reduce_population_count3A_481 = tpu.all_reduce %ne3A_480 {dim = 0 : i64, kind = #tpu.reduction_kind<sum>} : vector<16xi1> -> vector<16xi32>
      %slice3A_482 = vector.extract_strided_slice %all_reduce_population_count3A_481 {offsets = [0], sizes = [1], strides = [1]} : vector<16xi32> to vector<1xi32>
      %squeeze3A_483 = vector.extract %slice3A_482[0] : i32 from vector<1xi32>
      %swap3A_484 = arith.index_cast %squeeze3A_314 : i32 to index
      %swap3A_485 = arith.constant 0 : index
      %swap3A_486 = tpu.vector_load %arg5[%swap3A_484, %swap3A_485] {strides = array<i32>} : memref<4096x16xf32, #tpu.memory_space<vmem>>, vector<16xf32>,
      tpu.vector_store %arg5[%swap3A_484, %swap3A_485], %max3A_352 {strides = array<i32>} : memref<4096x16xf32, #tpu.memory_space<vmem>>, vector<16xf32>,
      %swap3A_487 = arith.index_cast %squeeze3A_316 : i32 to index
      %swap3A_488 = arith.constant 0 : index
      %swap3A_489 = tpu.vector_load %arg5[%swap3A_487, %swap3A_488] {strides = array<i32>} : memref<4096x16xf32, #tpu.memory_space<vmem>>, vector<16xf32>,
      tpu.vector_store %arg5[%swap3A_487, %swap3A_488], %max3A_360 {strides = array<i32>} : memref<4096x16xf32, #tpu.memory_space<vmem>>, vector<16xf32>,
      %swap3A_490 = arith.index_cast %squeeze3A_318 : i32 to index
      %swap3A_491 = arith.constant 0 : index
      %swap3A_492 = tpu.vector_load %arg5[%swap3A_490, %swap3A_491] {strides = array<i32>} : memref<4096x16xf32, #tpu.memory_space<vmem>>, vector<16xf32>,
      tpu.vector_store %arg5[%swap3A_490, %swap3A_491], %max3A_368 {strides = array<i32>} : memref<4096x16xf32, #tpu.memory_space<vmem>>, vector<16xf32>,
      %swap3A_493 = arith.index_cast %squeeze3A_320 : i32 to index
      %swap3A_494 = arith.constant 0 : index
      %swap3A_495 = tpu.vector_load %arg5[%swap3A_493, %swap3A_494] {strides = array<i32>} : memref<4096x16xf32, #tpu.memory_space<vmem>>, vector<16xf32>,
      tpu.vector_store %arg5[%swap3A_493, %swap3A_494], %max3A_376 {strides = array<i32>} : memref<4096x16xf32, #tpu.memory_space<vmem>>, vector<16xf32>,
      %swap3A_496 = arith.index_cast %squeeze3A_322 : i32 to index
      %swap3A_497 = arith.constant 0 : index
      %swap3A_498 = tpu.vector_load %arg5[%swap3A_496, %swap3A_497] {strides = array<i32>} : memref<4096x16xf32, #tpu.memory_space<vmem>>, vector<16xf32>,
      tpu.vector_store %arg5[%swap3A_496, %swap3A_497], %max3A_384 {strides = array<i32>} : memref<4096x16xf32, #tpu.memory_space<vmem>>, vector<16xf32>,
      %swap3A_499 = arith.index_cast %squeeze3A_324 : i32 to index
      %swap3A_500 = arith.constant 0 : index
      %swap3A_501 = tpu.vector_load %arg5[%swap3A_499, %swap3A_500] {strides = array<i32>} : memref<4096x16xf32, #tpu.memory_space<vmem>>, vector<16xf32>,
      tpu.vector_store %arg5[%swap3A_499, %swap3A_500], %max3A_392 {strides = array<i32>} : memref<4096x16xf32, #tpu.memory_space<vmem>>, vector<16xf32>,
      %swap3A_502 = arith.index_cast %squeeze3A_326 : i32 to index
      %swap3A_503 = arith.constant 0 : index
      %swap3A_504 = tpu.vector_load %arg5[%swap3A_502, %swap3A_503] {strides = array<i32>} : memref<4096x16xf32, #tpu.memory_space<vmem>>, vector<16xf32>,
      tpu.vector_store %arg5[%swap3A_502, %swap3A_503], %max3A_400 {strides = array<i32>} : memref<4096x16xf32, #tpu.memory_space<vmem>>, vector<16xf32>,
      %swap3A_505 = arith.index_cast %squeeze3A_328 : i32 to index
      %swap3A_506 = arith.constant 0 : index
      %swap3A_507 = tpu.vector_load %arg5[%swap3A_505, %swap3A_506] {strides = array<i32>} : memref<4096x16xf32, #tpu.memory_space<vmem>>, vector<16xf32>,
      tpu.vector_store %arg5[%swap3A_505, %swap3A_506], %max3A_408 {strides = array<i32>} : memref<4096x16xf32, #tpu.memory_space<vmem>>, vector<16xf32>,
      %swap3A_508 = arith.index_cast %squeeze3A_330 : i32 to index
      %swap3A_509 = arith.constant 0 : index
      %swap3A_510 = tpu.vector_load %arg5[%swap3A_508, %swap3A_509] {strides = array<i32>} : memref<4096x16xf32, #tpu.memory_space<vmem>>, vector<16xf32>,
      tpu.vector_store %arg5[%swap3A_508, %swap3A_509], %max3A_416 {strides = array<i32>} : memref<4096x16xf32, #tpu.memory_space<vmem>>, vector<16xf32>,
      %swap3A_511 = arith.index_cast %squeeze3A_332 : i32 to index
      %swap3A_512 = arith.constant 0 : index
      %swap3A_513 = tpu.vector_load %arg5[%swap3A_511, %swap3A_512] {strides = array<i32>} : memref<4096x16xf32, #tpu.memory_space<vmem>>, vector<16xf32>,
      tpu.vector_store %arg5[%swap3A_511, %swap3A_512], %max3A_424 {strides = array<i32>} : memref<4096x16xf32, #tpu.memory_space<vmem>>, vector<16xf32>,
      %swap3A_514 = arith.index_cast %squeeze3A_334 : i32 to index
      %swap3A_515 = arith.constant 0 : index
      %swap3A_516 = tpu.vector_load %arg5[%swap3A_514, %swap3A_515] {strides = array<i32>} : memref<4096x16xf32, #tpu.memory_space<vmem>>, vector<16xf32>,
      tpu.vector_store %arg5[%swap3A_514, %swap3A_515], %max3A_432 {strides = array<i32>} : memref<4096x16xf32, #tpu.memory_space<vmem>>, vector<16xf32>,
      %swap3A_517 = arith.index_cast %squeeze3A_336 : i32 to index
      %swap3A_518 = arith.constant 0 : index
      %swap3A_519 = tpu.vector_load %arg5[%swap3A_517, %swap3A_518] {strides = array<i32>} : memref<4096x16xf32, #tpu.memory_space<vmem>>, vector<16xf32>,
      tpu.vector_store %arg5[%swap3A_517, %swap3A_518], %max3A_440 {strides = array<i32>} : memref<4096x16xf32, #tpu.memory_space<vmem>>, vector<16xf32>,
      %swap3A_520 = arith.index_cast %squeeze3A_338 : i32 to index
      %swap3A_521 = arith.constant 0 : index
      %swap3A_522 = tpu.vector_load %arg5[%swap3A_520, %swap3A_521] {strides = array<i32>} : memref<4096x16xf32, #tpu.memory_space<vmem>>, vector<16xf32>,
      tpu.vector_store %arg5[%swap3A_520, %swap3A_521], %max3A_448 {strides = array<i32>} : memref<4096x16xf32, #tpu.memory_space<vmem>>, vector<16xf32>,
      %swap3A_523 = arith.index_cast %squeeze3A_340 : i32 to index
      %swap3A_524 = arith.constant 0 : index
      %swap3A_525 = tpu.vector_load %arg5[%swap3A_523, %swap3A_524] {strides = array<i32>} : memref<4096x16xf32, #tpu.memory_space<vmem>>, vector<16xf32>,
      tpu.vector_store %arg5[%swap3A_523, %swap3A_524], %max3A_456 {strides = array<i32>} : memref<4096x16xf32, #tpu.memory_space<vmem>>, vector<16xf32>,
      %swap3A_526 = arith.index_cast %squeeze3A_342 : i32 to index
      %swap3A_527 = arith.constant 0 : index
      %swap3A_528 = tpu.vector_load %arg5[%swap3A_526, %swap3A_527] {strides = array<i32>} : memref<4096x16xf32, #tpu.memory_space<vmem>>, vector<16xf32>,
      tpu.vector_store %arg5[%swap3A_526, %swap3A_527], %max3A_464 {strides = array<i32>} : memref<4096x16xf32, #tpu.memory_space<vmem>>, vector<16xf32>,
      %swap3A_529 = arith.index_cast %squeeze3A_344 : i32 to index
      %swap3A_530 = arith.constant 0 : index
      %swap3A_531 = tpu.vector_load %arg5[%swap3A_529, %swap3A_530] {strides = array<i32>} : memref<4096x16xf32, #tpu.memory_space<vmem>>, vector<16xf32>,
      tpu.vector_store %arg5[%swap3A_529, %swap3A_530], %max3A_472 {strides = array<i32>} : memref<4096x16xf32, #tpu.memory_space<vmem>>, vector<16xf32>,
      %eq3A_532 = arith.constant 1 : i32
      %eq3A_533 = arith.cmpi eq, %squeeze3A_483, %eq3A_532 : i32
      %convert_element_type3A_534 = arith.extui %eq3A_533 : i1 to i32
      %cond3A_535 = arith.constant 0 : i32
      %cond3A_536 = arith.cmpi ne, %convert_element_type3A_534, %cond3A_535 : i32
      scf.if %cond3A_536 {
        %get3A_805 = arith.index_cast %squeeze3A_314 : i32 to index
        %get3A_806 = arith.constant 0 : index
        %get3A_807 = tpu.vector_load %arg5[%get3A_805, %get3A_806] {strides = array<i32>} : memref<4096x16xf32, #tpu.memory_space<vmem>>, vector<16xf32>,
        %get3A_808 = arith.constant 984 : i32
        %get3A_809 = arith.index_cast %get3A_808 : i32 to index
        %get3A_810 = arith.constant 0 : index
        %get3A_811 = tpu.vector_load %arg8[%get3A_809, %get3A_810] {strides = array<i32>} : memref<1000x16xf32, #tpu.memory_space<vmem>>, vector<16xf32>,
        %max3A_812 = arith.maximumf %get3A_807, %get3A_811 : vector<16xf32>
        %get3A_813 = arith.index_cast %squeeze3A_316 : i32 to index
        %get3A_814 = arith.constant 0 : index
        %get3A_815 = tpu.vector_load %arg5[%get3A_813, %get3A_814] {strides = array<i32>} : memref<4096x16xf32, #tpu.memory_space<vmem>>, vector<16xf32>,
        %get3A_816 = arith.constant 985 : i32
        %get3A_817 = arith.index_cast %get3A_816 : i32 to index
        %get3A_818 = arith.constant 0 : index
        %get3A_819 = tpu.vector_load %arg8[%get3A_817, %get3A_818] {strides = array<i32>} : memref<1000x16xf32, #tpu.memory_space<vmem>>, vector<16xf32>,
        %max3A_820 = arith.maximumf %get3A_815, %get3A_819 : vector<16xf32>
        %get3A_821 = arith.index_cast %squeeze3A_318 : i32 to index
        %get3A_822 = arith.constant 0 : index
        %get3A_823 = tpu.vector_load %arg5[%get3A_821, %get3A_822] {strides = array<i32>} : memref<4096x16xf32, #tpu.memory_space<vmem>>, vector<16xf32>,
        %get3A_824 = arith.constant 986 : i32
        %get3A_825 = arith.index_cast %get3A_824 : i32 to index
        %get3A_826 = arith.constant 0 : index
        %get3A_827 = tpu.vector_load %arg8[%get3A_825, %get3A_826] {strides = array<i32>} : memref<1000x16xf32, #tpu.memory_space<vmem>>, vector<16xf32>,
        %max3A_828 = arith.maximumf %get3A_823, %get3A_827 : vector<16xf32>
        %get3A_829 = arith.index_cast %squeeze3A_320 : i32 to index
        %get3A_830 = arith.constant 0 : index
        %get3A_831 = tpu.vector_load %arg5[%get3A_829, %get3A_830] {strides = array<i32>} : memref<4096x16xf32, #tpu.memory_space<vmem>>, vector<16xf32>,
        %get3A_832 = arith.constant 987 : i32
        %get3A_833 = arith.index_cast %get3A_832 : i32 to index
        %get3A_834 = arith.constant 0 : index
        %get3A_835 = tpu.vector_load %arg8[%get3A_833, %get3A_834] {strides = array<i32>} : memref<1000x16xf32, #tpu.memory_space<vmem>>, vector<16xf32>,
        %max3A_836 = arith.maximumf %get3A_831, %get3A_835 : vector<16xf32>
        %get3A_837 = arith.index_cast %squeeze3A_322 : i32 to index
        %get3A_838 = arith.constant 0 : index
        %get3A_839 = tpu.vector_load %arg5[%get3A_837, %get3A_838] {strides = array<i32>} : memref<4096x16xf32, #tpu.memory_space<vmem>>, vector<16xf32>,
        %get3A_840 = arith.constant 988 : i32
        %get3A_841 = arith.index_cast %get3A_840 : i32 to index
        %get3A_842 = arith.constant 0 : index
        %get3A_843 = tpu.vector_load %arg8[%get3A_841, %get3A_842] {strides = array<i32>} : memref<1000x16xf32, #tpu.memory_space<vmem>>, vector<16xf32>,
        %max3A_844 = arith.maximumf %get3A_839, %get3A_843 : vector<16xf32>
        %get3A_845 = arith.index_cast %squeeze3A_324 : i32 to index
        %get3A_846 = arith.constant 0 : index
        %get3A_847 = tpu.vector_load %arg5[%get3A_845, %get3A_846] {strides = array<i32>} : memref<4096x16xf32, #tpu.memory_space<vmem>>, vector<16xf32>,
        %get3A_848 = arith.constant 989 : i32
        %get3A_849 = arith.index_cast %get3A_848 : i32 to index
        %get3A_850 = arith.constant 0 : index
        %get3A_851 = tpu.vector_load %arg8[%get3A_849, %get3A_850] {strides = array<i32>} : memref<1000x16xf32, #tpu.memory_space<vmem>>, vector<16xf32>,
        %max3A_852 = arith.maximumf %get3A_847, %get3A_851 : vector<16xf32>
        %get3A_853 = arith.index_cast %squeeze3A_326 : i32 to index
        %get3A_854 = arith.constant 0 : index
        %get3A_855 = tpu.vector_load %arg5[%get3A_853, %get3A_854] {strides = array<i32>} : memref<4096x16xf32, #tpu.memory_space<vmem>>, vector<16xf32>,
        %get3A_856 = arith.constant 990 : i32
        %get3A_857 = arith.index_cast %get3A_856 : i32 to index
        %get3A_858 = arith.constant 0 : index
        %get3A_859 = tpu.vector_load %arg8[%get3A_857, %get3A_858] {strides = array<i32>} : memref<1000x16xf32, #tpu.memory_space<vmem>>, vector<16xf32>,
        %max3A_860 = arith.maximumf %get3A_855, %get3A_859 : vector<16xf32>
        %get3A_861 = arith.index_cast %squeeze3A_328 : i32 to index
        %get3A_862 = arith.constant 0 : index
        %get3A_863 = tpu.vector_load %arg5[%get3A_861, %get3A_862] {strides = array<i32>} : memref<4096x16xf32, #tpu.memory_space<vmem>>, vector<16xf32>,
        %get3A_864 = arith.constant 991 : i32
        %get3A_865 = arith.index_cast %get3A_864 : i32 to index
        %get3A_866 = arith.constant 0 : index
        %get3A_867 = tpu.vector_load %arg8[%get3A_865, %get3A_866] {strides = array<i32>} : memref<1000x16xf32, #tpu.memory_space<vmem>>, vector<16xf32>,
        %max3A_868 = arith.maximumf %get3A_863, %get3A_867 : vector<16xf32>
        %get3A_869 = arith.index_cast %squeeze3A_330 : i32 to index
        %get3A_870 = arith.constant 0 : index
        %get3A_871 = tpu.vector_load %arg5[%get3A_869, %get3A_870] {strides = array<i32>} : memref<4096x16xf32, #tpu.memory_space<vmem>>, vector<16xf32>,
        %get3A_872 = arith.constant 992 : i32
        %get3A_873 = arith.index_cast %get3A_872 : i32 to index
        %get3A_874 = arith.constant 0 : index
        %get3A_875 = tpu.vector_load %arg8[%get3A_873, %get3A_874] {strides = array<i32>} : memref<1000x16xf32, #tpu.memory_space<vmem>>, vector<16xf32>,
        %max3A_876 = arith.maximumf %get3A_871, %get3A_875 : vector<16xf32>
        %get3A_877 = arith.index_cast %squeeze3A_332 : i32 to index
        %get3A_878 = arith.constant 0 : index
        %get3A_879 = tpu.vector_load %arg5[%get3A_877, %get3A_878] {strides = array<i32>} : memref<4096x16xf32, #tpu.memory_space<vmem>>, vector<16xf32>,
        %get3A_880 = arith.constant 993 : i32
        %get3A_881 = arith.index_cast %get3A_880 : i32 to index
        %get3A_882 = arith.constant 0 : index
        %get3A_883 = tpu.vector_load %arg8[%get3A_881, %get3A_882] {strides = array<i32>} : memref<1000x16xf32, #tpu.memory_space<vmem>>, vector<16xf32>,
        %max3A_884 = arith.maximumf %get3A_879, %get3A_883 : vector<16xf32>
        %get3A_885 = arith.index_cast %squeeze3A_334 : i32 to index
        %get3A_886 = arith.constant 0 : index
        %get3A_887 = tpu.vector_load %arg5[%get3A_885, %get3A_886] {strides = array<i32>} : memref<4096x16xf32, #tpu.memory_space<vmem>>, vector<16xf32>,
        %get3A_888 = arith.constant 994 : i32
        %get3A_889 = arith.index_cast %get3A_888 : i32 to index
        %get3A_890 = arith.constant 0 : index
        %get3A_891 = tpu.vector_load %arg8[%get3A_889, %get3A_890] {strides = array<i32>} : memref<1000x16xf32, #tpu.memory_space<vmem>>, vector<16xf32>,
        %max3A_892 = arith.maximumf %get3A_887, %get3A_891 : vector<16xf32>
        %get3A_893 = arith.index_cast %squeeze3A_336 : i32 to index
        %get3A_894 = arith.constant 0 : index
        %get3A_895 = tpu.vector_load %arg5[%get3A_893, %get3A_894] {strides = array<i32>} : memref<4096x16xf32, #tpu.memory_space<vmem>>, vector<16xf32>,
        %get3A_896 = arith.constant 995 : i32
        %get3A_897 = arith.index_cast %get3A_896 : i32 to index
        %get3A_898 = arith.constant 0 : index
        %get3A_899 = tpu.vector_load %arg8[%get3A_897, %get3A_898] {strides = array<i32>} : memref<1000x16xf32, #tpu.memory_space<vmem>>, vector<16xf32>,
        %max3A_900 = arith.maximumf %get3A_895, %get3A_899 : vector<16xf32>
        %get3A_901 = arith.index_cast %squeeze3A_338 : i32 to index
        %get3A_902 = arith.constant 0 : index
        %get3A_903 = tpu.vector_load %arg5[%get3A_901, %get3A_902] {strides = array<i32>} : memref<4096x16xf32, #tpu.memory_space<vmem>>, vector<16xf32>,
        %get3A_904 = arith.constant 996 : i32
        %get3A_905 = arith.index_cast %get3A_904 : i32 to index
        %get3A_906 = arith.constant 0 : index
        %get3A_907 = tpu.vector_load %arg8[%get3A_905, %get3A_906] {strides = array<i32>} : memref<1000x16xf32, #tpu.memory_space<vmem>>, vector<16xf32>,
        %max3A_908 = arith.maximumf %get3A_903, %get3A_907 : vector<16xf32>
        %get3A_909 = arith.index_cast %squeeze3A_340 : i32 to index
        %get3A_910 = arith.constant 0 : index
        %get3A_911 = tpu.vector_load %arg5[%get3A_909, %get3A_910] {strides = array<i32>} : memref<4096x16xf32, #tpu.memory_space<vmem>>, vector<16xf32>,
        %get3A_912 = arith.constant 997 : i32
        %get3A_913 = arith.index_cast %get3A_912 : i32 to index
        %get3A_914 = arith.constant 0 : index
        %get3A_915 = tpu.vector_load %arg8[%get3A_913, %get3A_914] {strides = array<i32>} : memref<1000x16xf32, #tpu.memory_space<vmem>>, vector<16xf32>,
        %max3A_916 = arith.maximumf %get3A_911, %get3A_915 : vector<16xf32>
        %get3A_917 = arith.index_cast %squeeze3A_342 : i32 to index
        %get3A_918 = arith.constant 0 : index
        %get3A_919 = tpu.vector_load %arg5[%get3A_917, %get3A_918] {strides = array<i32>} : memref<4096x16xf32, #tpu.memory_space<vmem>>, vector<16xf32>,
        %get3A_920 = arith.constant 998 : i32
        %get3A_921 = arith.index_cast %get3A_920 : i32 to index
        %get3A_922 = arith.constant 0 : index
        %get3A_923 = tpu.vector_load %arg8[%get3A_921, %get3A_922] {strides = array<i32>} : memref<1000x16xf32, #tpu.memory_space<vmem>>, vector<16xf32>,
        %max3A_924 = arith.maximumf %get3A_919, %get3A_923 : vector<16xf32>
        %get3A_925 = arith.index_cast %squeeze3A_344 : i32 to index
        %get3A_926 = arith.constant 0 : index
        %get3A_927 = tpu.vector_load %arg5[%get3A_925, %get3A_926] {strides = array<i32>} : memref<4096x16xf32, #tpu.memory_space<vmem>>, vector<16xf32>,
        %get3A_928 = arith.constant 999 : i32
        %get3A_929 = arith.index_cast %get3A_928 : i32 to index
        %get3A_930 = arith.constant 0 : index
        %get3A_931 = tpu.vector_load %arg8[%get3A_929, %get3A_930] {strides = array<i32>} : memref<1000x16xf32, #tpu.memory_space<vmem>>, vector<16xf32>,
        %max3A_932 = arith.maximumf %get3A_927, %get3A_931 : vector<16xf32>
        %swap3A_933 = arith.index_cast %squeeze3A_344 : i32 to index
        %swap3A_934 = arith.constant 0 : index
        %swap3A_935 = tpu.vector_load %arg5[%swap3A_933, %swap3A_934] {strides = array<i32>} : memref<4096x16xf32, #tpu.memory_space<vmem>>, vector<16xf32>,
        tpu.vector_store %arg5[%swap3A_933, %swap3A_934], %max3A_932 {strides = array<i32>} : memref<4096x16xf32, #tpu.memory_space<vmem>>, vector<16xf32>,
        %swap3A_936 = arith.index_cast %squeeze3A_342 : i32 to index
        %swap3A_937 = arith.constant 0 : index
        %swap3A_938 = tpu.vector_load %arg5[%swap3A_936, %swap3A_937] {strides = array<i32>} : memref<4096x16xf32, #tpu.memory_space<vmem>>, vector<16xf32>,
        tpu.vector_store %arg5[%swap3A_936, %swap3A_937], %max3A_924 {strides = array<i32>} : memref<4096x16xf32, #tpu.memory_space<vmem>>, vector<16xf32>,
        %swap3A_939 = arith.index_cast %squeeze3A_340 : i32 to index
        %swap3A_940 = arith.constant 0 : index
        %swap3A_941 = tpu.vector_load %arg5[%swap3A_939, %swap3A_940] {strides = array<i32>} : memref<4096x16xf32, #tpu.memory_space<vmem>>, vector<16xf32>,
        tpu.vector_store %arg5[%swap3A_939, %swap3A_940], %max3A_916 {strides = array<i32>} : memref<4096x16xf32, #tpu.memory_space<vmem>>, vector<16xf32>,
        %swap3A_942 = arith.index_cast %squeeze3A_338 : i32 to index
        %swap3A_943 = arith.constant 0 : index
        %swap3A_944 = tpu.vector_load %arg5[%swap3A_942, %swap3A_943] {strides = array<i32>} : memref<4096x16xf32, #tpu.memory_space<vmem>>, vector<16xf32>,
        tpu.vector_store %arg5[%swap3A_942, %swap3A_943], %max3A_908 {strides = array<i32>} : memref<4096x16xf32, #tpu.memory_space<vmem>>, vector<16xf32>,
        %swap3A_945 = arith.index_cast %squeeze3A_336 : i32 to index
        %swap3A_946 = arith.constant 0 : index
        %swap3A_947 = tpu.vector_load %arg5[%swap3A_945, %swap3A_946] {strides = array<i32>} : memref<4096x16xf32, #tpu.memory_space<vmem>>, vector<16xf32>,
        tpu.vector_store %arg5[%swap3A_945, %swap3A_946], %max3A_900 {strides = array<i32>} : memref<4096x16xf32, #tpu.memory_space<vmem>>, vector<16xf32>,
        %swap3A_948 = arith.index_cast %squeeze3A_334 : i32 to index
        %swap3A_949 = arith.constant 0 : index
        %swap3A_950 = tpu.vector_load %arg5[%swap3A_948, %swap3A_949] {strides = array<i32>} : memref<4096x16xf32, #tpu.memory_space<vmem>>, vector<16xf32>,
        tpu.vector_store %arg5[%swap3A_948, %swap3A_949], %max3A_892 {strides = array<i32>} : memref<4096x16xf32, #tpu.memory_space<vmem>>, vector<16xf32>,
        %swap3A_951 = arith.index_cast %squeeze3A_332 : i32 to index
        %swap3A_952 = arith.constant 0 : index
        %swap3A_953 = tpu.vector_load %arg5[%swap3A_951, %swap3A_952] {strides = array<i32>} : memref<4096x16xf32, #tpu.memory_space<vmem>>, vector<16xf32>,
        tpu.vector_store %arg5[%swap3A_951, %swap3A_952], %max3A_884 {strides = array<i32>} : memref<4096x16xf32, #tpu.memory_space<vmem>>, vector<16xf32>,
        %swap3A_954 = arith.index_cast %squeeze3A_330 : i32 to index
        %swap3A_955 = arith.constant 0 : index
        %swap3A_956 = tpu.vector_load %arg5[%swap3A_954, %swap3A_955] {strides = array<i32>} : memref<4096x16xf32, #tpu.memory_space<vmem>>, vector<16xf32>,
        tpu.vector_store %arg5[%swap3A_954, %swap3A_955], %max3A_876 {strides = array<i32>} : memref<4096x16xf32, #tpu.memory_space<vmem>>, vector<16xf32>,
        %swap3A_957 = arith.index_cast %squeeze3A_328 : i32 to index
        %swap3A_958 = arith.constant 0 : index
        %swap3A_959 = tpu.vector_load %arg5[%swap3A_957, %swap3A_958] {strides = array<i32>} : memref<4096x16xf32, #tpu.memory_space<vmem>>, vector<16xf32>,
        tpu.vector_store %arg5[%swap3A_957, %swap3A_958], %max3A_868 {strides = array<i32>} : memref<4096x16xf32, #tpu.memory_space<vmem>>, vector<16xf32>,
        %swap3A_960 = arith.index_cast %squeeze3A_326 : i32 to index
        %swap3A_961 = arith.constant 0 : index
        %swap3A_962 = tpu.vector_load %arg5[%swap3A_960, %swap3A_961] {strides = array<i32>} : memref<4096x16xf32, #tpu.memory_space<vmem>>, vector<16xf32>,
        tpu.vector_store %arg5[%swap3A_960, %swap3A_961], %max3A_860 {strides = array<i32>} : memref<4096x16xf32, #tpu.memory_space<vmem>>, vector<16xf32>,
        %swap3A_963 = arith.index_cast %squeeze3A_324 : i32 to index
        %swap3A_964 = arith.constant 0 : index
        %swap3A_965 = tpu.vector_load %arg5[%swap3A_963, %swap3A_964] {strides = array<i32>} : memref<4096x16xf32, #tpu.memory_space<vmem>>, vector<16xf32>,
        tpu.vector_store %arg5[%swap3A_963, %swap3A_964], %max3A_852 {strides = array<i32>} : memref<4096x16xf32, #tpu.memory_space<vmem>>, vector<16xf32>,
        %swap3A_966 = arith.index_cast %squeeze3A_322 : i32 to index
        %swap3A_967 = arith.constant 0 : index
        %swap3A_968 = tpu.vector_load %arg5[%swap3A_966, %swap3A_967] {strides = array<i32>} : memref<4096x16xf32, #tpu.memory_space<vmem>>, vector<16xf32>,
        tpu.vector_store %arg5[%swap3A_966, %swap3A_967], %max3A_844 {strides = array<i32>} : memref<4096x16xf32, #tpu.memory_space<vmem>>, vector<16xf32>,
        %swap3A_969 = arith.index_cast %squeeze3A_320 : i32 to index
        %swap3A_970 = arith.constant 0 : index
        %swap3A_971 = tpu.vector_load %arg5[%swap3A_969, %swap3A_970] {strides = array<i32>} : memref<4096x16xf32, #tpu.memory_space<vmem>>, vector<16xf32>,
        tpu.vector_store %arg5[%swap3A_969, %swap3A_970], %max3A_836 {strides = array<i32>} : memref<4096x16xf32, #tpu.memory_space<vmem>>, vector<16xf32>,
        %swap3A_972 = arith.index_cast %squeeze3A_318 : i32 to index
        %swap3A_973 = arith.constant 0 : index
        %swap3A_974 = tpu.vector_load %arg5[%swap3A_972, %swap3A_973] {strides = array<i32>} : memref<4096x16xf32, #tpu.memory_space<vmem>>, vector<16xf32>,
        tpu.vector_store %arg5[%swap3A_972, %swap3A_973], %max3A_828 {strides = array<i32>} : memref<4096x16xf32, #tpu.memory_space<vmem>>, vector<16xf32>,
        %swap3A_975 = arith.index_cast %squeeze3A_316 : i32 to index
        %swap3A_976 = arith.constant 0 : index
        %swap3A_977 = tpu.vector_load %arg5[%swap3A_975, %swap3A_976] {strides = array<i32>} : memref<4096x16xf32, #tpu.memory_space<vmem>>, vector<16xf32>,
        tpu.vector_store %arg5[%swap3A_975, %swap3A_976], %max3A_820 {strides = array<i32>} : memref<4096x16xf32, #tpu.memory_space<vmem>>, vector<16xf32>,
        %swap3A_978 = arith.index_cast %squeeze3A_314 : i32 to index
        %swap3A_979 = arith.constant 0 : index
        %swap3A_980 = tpu.vector_load %arg5[%swap3A_978, %swap3A_979] {strides = array<i32>} : memref<4096x16xf32, #tpu.memory_space<vmem>>, vector<16xf32>,
        tpu.vector_store %arg5[%swap3A_978, %swap3A_979], %max3A_812 {strides = array<i32>} : memref<4096x16xf32, #tpu.memory_space<vmem>>, vector<16xf32>,
      } else {
      }
      %ge3A_537 = arith.constant 2 : i32
      %ge3A_538 = arith.cmpi sge, %squeeze3A_483, %ge3A_537 : i32
      %convert_element_type3A_539 = arith.extui %ge3A_538 : i1 to i32
      %cond3A_540 = arith.constant 0 : i32
      %cond3A_541 = arith.cmpi ne, %convert_element_type3A_539, %cond3A_540 : i32
      scf.if %cond3A_541 {
        %get3A_805 = arith.index_cast %squeeze3A_314 : i32 to index
        %get3A_806 = arith.constant 0 : index
        %get3A_807 = tpu.vector_load %arg5[%get3A_805, %get3A_806] {strides = array<i32>} : memref<4096x16xf32, #tpu.memory_space<vmem>>, vector<16xf32>,
        %get3A_808 = arith.constant 984 : i32
        %get3A_809 = arith.index_cast %get3A_808 : i32 to index
        %get3A_810 = arith.constant 0 : index
        %get3A_811 = tpu.vector_load %arg8[%get3A_809, %get3A_810] {strides = array<i32>} : memref<1000x16xf32, #tpu.memory_space<vmem>>, vector<16xf32>,
        %max3A_812 = arith.maximumf %get3A_807, %get3A_811 : vector<16xf32>
        %swap3A_813 = arith.index_cast %squeeze3A_314 : i32 to index
        %swap3A_814 = arith.constant 0 : index
        %swap3A_815 = tpu.vector_load %arg5[%swap3A_813, %swap3A_814] {strides = array<i32>} : memref<4096x16xf32, #tpu.memory_space<vmem>>, vector<16xf32>,
        tpu.vector_store %arg5[%swap3A_813, %swap3A_814], %max3A_812 {strides = array<i32>} : memref<4096x16xf32, #tpu.memory_space<vmem>>, vector<16xf32>,
        %get3A_816 = arith.index_cast %squeeze3A_316 : i32 to index
        %get3A_817 = arith.constant 0 : index
        %get3A_818 = tpu.vector_load %arg5[%get3A_816, %get3A_817] {strides = array<i32>} : memref<4096x16xf32, #tpu.memory_space<vmem>>, vector<16xf32>,
        %get3A_819 = arith.constant 985 : i32
        %get3A_820 = arith.index_cast %get3A_819 : i32 to index
        %get3A_821 = arith.constant 0 : index
        %get3A_822 = tpu.vector_load %arg8[%get3A_820, %get3A_821] {strides = array<i32>} : memref<1000x16xf32, #tpu.memory_space<vmem>>, vector<16xf32>,
        %max3A_823 = arith.maximumf %get3A_818, %get3A_822 : vector<16xf32>
        %swap3A_824 = arith.index_cast %squeeze3A_316 : i32 to index
        %swap3A_825 = arith.constant 0 : index
        %swap3A_826 = tpu.vector_load %arg5[%swap3A_824, %swap3A_825] {strides = array<i32>} : memref<4096x16xf32, #tpu.memory_space<vmem>>, vector<16xf32>,
        tpu.vector_store %arg5[%swap3A_824, %swap3A_825], %max3A_823 {strides = array<i32>} : memref<4096x16xf32, #tpu.memory_space<vmem>>, vector<16xf32>,
        %get3A_827 = arith.index_cast %squeeze3A_318 : i32 to index
        %get3A_828 = arith.constant 0 : index
        %get3A_829 = tpu.vector_load %arg5[%get3A_827, %get3A_828] {strides = array<i32>} : memref<4096x16xf32, #tpu.memory_space<vmem>>, vector<16xf32>,
        %get3A_830 = arith.constant 986 : i32
        %get3A_831 = arith.index_cast %get3A_830 : i32 to index
        %get3A_832 = arith.constant 0 : index
        %get3A_833 = tpu.vector_load %arg8[%get3A_831, %get3A_832] {strides = array<i32>} : memref<1000x16xf32, #tpu.memory_space<vmem>>, vector<16xf32>,
        %max3A_834 = arith.maximumf %get3A_829, %get3A_833 : vector<16xf32>
        %swap3A_835 = arith.index_cast %squeeze3A_318 : i32 to index
        %swap3A_836 = arith.constant 0 : index
        %swap3A_837 = tpu.vector_load %arg5[%swap3A_835, %swap3A_836] {strides = array<i32>} : memref<4096x16xf32, #tpu.memory_space<vmem>>, vector<16xf32>,
        tpu.vector_store %arg5[%swap3A_835, %swap3A_836], %max3A_834 {strides = array<i32>} : memref<4096x16xf32, #tpu.memory_space<vmem>>, vector<16xf32>,
        %get3A_838 = arith.index_cast %squeeze3A_320 : i32 to index
        %get3A_839 = arith.constant 0 : index
        %get3A_840 = tpu.vector_load %arg5[%get3A_838, %get3A_839] {strides = array<i32>} : memref<4096x16xf32, #tpu.memory_space<vmem>>, vector<16xf32>,
        %get3A_841 = arith.constant 987 : i32
        %get3A_842 = arith.index_cast %get3A_841 : i32 to index
        %get3A_843 = arith.constant 0 : index
        %get3A_844 = tpu.vector_load %arg8[%get3A_842, %get3A_843] {strides = array<i32>} : memref<1000x16xf32, #tpu.memory_space<vmem>>, vector<16xf32>,
        %max3A_845 = arith.maximumf %get3A_840, %get3A_844 : vector<16xf32>
        %swap3A_846 = arith.index_cast %squeeze3A_320 : i32 to index
        %swap3A_847 = arith.constant 0 : index
        %swap3A_848 = tpu.vector_load %arg5[%swap3A_846, %swap3A_847] {strides = array<i32>} : memref<4096x16xf32, #tpu.memory_space<vmem>>, vector<16xf32>,
        tpu.vector_store %arg5[%swap3A_846, %swap3A_847], %max3A_845 {strides = array<i32>} : memref<4096x16xf32, #tpu.memory_space<vmem>>, vector<16xf32>,
        %get3A_849 = arith.index_cast %squeeze3A_322 : i32 to index
        %get3A_850 = arith.constant 0 : index
        %get3A_851 = tpu.vector_load %arg5[%get3A_849, %get3A_850] {strides = array<i32>} : memref<4096x16xf32, #tpu.memory_space<vmem>>, vector<16xf32>,
        %get3A_852 = arith.constant 988 : i32
        %get3A_853 = arith.index_cast %get3A_852 : i32 to index
        %get3A_854 = arith.constant 0 : index
        %get3A_855 = tpu.vector_load %arg8[%get3A_853, %get3A_854] {strides = array<i32>} : memref<1000x16xf32, #tpu.memory_space<vmem>>, vector<16xf32>,
        %max3A_856 = arith.maximumf %get3A_851, %get3A_855 : vector<16xf32>
        %swap3A_857 = arith.index_cast %squeeze3A_322 : i32 to index
        %swap3A_858 = arith.constant 0 : index
        %swap3A_859 = tpu.vector_load %arg5[%swap3A_857, %swap3A_858] {strides = array<i32>} : memref<4096x16xf32, #tpu.memory_space<vmem>>, vector<16xf32>,
        tpu.vector_store %arg5[%swap3A_857, %swap3A_858], %max3A_856 {strides = array<i32>} : memref<4096x16xf32, #tpu.memory_space<vmem>>, vector<16xf32>,
        %get3A_860 = arith.index_cast %squeeze3A_324 : i32 to index
        %get3A_861 = arith.constant 0 : index
        %get3A_862 = tpu.vector_load %arg5[%get3A_860, %get3A_861] {strides = array<i32>} : memref<4096x16xf32, #tpu.memory_space<vmem>>, vector<16xf32>,
        %get3A_863 = arith.constant 989 : i32
        %get3A_864 = arith.index_cast %get3A_863 : i32 to index
        %get3A_865 = arith.constant 0 : index
        %get3A_866 = tpu.vector_load %arg8[%get3A_864, %get3A_865] {strides = array<i32>} : memref<1000x16xf32, #tpu.memory_space<vmem>>, vector<16xf32>,
        %max3A_867 = arith.maximumf %get3A_862, %get3A_866 : vector<16xf32>
        %swap3A_868 = arith.index_cast %squeeze3A_324 : i32 to index
        %swap3A_869 = arith.constant 0 : index
        %swap3A_870 = tpu.vector_load %arg5[%swap3A_868, %swap3A_869] {strides = array<i32>} : memref<4096x16xf32, #tpu.memory_space<vmem>>, vector<16xf32>,
        tpu.vector_store %arg5[%swap3A_868, %swap3A_869], %max3A_867 {strides = array<i32>} : memref<4096x16xf32, #tpu.memory_space<vmem>>, vector<16xf32>,
        %get3A_871 = arith.index_cast %squeeze3A_326 : i32 to index
        %get3A_872 = arith.constant 0 : index
        %get3A_873 = tpu.vector_load %arg5[%get3A_871, %get3A_872] {strides = array<i32>} : memref<4096x16xf32, #tpu.memory_space<vmem>>, vector<16xf32>,
        %get3A_874 = arith.constant 990 : i32
        %get3A_875 = arith.index_cast %get3A_874 : i32 to index
        %get3A_876 = arith.constant 0 : index
        %get3A_877 = tpu.vector_load %arg8[%get3A_875, %get3A_876] {strides = array<i32>} : memref<1000x16xf32, #tpu.memory_space<vmem>>, vector<16xf32>,
        %max3A_878 = arith.maximumf %get3A_873, %get3A_877 : vector<16xf32>
        %swap3A_879 = arith.index_cast %squeeze3A_326 : i32 to index
        %swap3A_880 = arith.constant 0 : index
        %swap3A_881 = tpu.vector_load %arg5[%swap3A_879, %swap3A_880] {strides = array<i32>} : memref<4096x16xf32, #tpu.memory_space<vmem>>, vector<16xf32>,
        tpu.vector_store %arg5[%swap3A_879, %swap3A_880], %max3A_878 {strides = array<i32>} : memref<4096x16xf32, #tpu.memory_space<vmem>>, vector<16xf32>,
        %get3A_882 = arith.index_cast %squeeze3A_328 : i32 to index
        %get3A_883 = arith.constant 0 : index
        %get3A_884 = tpu.vector_load %arg5[%get3A_882, %get3A_883] {strides = array<i32>} : memref<4096x16xf32, #tpu.memory_space<vmem>>, vector<16xf32>,
        %get3A_885 = arith.constant 991 : i32
        %get3A_886 = arith.index_cast %get3A_885 : i32 to index
        %get3A_887 = arith.constant 0 : index
        %get3A_888 = tpu.vector_load %arg8[%get3A_886, %get3A_887] {strides = array<i32>} : memref<1000x16xf32, #tpu.memory_space<vmem>>, vector<16xf32>,
        %max3A_889 = arith.maximumf %get3A_884, %get3A_888 : vector<16xf32>
        %swap3A_890 = arith.index_cast %squeeze3A_328 : i32 to index
        %swap3A_891 = arith.constant 0 : index
        %swap3A_892 = tpu.vector_load %arg5[%swap3A_890, %swap3A_891] {strides = array<i32>} : memref<4096x16xf32, #tpu.memory_space<vmem>>, vector<16xf32>,
        tpu.vector_store %arg5[%swap3A_890, %swap3A_891], %max3A_889 {strides = array<i32>} : memref<4096x16xf32, #tpu.memory_space<vmem>>, vector<16xf32>,
        %get3A_893 = arith.index_cast %squeeze3A_330 : i32 to index
        %get3A_894 = arith.constant 0 : index
        %get3A_895 = tpu.vector_load %arg5[%get3A_893, %get3A_894] {strides = array<i32>} : memref<4096x16xf32, #tpu.memory_space<vmem>>, vector<16xf32>,
        %get3A_896 = arith.constant 992 : i32
        %get3A_897 = arith.index_cast %get3A_896 : i32 to index
        %get3A_898 = arith.constant 0 : index
        %get3A_899 = tpu.vector_load %arg8[%get3A_897, %get3A_898] {strides = array<i32>} : memref<1000x16xf32, #tpu.memory_space<vmem>>, vector<16xf32>,
        %max3A_900 = arith.maximumf %get3A_895, %get3A_899 : vector<16xf32>
        %swap3A_901 = arith.index_cast %squeeze3A_330 : i32 to index
        %swap3A_902 = arith.constant 0 : index
        %swap3A_903 = tpu.vector_load %arg5[%swap3A_901, %swap3A_902] {strides = array<i32>} : memref<4096x16xf32, #tpu.memory_space<vmem>>, vector<16xf32>,
        tpu.vector_store %arg5[%swap3A_901, %swap3A_902], %max3A_900 {strides = array<i32>} : memref<4096x16xf32, #tpu.memory_space<vmem>>, vector<16xf32>,
        %get3A_904 = arith.index_cast %squeeze3A_332 : i32 to index
        %get3A_905 = arith.constant 0 : index
        %get3A_906 = tpu.vector_load %arg5[%get3A_904, %get3A_905] {strides = array<i32>} : memref<4096x16xf32, #tpu.memory_space<vmem>>, vector<16xf32>,
        %get3A_907 = arith.constant 993 : i32
        %get3A_908 = arith.index_cast %get3A_907 : i32 to index
        %get3A_909 = arith.constant 0 : index
        %get3A_910 = tpu.vector_load %arg8[%get3A_908, %get3A_909] {strides = array<i32>} : memref<1000x16xf32, #tpu.memory_space<vmem>>, vector<16xf32>,
        %max3A_911 = arith.maximumf %get3A_906, %get3A_910 : vector<16xf32>
        %swap3A_912 = arith.index_cast %squeeze3A_332 : i32 to index
        %swap3A_913 = arith.constant 0 : index
        %swap3A_914 = tpu.vector_load %arg5[%swap3A_912, %swap3A_913] {strides = array<i32>} : memref<4096x16xf32, #tpu.memory_space<vmem>>, vector<16xf32>,
        tpu.vector_store %arg5[%swap3A_912, %swap3A_913], %max3A_911 {strides = array<i32>} : memref<4096x16xf32, #tpu.memory_space<vmem>>, vector<16xf32>,
        %get3A_915 = arith.index_cast %squeeze3A_334 : i32 to index
        %get3A_916 = arith.constant 0 : index
        %get3A_917 = tpu.vector_load %arg5[%get3A_915, %get3A_916] {strides = array<i32>} : memref<4096x16xf32, #tpu.memory_space<vmem>>, vector<16xf32>,
        %get3A_918 = arith.constant 994 : i32
        %get3A_919 = arith.index_cast %get3A_918 : i32 to index
        %get3A_920 = arith.constant 0 : index
        %get3A_921 = tpu.vector_load %arg8[%get3A_919, %get3A_920] {strides = array<i32>} : memref<1000x16xf32, #tpu.memory_space<vmem>>, vector<16xf32>,
        %max3A_922 = arith.maximumf %get3A_917, %get3A_921 : vector<16xf32>
        %swap3A_923 = arith.index_cast %squeeze3A_334 : i32 to index
        %swap3A_924 = arith.constant 0 : index
        %swap3A_925 = tpu.vector_load %arg5[%swap3A_923, %swap3A_924] {strides = array<i32>} : memref<4096x16xf32, #tpu.memory_space<vmem>>, vector<16xf32>,
        tpu.vector_store %arg5[%swap3A_923, %swap3A_924], %max3A_922 {strides = array<i32>} : memref<4096x16xf32, #tpu.memory_space<vmem>>, vector<16xf32>,
        %get3A_926 = arith.index_cast %squeeze3A_336 : i32 to index
        %get3A_927 = arith.constant 0 : index
        %get3A_928 = tpu.vector_load %arg5[%get3A_926, %get3A_927] {strides = array<i32>} : memref<4096x16xf32, #tpu.memory_space<vmem>>, vector<16xf32>,
        %get3A_929 = arith.constant 995 : i32
        %get3A_930 = arith.index_cast %get3A_929 : i32 to index
        %get3A_931 = arith.constant 0 : index
        %get3A_932 = tpu.vector_load %arg8[%get3A_930, %get3A_931] {strides = array<i32>} : memref<1000x16xf32, #tpu.memory_space<vmem>>, vector<16xf32>,
        %max3A_933 = arith.maximumf %get3A_928, %get3A_932 : vector<16xf32>
        %swap3A_934 = arith.index_cast %squeeze3A_336 : i32 to index
        %swap3A_935 = arith.constant 0 : index
        %swap3A_936 = tpu.vector_load %arg5[%swap3A_934, %swap3A_935] {strides = array<i32>} : memref<4096x16xf32, #tpu.memory_space<vmem>>, vector<16xf32>,
        tpu.vector_store %arg5[%swap3A_934, %swap3A_935], %max3A_933 {strides = array<i32>} : memref<4096x16xf32, #tpu.memory_space<vmem>>, vector<16xf32>,
        %get3A_937 = arith.index_cast %squeeze3A_338 : i32 to index
        %get3A_938 = arith.constant 0 : index
        %get3A_939 = tpu.vector_load %arg5[%get3A_937, %get3A_938] {strides = array<i32>} : memref<4096x16xf32, #tpu.memory_space<vmem>>, vector<16xf32>,
        %get3A_940 = arith.constant 996 : i32
        %get3A_941 = arith.index_cast %get3A_940 : i32 to index
        %get3A_942 = arith.constant 0 : index
        %get3A_943 = tpu.vector_load %arg8[%get3A_941, %get3A_942] {strides = array<i32>} : memref<1000x16xf32, #tpu.memory_space<vmem>>, vector<16xf32>,
        %max3A_944 = arith.maximumf %get3A_939, %get3A_943 : vector<16xf32>
        %swap3A_945 = arith.index_cast %squeeze3A_338 : i32 to index
        %swap3A_946 = arith.constant 0 : index
        %swap3A_947 = tpu.vector_load %arg5[%swap3A_945, %swap3A_946] {strides = array<i32>} : memref<4096x16xf32, #tpu.memory_space<vmem>>, vector<16xf32>,
        tpu.vector_store %arg5[%swap3A_945, %swap3A_946], %max3A_944 {strides = array<i32>} : memref<4096x16xf32, #tpu.memory_space<vmem>>, vector<16xf32>,
        %get3A_948 = arith.index_cast %squeeze3A_340 : i32 to index
        %get3A_949 = arith.constant 0 : index
        %get3A_950 = tpu.vector_load %arg5[%get3A_948, %get3A_949] {strides = array<i32>} : memref<4096x16xf32, #tpu.memory_space<vmem>>, vector<16xf32>,
        %get3A_951 = arith.constant 997 : i32
        %get3A_952 = arith.index_cast %get3A_951 : i32 to index
        %get3A_953 = arith.constant 0 : index
        %get3A_954 = tpu.vector_load %arg8[%get3A_952, %get3A_953] {strides = array<i32>} : memref<1000x16xf32, #tpu.memory_space<vmem>>, vector<16xf32>,
        %max3A_955 = arith.maximumf %get3A_950, %get3A_954 : vector<16xf32>
        %swap3A_956 = arith.index_cast %squeeze3A_340 : i32 to index
        %swap3A_957 = arith.constant 0 : index
        %swap3A_958 = tpu.vector_load %arg5[%swap3A_956, %swap3A_957] {strides = array<i32>} : memref<4096x16xf32, #tpu.memory_space<vmem>>, vector<16xf32>,
        tpu.vector_store %arg5[%swap3A_956, %swap3A_957], %max3A_955 {strides = array<i32>} : memref<4096x16xf32, #tpu.memory_space<vmem>>, vector<16xf32>,
        %get3A_959 = arith.index_cast %squeeze3A_342 : i32 to index
        %get3A_960 = arith.constant 0 : index
        %get3A_961 = tpu.vector_load %arg5[%get3A_959, %get3A_960] {strides = array<i32>} : memref<4096x16xf32, #tpu.memory_space<vmem>>, vector<16xf32>,
        %get3A_962 = arith.constant 998 : i32
        %get3A_963 = arith.index_cast %get3A_962 : i32 to index
        %get3A_964 = arith.constant 0 : index
        %get3A_965 = tpu.vector_load %arg8[%get3A_963, %get3A_964] {strides = array<i32>} : memref<1000x16xf32, #tpu.memory_space<vmem>>, vector<16xf32>,
        %max3A_966 = arith.maximumf %get3A_961, %get3A_965 : vector<16xf32>
        %swap3A_967 = arith.index_cast %squeeze3A_342 : i32 to index
        %swap3A_968 = arith.constant 0 : index
        %swap3A_969 = tpu.vector_load %arg5[%swap3A_967, %swap3A_968] {strides = array<i32>} : memref<4096x16xf32, #tpu.memory_space<vmem>>, vector<16xf32>,
        tpu.vector_store %arg5[%swap3A_967, %swap3A_968], %max3A_966 {strides = array<i32>} : memref<4096x16xf32, #tpu.memory_space<vmem>>, vector<16xf32>,
        %get3A_970 = arith.index_cast %squeeze3A_344 : i32 to index
        %get3A_971 = arith.constant 0 : index
        %get3A_972 = tpu.vector_load %arg5[%get3A_970, %get3A_971] {strides = array<i32>} : memref<4096x16xf32, #tpu.memory_space<vmem>>, vector<16xf32>,
        %get3A_973 = arith.constant 999 : i32
        %get3A_974 = arith.index_cast %get3A_973 : i32 to index
        %get3A_975 = arith.constant 0 : index
        %get3A_976 = tpu.vector_load %arg8[%get3A_974, %get3A_975] {strides = array<i32>} : memref<1000x16xf32, #tpu.memory_space<vmem>>, vector<16xf32>,
        %max3A_977 = arith.maximumf %get3A_972, %get3A_976 : vector<16xf32>
        %swap3A_978 = arith.index_cast %squeeze3A_344 : i32 to index
        %swap3A_979 = arith.constant 0 : index
        %swap3A_980 = tpu.vector_load %arg5[%swap3A_978, %swap3A_979] {strides = array<i32>} : memref<4096x16xf32, #tpu.memory_space<vmem>>, vector<16xf32>,
        tpu.vector_store %arg5[%swap3A_978, %swap3A_979], %max3A_977 {strides = array<i32>} : memref<4096x16xf32, #tpu.memory_space<vmem>>, vector<16xf32>,
      } else {
      }
      %add3A_542 = arith.constant 2 : i32
      %add3A_543 = arith.addi %add3A_296, %add3A_542 : i32
      %lt3A_544 = arith.constant 125 : i32
      %lt3A_545 = arith.cmpi slt, %add3A_543, %lt3A_544 : i32
      %convert_element_type3A_546 = arith.extui %lt3A_545 : i1 to i32
      %cond3A_547 = arith.constant 0 : i32
      %cond3A_548 = arith.cmpi ne, %convert_element_type3A_546, %cond3A_547 : i32
      scf.if %cond3A_548 {
        %add3A_805 = arith.constant 2 : i32
        %add3A_806 = arith.addi %add3A_296, %add3A_805 : i32
        %mul3A_807 = arith.constant 1000 : i32
        %mul3A_808 = arith.muli %add3A_806, %mul3A_807 : i32
        %add3A_809 = arith.addi %mul3A_40, %mul3A_808 : i32
        %dma_start3A_810 = tpu.memref_slice %arg3[%add3A_809] : memref<500000xi32, #tpu.memory_space<hbm>> -> memref<1000xi32, #tpu.memory_space<hbm>>
        %dma_start3A_811 = tpu.memref_slice %arg3[%add3A_809] : memref<500000xi32, #tpu.memory_space<hbm>> -> memref<1000xi32, #tpu.memory_space<hbm>>
        tpu.enqueue_dma source(%dma_start3A_811 : memref<1000xi32, #tpu.memory_space<hbm>>) target(%arg6 : memref<1000xi32, #tpu.memory_space<vmem>>) target_semaphore(%arg10 : memref<!tpu.dma_semaphore, #tpu.memory_space<semaphore_mem>>)
        %dma_start3A_812 = tpu.memref_slice %arg2[%add3A_809, %mul3A_32] : memref<500000x128xf32, #tpu.memory_space<hbm>> -> memref<1000x16xf32, #tpu.memory_space<hbm>>
        %dma_start3A_813 = tpu.memref_slice %arg2[%add3A_809, %mul3A_32] : memref<500000x128xf32, #tpu.memory_space<hbm>> -> memref<1000x16xf32, #tpu.memory_space<hbm>>
        tpu.enqueue_dma source(%dma_start3A_813 : memref<1000x16xf32, #tpu.memory_space<hbm>>) target(%arg8 : memref<1000x16xf32, #tpu.memory_space<vmem>>) target_semaphore(%arg10 : memref<!tpu.dma_semaphore, #tpu.memory_space<semaphore_mem>>)
      } else {
      }
      %mul3A_549 = arith.constant 2 : i32
      %mul3A_550 = arith.muli %scan3A_292, %mul3A_549 : i32
      %add3A_551 = arith.constant 1 : i32
      %add3A_552 = arith.addi %mul3A_550, %add3A_551 : i32
      %dma_wait3A_553 = arith.constant 0 : i32
      %dma_wait3A_554 = tpu.memref_slice %arg3[%dma_wait3A_553] : memref<500000xi32, #tpu.memory_space<hbm>> -> memref<1000xi32, #tpu.memory_space<hbm>>
      %dma_wait3A_555 = arith.constant 0 : i32
      %dma_wait3A_556 = tpu.memref_slice %arg3[%dma_wait3A_555] : memref<500000xi32, #tpu.memory_space<hbm>> -> memref<1000xi32, #tpu.memory_space<hbm>>
      tpu.wait_dma2 semaphore(%arg11 : memref<!tpu.dma_semaphore, #tpu.memory_space<semaphore_mem>>) src(%dma_wait3A_556 : memref<1000xi32, #tpu.memory_space<hbm>>) dst(%arg7 : memref<1000xi32, #tpu.memory_space<vmem>>)
      %dma_wait3A_557 = arith.constant 0 : i32
      %dma_wait3A_558 = tpu.memref_slice %arg2[%dma_wait3A_557, %mul3A_32] : memref<500000x128xf32, #tpu.memory_space<hbm>> -> memref<1000x16xf32, #tpu.memory_space<hbm>>
      %dma_wait3A_559 = arith.constant 0 : i32
      %dma_wait3A_560 = tpu.memref_slice %arg2[%dma_wait3A_559, %mul3A_32] : memref<500000x128xf32, #tpu.memory_space<hbm>> -> memref<1000x16xf32, #tpu.memory_space<hbm>>
      tpu.wait_dma2 semaphore(%arg11 : memref<!tpu.dma_semaphore, #tpu.memory_space<semaphore_mem>>) src(%dma_wait3A_560 : memref<1000x16xf32, #tpu.memory_space<hbm>>) dst(%arg9 : memref<1000x16xf32, #tpu.memory_space<vmem>>)
      %scan3A_561 = arith.constant 0 : i32
      %scan3A_562 = arith.constant 0 : i32
      %scan3A_563 = arith.constant 62 : i32
      %scan3A_564 = arith.addi %scan3A_562, %scan3A_563 : i32
      %scan3A_565 = arith.constant 1 : i32
      scf.for %scan3A_805 = %scan3A_562 to %scan3A_564 step %scan3A_565  : i32 {
        %mul3A_806 = arith.constant 16 : i32
        %mul3A_807 = arith.muli %scan3A_805, %mul3A_806 : i32
        %get3A_808 = arith.index_cast %mul3A_807 : i32 to index
        %get3A_809 = tpu.vector_load %arg7[%get3A_808] {strides = array<i32>} : memref<1000xi32, #tpu.memory_space<vmem>>, vector<16xi32>,
        %slice3A_810 = vector.extract_strided_slice %get3A_809 {offsets = [0], sizes = [1], strides = [1]} : vector<16xi32> to vector<1xi32>
        %squeeze3A_811 = vector.extract %slice3A_810[0] : i32 from vector<1xi32>
        %slice3A_812 = vector.extract_strided_slice %get3A_809 {offsets = [1], sizes = [1], strides = [1]} : vector<16xi32> to vector<1xi32>
        %squeeze3A_813 = vector.extract %slice3A_812[0] : i32 from vector<1xi32>
        %slice3A_814 = vector.extract_strided_slice %get3A_809 {offsets = [2], sizes = [1], strides = [1]} : vector<16xi32> to vector<1xi32>
        %squeeze3A_815 = vector.extract %slice3A_814[0] : i32 from vector<1xi32>
        %slice3A_816 = vector.extract_strided_slice %get3A_809 {offsets = [3], sizes = [1], strides = [1]} : vector<16xi32> to vector<1xi32>
        %squeeze3A_817 = vector.extract %slice3A_816[0] : i32 from vector<1xi32>
        %slice3A_818 = vector.extract_strided_slice %get3A_809 {offsets = [4], sizes = [1], strides = [1]} : vector<16xi32> to vector<1xi32>
        %squeeze3A_819 = vector.extract %slice3A_818[0] : i32 from vector<1xi32>
        %slice3A_820 = vector.extract_strided_slice %get3A_809 {offsets = [5], sizes = [1], strides = [1]} : vector<16xi32> to vector<1xi32>
        %squeeze3A_821 = vector.extract %slice3A_820[0] : i32 from vector<1xi32>
        %slice3A_822 = vector.extract_strided_slice %get3A_809 {offsets = [6], sizes = [1], strides = [1]} : vector<16xi32> to vector<1xi32>
        %squeeze3A_823 = vector.extract %slice3A_822[0] : i32 from vector<1xi32>
        %slice3A_824 = vector.extract_strided_slice %get3A_809 {offsets = [7], sizes = [1], strides = [1]} : vector<16xi32> to vector<1xi32>
        %squeeze3A_825 = vector.extract %slice3A_824[0] : i32 from vector<1xi32>
        %slice3A_826 = vector.extract_strided_slice %get3A_809 {offsets = [8], sizes = [1], strides = [1]} : vector<16xi32> to vector<1xi32>
        %squeeze3A_827 = vector.extract %slice3A_826[0] : i32 from vector<1xi32>
        %slice3A_828 = vector.extract_strided_slice %get3A_809 {offsets = [9], sizes = [1], strides = [1]} : vector<16xi32> to vector<1xi32>
        %squeeze3A_829 = vector.extract %slice3A_828[0] : i32 from vector<1xi32>
        %slice3A_830 = vector.extract_strided_slice %get3A_809 {offsets = [10], sizes = [1], strides = [1]} : vector<16xi32> to vector<1xi32>
        %squeeze3A_831 = vector.extract %slice3A_830[0] : i32 from vector<1xi32>
        %slice3A_832 = vector.extract_strided_slice %get3A_809 {offsets = [11], sizes = [1], strides = [1]} : vector<16xi32> to vector<1xi32>
        %squeeze3A_833 = vector.extract %slice3A_832[0] : i32 from vector<1xi32>
        %slice3A_834 = vector.extract_strided_slice %get3A_809 {offsets = [12], sizes = [1], strides = [1]} : vector<16xi32> to vector<1xi32>
        %squeeze3A_835 = vector.extract %slice3A_834[0] : i32 from vector<1xi32>
        %slice3A_836 = vector.extract_strided_slice %get3A_809 {offsets = [13], sizes = [1], strides = [1]} : vector<16xi32> to vector<1xi32>
        %squeeze3A_837 = vector.extract %slice3A_836[0] : i32 from vector<1xi32>
        %slice3A_838 = vector.extract_strided_slice %get3A_809 {offsets = [14], sizes = [1], strides = [1]} : vector<16xi32> to vector<1xi32>
        %squeeze3A_839 = vector.extract %slice3A_838[0] : i32 from vector<1xi32>
        %slice3A_840 = vector.extract_strided_slice %get3A_809 {offsets = [15], sizes = [1], strides = [1]} : vector<16xi32> to vector<1xi32>
        %squeeze3A_841 = vector.extract %slice3A_840[0] : i32 from vector<1xi32>
        %get3A_842 = arith.index_cast %squeeze3A_811 : i32 to index
        %get3A_843 = arith.constant 0 : index
        %get3A_844 = tpu.vector_load %arg5[%get3A_842, %get3A_843] {strides = array<i32>} : memref<4096x16xf32, #tpu.memory_space<vmem>>, vector<16xf32>,
        %add3A_845 = arith.constant 0 : i32
        %add3A_846 = arith.addi %mul3A_807, %add3A_845 : i32
        %get3A_847 = arith.index_cast %add3A_846 : i32 to index
        %get3A_848 = arith.constant 0 : index
        %get3A_849 = tpu.vector_load %arg9[%get3A_847, %get3A_848] {strides = array<i32>} : memref<1000x16xf32, #tpu.memory_space<vmem>>, vector<16xf32>,
        %max3A_850 = arith.maximumf %get3A_844, %get3A_849 : vector<16xf32>
        %get3A_851 = arith.index_cast %squeeze3A_813 : i32 to index
        %get3A_852 = arith.constant 0 : index
        %get3A_853 = tpu.vector_load %arg5[%get3A_851, %get3A_852] {strides = array<i32>} : memref<4096x16xf32, #tpu.memory_space<vmem>>, vector<16xf32>,
        %add3A_854 = arith.constant 1 : i32
        %add3A_855 = arith.addi %mul3A_807, %add3A_854 : i32
        %get3A_856 = arith.index_cast %add3A_855 : i32 to index
        %get3A_857 = arith.constant 0 : index
        %get3A_858 = tpu.vector_load %arg9[%get3A_856, %get3A_857] {strides = array<i32>} : memref<1000x16xf32, #tpu.memory_space<vmem>>, vector<16xf32>,
        %max3A_859 = arith.maximumf %get3A_853, %get3A_858 : vector<16xf32>
        %get3A_860 = arith.index_cast %squeeze3A_815 : i32 to index
        %get3A_861 = arith.constant 0 : index
        %get3A_862 = tpu.vector_load %arg5[%get3A_860, %get3A_861] {strides = array<i32>} : memref<4096x16xf32, #tpu.memory_space<vmem>>, vector<16xf32>,
        %add3A_863 = arith.constant 2 : i32
        %add3A_864 = arith.addi %mul3A_807, %add3A_863 : i32
        %get3A_865 = arith.index_cast %add3A_864 : i32 to index
        %get3A_866 = arith.constant 0 : index
        %get3A_867 = tpu.vector_load %arg9[%get3A_865, %get3A_866] {strides = array<i32>} : memref<1000x16xf32, #tpu.memory_space<vmem>>, vector<16xf32>,
        %max3A_868 = arith.maximumf %get3A_862, %get3A_867 : vector<16xf32>
        %get3A_869 = arith.index_cast %squeeze3A_817 : i32 to index
        %get3A_870 = arith.constant 0 : index
        %get3A_871 = tpu.vector_load %arg5[%get3A_869, %get3A_870] {strides = array<i32>} : memref<4096x16xf32, #tpu.memory_space<vmem>>, vector<16xf32>,
        %add3A_872 = arith.constant 3 : i32
        %add3A_873 = arith.addi %mul3A_807, %add3A_872 : i32
        %get3A_874 = arith.index_cast %add3A_873 : i32 to index
        %get3A_875 = arith.constant 0 : index
        %get3A_876 = tpu.vector_load %arg9[%get3A_874, %get3A_875] {strides = array<i32>} : memref<1000x16xf32, #tpu.memory_space<vmem>>, vector<16xf32>,
        %max3A_877 = arith.maximumf %get3A_871, %get3A_876 : vector<16xf32>
        %get3A_878 = arith.index_cast %squeeze3A_819 : i32 to index
        %get3A_879 = arith.constant 0 : index
        %get3A_880 = tpu.vector_load %arg5[%get3A_878, %get3A_879] {strides = array<i32>} : memref<4096x16xf32, #tpu.memory_space<vmem>>, vector<16xf32>,
        %add3A_881 = arith.constant 4 : i32
        %add3A_882 = arith.addi %mul3A_807, %add3A_881 : i32
        %get3A_883 = arith.index_cast %add3A_882 : i32 to index
        %get3A_884 = arith.constant 0 : index
        %get3A_885 = tpu.vector_load %arg9[%get3A_883, %get3A_884] {strides = array<i32>} : memref<1000x16xf32, #tpu.memory_space<vmem>>, vector<16xf32>,
        %max3A_886 = arith.maximumf %get3A_880, %get3A_885 : vector<16xf32>
        %get3A_887 = arith.index_cast %squeeze3A_821 : i32 to index
        %get3A_888 = arith.constant 0 : index
        %get3A_889 = tpu.vector_load %arg5[%get3A_887, %get3A_888] {strides = array<i32>} : memref<4096x16xf32, #tpu.memory_space<vmem>>, vector<16xf32>,
        %add3A_890 = arith.constant 5 : i32
        %add3A_891 = arith.addi %mul3A_807, %add3A_890 : i32
        %get3A_892 = arith.index_cast %add3A_891 : i32 to index
        %get3A_893 = arith.constant 0 : index
        %get3A_894 = tpu.vector_load %arg9[%get3A_892, %get3A_893] {strides = array<i32>} : memref<1000x16xf32, #tpu.memory_space<vmem>>, vector<16xf32>,
        %max3A_895 = arith.maximumf %get3A_889, %get3A_894 : vector<16xf32>
        %get3A_896 = arith.index_cast %squeeze3A_823 : i32 to index
        %get3A_897 = arith.constant 0 : index
        %get3A_898 = tpu.vector_load %arg5[%get3A_896, %get3A_897] {strides = array<i32>} : memref<4096x16xf32, #tpu.memory_space<vmem>>, vector<16xf32>,
        %add3A_899 = arith.constant 6 : i32
        %add3A_900 = arith.addi %mul3A_807, %add3A_899 : i32
        %get3A_901 = arith.index_cast %add3A_900 : i32 to index
        %get3A_902 = arith.constant 0 : index
        %get3A_903 = tpu.vector_load %arg9[%get3A_901, %get3A_902] {strides = array<i32>} : memref<1000x16xf32, #tpu.memory_space<vmem>>, vector<16xf32>,
        %max3A_904 = arith.maximumf %get3A_898, %get3A_903 : vector<16xf32>
        %get3A_905 = arith.index_cast %squeeze3A_825 : i32 to index
        %get3A_906 = arith.constant 0 : index
        %get3A_907 = tpu.vector_load %arg5[%get3A_905, %get3A_906] {strides = array<i32>} : memref<4096x16xf32, #tpu.memory_space<vmem>>, vector<16xf32>,
        %add3A_908 = arith.constant 7 : i32
        %add3A_909 = arith.addi %mul3A_807, %add3A_908 : i32
        %get3A_910 = arith.index_cast %add3A_909 : i32 to index
        %get3A_911 = arith.constant 0 : index
        %get3A_912 = tpu.vector_load %arg9[%get3A_910, %get3A_911] {strides = array<i32>} : memref<1000x16xf32, #tpu.memory_space<vmem>>, vector<16xf32>,
        %max3A_913 = arith.maximumf %get3A_907, %get3A_912 : vector<16xf32>
        %get3A_914 = arith.index_cast %squeeze3A_827 : i32 to index
        %get3A_915 = arith.constant 0 : index
        %get3A_916 = tpu.vector_load %arg5[%get3A_914, %get3A_915] {strides = array<i32>} : memref<4096x16xf32, #tpu.memory_space<vmem>>, vector<16xf32>,
        %add3A_917 = arith.constant 8 : i32
        %add3A_918 = arith.addi %mul3A_807, %add3A_917 : i32
        %get3A_919 = arith.index_cast %add3A_918 : i32 to index
        %get3A_920 = arith.constant 0 : index
        %get3A_921 = tpu.vector_load %arg9[%get3A_919, %get3A_920] {strides = array<i32>} : memref<1000x16xf32, #tpu.memory_space<vmem>>, vector<16xf32>,
        %max3A_922 = arith.maximumf %get3A_916, %get3A_921 : vector<16xf32>
        %get3A_923 = arith.index_cast %squeeze3A_829 : i32 to index
        %get3A_924 = arith.constant 0 : index
        %get3A_925 = tpu.vector_load %arg5[%get3A_923, %get3A_924] {strides = array<i32>} : memref<4096x16xf32, #tpu.memory_space<vmem>>, vector<16xf32>,
        %add3A_926 = arith.constant 9 : i32
        %add3A_927 = arith.addi %mul3A_807, %add3A_926 : i32
        %get3A_928 = arith.index_cast %add3A_927 : i32 to index
        %get3A_929 = arith.constant 0 : index
        %get3A_930 = tpu.vector_load %arg9[%get3A_928, %get3A_929] {strides = array<i32>} : memref<1000x16xf32, #tpu.memory_space<vmem>>, vector<16xf32>,
        %max3A_931 = arith.maximumf %get3A_925, %get3A_930 : vector<16xf32>
        %get3A_932 = arith.index_cast %squeeze3A_831 : i32 to index
        %get3A_933 = arith.constant 0 : index
        %get3A_934 = tpu.vector_load %arg5[%get3A_932, %get3A_933] {strides = array<i32>} : memref<4096x16xf32, #tpu.memory_space<vmem>>, vector<16xf32>,
        %add3A_935 = arith.constant 10 : i32
        %add3A_936 = arith.addi %mul3A_807, %add3A_935 : i32
        %get3A_937 = arith.index_cast %add3A_936 : i32 to index
        %get3A_938 = arith.constant 0 : index
        %get3A_939 = tpu.vector_load %arg9[%get3A_937, %get3A_938] {strides = array<i32>} : memref<1000x16xf32, #tpu.memory_space<vmem>>, vector<16xf32>,
        %max3A_940 = arith.maximumf %get3A_934, %get3A_939 : vector<16xf32>
        %get3A_941 = arith.index_cast %squeeze3A_833 : i32 to index
        %get3A_942 = arith.constant 0 : index
        %get3A_943 = tpu.vector_load %arg5[%get3A_941, %get3A_942] {strides = array<i32>} : memref<4096x16xf32, #tpu.memory_space<vmem>>, vector<16xf32>,
        %add3A_944 = arith.constant 11 : i32
        %add3A_945 = arith.addi %mul3A_807, %add3A_944 : i32
        %get3A_946 = arith.index_cast %add3A_945 : i32 to index
        %get3A_947 = arith.constant 0 : index
        %get3A_948 = tpu.vector_load %arg9[%get3A_946, %get3A_947] {strides = array<i32>} : memref<1000x16xf32, #tpu.memory_space<vmem>>, vector<16xf32>,
        %max3A_949 = arith.maximumf %get3A_943, %get3A_948 : vector<16xf32>
        %get3A_950 = arith.index_cast %squeeze3A_835 : i32 to index
        %get3A_951 = arith.constant 0 : index
        %get3A_952 = tpu.vector_load %arg5[%get3A_950, %get3A_951] {strides = array<i32>} : memref<4096x16xf32, #tpu.memory_space<vmem>>, vector<16xf32>,
        %add3A_953 = arith.constant 12 : i32
        %add3A_954 = arith.addi %mul3A_807, %add3A_953 : i32
        %get3A_955 = arith.index_cast %add3A_954 : i32 to index
        %get3A_956 = arith.constant 0 : index
        %get3A_957 = tpu.vector_load %arg9[%get3A_955, %get3A_956] {strides = array<i32>} : memref<1000x16xf32, #tpu.memory_space<vmem>>, vector<16xf32>,
        %max3A_958 = arith.maximumf %get3A_952, %get3A_957 : vector<16xf32>
        %get3A_959 = arith.index_cast %squeeze3A_837 : i32 to index
        %get3A_960 = arith.constant 0 : index
        %get3A_961 = tpu.vector_load %arg5[%get3A_959, %get3A_960] {strides = array<i32>} : memref<4096x16xf32, #tpu.memory_space<vmem>>, vector<16xf32>,
        %add3A_962 = arith.constant 13 : i32
        %add3A_963 = arith.addi %mul3A_807, %add3A_962 : i32
        %get3A_964 = arith.index_cast %add3A_963 : i32 to index
        %get3A_965 = arith.constant 0 : index
        %get3A_966 = tpu.vector_load %arg9[%get3A_964, %get3A_965] {strides = array<i32>} : memref<1000x16xf32, #tpu.memory_space<vmem>>, vector<16xf32>,
        %max3A_967 = arith.maximumf %get3A_961, %get3A_966 : vector<16xf32>
        %get3A_968 = arith.index_cast %squeeze3A_839 : i32 to index
        %get3A_969 = arith.constant 0 : index
        %get3A_970 = tpu.vector_load %arg5[%get3A_968, %get3A_969] {strides = array<i32>} : memref<4096x16xf32, #tpu.memory_space<vmem>>, vector<16xf32>,
        %add3A_971 = arith.constant 14 : i32
        %add3A_972 = arith.addi %mul3A_807, %add3A_971 : i32
        %get3A_973 = arith.index_cast %add3A_972 : i32 to index
        %get3A_974 = arith.constant 0 : index
        %get3A_975 = tpu.vector_load %arg9[%get3A_973, %get3A_974] {strides = array<i32>} : memref<1000x16xf32, #tpu.memory_space<vmem>>, vector<16xf32>,
        %max3A_976 = arith.maximumf %get3A_970, %get3A_975 : vector<16xf32>
        %get3A_977 = arith.index_cast %squeeze3A_841 : i32 to index
        %get3A_978 = arith.constant 0 : index
        %get3A_979 = tpu.vector_load %arg5[%get3A_977, %get3A_978] {strides = array<i32>} : memref<4096x16xf32, #tpu.memory_space<vmem>>, vector<16xf32>,
        %add3A_980 = arith.constant 15 : i32
        %add3A_981 = arith.addi %mul3A_807, %add3A_980 : i32
        %get3A_982 = arith.index_cast %add3A_981 : i32 to index
        %get3A_983 = arith.constant 0 : index
        %get3A_984 = tpu.vector_load %arg9[%get3A_982, %get3A_983] {strides = array<i32>} : memref<1000x16xf32, #tpu.memory_space<vmem>>, vector<16xf32>,
        %max3A_985 = arith.maximumf %get3A_979, %get3A_984 : vector<16xf32>
        %broadcast_in_dim3A_986 = arith.constant true
        %broadcast_in_dim3A_987 = vector.broadcast %broadcast_in_dim3A_986 : i1 to vector<16xi1>
        %unique3A_988, %unique3A_989 = tpu.scan_count mask(%broadcast_in_dim3A_987 : vector<16xi1>) value(%get3A_809 : vector<16xi32>) : vector<16xi1>, vector<16xi32>
        %slice3A_990 = vector.extract_strided_slice %unique3A_989 {offsets = [0], sizes = [1], strides = [1]} : vector<16xi32> to vector<1xi32>
        %squeeze3A_991 = vector.extract %slice3A_990[0] : i32 from vector<1xi32>
        %broadcast_in_dim3A_992 = vector.broadcast %squeeze3A_991 : i32 to vector<16xi32>
        %ne3A_993 = arith.cmpi ne, %unique3A_989, %broadcast_in_dim3A_992 : vector<16xi32>
        %all_reduce_population_count3A_994 = tpu.all_reduce %ne3A_993 {dim = 0 : i64, kind = #tpu.reduction_kind<sum>} : vector<16xi1> -> vector<16xi32>
        %slice3A_995 = vector.extract_strided_slice %all_reduce_population_count3A_994 {offsets = [0], sizes = [1], strides = [1]} : vector<16xi32> to vector<1xi32>
        %squeeze3A_996 = vector.extract %slice3A_995[0] : i32 from vector<1xi32>
        %swap3A_997 = arith.index_cast %squeeze3A_811 : i32 to index
        %swap3A_998 = arith.constant 0 : index
        %swap3A_999 = tpu.vector_load %arg5[%swap3A_997, %swap3A_998] {strides = array<i32>} : memref<4096x16xf32, #tpu.memory_space<vmem>>, vector<16xf32>,
        tpu.vector_store %arg5[%swap3A_997, %swap3A_998], %max3A_850 {strides = array<i32>} : memref<4096x16xf32, #tpu.memory_space<vmem>>, vector<16xf32>,
        %swap3A_1000 = arith.index_cast %squeeze3A_813 : i32 to index
        %swap3A_1001 = arith.constant 0 : index
        %swap3A_1002 = tpu.vector_load %arg5[%swap3A_1000, %swap3A_1001] {strides = array<i32>} : memref<4096x16xf32, #tpu.memory_space<vmem>>, vector<16xf32>,
        tpu.vector_store %arg5[%swap3A_1000, %swap3A_1001], %max3A_859 {strides = array<i32>} : memref<4096x16xf32, #tpu.memory_space<vmem>>, vector<16xf32>,
        %swap3A_1003 = arith.index_cast %squeeze3A_815 : i32 to index
        %swap3A_1004 = arith.constant 0 : index
        %swap3A_1005 = tpu.vector_load %arg5[%swap3A_1003, %swap3A_1004] {strides = array<i32>} : memref<4096x16xf32, #tpu.memory_space<vmem>>, vector<16xf32>,
        tpu.vector_store %arg5[%swap3A_1003, %swap3A_1004], %max3A_868 {strides = array<i32>} : memref<4096x16xf32, #tpu.memory_space<vmem>>, vector<16xf32>,
        %swap3A_1006 = arith.index_cast %squeeze3A_817 : i32 to index
        %swap3A_1007 = arith.constant 0 : index
        %swap3A_1008 = tpu.vector_load %arg5[%swap3A_1006, %swap3A_1007] {strides = array<i32>} : memref<4096x16xf32, #tpu.memory_space<vmem>>, vector<16xf32>,
        tpu.vector_store %arg5[%swap3A_1006, %swap3A_1007], %max3A_877 {strides = array<i32>} : memref<4096x16xf32, #tpu.memory_space<vmem>>, vector<16xf32>,
        %swap3A_1009 = arith.index_cast %squeeze3A_819 : i32 to index
        %swap3A_1010 = arith.constant 0 : index
        %swap3A_1011 = tpu.vector_load %arg5[%swap3A_1009, %swap3A_1010] {strides = array<i32>} : memref<4096x16xf32, #tpu.memory_space<vmem>>, vector<16xf32>,
        tpu.vector_store %arg5[%swap3A_1009, %swap3A_1010], %max3A_886 {strides = array<i32>} : memref<4096x16xf32, #tpu.memory_space<vmem>>, vector<16xf32>,
        %swap3A_1012 = arith.index_cast %squeeze3A_821 : i32 to index
        %swap3A_1013 = arith.constant 0 : index
        %swap3A_1014 = tpu.vector_load %arg5[%swap3A_1012, %swap3A_1013] {strides = array<i32>} : memref<4096x16xf32, #tpu.memory_space<vmem>>, vector<16xf32>,
        tpu.vector_store %arg5[%swap3A_1012, %swap3A_1013], %max3A_895 {strides = array<i32>} : memref<4096x16xf32, #tpu.memory_space<vmem>>, vector<16xf32>,
        %swap3A_1015 = arith.index_cast %squeeze3A_823 : i32 to index
        %swap3A_1016 = arith.constant 0 : index
        %swap3A_1017 = tpu.vector_load %arg5[%swap3A_1015, %swap3A_1016] {strides = array<i32>} : memref<4096x16xf32, #tpu.memory_space<vmem>>, vector<16xf32>,
        tpu.vector_store %arg5[%swap3A_1015, %swap3A_1016], %max3A_904 {strides = array<i32>} : memref<4096x16xf32, #tpu.memory_space<vmem>>, vector<16xf32>,
        %swap3A_1018 = arith.index_cast %squeeze3A_825 : i32 to index
        %swap3A_1019 = arith.constant 0 : index
        %swap3A_1020 = tpu.vector_load %arg5[%swap3A_1018, %swap3A_1019] {strides = array<i32>} : memref<4096x16xf32, #tpu.memory_space<vmem>>, vector<16xf32>,
        tpu.vector_store %arg5[%swap3A_1018, %swap3A_1019], %max3A_913 {strides = array<i32>} : memref<4096x16xf32, #tpu.memory_space<vmem>>, vector<16xf32>,
        %swap3A_1021 = arith.index_cast %squeeze3A_827 : i32 to index
        %swap3A_1022 = arith.constant 0 : index
        %swap3A_1023 = tpu.vector_load %arg5[%swap3A_1021, %swap3A_1022] {strides = array<i32>} : memref<4096x16xf32, #tpu.memory_space<vmem>>, vector<16xf32>,
        tpu.vector_store %arg5[%swap3A_1021, %swap3A_1022], %max3A_922 {strides = array<i32>} : memref<4096x16xf32, #tpu.memory_space<vmem>>, vector<16xf32>,
        %swap3A_1024 = arith.index_cast %squeeze3A_829 : i32 to index
        %swap3A_1025 = arith.constant 0 : index
        %swap3A_1026 = tpu.vector_load %arg5[%swap3A_1024, %swap3A_1025] {strides = array<i32>} : memref<4096x16xf32, #tpu.memory_space<vmem>>, vector<16xf32>,
        tpu.vector_store %arg5[%swap3A_1024, %swap3A_1025], %max3A_931 {strides = array<i32>} : memref<4096x16xf32, #tpu.memory_space<vmem>>, vector<16xf32>,
        %swap3A_1027 = arith.index_cast %squeeze3A_831 : i32 to index
        %swap3A_1028 = arith.constant 0 : index
        %swap3A_1029 = tpu.vector_load %arg5[%swap3A_1027, %swap3A_1028] {strides = array<i32>} : memref<4096x16xf32, #tpu.memory_space<vmem>>, vector<16xf32>,
        tpu.vector_store %arg5[%swap3A_1027, %swap3A_1028], %max3A_940 {strides = array<i32>} : memref<4096x16xf32, #tpu.memory_space<vmem>>, vector<16xf32>,
        %swap3A_1030 = arith.index_cast %squeeze3A_833 : i32 to index
        %swap3A_1031 = arith.constant 0 : index
        %swap3A_1032 = tpu.vector_load %arg5[%swap3A_1030, %swap3A_1031] {strides = array<i32>} : memref<4096x16xf32, #tpu.memory_space<vmem>>, vector<16xf32>,
        tpu.vector_store %arg5[%swap3A_1030, %swap3A_1031], %max3A_949 {strides = array<i32>} : memref<4096x16xf32, #tpu.memory_space<vmem>>, vector<16xf32>,
        %swap3A_1033 = arith.index_cast %squeeze3A_835 : i32 to index
        %swap3A_1034 = arith.constant 0 : index
        %swap3A_1035 = tpu.vector_load %arg5[%swap3A_1033, %swap3A_1034] {strides = array<i32>} : memref<4096x16xf32, #tpu.memory_space<vmem>>, vector<16xf32>,
        tpu.vector_store %arg5[%swap3A_1033, %swap3A_1034], %max3A_958 {strides = array<i32>} : memref<4096x16xf32, #tpu.memory_space<vmem>>, vector<16xf32>,
        %swap3A_1036 = arith.index_cast %squeeze3A_837 : i32 to index
        %swap3A_1037 = arith.constant 0 : index
        %swap3A_1038 = tpu.vector_load %arg5[%swap3A_1036, %swap3A_1037] {strides = array<i32>} : memref<4096x16xf32, #tpu.memory_space<vmem>>, vector<16xf32>,
        tpu.vector_store %arg5[%swap3A_1036, %swap3A_1037], %max3A_967 {strides = array<i32>} : memref<4096x16xf32, #tpu.memory_space<vmem>>, vector<16xf32>,
        %swap3A_1039 = arith.index_cast %squeeze3A_839 : i32 to index
        %swap3A_1040 = arith.constant 0 : index
        %swap3A_1041 = tpu.vector_load %arg5[%swap3A_1039, %swap3A_1040] {strides = array<i32>} : memref<4096x16xf32, #tpu.memory_space<vmem>>, vector<16xf32>,
        tpu.vector_store %arg5[%swap3A_1039, %swap3A_1040], %max3A_976 {strides = array<i32>} : memref<4096x16xf32, #tpu.memory_space<vmem>>, vector<16xf32>,
        %swap3A_1042 = arith.index_cast %squeeze3A_841 : i32 to index
        %swap3A_1043 = arith.constant 0 : index
        %swap3A_1044 = tpu.vector_load %arg5[%swap3A_1042, %swap3A_1043] {strides = array<i32>} : memref<4096x16xf32, #tpu.memory_space<vmem>>, vector<16xf32>,
        tpu.vector_store %arg5[%swap3A_1042, %swap3A_1043], %max3A_985 {strides = array<i32>} : memref<4096x16xf32, #tpu.memory_space<vmem>>, vector<16xf32>,
        %eq3A_1045 = arith.constant 1 : i32
        %eq3A_1046 = arith.cmpi eq, %squeeze3A_996, %eq3A_1045 : i32
        %convert_element_type3A_1047 = arith.extui %eq3A_1046 : i1 to i32
        %cond3A_1048 = arith.constant 0 : i32
        %cond3A_1049 = arith.cmpi ne, %convert_element_type3A_1047, %cond3A_1048 : i32
        scf.if %cond3A_1049 {
          %get3A_1055 = arith.index_cast %squeeze3A_811 : i32 to index
          %get3A_1056 = arith.constant 0 : index
          %get3A_1057 = tpu.vector_load %arg5[%get3A_1055, %get3A_1056] {strides = array<i32>} : memref<4096x16xf32, #tpu.memory_space<vmem>>, vector<16xf32>,
          %add3A_1058 = arith.constant 0 : i32
          %add3A_1059 = arith.addi %mul3A_807, %add3A_1058 : i32
          %get3A_1060 = arith.index_cast %add3A_1059 : i32 to index
          %get3A_1061 = arith.constant 0 : index
          %get3A_1062 = tpu.vector_load %arg9[%get3A_1060, %get3A_1061] {strides = array<i32>} : memref<1000x16xf32, #tpu.memory_space<vmem>>, vector<16xf32>,
          %max3A_1063 = arith.maximumf %get3A_1057, %get3A_1062 : vector<16xf32>
          %get3A_1064 = arith.index_cast %squeeze3A_813 : i32 to index
          %get3A_1065 = arith.constant 0 : index
          %get3A_1066 = tpu.vector_load %arg5[%get3A_1064, %get3A_1065] {strides = array<i32>} : memref<4096x16xf32, #tpu.memory_space<vmem>>, vector<16xf32>,
          %add3A_1067 = arith.constant 1 : i32
          %add3A_1068 = arith.addi %mul3A_807, %add3A_1067 : i32
          %get3A_1069 = arith.index_cast %add3A_1068 : i32 to index
          %get3A_1070 = arith.constant 0 : index
          %get3A_1071 = tpu.vector_load %arg9[%get3A_1069, %get3A_1070] {strides = array<i32>} : memref<1000x16xf32, #tpu.memory_space<vmem>>, vector<16xf32>,
          %max3A_1072 = arith.maximumf %get3A_1066, %get3A_1071 : vector<16xf32>
          %get3A_1073 = arith.index_cast %squeeze3A_815 : i32 to index
          %get3A_1074 = arith.constant 0 : index
          %get3A_1075 = tpu.vector_load %arg5[%get3A_1073, %get3A_1074] {strides = array<i32>} : memref<4096x16xf32, #tpu.memory_space<vmem>>, vector<16xf32>,
          %add3A_1076 = arith.constant 2 : i32
          %add3A_1077 = arith.addi %mul3A_807, %add3A_1076 : i32
          %get3A_1078 = arith.index_cast %add3A_1077 : i32 to index
          %get3A_1079 = arith.constant 0 : index
          %get3A_1080 = tpu.vector_load %arg9[%get3A_1078, %get3A_1079] {strides = array<i32>} : memref<1000x16xf32, #tpu.memory_space<vmem>>, vector<16xf32>,
          %max3A_1081 = arith.maximumf %get3A_1075, %get3A_1080 : vector<16xf32>
          %get3A_1082 = arith.index_cast %squeeze3A_817 : i32 to index
          %get3A_1083 = arith.constant 0 : index
          %get3A_1084 = tpu.vector_load %arg5[%get3A_1082, %get3A_1083] {strides = array<i32>} : memref<4096x16xf32, #tpu.memory_space<vmem>>, vector<16xf32>,
          %add3A_1085 = arith.constant 3 : i32
          %add3A_1086 = arith.addi %mul3A_807, %add3A_1085 : i32
          %get3A_1087 = arith.index_cast %add3A_1086 : i32 to index
          %get3A_1088 = arith.constant 0 : index
          %get3A_1089 = tpu.vector_load %arg9[%get3A_1087, %get3A_1088] {strides = array<i32>} : memref<1000x16xf32, #tpu.memory_space<vmem>>, vector<16xf32>,
          %max3A_1090 = arith.maximumf %get3A_1084, %get3A_1089 : vector<16xf32>
          %get3A_1091 = arith.index_cast %squeeze3A_819 : i32 to index
          %get3A_1092 = arith.constant 0 : index
          %get3A_1093 = tpu.vector_load %arg5[%get3A_1091, %get3A_1092] {strides = array<i32>} : memref<4096x16xf32, #tpu.memory_space<vmem>>, vector<16xf32>,
          %add3A_1094 = arith.constant 4 : i32
          %add3A_1095 = arith.addi %mul3A_807, %add3A_1094 : i32
          %get3A_1096 = arith.index_cast %add3A_1095 : i32 to index
          %get3A_1097 = arith.constant 0 : index
          %get3A_1098 = tpu.vector_load %arg9[%get3A_1096, %get3A_1097] {strides = array<i32>} : memref<1000x16xf32, #tpu.memory_space<vmem>>, vector<16xf32>,
          %max3A_1099 = arith.maximumf %get3A_1093, %get3A_1098 : vector<16xf32>
          %get3A_1100 = arith.index_cast %squeeze3A_821 : i32 to index
          %get3A_1101 = arith.constant 0 : index
          %get3A_1102 = tpu.vector_load %arg5[%get3A_1100, %get3A_1101] {strides = array<i32>} : memref<4096x16xf32, #tpu.memory_space<vmem>>, vector<16xf32>,
          %add3A_1103 = arith.constant 5 : i32
          %add3A_1104 = arith.addi %mul3A_807, %add3A_1103 : i32
          %get3A_1105 = arith.index_cast %add3A_1104 : i32 to index
          %get3A_1106 = arith.constant 0 : index
          %get3A_1107 = tpu.vector_load %arg9[%get3A_1105, %get3A_1106] {strides = array<i32>} : memref<1000x16xf32, #tpu.memory_space<vmem>>, vector<16xf32>,
          %max3A_1108 = arith.maximumf %get3A_1102, %get3A_1107 : vector<16xf32>
          %get3A_1109 = arith.index_cast %squeeze3A_823 : i32 to index
          %get3A_1110 = arith.constant 0 : index
          %get3A_1111 = tpu.vector_load %arg5[%get3A_1109, %get3A_1110] {strides = array<i32>} : memref<4096x16xf32, #tpu.memory_space<vmem>>, vector<16xf32>,
          %add3A_1112 = arith.constant 6 : i32
          %add3A_1113 = arith.addi %mul3A_807, %add3A_1112 : i32
          %get3A_1114 = arith.index_cast %add3A_1113 : i32 to index
          %get3A_1115 = arith.constant 0 : index
          %get3A_1116 = tpu.vector_load %arg9[%get3A_1114, %get3A_1115] {strides = array<i32>} : memref<1000x16xf32, #tpu.memory_space<vmem>>, vector<16xf32>,
          %max3A_1117 = arith.maximumf %get3A_1111, %get3A_1116 : vector<16xf32>
          %get3A_1118 = arith.index_cast %squeeze3A_825 : i32 to index
          %get3A_1119 = arith.constant 0 : index
          %get3A_1120 = tpu.vector_load %arg5[%get3A_1118, %get3A_1119] {strides = array<i32>} : memref<4096x16xf32, #tpu.memory_space<vmem>>, vector<16xf32>,
          %add3A_1121 = arith.constant 7 : i32
          %add3A_1122 = arith.addi %mul3A_807, %add3A_1121 : i32
          %get3A_1123 = arith.index_cast %add3A_1122 : i32 to index
          %get3A_1124 = arith.constant 0 : index
          %get3A_1125 = tpu.vector_load %arg9[%get3A_1123, %get3A_1124] {strides = array<i32>} : memref<1000x16xf32, #tpu.memory_space<vmem>>, vector<16xf32>,
          %max3A_1126 = arith.maximumf %get3A_1120, %get3A_1125 : vector<16xf32>
          %get3A_1127 = arith.index_cast %squeeze3A_827 : i32 to index
          %get3A_1128 = arith.constant 0 : index
          %get3A_1129 = tpu.vector_load %arg5[%get3A_1127, %get3A_1128] {strides = array<i32>} : memref<4096x16xf32, #tpu.memory_space<vmem>>, vector<16xf32>,
          %add3A_1130 = arith.constant 8 : i32
          %add3A_1131 = arith.addi %mul3A_807, %add3A_1130 : i32
          %get3A_1132 = arith.index_cast %add3A_1131 : i32 to index
          %get3A_1133 = arith.constant 0 : index
          %get3A_1134 = tpu.vector_load %arg9[%get3A_1132, %get3A_1133] {strides = array<i32>} : memref<1000x16xf32, #tpu.memory_space<vmem>>, vector<16xf32>,
          %max3A_1135 = arith.maximumf %get3A_1129, %get3A_1134 : vector<16xf32>
          %get3A_1136 = arith.index_cast %squeeze3A_829 : i32 to index
          %get3A_1137 = arith.constant 0 : index
          %get3A_1138 = tpu.vector_load %arg5[%get3A_1136, %get3A_1137] {strides = array<i32>} : memref<4096x16xf32, #tpu.memory_space<vmem>>, vector<16xf32>,
          %add3A_1139 = arith.constant 9 : i32
          %add3A_1140 = arith.addi %mul3A_807, %add3A_1139 : i32
          %get3A_1141 = arith.index_cast %add3A_1140 : i32 to index
          %get3A_1142 = arith.constant 0 : index
          %get3A_1143 = tpu.vector_load %arg9[%get3A_1141, %get3A_1142] {strides = array<i32>} : memref<1000x16xf32, #tpu.memory_space<vmem>>, vector<16xf32>,
          %max3A_1144 = arith.maximumf %get3A_1138, %get3A_1143 : vector<16xf32>
          %get3A_1145 = arith.index_cast %squeeze3A_831 : i32 to index
          %get3A_1146 = arith.constant 0 : index
          %get3A_1147 = tpu.vector_load %arg5[%get3A_1145, %get3A_1146] {strides = array<i32>} : memref<4096x16xf32, #tpu.memory_space<vmem>>, vector<16xf32>,
          %add3A_1148 = arith.constant 10 : i32
          %add3A_1149 = arith.addi %mul3A_807, %add3A_1148 : i32
          %get3A_1150 = arith.index_cast %add3A_1149 : i32 to index
          %get3A_1151 = arith.constant 0 : index
          %get3A_1152 = tpu.vector_load %arg9[%get3A_1150, %get3A_1151] {strides = array<i32>} : memref<1000x16xf32, #tpu.memory_space<vmem>>, vector<16xf32>,
          %max3A_1153 = arith.maximumf %get3A_1147, %get3A_1152 : vector<16xf32>
          %get3A_1154 = arith.index_cast %squeeze3A_833 : i32 to index
          %get3A_1155 = arith.constant 0 : index
          %get3A_1156 = tpu.vector_load %arg5[%get3A_1154, %get3A_1155] {strides = array<i32>} : memref<4096x16xf32, #tpu.memory_space<vmem>>, vector<16xf32>,
          %add3A_1157 = arith.constant 11 : i32
          %add3A_1158 = arith.addi %mul3A_807, %add3A_1157 : i32
          %get3A_1159 = arith.index_cast %add3A_1158 : i32 to index
          %get3A_1160 = arith.constant 0 : index
          %get3A_1161 = tpu.vector_load %arg9[%get3A_1159, %get3A_1160] {strides = array<i32>} : memref<1000x16xf32, #tpu.memory_space<vmem>>, vector<16xf32>,
          %max3A_1162 = arith.maximumf %get3A_1156, %get3A_1161 : vector<16xf32>
          %get3A_1163 = arith.index_cast %squeeze3A_835 : i32 to index
          %get3A_1164 = arith.constant 0 : index
          %get3A_1165 = tpu.vector_load %arg5[%get3A_1163, %get3A_1164] {strides = array<i32>} : memref<4096x16xf32, #tpu.memory_space<vmem>>, vector<16xf32>,
          %add3A_1166 = arith.constant 12 : i32
          %add3A_1167 = arith.addi %mul3A_807, %add3A_1166 : i32
          %get3A_1168 = arith.index_cast %add3A_1167 : i32 to index
          %get3A_1169 = arith.constant 0 : index
          %get3A_1170 = tpu.vector_load %arg9[%get3A_1168, %get3A_1169] {strides = array<i32>} : memref<1000x16xf32, #tpu.memory_space<vmem>>, vector<16xf32>,
          %max3A_1171 = arith.maximumf %get3A_1165, %get3A_1170 : vector<16xf32>
          %get3A_1172 = arith.index_cast %squeeze3A_837 : i32 to index
          %get3A_1173 = arith.constant 0 : index
          %get3A_1174 = tpu.vector_load %arg5[%get3A_1172, %get3A_1173] {strides = array<i32>} : memref<4096x16xf32, #tpu.memory_space<vmem>>, vector<16xf32>,
          %add3A_1175 = arith.constant 13 : i32
          %add3A_1176 = arith.addi %mul3A_807, %add3A_1175 : i32
          %get3A_1177 = arith.index_cast %add3A_1176 : i32 to index
          %get3A_1178 = arith.constant 0 : index
          %get3A_1179 = tpu.vector_load %arg9[%get3A_1177, %get3A_1178] {strides = array<i32>} : memref<1000x16xf32, #tpu.memory_space<vmem>>, vector<16xf32>,
          %max3A_1180 = arith.maximumf %get3A_1174, %get3A_1179 : vector<16xf32>
          %get3A_1181 = arith.index_cast %squeeze3A_839 : i32 to index
          %get3A_1182 = arith.constant 0 : index
          %get3A_1183 = tpu.vector_load %arg5[%get3A_1181, %get3A_1182] {strides = array<i32>} : memref<4096x16xf32, #tpu.memory_space<vmem>>, vector<16xf32>,
          %add3A_1184 = arith.constant 14 : i32
          %add3A_1185 = arith.addi %mul3A_807, %add3A_1184 : i32
          %get3A_1186 = arith.index_cast %add3A_1185 : i32 to index
          %get3A_1187 = arith.constant 0 : index
          %get3A_1188 = tpu.vector_load %arg9[%get3A_1186, %get3A_1187] {strides = array<i32>} : memref<1000x16xf32, #tpu.memory_space<vmem>>, vector<16xf32>,
          %max3A_1189 = arith.maximumf %get3A_1183, %get3A_1188 : vector<16xf32>
          %get3A_1190 = arith.index_cast %squeeze3A_841 : i32 to index
          %get3A_1191 = arith.constant 0 : index
          %get3A_1192 = tpu.vector_load %arg5[%get3A_1190, %get3A_1191] {strides = array<i32>} : memref<4096x16xf32, #tpu.memory_space<vmem>>, vector<16xf32>,
          %add3A_1193 = arith.constant 15 : i32
          %add3A_1194 = arith.addi %mul3A_807, %add3A_1193 : i32
          %get3A_1195 = arith.index_cast %add3A_1194 : i32 to index
          %get3A_1196 = arith.constant 0 : index
          %get3A_1197 = tpu.vector_load %arg9[%get3A_1195, %get3A_1196] {strides = array<i32>} : memref<1000x16xf32, #tpu.memory_space<vmem>>, vector<16xf32>,
          %max3A_1198 = arith.maximumf %get3A_1192, %get3A_1197 : vector<16xf32>
          %swap3A_1199 = arith.index_cast %squeeze3A_841 : i32 to index
          %swap3A_1200 = arith.constant 0 : index
          %swap3A_1201 = tpu.vector_load %arg5[%swap3A_1199, %swap3A_1200] {strides = array<i32>} : memref<4096x16xf32, #tpu.memory_space<vmem>>, vector<16xf32>,
          tpu.vector_store %arg5[%swap3A_1199, %swap3A_1200], %max3A_1198 {strides = array<i32>} : memref<4096x16xf32, #tpu.memory_space<vmem>>, vector<16xf32>,
          %swap3A_1202 = arith.index_cast %squeeze3A_839 : i32 to index
          %swap3A_1203 = arith.constant 0 : index
          %swap3A_1204 = tpu.vector_load %arg5[%swap3A_1202, %swap3A_1203] {strides = array<i32>} : memref<4096x16xf32, #tpu.memory_space<vmem>>, vector<16xf32>,
          tpu.vector_store %arg5[%swap3A_1202, %swap3A_1203], %max3A_1189 {strides = array<i32>} : memref<4096x16xf32, #tpu.memory_space<vmem>>, vector<16xf32>,
          %swap3A_1205 = arith.index_cast %squeeze3A_837 : i32 to index
          %swap3A_1206 = arith.constant 0 : index
          %swap3A_1207 = tpu.vector_load %arg5[%swap3A_1205, %swap3A_1206] {strides = array<i32>} : memref<4096x16xf32, #tpu.memory_space<vmem>>, vector<16xf32>,
          tpu.vector_store %arg5[%swap3A_1205, %swap3A_1206], %max3A_1180 {strides = array<i32>} : memref<4096x16xf32, #tpu.memory_space<vmem>>, vector<16xf32>,
          %swap3A_1208 = arith.index_cast %squeeze3A_835 : i32 to index
          %swap3A_1209 = arith.constant 0 : index
          %swap3A_1210 = tpu.vector_load %arg5[%swap3A_1208, %swap3A_1209] {strides = array<i32>} : memref<4096x16xf32, #tpu.memory_space<vmem>>, vector<16xf32>,
          tpu.vector_store %arg5[%swap3A_1208, %swap3A_1209], %max3A_1171 {strides = array<i32>} : memref<4096x16xf32, #tpu.memory_space<vmem>>, vector<16xf32>,
          %swap3A_1211 = arith.index_cast %squeeze3A_833 : i32 to index
          %swap3A_1212 = arith.constant 0 : index
          %swap3A_1213 = tpu.vector_load %arg5[%swap3A_1211, %swap3A_1212] {strides = array<i32>} : memref<4096x16xf32, #tpu.memory_space<vmem>>, vector<16xf32>,
          tpu.vector_store %arg5[%swap3A_1211, %swap3A_1212], %max3A_1162 {strides = array<i32>} : memref<4096x16xf32, #tpu.memory_space<vmem>>, vector<16xf32>,
          %swap3A_1214 = arith.index_cast %squeeze3A_831 : i32 to index
          %swap3A_1215 = arith.constant 0 : index
          %swap3A_1216 = tpu.vector_load %arg5[%swap3A_1214, %swap3A_1215] {strides = array<i32>} : memref<4096x16xf32, #tpu.memory_space<vmem>>, vector<16xf32>,
          tpu.vector_store %arg5[%swap3A_1214, %swap3A_1215], %max3A_1153 {strides = array<i32>} : memref<4096x16xf32, #tpu.memory_space<vmem>>, vector<16xf32>,
          %swap3A_1217 = arith.index_cast %squeeze3A_829 : i32 to index
          %swap3A_1218 = arith.constant 0 : index
          %swap3A_1219 = tpu.vector_load %arg5[%swap3A_1217, %swap3A_1218] {strides = array<i32>} : memref<4096x16xf32, #tpu.memory_space<vmem>>, vector<16xf32>,
          tpu.vector_store %arg5[%swap3A_1217, %swap3A_1218], %max3A_1144 {strides = array<i32>} : memref<4096x16xf32, #tpu.memory_space<vmem>>, vector<16xf32>,
          %swap3A_1220 = arith.index_cast %squeeze3A_827 : i32 to index
          %swap3A_1221 = arith.constant 0 : index
          %swap3A_1222 = tpu.vector_load %arg5[%swap3A_1220, %swap3A_1221] {strides = array<i32>} : memref<4096x16xf32, #tpu.memory_space<vmem>>, vector<16xf32>,
          tpu.vector_store %arg5[%swap3A_1220, %swap3A_1221], %max3A_1135 {strides = array<i32>} : memref<4096x16xf32, #tpu.memory_space<vmem>>, vector<16xf32>,
          %swap3A_1223 = arith.index_cast %squeeze3A_825 : i32 to index
          %swap3A_1224 = arith.constant 0 : index
          %swap3A_1225 = tpu.vector_load %arg5[%swap3A_1223, %swap3A_1224] {strides = array<i32>} : memref<4096x16xf32, #tpu.memory_space<vmem>>, vector<16xf32>,
          tpu.vector_store %arg5[%swap3A_1223, %swap3A_1224], %max3A_1126 {strides = array<i32>} : memref<4096x16xf32, #tpu.memory_space<vmem>>, vector<16xf32>,
          %swap3A_1226 = arith.index_cast %squeeze3A_823 : i32 to index
          %swap3A_1227 = arith.constant 0 : index
          %swap3A_1228 = tpu.vector_load %arg5[%swap3A_1226, %swap3A_1227] {strides = array<i32>} : memref<4096x16xf32, #tpu.memory_space<vmem>>, vector<16xf32>,
          tpu.vector_store %arg5[%swap3A_1226, %swap3A_1227], %max3A_1117 {strides = array<i32>} : memref<4096x16xf32, #tpu.memory_space<vmem>>, vector<16xf32>,
          %swap3A_1229 = arith.index_cast %squeeze3A_821 : i32 to index
          %swap3A_1230 = arith.constant 0 : index
          %swap3A_1231 = tpu.vector_load %arg5[%swap3A_1229, %swap3A_1230] {strides = array<i32>} : memref<4096x16xf32, #tpu.memory_space<vmem>>, vector<16xf32>,
          tpu.vector_store %arg5[%swap3A_1229, %swap3A_1230], %max3A_1108 {strides = array<i32>} : memref<4096x16xf32, #tpu.memory_space<vmem>>, vector<16xf32>,
          %swap3A_1232 = arith.index_cast %squeeze3A_819 : i32 to index
          %swap3A_1233 = arith.constant 0 : index
          %swap3A_1234 = tpu.vector_load %arg5[%swap3A_1232, %swap3A_1233] {strides = array<i32>} : memref<4096x16xf32, #tpu.memory_space<vmem>>, vector<16xf32>,
          tpu.vector_store %arg5[%swap3A_1232, %swap3A_1233], %max3A_1099 {strides = array<i32>} : memref<4096x16xf32, #tpu.memory_space<vmem>>, vector<16xf32>,
          %swap3A_1235 = arith.index_cast %squeeze3A_817 : i32 to index
          %swap3A_1236 = arith.constant 0 : index
          %swap3A_1237 = tpu.vector_load %arg5[%swap3A_1235, %swap3A_1236] {strides = array<i32>} : memref<4096x16xf32, #tpu.memory_space<vmem>>, vector<16xf32>,
          tpu.vector_store %arg5[%swap3A_1235, %swap3A_1236], %max3A_1090 {strides = array<i32>} : memref<4096x16xf32, #tpu.memory_space<vmem>>, vector<16xf32>,
          %swap3A_1238 = arith.index_cast %squeeze3A_815 : i32 to index
          %swap3A_1239 = arith.constant 0 : index
          %swap3A_1240 = tpu.vector_load %arg5[%swap3A_1238, %swap3A_1239] {strides = array<i32>} : memref<4096x16xf32, #tpu.memory_space<vmem>>, vector<16xf32>,
          tpu.vector_store %arg5[%swap3A_1238, %swap3A_1239], %max3A_1081 {strides = array<i32>} : memref<4096x16xf32, #tpu.memory_space<vmem>>, vector<16xf32>,
          %swap3A_1241 = arith.index_cast %squeeze3A_813 : i32 to index
          %swap3A_1242 = arith.constant 0 : index
          %swap3A_1243 = tpu.vector_load %arg5[%swap3A_1241, %swap3A_1242] {strides = array<i32>} : memref<4096x16xf32, #tpu.memory_space<vmem>>, vector<16xf32>,
          tpu.vector_store %arg5[%swap3A_1241, %swap3A_1242], %max3A_1072 {strides = array<i32>} : memref<4096x16xf32, #tpu.memory_space<vmem>>, vector<16xf32>,
          %swap3A_1244 = arith.index_cast %squeeze3A_811 : i32 to index
          %swap3A_1245 = arith.constant 0 : index
          %swap3A_1246 = tpu.vector_load %arg5[%swap3A_1244, %swap3A_1245] {strides = array<i32>} : memref<4096x16xf32, #tpu.memory_space<vmem>>, vector<16xf32>,
          tpu.vector_store %arg5[%swap3A_1244, %swap3A_1245], %max3A_1063 {strides = array<i32>} : memref<4096x16xf32, #tpu.memory_space<vmem>>, vector<16xf32>,
        } else {
        }
        %ge3A_1050 = arith.constant 2 : i32
        %ge3A_1051 = arith.cmpi sge, %squeeze3A_996, %ge3A_1050 : i32
        %convert_element_type3A_1052 = arith.extui %ge3A_1051 : i1 to i32
        %cond3A_1053 = arith.constant 0 : i32
        %cond3A_1054 = arith.cmpi ne, %convert_element_type3A_1052, %cond3A_1053 : i32
        scf.if %cond3A_1054 {
          %get3A_1055 = arith.index_cast %squeeze3A_811 : i32 to index
          %get3A_1056 = arith.constant 0 : index
          %get3A_1057 = tpu.vector_load %arg5[%get3A_1055, %get3A_1056] {strides = array<i32>} : memref<4096x16xf32, #tpu.memory_space<vmem>>, vector<16xf32>,
          %add3A_1058 = arith.constant 0 : i32
          %add3A_1059 = arith.addi %mul3A_807, %add3A_1058 : i32
          %get3A_1060 = arith.index_cast %add3A_1059 : i32 to index
          %get3A_1061 = arith.constant 0 : index
          %get3A_1062 = tpu.vector_load %arg9[%get3A_1060, %get3A_1061] {strides = array<i32>} : memref<1000x16xf32, #tpu.memory_space<vmem>>, vector<16xf32>,
          %max3A_1063 = arith.maximumf %get3A_1057, %get3A_1062 : vector<16xf32>
          %swap3A_1064 = arith.index_cast %squeeze3A_811 : i32 to index
          %swap3A_1065 = arith.constant 0 : index
          %swap3A_1066 = tpu.vector_load %arg5[%swap3A_1064, %swap3A_1065] {strides = array<i32>} : memref<4096x16xf32, #tpu.memory_space<vmem>>, vector<16xf32>,
          tpu.vector_store %arg5[%swap3A_1064, %swap3A_1065], %max3A_1063 {strides = array<i32>} : memref<4096x16xf32, #tpu.memory_space<vmem>>, vector<16xf32>,
          %get3A_1067 = arith.index_cast %squeeze3A_813 : i32 to index
          %get3A_1068 = arith.constant 0 : index
          %get3A_1069 = tpu.vector_load %arg5[%get3A_1067, %get3A_1068] {strides = array<i32>} : memref<4096x16xf32, #tpu.memory_space<vmem>>, vector<16xf32>,
          %add3A_1070 = arith.constant 1 : i32
          %add3A_1071 = arith.addi %mul3A_807, %add3A_1070 : i32
          %get3A_1072 = arith.index_cast %add3A_1071 : i32 to index
          %get3A_1073 = arith.constant 0 : index
          %get3A_1074 = tpu.vector_load %arg9[%get3A_1072, %get3A_1073] {strides = array<i32>} : memref<1000x16xf32, #tpu.memory_space<vmem>>, vector<16xf32>,
          %max3A_1075 = arith.maximumf %get3A_1069, %get3A_1074 : vector<16xf32>
          %swap3A_1076 = arith.index_cast %squeeze3A_813 : i32 to index
          %swap3A_1077 = arith.constant 0 : index
          %swap3A_1078 = tpu.vector_load %arg5[%swap3A_1076, %swap3A_1077] {strides = array<i32>} : memref<4096x16xf32, #tpu.memory_space<vmem>>, vector<16xf32>,
          tpu.vector_store %arg5[%swap3A_1076, %swap3A_1077], %max3A_1075 {strides = array<i32>} : memref<4096x16xf32, #tpu.memory_space<vmem>>, vector<16xf32>,
          %get3A_1079 = arith.index_cast %squeeze3A_815 : i32 to index
          %get3A_1080 = arith.constant 0 : index
          %get3A_1081 = tpu.vector_load %arg5[%get3A_1079, %get3A_1080] {strides = array<i32>} : memref<4096x16xf32, #tpu.memory_space<vmem>>, vector<16xf32>,
          %add3A_1082 = arith.constant 2 : i32
          %add3A_1083 = arith.addi %mul3A_807, %add3A_1082 : i32
          %get3A_1084 = arith.index_cast %add3A_1083 : i32 to index
          %get3A_1085 = arith.constant 0 : index
          %get3A_1086 = tpu.vector_load %arg9[%get3A_1084, %get3A_1085] {strides = array<i32>} : memref<1000x16xf32, #tpu.memory_space<vmem>>, vector<16xf32>,
          %max3A_1087 = arith.maximumf %get3A_1081, %get3A_1086 : vector<16xf32>
          %swap3A_1088 = arith.index_cast %squeeze3A_815 : i32 to index
          %swap3A_1089 = arith.constant 0 : index
          %swap3A_1090 = tpu.vector_load %arg5[%swap3A_1088, %swap3A_1089] {strides = array<i32>} : memref<4096x16xf32, #tpu.memory_space<vmem>>, vector<16xf32>,
          tpu.vector_store %arg5[%swap3A_1088, %swap3A_1089], %max3A_1087 {strides = array<i32>} : memref<4096x16xf32, #tpu.memory_space<vmem>>, vector<16xf32>,
          %get3A_1091 = arith.index_cast %squeeze3A_817 : i32 to index
          %get3A_1092 = arith.constant 0 : index
          %get3A_1093 = tpu.vector_load %arg5[%get3A_1091, %get3A_1092] {strides = array<i32>} : memref<4096x16xf32, #tpu.memory_space<vmem>>, vector<16xf32>,
          %add3A_1094 = arith.constant 3 : i32
          %add3A_1095 = arith.addi %mul3A_807, %add3A_1094 : i32
          %get3A_1096 = arith.index_cast %add3A_1095 : i32 to index
          %get3A_1097 = arith.constant 0 : index
          %get3A_1098 = tpu.vector_load %arg9[%get3A_1096, %get3A_1097] {strides = array<i32>} : memref<1000x16xf32, #tpu.memory_space<vmem>>, vector<16xf32>,
          %max3A_1099 = arith.maximumf %get3A_1093, %get3A_1098 : vector<16xf32>
          %swap3A_1100 = arith.index_cast %squeeze3A_817 : i32 to index
          %swap3A_1101 = arith.constant 0 : index
          %swap3A_1102 = tpu.vector_load %arg5[%swap3A_1100, %swap3A_1101] {strides = array<i32>} : memref<4096x16xf32, #tpu.memory_space<vmem>>, vector<16xf32>,
          tpu.vector_store %arg5[%swap3A_1100, %swap3A_1101], %max3A_1099 {strides = array<i32>} : memref<4096x16xf32, #tpu.memory_space<vmem>>, vector<16xf32>,
          %get3A_1103 = arith.index_cast %squeeze3A_819 : i32 to index
          %get3A_1104 = arith.constant 0 : index
          %get3A_1105 = tpu.vector_load %arg5[%get3A_1103, %get3A_1104] {strides = array<i32>} : memref<4096x16xf32, #tpu.memory_space<vmem>>, vector<16xf32>,
          %add3A_1106 = arith.constant 4 : i32
          %add3A_1107 = arith.addi %mul3A_807, %add3A_1106 : i32
          %get3A_1108 = arith.index_cast %add3A_1107 : i32 to index
          %get3A_1109 = arith.constant 0 : index
          %get3A_1110 = tpu.vector_load %arg9[%get3A_1108, %get3A_1109] {strides = array<i32>} : memref<1000x16xf32, #tpu.memory_space<vmem>>, vector<16xf32>,
          %max3A_1111 = arith.maximumf %get3A_1105, %get3A_1110 : vector<16xf32>
          %swap3A_1112 = arith.index_cast %squeeze3A_819 : i32 to index
          %swap3A_1113 = arith.constant 0 : index
          %swap3A_1114 = tpu.vector_load %arg5[%swap3A_1112, %swap3A_1113] {strides = array<i32>} : memref<4096x16xf32, #tpu.memory_space<vmem>>, vector<16xf32>,
          tpu.vector_store %arg5[%swap3A_1112, %swap3A_1113], %max3A_1111 {strides = array<i32>} : memref<4096x16xf32, #tpu.memory_space<vmem>>, vector<16xf32>,
          %get3A_1115 = arith.index_cast %squeeze3A_821 : i32 to index
          %get3A_1116 = arith.constant 0 : index
          %get3A_1117 = tpu.vector_load %arg5[%get3A_1115, %get3A_1116] {strides = array<i32>} : memref<4096x16xf32, #tpu.memory_space<vmem>>, vector<16xf32>,
          %add3A_1118 = arith.constant 5 : i32
          %add3A_1119 = arith.addi %mul3A_807, %add3A_1118 : i32
          %get3A_1120 = arith.index_cast %add3A_1119 : i32 to index
          %get3A_1121 = arith.constant 0 : index
          %get3A_1122 = tpu.vector_load %arg9[%get3A_1120, %get3A_1121] {strides = array<i32>} : memref<1000x16xf32, #tpu.memory_space<vmem>>, vector<16xf32>,
          %max3A_1123 = arith.maximumf %get3A_1117, %get3A_1122 : vector<16xf32>
          %swap3A_1124 = arith.index_cast %squeeze3A_821 : i32 to index
          %swap3A_1125 = arith.constant 0 : index
          %swap3A_1126 = tpu.vector_load %arg5[%swap3A_1124, %swap3A_1125] {strides = array<i32>} : memref<4096x16xf32, #tpu.memory_space<vmem>>, vector<16xf32>,
          tpu.vector_store %arg5[%swap3A_1124, %swap3A_1125], %max3A_1123 {strides = array<i32>} : memref<4096x16xf32, #tpu.memory_space<vmem>>, vector<16xf32>,
          %get3A_1127 = arith.index_cast %squeeze3A_823 : i32 to index
          %get3A_1128 = arith.constant 0 : index
          %get3A_1129 = tpu.vector_load %arg5[%get3A_1127, %get3A_1128] {strides = array<i32>} : memref<4096x16xf32, #tpu.memory_space<vmem>>, vector<16xf32>,
          %add3A_1130 = arith.constant 6 : i32
          %add3A_1131 = arith.addi %mul3A_807, %add3A_1130 : i32
          %get3A_1132 = arith.index_cast %add3A_1131 : i32 to index
          %get3A_1133 = arith.constant 0 : index
          %get3A_1134 = tpu.vector_load %arg9[%get3A_1132, %get3A_1133] {strides = array<i32>} : memref<1000x16xf32, #tpu.memory_space<vmem>>, vector<16xf32>,
          %max3A_1135 = arith.maximumf %get3A_1129, %get3A_1134 : vector<16xf32>
          %swap3A_1136 = arith.index_cast %squeeze3A_823 : i32 to index
          %swap3A_1137 = arith.constant 0 : index
          %swap3A_1138 = tpu.vector_load %arg5[%swap3A_1136, %swap3A_1137] {strides = array<i32>} : memref<4096x16xf32, #tpu.memory_space<vmem>>, vector<16xf32>,
          tpu.vector_store %arg5[%swap3A_1136, %swap3A_1137], %max3A_1135 {strides = array<i32>} : memref<4096x16xf32, #tpu.memory_space<vmem>>, vector<16xf32>,
          %get3A_1139 = arith.index_cast %squeeze3A_825 : i32 to index
          %get3A_1140 = arith.constant 0 : index
          %get3A_1141 = tpu.vector_load %arg5[%get3A_1139, %get3A_1140] {strides = array<i32>} : memref<4096x16xf32, #tpu.memory_space<vmem>>, vector<16xf32>,
          %add3A_1142 = arith.constant 7 : i32
          %add3A_1143 = arith.addi %mul3A_807, %add3A_1142 : i32
          %get3A_1144 = arith.index_cast %add3A_1143 : i32 to index
          %get3A_1145 = arith.constant 0 : index
          %get3A_1146 = tpu.vector_load %arg9[%get3A_1144, %get3A_1145] {strides = array<i32>} : memref<1000x16xf32, #tpu.memory_space<vmem>>, vector<16xf32>,
          %max3A_1147 = arith.maximumf %get3A_1141, %get3A_1146 : vector<16xf32>
          %swap3A_1148 = arith.index_cast %squeeze3A_825 : i32 to index
          %swap3A_1149 = arith.constant 0 : index
          %swap3A_1150 = tpu.vector_load %arg5[%swap3A_1148, %swap3A_1149] {strides = array<i32>} : memref<4096x16xf32, #tpu.memory_space<vmem>>, vector<16xf32>,
          tpu.vector_store %arg5[%swap3A_1148, %swap3A_1149], %max3A_1147 {strides = array<i32>} : memref<4096x16xf32, #tpu.memory_space<vmem>>, vector<16xf32>,
          %get3A_1151 = arith.index_cast %squeeze3A_827 : i32 to index
          %get3A_1152 = arith.constant 0 : index
          %get3A_1153 = tpu.vector_load %arg5[%get3A_1151, %get3A_1152] {strides = array<i32>} : memref<4096x16xf32, #tpu.memory_space<vmem>>, vector<16xf32>,
          %add3A_1154 = arith.constant 8 : i32
          %add3A_1155 = arith.addi %mul3A_807, %add3A_1154 : i32
          %get3A_1156 = arith.index_cast %add3A_1155 : i32 to index
          %get3A_1157 = arith.constant 0 : index
          %get3A_1158 = tpu.vector_load %arg9[%get3A_1156, %get3A_1157] {strides = array<i32>} : memref<1000x16xf32, #tpu.memory_space<vmem>>, vector<16xf32>,
          %max3A_1159 = arith.maximumf %get3A_1153, %get3A_1158 : vector<16xf32>
          %swap3A_1160 = arith.index_cast %squeeze3A_827 : i32 to index
          %swap3A_1161 = arith.constant 0 : index
          %swap3A_1162 = tpu.vector_load %arg5[%swap3A_1160, %swap3A_1161] {strides = array<i32>} : memref<4096x16xf32, #tpu.memory_space<vmem>>, vector<16xf32>,
          tpu.vector_store %arg5[%swap3A_1160, %swap3A_1161], %max3A_1159 {strides = array<i32>} : memref<4096x16xf32, #tpu.memory_space<vmem>>, vector<16xf32>,
          %get3A_1163 = arith.index_cast %squeeze3A_829 : i32 to index
          %get3A_1164 = arith.constant 0 : index
          %get3A_1165 = tpu.vector_load %arg5[%get3A_1163, %get3A_1164] {strides = array<i32>} : memref<4096x16xf32, #tpu.memory_space<vmem>>, vector<16xf32>,
          %add3A_1166 = arith.constant 9 : i32
          %add3A_1167 = arith.addi %mul3A_807, %add3A_1166 : i32
          %get3A_1168 = arith.index_cast %add3A_1167 : i32 to index
          %get3A_1169 = arith.constant 0 : index
          %get3A_1170 = tpu.vector_load %arg9[%get3A_1168, %get3A_1169] {strides = array<i32>} : memref<1000x16xf32, #tpu.memory_space<vmem>>, vector<16xf32>,
          %max3A_1171 = arith.maximumf %get3A_1165, %get3A_1170 : vector<16xf32>
          %swap3A_1172 = arith.index_cast %squeeze3A_829 : i32 to index
          %swap3A_1173 = arith.constant 0 : index
          %swap3A_1174 = tpu.vector_load %arg5[%swap3A_1172, %swap3A_1173] {strides = array<i32>} : memref<4096x16xf32, #tpu.memory_space<vmem>>, vector<16xf32>,
          tpu.vector_store %arg5[%swap3A_1172, %swap3A_1173], %max3A_1171 {strides = array<i32>} : memref<4096x16xf32, #tpu.memory_space<vmem>>, vector<16xf32>,
          %get3A_1175 = arith.index_cast %squeeze3A_831 : i32 to index
          %get3A_1176 = arith.constant 0 : index
          %get3A_1177 = tpu.vector_load %arg5[%get3A_1175, %get3A_1176] {strides = array<i32>} : memref<4096x16xf32, #tpu.memory_space<vmem>>, vector<16xf32>,
          %add3A_1178 = arith.constant 10 : i32
          %add3A_1179 = arith.addi %mul3A_807, %add3A_1178 : i32
          %get3A_1180 = arith.index_cast %add3A_1179 : i32 to index
          %get3A_1181 = arith.constant 0 : index
          %get3A_1182 = tpu.vector_load %arg9[%get3A_1180, %get3A_1181] {strides = array<i32>} : memref<1000x16xf32, #tpu.memory_space<vmem>>, vector<16xf32>,
          %max3A_1183 = arith.maximumf %get3A_1177, %get3A_1182 : vector<16xf32>
          %swap3A_1184 = arith.index_cast %squeeze3A_831 : i32 to index
          %swap3A_1185 = arith.constant 0 : index
          %swap3A_1186 = tpu.vector_load %arg5[%swap3A_1184, %swap3A_1185] {strides = array<i32>} : memref<4096x16xf32, #tpu.memory_space<vmem>>, vector<16xf32>,
          tpu.vector_store %arg5[%swap3A_1184, %swap3A_1185], %max3A_1183 {strides = array<i32>} : memref<4096x16xf32, #tpu.memory_space<vmem>>, vector<16xf32>,
          %get3A_1187 = arith.index_cast %squeeze3A_833 : i32 to index
          %get3A_1188 = arith.constant 0 : index
          %get3A_1189 = tpu.vector_load %arg5[%get3A_1187, %get3A_1188] {strides = array<i32>} : memref<4096x16xf32, #tpu.memory_space<vmem>>, vector<16xf32>,
          %add3A_1190 = arith.constant 11 : i32
          %add3A_1191 = arith.addi %mul3A_807, %add3A_1190 : i32
          %get3A_1192 = arith.index_cast %add3A_1191 : i32 to index
          %get3A_1193 = arith.constant 0 : index
          %get3A_1194 = tpu.vector_load %arg9[%get3A_1192, %get3A_1193] {strides = array<i32>} : memref<1000x16xf32, #tpu.memory_space<vmem>>, vector<16xf32>,
          %max3A_1195 = arith.maximumf %get3A_1189, %get3A_1194 : vector<16xf32>
          %swap3A_1196 = arith.index_cast %squeeze3A_833 : i32 to index
          %swap3A_1197 = arith.constant 0 : index
          %swap3A_1198 = tpu.vector_load %arg5[%swap3A_1196, %swap3A_1197] {strides = array<i32>} : memref<4096x16xf32, #tpu.memory_space<vmem>>, vector<16xf32>,
          tpu.vector_store %arg5[%swap3A_1196, %swap3A_1197], %max3A_1195 {strides = array<i32>} : memref<4096x16xf32, #tpu.memory_space<vmem>>, vector<16xf32>,
          %get3A_1199 = arith.index_cast %squeeze3A_835 : i32 to index
          %get3A_1200 = arith.constant 0 : index
          %get3A_1201 = tpu.vector_load %arg5[%get3A_1199, %get3A_1200] {strides = array<i32>} : memref<4096x16xf32, #tpu.memory_space<vmem>>, vector<16xf32>,
          %add3A_1202 = arith.constant 12 : i32
          %add3A_1203 = arith.addi %mul3A_807, %add3A_1202 : i32
          %get3A_1204 = arith.index_cast %add3A_1203 : i32 to index
          %get3A_1205 = arith.constant 0 : index
          %get3A_1206 = tpu.vector_load %arg9[%get3A_1204, %get3A_1205] {strides = array<i32>} : memref<1000x16xf32, #tpu.memory_space<vmem>>, vector<16xf32>,
          %max3A_1207 = arith.maximumf %get3A_1201, %get3A_1206 : vector<16xf32>
          %swap3A_1208 = arith.index_cast %squeeze3A_835 : i32 to index
          %swap3A_1209 = arith.constant 0 : index
          %swap3A_1210 = tpu.vector_load %arg5[%swap3A_1208, %swap3A_1209] {strides = array<i32>} : memref<4096x16xf32, #tpu.memory_space<vmem>>, vector<16xf32>,
          tpu.vector_store %arg5[%swap3A_1208, %swap3A_1209], %max3A_1207 {strides = array<i32>} : memref<4096x16xf32, #tpu.memory_space<vmem>>, vector<16xf32>,
          %get3A_1211 = arith.index_cast %squeeze3A_837 : i32 to index
          %get3A_1212 = arith.constant 0 : index
          %get3A_1213 = tpu.vector_load %arg5[%get3A_1211, %get3A_1212] {strides = array<i32>} : memref<4096x16xf32, #tpu.memory_space<vmem>>, vector<16xf32>,
          %add3A_1214 = arith.constant 13 : i32
          %add3A_1215 = arith.addi %mul3A_807, %add3A_1214 : i32
          %get3A_1216 = arith.index_cast %add3A_1215 : i32 to index
          %get3A_1217 = arith.constant 0 : index
          %get3A_1218 = tpu.vector_load %arg9[%get3A_1216, %get3A_1217] {strides = array<i32>} : memref<1000x16xf32, #tpu.memory_space<vmem>>, vector<16xf32>,
          %max3A_1219 = arith.maximumf %get3A_1213, %get3A_1218 : vector<16xf32>
          %swap3A_1220 = arith.index_cast %squeeze3A_837 : i32 to index
          %swap3A_1221 = arith.constant 0 : index
          %swap3A_1222 = tpu.vector_load %arg5[%swap3A_1220, %swap3A_1221] {strides = array<i32>} : memref<4096x16xf32, #tpu.memory_space<vmem>>, vector<16xf32>,
          tpu.vector_store %arg5[%swap3A_1220, %swap3A_1221], %max3A_1219 {strides = array<i32>} : memref<4096x16xf32, #tpu.memory_space<vmem>>, vector<16xf32>,
          %get3A_1223 = arith.index_cast %squeeze3A_839 : i32 to index
          %get3A_1224 = arith.constant 0 : index
          %get3A_1225 = tpu.vector_load %arg5[%get3A_1223, %get3A_1224] {strides = array<i32>} : memref<4096x16xf32, #tpu.memory_space<vmem>>, vector<16xf32>,
          %add3A_1226 = arith.constant 14 : i32
          %add3A_1227 = arith.addi %mul3A_807, %add3A_1226 : i32
          %get3A_1228 = arith.index_cast %add3A_1227 : i32 to index
          %get3A_1229 = arith.constant 0 : index
          %get3A_1230 = tpu.vector_load %arg9[%get3A_1228, %get3A_1229] {strides = array<i32>} : memref<1000x16xf32, #tpu.memory_space<vmem>>, vector<16xf32>,
          %max3A_1231 = arith.maximumf %get3A_1225, %get3A_1230 : vector<16xf32>
          %swap3A_1232 = arith.index_cast %squeeze3A_839 : i32 to index
          %swap3A_1233 = arith.constant 0 : index
          %swap3A_1234 = tpu.vector_load %arg5[%swap3A_1232, %swap3A_1233] {strides = array<i32>} : memref<4096x16xf32, #tpu.memory_space<vmem>>, vector<16xf32>,
          tpu.vector_store %arg5[%swap3A_1232, %swap3A_1233], %max3A_1231 {strides = array<i32>} : memref<4096x16xf32, #tpu.memory_space<vmem>>, vector<16xf32>,
          %get3A_1235 = arith.index_cast %squeeze3A_841 : i32 to index
          %get3A_1236 = arith.constant 0 : index
          %get3A_1237 = tpu.vector_load %arg5[%get3A_1235, %get3A_1236] {strides = array<i32>} : memref<4096x16xf32, #tpu.memory_space<vmem>>, vector<16xf32>,
          %add3A_1238 = arith.constant 15 : i32
          %add3A_1239 = arith.addi %mul3A_807, %add3A_1238 : i32
          %get3A_1240 = arith.index_cast %add3A_1239 : i32 to index
          %get3A_1241 = arith.constant 0 : index
          %get3A_1242 = tpu.vector_load %arg9[%get3A_1240, %get3A_1241] {strides = array<i32>} : memref<1000x16xf32, #tpu.memory_space<vmem>>, vector<16xf32>,
          %max3A_1243 = arith.maximumf %get3A_1237, %get3A_1242 : vector<16xf32>
          %swap3A_1244 = arith.index_cast %squeeze3A_841 : i32 to index
          %swap3A_1245 = arith.constant 0 : index
          %swap3A_1246 = tpu.vector_load %arg5[%swap3A_1244, %swap3A_1245] {strides = array<i32>} : memref<4096x16xf32, #tpu.memory_space<vmem>>, vector<16xf32>,
          tpu.vector_store %arg5[%swap3A_1244, %swap3A_1245], %max3A_1243 {strides = array<i32>} : memref<4096x16xf32, #tpu.memory_space<vmem>>, vector<16xf32>,
        } else {
        }
      }
      %scan3A_566 = arith.constant 62 : i32
      %get3A_567 = arith.constant 984 : index
      %get3A_568 = tpu.vector_load %arg7[%get3A_567] {strides = array<i32>} : memref<1000xi32, #tpu.memory_space<vmem>>, vector<16xi32>,
      %slice3A_569 = vector.extract_strided_slice %get3A_568 {offsets = [0], sizes = [1], strides = [1]} : vector<16xi32> to vector<1xi32>
      %squeeze3A_570 = vector.extract %slice3A_569[0] : i32 from vector<1xi32>
      %slice3A_571 = vector.extract_strided_slice %get3A_568 {offsets = [1], sizes = [1], strides = [1]} : vector<16xi32> to vector<1xi32>
      %squeeze3A_572 = vector.extract %slice3A_571[0] : i32 from vector<1xi32>
      %slice3A_573 = vector.extract_strided_slice %get3A_568 {offsets = [2], sizes = [1], strides = [1]} : vector<16xi32> to vector<1xi32>
      %squeeze3A_574 = vector.extract %slice3A_573[0] : i32 from vector<1xi32>
      %slice3A_575 = vector.extract_strided_slice %get3A_568 {offsets = [3], sizes = [1], strides = [1]} : vector<16xi32> to vector<1xi32>
      %squeeze3A_576 = vector.extract %slice3A_575[0] : i32 from vector<1xi32>
      %slice3A_577 = vector.extract_strided_slice %get3A_568 {offsets = [4], sizes = [1], strides = [1]} : vector<16xi32> to vector<1xi32>
      %squeeze3A_578 = vector.extract %slice3A_577[0] : i32 from vector<1xi32>
      %slice3A_579 = vector.extract_strided_slice %get3A_568 {offsets = [5], sizes = [1], strides = [1]} : vector<16xi32> to vector<1xi32>
      %squeeze3A_580 = vector.extract %slice3A_579[0] : i32 from vector<1xi32>
      %slice3A_581 = vector.extract_strided_slice %get3A_568 {offsets = [6], sizes = [1], strides = [1]} : vector<16xi32> to vector<1xi32>
      %squeeze3A_582 = vector.extract %slice3A_581[0] : i32 from vector<1xi32>
      %slice3A_583 = vector.extract_strided_slice %get3A_568 {offsets = [7], sizes = [1], strides = [1]} : vector<16xi32> to vector<1xi32>
      %squeeze3A_584 = vector.extract %slice3A_583[0] : i32 from vector<1xi32>
      %slice3A_585 = vector.extract_strided_slice %get3A_568 {offsets = [8], sizes = [1], strides = [1]} : vector<16xi32> to vector<1xi32>
      %squeeze3A_586 = vector.extract %slice3A_585[0] : i32 from vector<1xi32>
      %slice3A_587 = vector.extract_strided_slice %get3A_568 {offsets = [9], sizes = [1], strides = [1]} : vector<16xi32> to vector<1xi32>
      %squeeze3A_588 = vector.extract %slice3A_587[0] : i32 from vector<1xi32>
      %slice3A_589 = vector.extract_strided_slice %get3A_568 {offsets = [10], sizes = [1], strides = [1]} : vector<16xi32> to vector<1xi32>
      %squeeze3A_590 = vector.extract %slice3A_589[0] : i32 from vector<1xi32>
      %slice3A_591 = vector.extract_strided_slice %get3A_568 {offsets = [11], sizes = [1], strides = [1]} : vector<16xi32> to vector<1xi32>
      %squeeze3A_592 = vector.extract %slice3A_591[0] : i32 from vector<1xi32>
      %slice3A_593 = vector.extract_strided_slice %get3A_568 {offsets = [12], sizes = [1], strides = [1]} : vector<16xi32> to vector<1xi32>
      %squeeze3A_594 = vector.extract %slice3A_593[0] : i32 from vector<1xi32>
      %slice3A_595 = vector.extract_strided_slice %get3A_568 {offsets = [13], sizes = [1], strides = [1]} : vector<16xi32> to vector<1xi32>
      %squeeze3A_596 = vector.extract %slice3A_595[0] : i32 from vector<1xi32>
      %slice3A_597 = vector.extract_strided_slice %get3A_568 {offsets = [14], sizes = [1], strides = [1]} : vector<16xi32> to vector<1xi32>
      %squeeze3A_598 = vector.extract %slice3A_597[0] : i32 from vector<1xi32>
      %slice3A_599 = vector.extract_strided_slice %get3A_568 {offsets = [15], sizes = [1], strides = [1]} : vector<16xi32> to vector<1xi32>
      %squeeze3A_600 = vector.extract %slice3A_599[0] : i32 from vector<1xi32>
      %get3A_601 = arith.index_cast %squeeze3A_570 : i32 to index
      %get3A_602 = arith.constant 0 : index
      %get3A_603 = tpu.vector_load %arg5[%get3A_601, %get3A_602] {strides = array<i32>} : memref<4096x16xf32, #tpu.memory_space<vmem>>, vector<16xf32>,
      %get3A_604 = arith.constant 984 : i32
      %get3A_605 = arith.index_cast %get3A_604 : i32 to index
      %get3A_606 = arith.constant 0 : index
      %get3A_607 = tpu.vector_load %arg9[%get3A_605, %get3A_606] {strides = array<i32>} : memref<1000x16xf32, #tpu.memory_space<vmem>>, vector<16xf32>,
      %max3A_608 = arith.maximumf %get3A_603, %get3A_607 : vector<16xf32>
      %get3A_609 = arith.index_cast %squeeze3A_572 : i32 to index
      %get3A_610 = arith.constant 0 : index
      %get3A_611 = tpu.vector_load %arg5[%get3A_609, %get3A_610] {strides = array<i32>} : memref<4096x16xf32, #tpu.memory_space<vmem>>, vector<16xf32>,
      %get3A_612 = arith.constant 985 : i32
      %get3A_613 = arith.index_cast %get3A_612 : i32 to index
      %get3A_614 = arith.constant 0 : index
      %get3A_615 = tpu.vector_load %arg9[%get3A_613, %get3A_614] {strides = array<i32>} : memref<1000x16xf32, #tpu.memory_space<vmem>>, vector<16xf32>,
      %max3A_616 = arith.maximumf %get3A_611, %get3A_615 : vector<16xf32>
      %get3A_617 = arith.index_cast %squeeze3A_574 : i32 to index
      %get3A_618 = arith.constant 0 : index
      %get3A_619 = tpu.vector_load %arg5[%get3A_617, %get3A_618] {strides = array<i32>} : memref<4096x16xf32, #tpu.memory_space<vmem>>, vector<16xf32>,
      %get3A_620 = arith.constant 986 : i32
      %get3A_621 = arith.index_cast %get3A_620 : i32 to index
      %get3A_622 = arith.constant 0 : index
      %get3A_623 = tpu.vector_load %arg9[%get3A_621, %get3A_622] {strides = array<i32>} : memref<1000x16xf32, #tpu.memory_space<vmem>>, vector<16xf32>,
      %max3A_624 = arith.maximumf %get3A_619, %get3A_623 : vector<16xf32>
      %get3A_625 = arith.index_cast %squeeze3A_576 : i32 to index
      %get3A_626 = arith.constant 0 : index
      %get3A_627 = tpu.vector_load %arg5[%get3A_625, %get3A_626] {strides = array<i32>} : memref<4096x16xf32, #tpu.memory_space<vmem>>, vector<16xf32>,
      %get3A_628 = arith.constant 987 : i32
      %get3A_629 = arith.index_cast %get3A_628 : i32 to index
      %get3A_630 = arith.constant 0 : index
      %get3A_631 = tpu.vector_load %arg9[%get3A_629, %get3A_630] {strides = array<i32>} : memref<1000x16xf32, #tpu.memory_space<vmem>>, vector<16xf32>,
      %max3A_632 = arith.maximumf %get3A_627, %get3A_631 : vector<16xf32>
      %get3A_633 = arith.index_cast %squeeze3A_578 : i32 to index
      %get3A_634 = arith.constant 0 : index
      %get3A_635 = tpu.vector_load %arg5[%get3A_633, %get3A_634] {strides = array<i32>} : memref<4096x16xf32, #tpu.memory_space<vmem>>, vector<16xf32>,
      %get3A_636 = arith.constant 988 : i32
      %get3A_637 = arith.index_cast %get3A_636 : i32 to index
      %get3A_638 = arith.constant 0 : index
      %get3A_639 = tpu.vector_load %arg9[%get3A_637, %get3A_638] {strides = array<i32>} : memref<1000x16xf32, #tpu.memory_space<vmem>>, vector<16xf32>,
      %max3A_640 = arith.maximumf %get3A_635, %get3A_639 : vector<16xf32>
      %get3A_641 = arith.index_cast %squeeze3A_580 : i32 to index
      %get3A_642 = arith.constant 0 : index
      %get3A_643 = tpu.vector_load %arg5[%get3A_641, %get3A_642] {strides = array<i32>} : memref<4096x16xf32, #tpu.memory_space<vmem>>, vector<16xf32>,
      %get3A_644 = arith.constant 989 : i32
      %get3A_645 = arith.index_cast %get3A_644 : i32 to index
      %get3A_646 = arith.constant 0 : index
      %get3A_647 = tpu.vector_load %arg9[%get3A_645, %get3A_646] {strides = array<i32>} : memref<1000x16xf32, #tpu.memory_space<vmem>>, vector<16xf32>,
      %max3A_648 = arith.maximumf %get3A_643, %get3A_647 : vector<16xf32>
      %get3A_649 = arith.index_cast %squeeze3A_582 : i32 to index
      %get3A_650 = arith.constant 0 : index
      %get3A_651 = tpu.vector_load %arg5[%get3A_649, %get3A_650] {strides = array<i32>} : memref<4096x16xf32, #tpu.memory_space<vmem>>, vector<16xf32>,
      %get3A_652 = arith.constant 990 : i32
      %get3A_653 = arith.index_cast %get3A_652 : i32 to index
      %get3A_654 = arith.constant 0 : index
      %get3A_655 = tpu.vector_load %arg9[%get3A_653, %get3A_654] {strides = array<i32>} : memref<1000x16xf32, #tpu.memory_space<vmem>>, vector<16xf32>,
      %max3A_656 = arith.maximumf %get3A_651, %get3A_655 : vector<16xf32>
      %get3A_657 = arith.index_cast %squeeze3A_584 : i32 to index
      %get3A_658 = arith.constant 0 : index
      %get3A_659 = tpu.vector_load %arg5[%get3A_657, %get3A_658] {strides = array<i32>} : memref<4096x16xf32, #tpu.memory_space<vmem>>, vector<16xf32>,
      %get3A_660 = arith.constant 991 : i32
      %get3A_661 = arith.index_cast %get3A_660 : i32 to index
      %get3A_662 = arith.constant 0 : index
      %get3A_663 = tpu.vector_load %arg9[%get3A_661, %get3A_662] {strides = array<i32>} : memref<1000x16xf32, #tpu.memory_space<vmem>>, vector<16xf32>,
      %max3A_664 = arith.maximumf %get3A_659, %get3A_663 : vector<16xf32>
      %get3A_665 = arith.index_cast %squeeze3A_586 : i32 to index
      %get3A_666 = arith.constant 0 : index
      %get3A_667 = tpu.vector_load %arg5[%get3A_665, %get3A_666] {strides = array<i32>} : memref<4096x16xf32, #tpu.memory_space<vmem>>, vector<16xf32>,
      %get3A_668 = arith.constant 992 : i32
      %get3A_669 = arith.index_cast %get3A_668 : i32 to index
      %get3A_670 = arith.constant 0 : index
      %get3A_671 = tpu.vector_load %arg9[%get3A_669, %get3A_670] {strides = array<i32>} : memref<1000x16xf32, #tpu.memory_space<vmem>>, vector<16xf32>,
      %max3A_672 = arith.maximumf %get3A_667, %get3A_671 : vector<16xf32>
      %get3A_673 = arith.index_cast %squeeze3A_588 : i32 to index
      %get3A_674 = arith.constant 0 : index
      %get3A_675 = tpu.vector_load %arg5[%get3A_673, %get3A_674] {strides = array<i32>} : memref<4096x16xf32, #tpu.memory_space<vmem>>, vector<16xf32>,
      %get3A_676 = arith.constant 993 : i32
      %get3A_677 = arith.index_cast %get3A_676 : i32 to index
      %get3A_678 = arith.constant 0 : index
      %get3A_679 = tpu.vector_load %arg9[%get3A_677, %get3A_678] {strides = array<i32>} : memref<1000x16xf32, #tpu.memory_space<vmem>>, vector<16xf32>,
      %max3A_680 = arith.maximumf %get3A_675, %get3A_679 : vector<16xf32>
      %get3A_681 = arith.index_cast %squeeze3A_590 : i32 to index
      %get3A_682 = arith.constant 0 : index
      %get3A_683 = tpu.vector_load %arg5[%get3A_681, %get3A_682] {strides = array<i32>} : memref<4096x16xf32, #tpu.memory_space<vmem>>, vector<16xf32>,
      %get3A_684 = arith.constant 994 : i32
      %get3A_685 = arith.index_cast %get3A_684 : i32 to index
      %get3A_686 = arith.constant 0 : index
      %get3A_687 = tpu.vector_load %arg9[%get3A_685, %get3A_686] {strides = array<i32>} : memref<1000x16xf32, #tpu.memory_space<vmem>>, vector<16xf32>,
      %max3A_688 = arith.maximumf %get3A_683, %get3A_687 : vector<16xf32>
      %get3A_689 = arith.index_cast %squeeze3A_592 : i32 to index
      %get3A_690 = arith.constant 0 : index
      %get3A_691 = tpu.vector_load %arg5[%get3A_689, %get3A_690] {strides = array<i32>} : memref<4096x16xf32, #tpu.memory_space<vmem>>, vector<16xf32>,
      %get3A_692 = arith.constant 995 : i32
      %get3A_693 = arith.index_cast %get3A_692 : i32 to index
      %get3A_694 = arith.constant 0 : index
      %get3A_695 = tpu.vector_load %arg9[%get3A_693, %get3A_694] {strides = array<i32>} : memref<1000x16xf32, #tpu.memory_space<vmem>>, vector<16xf32>,
      %max3A_696 = arith.maximumf %get3A_691, %get3A_695 : vector<16xf32>
      %get3A_697 = arith.index_cast %squeeze3A_594 : i32 to index
      %get3A_698 = arith.constant 0 : index
      %get3A_699 = tpu.vector_load %arg5[%get3A_697, %get3A_698] {strides = array<i32>} : memref<4096x16xf32, #tpu.memory_space<vmem>>, vector<16xf32>,
      %get3A_700 = arith.constant 996 : i32
      %get3A_701 = arith.index_cast %get3A_700 : i32 to index
      %get3A_702 = arith.constant 0 : index
      %get3A_703 = tpu.vector_load %arg9[%get3A_701, %get3A_702] {strides = array<i32>} : memref<1000x16xf32, #tpu.memory_space<vmem>>, vector<16xf32>,
      %max3A_704 = arith.maximumf %get3A_699, %get3A_703 : vector<16xf32>
      %get3A_705 = arith.index_cast %squeeze3A_596 : i32 to index
      %get3A_706 = arith.constant 0 : index
      %get3A_707 = tpu.vector_load %arg5[%get3A_705, %get3A_706] {strides = array<i32>} : memref<4096x16xf32, #tpu.memory_space<vmem>>, vector<16xf32>,
      %get3A_708 = arith.constant 997 : i32
      %get3A_709 = arith.index_cast %get3A_708 : i32 to index
      %get3A_710 = arith.constant 0 : index
      %get3A_711 = tpu.vector_load %arg9[%get3A_709, %get3A_710] {strides = array<i32>} : memref<1000x16xf32, #tpu.memory_space<vmem>>, vector<16xf32>,
      %max3A_712 = arith.maximumf %get3A_707, %get3A_711 : vector<16xf32>
      %get3A_713 = arith.index_cast %squeeze3A_598 : i32 to index
      %get3A_714 = arith.constant 0 : index
      %get3A_715 = tpu.vector_load %arg5[%get3A_713, %get3A_714] {strides = array<i32>} : memref<4096x16xf32, #tpu.memory_space<vmem>>, vector<16xf32>,
      %get3A_716 = arith.constant 998 : i32
      %get3A_717 = arith.index_cast %get3A_716 : i32 to index
      %get3A_718 = arith.constant 0 : index
      %get3A_719 = tpu.vector_load %arg9[%get3A_717, %get3A_718] {strides = array<i32>} : memref<1000x16xf32, #tpu.memory_space<vmem>>, vector<16xf32>,
      %max3A_720 = arith.maximumf %get3A_715, %get3A_719 : vector<16xf32>
      %get3A_721 = arith.index_cast %squeeze3A_600 : i32 to index
      %get3A_722 = arith.constant 0 : index
      %get3A_723 = tpu.vector_load %arg5[%get3A_721, %get3A_722] {strides = array<i32>} : memref<4096x16xf32, #tpu.memory_space<vmem>>, vector<16xf32>,
      %get3A_724 = arith.constant 999 : i32
      %get3A_725 = arith.index_cast %get3A_724 : i32 to index
      %get3A_726 = arith.constant 0 : index
      %get3A_727 = tpu.vector_load %arg9[%get3A_725, %get3A_726] {strides = array<i32>} : memref<1000x16xf32, #tpu.memory_space<vmem>>, vector<16xf32>,
      %max3A_728 = arith.maximumf %get3A_723, %get3A_727 : vector<16xf32>
      %broadcast_in_dim3A_729 = arith.constant true
      %broadcast_in_dim3A_730 = vector.broadcast %broadcast_in_dim3A_729 : i1 to vector<16xi1>
      %unique3A_731, %unique3A_732 = tpu.scan_count mask(%broadcast_in_dim3A_730 : vector<16xi1>) value(%get3A_568 : vector<16xi32>) : vector<16xi1>, vector<16xi32>
      %slice3A_733 = vector.extract_strided_slice %unique3A_732 {offsets = [0], sizes = [1], strides = [1]} : vector<16xi32> to vector<1xi32>
      %squeeze3A_734 = vector.extract %slice3A_733[0] : i32 from vector<1xi32>
      %broadcast_in_dim3A_735 = vector.broadcast %squeeze3A_734 : i32 to vector<16xi32>
      %ne3A_736 = arith.cmpi ne, %unique3A_732, %broadcast_in_dim3A_735 : vector<16xi32>
      %all_reduce_population_count3A_737 = tpu.all_reduce %ne3A_736 {dim = 0 : i64, kind = #tpu.reduction_kind<sum>} : vector<16xi1> -> vector<16xi32>
      %slice3A_738 = vector.extract_strided_slice %all_reduce_population_count3A_737 {offsets = [0], sizes = [1], strides = [1]} : vector<16xi32> to vector<1xi32>
      %squeeze3A_739 = vector.extract %slice3A_738[0] : i32 from vector<1xi32>
      %swap3A_740 = arith.index_cast %squeeze3A_570 : i32 to index
      %swap3A_741 = arith.constant 0 : index
      %swap3A_742 = tpu.vector_load %arg5[%swap3A_740, %swap3A_741] {strides = array<i32>} : memref<4096x16xf32, #tpu.memory_space<vmem>>, vector<16xf32>,
      tpu.vector_store %arg5[%swap3A_740, %swap3A_741], %max3A_608 {strides = array<i32>} : memref<4096x16xf32, #tpu.memory_space<vmem>>, vector<16xf32>,
      %swap3A_743 = arith.index_cast %squeeze3A_572 : i32 to index
      %swap3A_744 = arith.constant 0 : index
      %swap3A_745 = tpu.vector_load %arg5[%swap3A_743, %swap3A_744] {strides = array<i32>} : memref<4096x16xf32, #tpu.memory_space<vmem>>, vector<16xf32>,
      tpu.vector_store %arg5[%swap3A_743, %swap3A_744], %max3A_616 {strides = array<i32>} : memref<4096x16xf32, #tpu.memory_space<vmem>>, vector<16xf32>,
      %swap3A_746 = arith.index_cast %squeeze3A_574 : i32 to index
      %swap3A_747 = arith.constant 0 : index
      %swap3A_748 = tpu.vector_load %arg5[%swap3A_746, %swap3A_747] {strides = array<i32>} : memref<4096x16xf32, #tpu.memory_space<vmem>>, vector<16xf32>,
      tpu.vector_store %arg5[%swap3A_746, %swap3A_747], %max3A_624 {strides = array<i32>} : memref<4096x16xf32, #tpu.memory_space<vmem>>, vector<16xf32>,
      %swap3A_749 = arith.index_cast %squeeze3A_576 : i32 to index
      %swap3A_750 = arith.constant 0 : index
      %swap3A_751 = tpu.vector_load %arg5[%swap3A_749, %swap3A_750] {strides = array<i32>} : memref<4096x16xf32, #tpu.memory_space<vmem>>, vector<16xf32>,
      tpu.vector_store %arg5[%swap3A_749, %swap3A_750], %max3A_632 {strides = array<i32>} : memref<4096x16xf32, #tpu.memory_space<vmem>>, vector<16xf32>,
      %swap3A_752 = arith.index_cast %squeeze3A_578 : i32 to index
      %swap3A_753 = arith.constant 0 : index
      %swap3A_754 = tpu.vector_load %arg5[%swap3A_752, %swap3A_753] {strides = array<i32>} : memref<4096x16xf32, #tpu.memory_space<vmem>>, vector<16xf32>,
      tpu.vector_store %arg5[%swap3A_752, %swap3A_753], %max3A_640 {strides = array<i32>} : memref<4096x16xf32, #tpu.memory_space<vmem>>, vector<16xf32>,
      %swap3A_755 = arith.index_cast %squeeze3A_580 : i32 to index
      %swap3A_756 = arith.constant 0 : index
      %swap3A_757 = tpu.vector_load %arg5[%swap3A_755, %swap3A_756] {strides = array<i32>} : memref<4096x16xf32, #tpu.memory_space<vmem>>, vector<16xf32>,
      tpu.vector_store %arg5[%swap3A_755, %swap3A_756], %max3A_648 {strides = array<i32>} : memref<4096x16xf32, #tpu.memory_space<vmem>>, vector<16xf32>,
      %swap3A_758 = arith.index_cast %squeeze3A_582 : i32 to index
      %swap3A_759 = arith.constant 0 : index
      %swap3A_760 = tpu.vector_load %arg5[%swap3A_758, %swap3A_759] {strides = array<i32>} : memref<4096x16xf32, #tpu.memory_space<vmem>>, vector<16xf32>,
      tpu.vector_store %arg5[%swap3A_758, %swap3A_759], %max3A_656 {strides = array<i32>} : memref<4096x16xf32, #tpu.memory_space<vmem>>, vector<16xf32>,
      %swap3A_761 = arith.index_cast %squeeze3A_584 : i32 to index
      %swap3A_762 = arith.constant 0 : index
      %swap3A_763 = tpu.vector_load %arg5[%swap3A_761, %swap3A_762] {strides = array<i32>} : memref<4096x16xf32, #tpu.memory_space<vmem>>, vector<16xf32>,
      tpu.vector_store %arg5[%swap3A_761, %swap3A_762], %max3A_664 {strides = array<i32>} : memref<4096x16xf32, #tpu.memory_space<vmem>>, vector<16xf32>,
      %swap3A_764 = arith.index_cast %squeeze3A_586 : i32 to index
      %swap3A_765 = arith.constant 0 : index
      %swap3A_766 = tpu.vector_load %arg5[%swap3A_764, %swap3A_765] {strides = array<i32>} : memref<4096x16xf32, #tpu.memory_space<vmem>>, vector<16xf32>,
      tpu.vector_store %arg5[%swap3A_764, %swap3A_765], %max3A_672 {strides = array<i32>} : memref<4096x16xf32, #tpu.memory_space<vmem>>, vector<16xf32>,
      %swap3A_767 = arith.index_cast %squeeze3A_588 : i32 to index
      %swap3A_768 = arith.constant 0 : index
      %swap3A_769 = tpu.vector_load %arg5[%swap3A_767, %swap3A_768] {strides = array<i32>} : memref<4096x16xf32, #tpu.memory_space<vmem>>, vector<16xf32>,
      tpu.vector_store %arg5[%swap3A_767, %swap3A_768], %max3A_680 {strides = array<i32>} : memref<4096x16xf32, #tpu.memory_space<vmem>>, vector<16xf32>,
      %swap3A_770 = arith.index_cast %squeeze3A_590 : i32 to index
      %swap3A_771 = arith.constant 0 : index
      %swap3A_772 = tpu.vector_load %arg5[%swap3A_770, %swap3A_771] {strides = array<i32>} : memref<4096x16xf32, #tpu.memory_space<vmem>>, vector<16xf32>,
      tpu.vector_store %arg5[%swap3A_770, %swap3A_771], %max3A_688 {strides = array<i32>} : memref<4096x16xf32, #tpu.memory_space<vmem>>, vector<16xf32>,
      %swap3A_773 = arith.index_cast %squeeze3A_592 : i32 to index
      %swap3A_774 = arith.constant 0 : index
      %swap3A_775 = tpu.vector_load %arg5[%swap3A_773, %swap3A_774] {strides = array<i32>} : memref<4096x16xf32, #tpu.memory_space<vmem>>, vector<16xf32>,
      tpu.vector_store %arg5[%swap3A_773, %swap3A_774], %max3A_696 {strides = array<i32>} : memref<4096x16xf32, #tpu.memory_space<vmem>>, vector<16xf32>,
      %swap3A_776 = arith.index_cast %squeeze3A_594 : i32 to index
      %swap3A_777 = arith.constant 0 : index
      %swap3A_778 = tpu.vector_load %arg5[%swap3A_776, %swap3A_777] {strides = array<i32>} : memref<4096x16xf32, #tpu.memory_space<vmem>>, vector<16xf32>,
      tpu.vector_store %arg5[%swap3A_776, %swap3A_777], %max3A_704 {strides = array<i32>} : memref<4096x16xf32, #tpu.memory_space<vmem>>, vector<16xf32>,
      %swap3A_779 = arith.index_cast %squeeze3A_596 : i32 to index
      %swap3A_780 = arith.constant 0 : index
      %swap3A_781 = tpu.vector_load %arg5[%swap3A_779, %swap3A_780] {strides = array<i32>} : memref<4096x16xf32, #tpu.memory_space<vmem>>, vector<16xf32>,
      tpu.vector_store %arg5[%swap3A_779, %swap3A_780], %max3A_712 {strides = array<i32>} : memref<4096x16xf32, #tpu.memory_space<vmem>>, vector<16xf32>,
      %swap3A_782 = arith.index_cast %squeeze3A_598 : i32 to index
      %swap3A_783 = arith.constant 0 : index
      %swap3A_784 = tpu.vector_load %arg5[%swap3A_782, %swap3A_783] {strides = array<i32>} : memref<4096x16xf32, #tpu.memory_space<vmem>>, vector<16xf32>,
      tpu.vector_store %arg5[%swap3A_782, %swap3A_783], %max3A_720 {strides = array<i32>} : memref<4096x16xf32, #tpu.memory_space<vmem>>, vector<16xf32>,
      %swap3A_785 = arith.index_cast %squeeze3A_600 : i32 to index
      %swap3A_786 = arith.constant 0 : index
      %swap3A_787 = tpu.vector_load %arg5[%swap3A_785, %swap3A_786] {strides = array<i32>} : memref<4096x16xf32, #tpu.memory_space<vmem>>, vector<16xf32>,
      tpu.vector_store %arg5[%swap3A_785, %swap3A_786], %max3A_728 {strides = array<i32>} : memref<4096x16xf32, #tpu.memory_space<vmem>>, vector<16xf32>,
      %eq3A_788 = arith.constant 1 : i32
      %eq3A_789 = arith.cmpi eq, %squeeze3A_739, %eq3A_788 : i32
      %convert_element_type3A_790 = arith.extui %eq3A_789 : i1 to i32
      %cond3A_791 = arith.constant 0 : i32
      %cond3A_792 = arith.cmpi ne, %convert_element_type3A_790, %cond3A_791 : i32
      scf.if %cond3A_792 {
        %get3A_805 = arith.index_cast %squeeze3A_570 : i32 to index
        %get3A_806 = arith.constant 0 : index
        %get3A_807 = tpu.vector_load %arg5[%get3A_805, %get3A_806] {strides = array<i32>} : memref<4096x16xf32, #tpu.memory_space<vmem>>, vector<16xf32>,
        %get3A_808 = arith.constant 984 : i32
        %get3A_809 = arith.index_cast %get3A_808 : i32 to index
        %get3A_810 = arith.constant 0 : index
        %get3A_811 = tpu.vector_load %arg9[%get3A_809, %get3A_810] {strides = array<i32>} : memref<1000x16xf32, #tpu.memory_space<vmem>>, vector<16xf32>,
        %max3A_812 = arith.maximumf %get3A_807, %get3A_811 : vector<16xf32>
        %get3A_813 = arith.index_cast %squeeze3A_572 : i32 to index
        %get3A_814 = arith.constant 0 : index
        %get3A_815 = tpu.vector_load %arg5[%get3A_813, %get3A_814] {strides = array<i32>} : memref<4096x16xf32, #tpu.memory_space<vmem>>, vector<16xf32>,
        %get3A_816 = arith.constant 985 : i32
        %get3A_817 = arith.index_cast %get3A_816 : i32 to index
        %get3A_818 = arith.constant 0 : index
        %get3A_819 = tpu.vector_load %arg9[%get3A_817, %get3A_818] {strides = array<i32>} : memref<1000x16xf32, #tpu.memory_space<vmem>>, vector<16xf32>,
        %max3A_820 = arith.maximumf %get3A_815, %get3A_819 : vector<16xf32>
        %get3A_821 = arith.index_cast %squeeze3A_574 : i32 to index
        %get3A_822 = arith.constant 0 : index
        %get3A_823 = tpu.vector_load %arg5[%get3A_821, %get3A_822] {strides = array<i32>} : memref<4096x16xf32, #tpu.memory_space<vmem>>, vector<16xf32>,
        %get3A_824 = arith.constant 986 : i32
        %get3A_825 = arith.index_cast %get3A_824 : i32 to index
        %get3A_826 = arith.constant 0 : index
        %get3A_827 = tpu.vector_load %arg9[%get3A_825, %get3A_826] {strides = array<i32>} : memref<1000x16xf32, #tpu.memory_space<vmem>>, vector<16xf32>,
        %max3A_828 = arith.maximumf %get3A_823, %get3A_827 : vector<16xf32>
        %get3A_829 = arith.index_cast %squeeze3A_576 : i32 to index
        %get3A_830 = arith.constant 0 : index
        %get3A_831 = tpu.vector_load %arg5[%get3A_829, %get3A_830] {strides = array<i32>} : memref<4096x16xf32, #tpu.memory_space<vmem>>, vector<16xf32>,
        %get3A_832 = arith.constant 987 : i32
        %get3A_833 = arith.index_cast %get3A_832 : i32 to index
        %get3A_834 = arith.constant 0 : index
        %get3A_835 = tpu.vector_load %arg9[%get3A_833, %get3A_834] {strides = array<i32>} : memref<1000x16xf32, #tpu.memory_space<vmem>>, vector<16xf32>,
        %max3A_836 = arith.maximumf %get3A_831, %get3A_835 : vector<16xf32>
        %get3A_837 = arith.index_cast %squeeze3A_578 : i32 to index
        %get3A_838 = arith.constant 0 : index
        %get3A_839 = tpu.vector_load %arg5[%get3A_837, %get3A_838] {strides = array<i32>} : memref<4096x16xf32, #tpu.memory_space<vmem>>, vector<16xf32>,
        %get3A_840 = arith.constant 988 : i32
        %get3A_841 = arith.index_cast %get3A_840 : i32 to index
        %get3A_842 = arith.constant 0 : index
        %get3A_843 = tpu.vector_load %arg9[%get3A_841, %get3A_842] {strides = array<i32>} : memref<1000x16xf32, #tpu.memory_space<vmem>>, vector<16xf32>,
        %max3A_844 = arith.maximumf %get3A_839, %get3A_843 : vector<16xf32>
        %get3A_845 = arith.index_cast %squeeze3A_580 : i32 to index
        %get3A_846 = arith.constant 0 : index
        %get3A_847 = tpu.vector_load %arg5[%get3A_845, %get3A_846] {strides = array<i32>} : memref<4096x16xf32, #tpu.memory_space<vmem>>, vector<16xf32>,
        %get3A_848 = arith.constant 989 : i32
        %get3A_849 = arith.index_cast %get3A_848 : i32 to index
        %get3A_850 = arith.constant 0 : index
        %get3A_851 = tpu.vector_load %arg9[%get3A_849, %get3A_850] {strides = array<i32>} : memref<1000x16xf32, #tpu.memory_space<vmem>>, vector<16xf32>,
        %max3A_852 = arith.maximumf %get3A_847, %get3A_851 : vector<16xf32>
        %get3A_853 = arith.index_cast %squeeze3A_582 : i32 to index
        %get3A_854 = arith.constant 0 : index
        %get3A_855 = tpu.vector_load %arg5[%get3A_853, %get3A_854] {strides = array<i32>} : memref<4096x16xf32, #tpu.memory_space<vmem>>, vector<16xf32>,
        %get3A_856 = arith.constant 990 : i32
        %get3A_857 = arith.index_cast %get3A_856 : i32 to index
        %get3A_858 = arith.constant 0 : index
        %get3A_859 = tpu.vector_load %arg9[%get3A_857, %get3A_858] {strides = array<i32>} : memref<1000x16xf32, #tpu.memory_space<vmem>>, vector<16xf32>,
        %max3A_860 = arith.maximumf %get3A_855, %get3A_859 : vector<16xf32>
        %get3A_861 = arith.index_cast %squeeze3A_584 : i32 to index
        %get3A_862 = arith.constant 0 : index
        %get3A_863 = tpu.vector_load %arg5[%get3A_861, %get3A_862] {strides = array<i32>} : memref<4096x16xf32, #tpu.memory_space<vmem>>, vector<16xf32>,
        %get3A_864 = arith.constant 991 : i32
        %get3A_865 = arith.index_cast %get3A_864 : i32 to index
        %get3A_866 = arith.constant 0 : index
        %get3A_867 = tpu.vector_load %arg9[%get3A_865, %get3A_866] {strides = array<i32>} : memref<1000x16xf32, #tpu.memory_space<vmem>>, vector<16xf32>,
        %max3A_868 = arith.maximumf %get3A_863, %get3A_867 : vector<16xf32>
        %get3A_869 = arith.index_cast %squeeze3A_586 : i32 to index
        %get3A_870 = arith.constant 0 : index
        %get3A_871 = tpu.vector_load %arg5[%get3A_869, %get3A_870] {strides = array<i32>} : memref<4096x16xf32, #tpu.memory_space<vmem>>, vector<16xf32>,
        %get3A_872 = arith.constant 992 : i32
        %get3A_873 = arith.index_cast %get3A_872 : i32 to index
        %get3A_874 = arith.constant 0 : index
        %get3A_875 = tpu.vector_load %arg9[%get3A_873, %get3A_874] {strides = array<i32>} : memref<1000x16xf32, #tpu.memory_space<vmem>>, vector<16xf32>,
        %max3A_876 = arith.maximumf %get3A_871, %get3A_875 : vector<16xf32>
        %get3A_877 = arith.index_cast %squeeze3A_588 : i32 to index
        %get3A_878 = arith.constant 0 : index
        %get3A_879 = tpu.vector_load %arg5[%get3A_877, %get3A_878] {strides = array<i32>} : memref<4096x16xf32, #tpu.memory_space<vmem>>, vector<16xf32>,
        %get3A_880 = arith.constant 993 : i32
        %get3A_881 = arith.index_cast %get3A_880 : i32 to index
        %get3A_882 = arith.constant 0 : index
        %get3A_883 = tpu.vector_load %arg9[%get3A_881, %get3A_882] {strides = array<i32>} : memref<1000x16xf32, #tpu.memory_space<vmem>>, vector<16xf32>,
        %max3A_884 = arith.maximumf %get3A_879, %get3A_883 : vector<16xf32>
        %get3A_885 = arith.index_cast %squeeze3A_590 : i32 to index
        %get3A_886 = arith.constant 0 : index
        %get3A_887 = tpu.vector_load %arg5[%get3A_885, %get3A_886] {strides = array<i32>} : memref<4096x16xf32, #tpu.memory_space<vmem>>, vector<16xf32>,
        %get3A_888 = arith.constant 994 : i32
        %get3A_889 = arith.index_cast %get3A_888 : i32 to index
        %get3A_890 = arith.constant 0 : index
        %get3A_891 = tpu.vector_load %arg9[%get3A_889, %get3A_890] {strides = array<i32>} : memref<1000x16xf32, #tpu.memory_space<vmem>>, vector<16xf32>,
        %max3A_892 = arith.maximumf %get3A_887, %get3A_891 : vector<16xf32>
        %get3A_893 = arith.index_cast %squeeze3A_592 : i32 to index
        %get3A_894 = arith.constant 0 : index
        %get3A_895 = tpu.vector_load %arg5[%get3A_893, %get3A_894] {strides = array<i32>} : memref<4096x16xf32, #tpu.memory_space<vmem>>, vector<16xf32>,
        %get3A_896 = arith.constant 995 : i32
        %get3A_897 = arith.index_cast %get3A_896 : i32 to index
        %get3A_898 = arith.constant 0 : index
        %get3A_899 = tpu.vector_load %arg9[%get3A_897, %get3A_898] {strides = array<i32>} : memref<1000x16xf32, #tpu.memory_space<vmem>>, vector<16xf32>,
        %max3A_900 = arith.maximumf %get3A_895, %get3A_899 : vector<16xf32>
        %get3A_901 = arith.index_cast %squeeze3A_594 : i32 to index
        %get3A_902 = arith.constant 0 : index
        %get3A_903 = tpu.vector_load %arg5[%get3A_901, %get3A_902] {strides = array<i32>} : memref<4096x16xf32, #tpu.memory_space<vmem>>, vector<16xf32>,
        %get3A_904 = arith.constant 996 : i32
        %get3A_905 = arith.index_cast %get3A_904 : i32 to index
        %get3A_906 = arith.constant 0 : index
        %get3A_907 = tpu.vector_load %arg9[%get3A_905, %get3A_906] {strides = array<i32>} : memref<1000x16xf32, #tpu.memory_space<vmem>>, vector<16xf32>,
        %max3A_908 = arith.maximumf %get3A_903, %get3A_907 : vector<16xf32>
        %get3A_909 = arith.index_cast %squeeze3A_596 : i32 to index
        %get3A_910 = arith.constant 0 : index
        %get3A_911 = tpu.vector_load %arg5[%get3A_909, %get3A_910] {strides = array<i32>} : memref<4096x16xf32, #tpu.memory_space<vmem>>, vector<16xf32>,
        %get3A_912 = arith.constant 997 : i32
        %get3A_913 = arith.index_cast %get3A_912 : i32 to index
        %get3A_914 = arith.constant 0 : index
        %get3A_915 = tpu.vector_load %arg9[%get3A_913, %get3A_914] {strides = array<i32>} : memref<1000x16xf32, #tpu.memory_space<vmem>>, vector<16xf32>,
        %max3A_916 = arith.maximumf %get3A_911, %get3A_915 : vector<16xf32>
        %get3A_917 = arith.index_cast %squeeze3A_598 : i32 to index
        %get3A_918 = arith.constant 0 : index
        %get3A_919 = tpu.vector_load %arg5[%get3A_917, %get3A_918] {strides = array<i32>} : memref<4096x16xf32, #tpu.memory_space<vmem>>, vector<16xf32>,
        %get3A_920 = arith.constant 998 : i32
        %get3A_921 = arith.index_cast %get3A_920 : i32 to index
        %get3A_922 = arith.constant 0 : index
        %get3A_923 = tpu.vector_load %arg9[%get3A_921, %get3A_922] {strides = array<i32>} : memref<1000x16xf32, #tpu.memory_space<vmem>>, vector<16xf32>,
        %max3A_924 = arith.maximumf %get3A_919, %get3A_923 : vector<16xf32>
        %get3A_925 = arith.index_cast %squeeze3A_600 : i32 to index
        %get3A_926 = arith.constant 0 : index
        %get3A_927 = tpu.vector_load %arg5[%get3A_925, %get3A_926] {strides = array<i32>} : memref<4096x16xf32, #tpu.memory_space<vmem>>, vector<16xf32>,
        %get3A_928 = arith.constant 999 : i32
        %get3A_929 = arith.index_cast %get3A_928 : i32 to index
        %get3A_930 = arith.constant 0 : index
        %get3A_931 = tpu.vector_load %arg9[%get3A_929, %get3A_930] {strides = array<i32>} : memref<1000x16xf32, #tpu.memory_space<vmem>>, vector<16xf32>,
        %max3A_932 = arith.maximumf %get3A_927, %get3A_931 : vector<16xf32>
        %swap3A_933 = arith.index_cast %squeeze3A_600 : i32 to index
        %swap3A_934 = arith.constant 0 : index
        %swap3A_935 = tpu.vector_load %arg5[%swap3A_933, %swap3A_934] {strides = array<i32>} : memref<4096x16xf32, #tpu.memory_space<vmem>>, vector<16xf32>,
        tpu.vector_store %arg5[%swap3A_933, %swap3A_934], %max3A_932 {strides = array<i32>} : memref<4096x16xf32, #tpu.memory_space<vmem>>, vector<16xf32>,
        %swap3A_936 = arith.index_cast %squeeze3A_598 : i32 to index
        %swap3A_937 = arith.constant 0 : index
        %swap3A_938 = tpu.vector_load %arg5[%swap3A_936, %swap3A_937] {strides = array<i32>} : memref<4096x16xf32, #tpu.memory_space<vmem>>, vector<16xf32>,
        tpu.vector_store %arg5[%swap3A_936, %swap3A_937], %max3A_924 {strides = array<i32>} : memref<4096x16xf32, #tpu.memory_space<vmem>>, vector<16xf32>,
        %swap3A_939 = arith.index_cast %squeeze3A_596 : i32 to index
        %swap3A_940 = arith.constant 0 : index
        %swap3A_941 = tpu.vector_load %arg5[%swap3A_939, %swap3A_940] {strides = array<i32>} : memref<4096x16xf32, #tpu.memory_space<vmem>>, vector<16xf32>,
        tpu.vector_store %arg5[%swap3A_939, %swap3A_940], %max3A_916 {strides = array<i32>} : memref<4096x16xf32, #tpu.memory_space<vmem>>, vector<16xf32>,
        %swap3A_942 = arith.index_cast %squeeze3A_594 : i32 to index
        %swap3A_943 = arith.constant 0 : index
        %swap3A_944 = tpu.vector_load %arg5[%swap3A_942, %swap3A_943] {strides = array<i32>} : memref<4096x16xf32, #tpu.memory_space<vmem>>, vector<16xf32>,
        tpu.vector_store %arg5[%swap3A_942, %swap3A_943], %max3A_908 {strides = array<i32>} : memref<4096x16xf32, #tpu.memory_space<vmem>>, vector<16xf32>,
        %swap3A_945 = arith.index_cast %squeeze3A_592 : i32 to index
        %swap3A_946 = arith.constant 0 : index
        %swap3A_947 = tpu.vector_load %arg5[%swap3A_945, %swap3A_946] {strides = array<i32>} : memref<4096x16xf32, #tpu.memory_space<vmem>>, vector<16xf32>,
        tpu.vector_store %arg5[%swap3A_945, %swap3A_946], %max3A_900 {strides = array<i32>} : memref<4096x16xf32, #tpu.memory_space<vmem>>, vector<16xf32>,
        %swap3A_948 = arith.index_cast %squeeze3A_590 : i32 to index
        %swap3A_949 = arith.constant 0 : index
        %swap3A_950 = tpu.vector_load %arg5[%swap3A_948, %swap3A_949] {strides = array<i32>} : memref<4096x16xf32, #tpu.memory_space<vmem>>, vector<16xf32>,
        tpu.vector_store %arg5[%swap3A_948, %swap3A_949], %max3A_892 {strides = array<i32>} : memref<4096x16xf32, #tpu.memory_space<vmem>>, vector<16xf32>,
        %swap3A_951 = arith.index_cast %squeeze3A_588 : i32 to index
        %swap3A_952 = arith.constant 0 : index
        %swap3A_953 = tpu.vector_load %arg5[%swap3A_951, %swap3A_952] {strides = array<i32>} : memref<4096x16xf32, #tpu.memory_space<vmem>>, vector<16xf32>,
        tpu.vector_store %arg5[%swap3A_951, %swap3A_952], %max3A_884 {strides = array<i32>} : memref<4096x16xf32, #tpu.memory_space<vmem>>, vector<16xf32>,
        %swap3A_954 = arith.index_cast %squeeze3A_586 : i32 to index
        %swap3A_955 = arith.constant 0 : index
        %swap3A_956 = tpu.vector_load %arg5[%swap3A_954, %swap3A_955] {strides = array<i32>} : memref<4096x16xf32, #tpu.memory_space<vmem>>, vector<16xf32>,
        tpu.vector_store %arg5[%swap3A_954, %swap3A_955], %max3A_876 {strides = array<i32>} : memref<4096x16xf32, #tpu.memory_space<vmem>>, vector<16xf32>,
        %swap3A_957 = arith.index_cast %squeeze3A_584 : i32 to index
        %swap3A_958 = arith.constant 0 : index
        %swap3A_959 = tpu.vector_load %arg5[%swap3A_957, %swap3A_958] {strides = array<i32>} : memref<4096x16xf32, #tpu.memory_space<vmem>>, vector<16xf32>,
        tpu.vector_store %arg5[%swap3A_957, %swap3A_958], %max3A_868 {strides = array<i32>} : memref<4096x16xf32, #tpu.memory_space<vmem>>, vector<16xf32>,
        %swap3A_960 = arith.index_cast %squeeze3A_582 : i32 to index
        %swap3A_961 = arith.constant 0 : index
        %swap3A_962 = tpu.vector_load %arg5[%swap3A_960, %swap3A_961] {strides = array<i32>} : memref<4096x16xf32, #tpu.memory_space<vmem>>, vector<16xf32>,
        tpu.vector_store %arg5[%swap3A_960, %swap3A_961], %max3A_860 {strides = array<i32>} : memref<4096x16xf32, #tpu.memory_space<vmem>>, vector<16xf32>,
        %swap3A_963 = arith.index_cast %squeeze3A_580 : i32 to index
        %swap3A_964 = arith.constant 0 : index
        %swap3A_965 = tpu.vector_load %arg5[%swap3A_963, %swap3A_964] {strides = array<i32>} : memref<4096x16xf32, #tpu.memory_space<vmem>>, vector<16xf32>,
        tpu.vector_store %arg5[%swap3A_963, %swap3A_964], %max3A_852 {strides = array<i32>} : memref<4096x16xf32, #tpu.memory_space<vmem>>, vector<16xf32>,
        %swap3A_966 = arith.index_cast %squeeze3A_578 : i32 to index
        %swap3A_967 = arith.constant 0 : index
        %swap3A_968 = tpu.vector_load %arg5[%swap3A_966, %swap3A_967] {strides = array<i32>} : memref<4096x16xf32, #tpu.memory_space<vmem>>, vector<16xf32>,
        tpu.vector_store %arg5[%swap3A_966, %swap3A_967], %max3A_844 {strides = array<i32>} : memref<4096x16xf32, #tpu.memory_space<vmem>>, vector<16xf32>,
        %swap3A_969 = arith.index_cast %squeeze3A_576 : i32 to index
        %swap3A_970 = arith.constant 0 : index
        %swap3A_971 = tpu.vector_load %arg5[%swap3A_969, %swap3A_970] {strides = array<i32>} : memref<4096x16xf32, #tpu.memory_space<vmem>>, vector<16xf32>,
        tpu.vector_store %arg5[%swap3A_969, %swap3A_970], %max3A_836 {strides = array<i32>} : memref<4096x16xf32, #tpu.memory_space<vmem>>, vector<16xf32>,
        %swap3A_972 = arith.index_cast %squeeze3A_574 : i32 to index
        %swap3A_973 = arith.constant 0 : index
        %swap3A_974 = tpu.vector_load %arg5[%swap3A_972, %swap3A_973] {strides = array<i32>} : memref<4096x16xf32, #tpu.memory_space<vmem>>, vector<16xf32>,
        tpu.vector_store %arg5[%swap3A_972, %swap3A_973], %max3A_828 {strides = array<i32>} : memref<4096x16xf32, #tpu.memory_space<vmem>>, vector<16xf32>,
        %swap3A_975 = arith.index_cast %squeeze3A_572 : i32 to index
        %swap3A_976 = arith.constant 0 : index
        %swap3A_977 = tpu.vector_load %arg5[%swap3A_975, %swap3A_976] {strides = array<i32>} : memref<4096x16xf32, #tpu.memory_space<vmem>>, vector<16xf32>,
        tpu.vector_store %arg5[%swap3A_975, %swap3A_976], %max3A_820 {strides = array<i32>} : memref<4096x16xf32, #tpu.memory_space<vmem>>, vector<16xf32>,
        %swap3A_978 = arith.index_cast %squeeze3A_570 : i32 to index
        %swap3A_979 = arith.constant 0 : index
        %swap3A_980 = tpu.vector_load %arg5[%swap3A_978, %swap3A_979] {strides = array<i32>} : memref<4096x16xf32, #tpu.memory_space<vmem>>, vector<16xf32>,
        tpu.vector_store %arg5[%swap3A_978, %swap3A_979], %max3A_812 {strides = array<i32>} : memref<4096x16xf32, #tpu.memory_space<vmem>>, vector<16xf32>,
      } else {
      }
      %ge3A_793 = arith.constant 2 : i32
      %ge3A_794 = arith.cmpi sge, %squeeze3A_739, %ge3A_793 : i32
      %convert_element_type3A_795 = arith.extui %ge3A_794 : i1 to i32
      %cond3A_796 = arith.constant 0 : i32
      %cond3A_797 = arith.cmpi ne, %convert_element_type3A_795, %cond3A_796 : i32
      scf.if %cond3A_797 {
        %get3A_805 = arith.index_cast %squeeze3A_570 : i32 to index
        %get3A_806 = arith.constant 0 : index
        %get3A_807 = tpu.vector_load %arg5[%get3A_805, %get3A_806] {strides = array<i32>} : memref<4096x16xf32, #tpu.memory_space<vmem>>, vector<16xf32>,
        %get3A_808 = arith.constant 984 : i32
        %get3A_809 = arith.index_cast %get3A_808 : i32 to index
        %get3A_810 = arith.constant 0 : index
        %get3A_811 = tpu.vector_load %arg9[%get3A_809, %get3A_810] {strides = array<i32>} : memref<1000x16xf32, #tpu.memory_space<vmem>>, vector<16xf32>,
        %max3A_812 = arith.maximumf %get3A_807, %get3A_811 : vector<16xf32>
        %swap3A_813 = arith.index_cast %squeeze3A_570 : i32 to index
        %swap3A_814 = arith.constant 0 : index
        %swap3A_815 = tpu.vector_load %arg5[%swap3A_813, %swap3A_814] {strides = array<i32>} : memref<4096x16xf32, #tpu.memory_space<vmem>>, vector<16xf32>,
        tpu.vector_store %arg5[%swap3A_813, %swap3A_814], %max3A_812 {strides = array<i32>} : memref<4096x16xf32, #tpu.memory_space<vmem>>, vector<16xf32>,
        %get3A_816 = arith.index_cast %squeeze3A_572 : i32 to index
        %get3A_817 = arith.constant 0 : index
        %get3A_818 = tpu.vector_load %arg5[%get3A_816, %get3A_817] {strides = array<i32>} : memref<4096x16xf32, #tpu.memory_space<vmem>>, vector<16xf32>,
        %get3A_819 = arith.constant 985 : i32
        %get3A_820 = arith.index_cast %get3A_819 : i32 to index
        %get3A_821 = arith.constant 0 : index
        %get3A_822 = tpu.vector_load %arg9[%get3A_820, %get3A_821] {strides = array<i32>} : memref<1000x16xf32, #tpu.memory_space<vmem>>, vector<16xf32>,
        %max3A_823 = arith.maximumf %get3A_818, %get3A_822 : vector<16xf32>
        %swap3A_824 = arith.index_cast %squeeze3A_572 : i32 to index
        %swap3A_825 = arith.constant 0 : index
        %swap3A_826 = tpu.vector_load %arg5[%swap3A_824, %swap3A_825] {strides = array<i32>} : memref<4096x16xf32, #tpu.memory_space<vmem>>, vector<16xf32>,
        tpu.vector_store %arg5[%swap3A_824, %swap3A_825], %max3A_823 {strides = array<i32>} : memref<4096x16xf32, #tpu.memory_space<vmem>>, vector<16xf32>,
        %get3A_827 = arith.index_cast %squeeze3A_574 : i32 to index
        %get3A_828 = arith.constant 0 : index
        %get3A_829 = tpu.vector_load %arg5[%get3A_827, %get3A_828] {strides = array<i32>} : memref<4096x16xf32, #tpu.memory_space<vmem>>, vector<16xf32>,
        %get3A_830 = arith.constant 986 : i32
        %get3A_831 = arith.index_cast %get3A_830 : i32 to index
        %get3A_832 = arith.constant 0 : index
        %get3A_833 = tpu.vector_load %arg9[%get3A_831, %get3A_832] {strides = array<i32>} : memref<1000x16xf32, #tpu.memory_space<vmem>>, vector<16xf32>,
        %max3A_834 = arith.maximumf %get3A_829, %get3A_833 : vector<16xf32>
        %swap3A_835 = arith.index_cast %squeeze3A_574 : i32 to index
        %swap3A_836 = arith.constant 0 : index
        %swap3A_837 = tpu.vector_load %arg5[%swap3A_835, %swap3A_836] {strides = array<i32>} : memref<4096x16xf32, #tpu.memory_space<vmem>>, vector<16xf32>,
        tpu.vector_store %arg5[%swap3A_835, %swap3A_836], %max3A_834 {strides = array<i32>} : memref<4096x16xf32, #tpu.memory_space<vmem>>, vector<16xf32>,
        %get3A_838 = arith.index_cast %squeeze3A_576 : i32 to index
        %get3A_839 = arith.constant 0 : index
        %get3A_840 = tpu.vector_load %arg5[%get3A_838, %get3A_839] {strides = array<i32>} : memref<4096x16xf32, #tpu.memory_space<vmem>>, vector<16xf32>,
        %get3A_841 = arith.constant 987 : i32
        %get3A_842 = arith.index_cast %get3A_841 : i32 to index
        %get3A_843 = arith.constant 0 : index
        %get3A_844 = tpu.vector_load %arg9[%get3A_842, %get3A_843] {strides = array<i32>} : memref<1000x16xf32, #tpu.memory_space<vmem>>, vector<16xf32>,
        %max3A_845 = arith.maximumf %get3A_840, %get3A_844 : vector<16xf32>
        %swap3A_846 = arith.index_cast %squeeze3A_576 : i32 to index
        %swap3A_847 = arith.constant 0 : index
        %swap3A_848 = tpu.vector_load %arg5[%swap3A_846, %swap3A_847] {strides = array<i32>} : memref<4096x16xf32, #tpu.memory_space<vmem>>, vector<16xf32>,
        tpu.vector_store %arg5[%swap3A_846, %swap3A_847], %max3A_845 {strides = array<i32>} : memref<4096x16xf32, #tpu.memory_space<vmem>>, vector<16xf32>,
        %get3A_849 = arith.index_cast %squeeze3A_578 : i32 to index
        %get3A_850 = arith.constant 0 : index
        %get3A_851 = tpu.vector_load %arg5[%get3A_849, %get3A_850] {strides = array<i32>} : memref<4096x16xf32, #tpu.memory_space<vmem>>, vector<16xf32>,
        %get3A_852 = arith.constant 988 : i32
        %get3A_853 = arith.index_cast %get3A_852 : i32 to index
        %get3A_854 = arith.constant 0 : index
        %get3A_855 = tpu.vector_load %arg9[%get3A_853, %get3A_854] {strides = array<i32>} : memref<1000x16xf32, #tpu.memory_space<vmem>>, vector<16xf32>,
        %max3A_856 = arith.maximumf %get3A_851, %get3A_855 : vector<16xf32>
        %swap3A_857 = arith.index_cast %squeeze3A_578 : i32 to index
        %swap3A_858 = arith.constant 0 : index
        %swap3A_859 = tpu.vector_load %arg5[%swap3A_857, %swap3A_858] {strides = array<i32>} : memref<4096x16xf32, #tpu.memory_space<vmem>>, vector<16xf32>,
        tpu.vector_store %arg5[%swap3A_857, %swap3A_858], %max3A_856 {strides = array<i32>} : memref<4096x16xf32, #tpu.memory_space<vmem>>, vector<16xf32>,
        %get3A_860 = arith.index_cast %squeeze3A_580 : i32 to index
        %get3A_861 = arith.constant 0 : index
        %get3A_862 = tpu.vector_load %arg5[%get3A_860, %get3A_861] {strides = array<i32>} : memref<4096x16xf32, #tpu.memory_space<vmem>>, vector<16xf32>,
        %get3A_863 = arith.constant 989 : i32
        %get3A_864 = arith.index_cast %get3A_863 : i32 to index
        %get3A_865 = arith.constant 0 : index
        %get3A_866 = tpu.vector_load %arg9[%get3A_864, %get3A_865] {strides = array<i32>} : memref<1000x16xf32, #tpu.memory_space<vmem>>, vector<16xf32>,
        %max3A_867 = arith.maximumf %get3A_862, %get3A_866 : vector<16xf32>
        %swap3A_868 = arith.index_cast %squeeze3A_580 : i32 to index
        %swap3A_869 = arith.constant 0 : index
        %swap3A_870 = tpu.vector_load %arg5[%swap3A_868, %swap3A_869] {strides = array<i32>} : memref<4096x16xf32, #tpu.memory_space<vmem>>, vector<16xf32>,
        tpu.vector_store %arg5[%swap3A_868, %swap3A_869], %max3A_867 {strides = array<i32>} : memref<4096x16xf32, #tpu.memory_space<vmem>>, vector<16xf32>,
        %get3A_871 = arith.index_cast %squeeze3A_582 : i32 to index
        %get3A_872 = arith.constant 0 : index
        %get3A_873 = tpu.vector_load %arg5[%get3A_871, %get3A_872] {strides = array<i32>} : memref<4096x16xf32, #tpu.memory_space<vmem>>, vector<16xf32>,
        %get3A_874 = arith.constant 990 : i32
        %get3A_875 = arith.index_cast %get3A_874 : i32 to index
        %get3A_876 = arith.constant 0 : index
        %get3A_877 = tpu.vector_load %arg9[%get3A_875, %get3A_876] {strides = array<i32>} : memref<1000x16xf32, #tpu.memory_space<vmem>>, vector<16xf32>,
        %max3A_878 = arith.maximumf %get3A_873, %get3A_877 : vector<16xf32>
        %swap3A_879 = arith.index_cast %squeeze3A_582 : i32 to index
        %swap3A_880 = arith.constant 0 : index
        %swap3A_881 = tpu.vector_load %arg5[%swap3A_879, %swap3A_880] {strides = array<i32>} : memref<4096x16xf32, #tpu.memory_space<vmem>>, vector<16xf32>,
        tpu.vector_store %arg5[%swap3A_879, %swap3A_880], %max3A_878 {strides = array<i32>} : memref<4096x16xf32, #tpu.memory_space<vmem>>, vector<16xf32>,
        %get3A_882 = arith.index_cast %squeeze3A_584 : i32 to index
        %get3A_883 = arith.constant 0 : index
        %get3A_884 = tpu.vector_load %arg5[%get3A_882, %get3A_883] {strides = array<i32>} : memref<4096x16xf32, #tpu.memory_space<vmem>>, vector<16xf32>,
        %get3A_885 = arith.constant 991 : i32
        %get3A_886 = arith.index_cast %get3A_885 : i32 to index
        %get3A_887 = arith.constant 0 : index
        %get3A_888 = tpu.vector_load %arg9[%get3A_886, %get3A_887] {strides = array<i32>} : memref<1000x16xf32, #tpu.memory_space<vmem>>, vector<16xf32>,
        %max3A_889 = arith.maximumf %get3A_884, %get3A_888 : vector<16xf32>
        %swap3A_890 = arith.index_cast %squeeze3A_584 : i32 to index
        %swap3A_891 = arith.constant 0 : index
        %swap3A_892 = tpu.vector_load %arg5[%swap3A_890, %swap3A_891] {strides = array<i32>} : memref<4096x16xf32, #tpu.memory_space<vmem>>, vector<16xf32>,
        tpu.vector_store %arg5[%swap3A_890, %swap3A_891], %max3A_889 {strides = array<i32>} : memref<4096x16xf32, #tpu.memory_space<vmem>>, vector<16xf32>,
        %get3A_893 = arith.index_cast %squeeze3A_586 : i32 to index
        %get3A_894 = arith.constant 0 : index
        %get3A_895 = tpu.vector_load %arg5[%get3A_893, %get3A_894] {strides = array<i32>} : memref<4096x16xf32, #tpu.memory_space<vmem>>, vector<16xf32>,
        %get3A_896 = arith.constant 992 : i32
        %get3A_897 = arith.index_cast %get3A_896 : i32 to index
        %get3A_898 = arith.constant 0 : index
        %get3A_899 = tpu.vector_load %arg9[%get3A_897, %get3A_898] {strides = array<i32>} : memref<1000x16xf32, #tpu.memory_space<vmem>>, vector<16xf32>,
        %max3A_900 = arith.maximumf %get3A_895, %get3A_899 : vector<16xf32>
        %swap3A_901 = arith.index_cast %squeeze3A_586 : i32 to index
        %swap3A_902 = arith.constant 0 : index
        %swap3A_903 = tpu.vector_load %arg5[%swap3A_901, %swap3A_902] {strides = array<i32>} : memref<4096x16xf32, #tpu.memory_space<vmem>>, vector<16xf32>,
        tpu.vector_store %arg5[%swap3A_901, %swap3A_902], %max3A_900 {strides = array<i32>} : memref<4096x16xf32, #tpu.memory_space<vmem>>, vector<16xf32>,
        %get3A_904 = arith.index_cast %squeeze3A_588 : i32 to index
        %get3A_905 = arith.constant 0 : index
        %get3A_906 = tpu.vector_load %arg5[%get3A_904, %get3A_905] {strides = array<i32>} : memref<4096x16xf32, #tpu.memory_space<vmem>>, vector<16xf32>,
        %get3A_907 = arith.constant 993 : i32
        %get3A_908 = arith.index_cast %get3A_907 : i32 to index
        %get3A_909 = arith.constant 0 : index
        %get3A_910 = tpu.vector_load %arg9[%get3A_908, %get3A_909] {strides = array<i32>} : memref<1000x16xf32, #tpu.memory_space<vmem>>, vector<16xf32>,
        %max3A_911 = arith.maximumf %get3A_906, %get3A_910 : vector<16xf32>
        %swap3A_912 = arith.index_cast %squeeze3A_588 : i32 to index
        %swap3A_913 = arith.constant 0 : index
        %swap3A_914 = tpu.vector_load %arg5[%swap3A_912, %swap3A_913] {strides = array<i32>} : memref<4096x16xf32, #tpu.memory_space<vmem>>, vector<16xf32>,
        tpu.vector_store %arg5[%swap3A_912, %swap3A_913], %max3A_911 {strides = array<i32>} : memref<4096x16xf32, #tpu.memory_space<vmem>>, vector<16xf32>,
        %get3A_915 = arith.index_cast %squeeze3A_590 : i32 to index
        %get3A_916 = arith.constant 0 : index
        %get3A_917 = tpu.vector_load %arg5[%get3A_915, %get3A_916] {strides = array<i32>} : memref<4096x16xf32, #tpu.memory_space<vmem>>, vector<16xf32>,
        %get3A_918 = arith.constant 994 : i32
        %get3A_919 = arith.index_cast %get3A_918 : i32 to index
        %get3A_920 = arith.constant 0 : index
        %get3A_921 = tpu.vector_load %arg9[%get3A_919, %get3A_920] {strides = array<i32>} : memref<1000x16xf32, #tpu.memory_space<vmem>>, vector<16xf32>,
        %max3A_922 = arith.maximumf %get3A_917, %get3A_921 : vector<16xf32>
        %swap3A_923 = arith.index_cast %squeeze3A_590 : i32 to index
        %swap3A_924 = arith.constant 0 : index
        %swap3A_925 = tpu.vector_load %arg5[%swap3A_923, %swap3A_924] {strides = array<i32>} : memref<4096x16xf32, #tpu.memory_space<vmem>>, vector<16xf32>,
        tpu.vector_store %arg5[%swap3A_923, %swap3A_924], %max3A_922 {strides = array<i32>} : memref<4096x16xf32, #tpu.memory_space<vmem>>, vector<16xf32>,
        %get3A_926 = arith.index_cast %squeeze3A_592 : i32 to index
        %get3A_927 = arith.constant 0 : index
        %get3A_928 = tpu.vector_load %arg5[%get3A_926, %get3A_927] {strides = array<i32>} : memref<4096x16xf32, #tpu.memory_space<vmem>>, vector<16xf32>,
        %get3A_929 = arith.constant 995 : i32
        %get3A_930 = arith.index_cast %get3A_929 : i32 to index
        %get3A_931 = arith.constant 0 : index
        %get3A_932 = tpu.vector_load %arg9[%get3A_930, %get3A_931] {strides = array<i32>} : memref<1000x16xf32, #tpu.memory_space<vmem>>, vector<16xf32>,
        %max3A_933 = arith.maximumf %get3A_928, %get3A_932 : vector<16xf32>
        %swap3A_934 = arith.index_cast %squeeze3A_592 : i32 to index
        %swap3A_935 = arith.constant 0 : index
        %swap3A_936 = tpu.vector_load %arg5[%swap3A_934, %swap3A_935] {strides = array<i32>} : memref<4096x16xf32, #tpu.memory_space<vmem>>, vector<16xf32>,
        tpu.vector_store %arg5[%swap3A_934, %swap3A_935], %max3A_933 {strides = array<i32>} : memref<4096x16xf32, #tpu.memory_space<vmem>>, vector<16xf32>,
        %get3A_937 = arith.index_cast %squeeze3A_594 : i32 to index
        %get3A_938 = arith.constant 0 : index
        %get3A_939 = tpu.vector_load %arg5[%get3A_937, %get3A_938] {strides = array<i32>} : memref<4096x16xf32, #tpu.memory_space<vmem>>, vector<16xf32>,
        %get3A_940 = arith.constant 996 : i32
        %get3A_941 = arith.index_cast %get3A_940 : i32 to index
        %get3A_942 = arith.constant 0 : index
        %get3A_943 = tpu.vector_load %arg9[%get3A_941, %get3A_942] {strides = array<i32>} : memref<1000x16xf32, #tpu.memory_space<vmem>>, vector<16xf32>,
        %max3A_944 = arith.maximumf %get3A_939, %get3A_943 : vector<16xf32>
        %swap3A_945 = arith.index_cast %squeeze3A_594 : i32 to index
        %swap3A_946 = arith.constant 0 : index
        %swap3A_947 = tpu.vector_load %arg5[%swap3A_945, %swap3A_946] {strides = array<i32>} : memref<4096x16xf32, #tpu.memory_space<vmem>>, vector<16xf32>,
        tpu.vector_store %arg5[%swap3A_945, %swap3A_946], %max3A_944 {strides = array<i32>} : memref<4096x16xf32, #tpu.memory_space<vmem>>, vector<16xf32>,
        %get3A_948 = arith.index_cast %squeeze3A_596 : i32 to index
        %get3A_949 = arith.constant 0 : index
        %get3A_950 = tpu.vector_load %arg5[%get3A_948, %get3A_949] {strides = array<i32>} : memref<4096x16xf32, #tpu.memory_space<vmem>>, vector<16xf32>,
        %get3A_951 = arith.constant 997 : i32
        %get3A_952 = arith.index_cast %get3A_951 : i32 to index
        %get3A_953 = arith.constant 0 : index
        %get3A_954 = tpu.vector_load %arg9[%get3A_952, %get3A_953] {strides = array<i32>} : memref<1000x16xf32, #tpu.memory_space<vmem>>, vector<16xf32>,
        %max3A_955 = arith.maximumf %get3A_950, %get3A_954 : vector<16xf32>
        %swap3A_956 = arith.index_cast %squeeze3A_596 : i32 to index
        %swap3A_957 = arith.constant 0 : index
        %swap3A_958 = tpu.vector_load %arg5[%swap3A_956, %swap3A_957] {strides = array<i32>} : memref<4096x16xf32, #tpu.memory_space<vmem>>, vector<16xf32>,
        tpu.vector_store %arg5[%swap3A_956, %swap3A_957], %max3A_955 {strides = array<i32>} : memref<4096x16xf32, #tpu.memory_space<vmem>>, vector<16xf32>,
        %get3A_959 = arith.index_cast %squeeze3A_598 : i32 to index
        %get3A_960 = arith.constant 0 : index
        %get3A_961 = tpu.vector_load %arg5[%get3A_959, %get3A_960] {strides = array<i32>} : memref<4096x16xf32, #tpu.memory_space<vmem>>, vector<16xf32>,
        %get3A_962 = arith.constant 998 : i32
        %get3A_963 = arith.index_cast %get3A_962 : i32 to index
        %get3A_964 = arith.constant 0 : index
        %get3A_965 = tpu.vector_load %arg9[%get3A_963, %get3A_964] {strides = array<i32>} : memref<1000x16xf32, #tpu.memory_space<vmem>>, vector<16xf32>,
        %max3A_966 = arith.maximumf %get3A_961, %get3A_965 : vector<16xf32>
        %swap3A_967 = arith.index_cast %squeeze3A_598 : i32 to index
        %swap3A_968 = arith.constant 0 : index
        %swap3A_969 = tpu.vector_load %arg5[%swap3A_967, %swap3A_968] {strides = array<i32>} : memref<4096x16xf32, #tpu.memory_space<vmem>>, vector<16xf32>,
        tpu.vector_store %arg5[%swap3A_967, %swap3A_968], %max3A_966 {strides = array<i32>} : memref<4096x16xf32, #tpu.memory_space<vmem>>, vector<16xf32>,
        %get3A_970 = arith.index_cast %squeeze3A_600 : i32 to index
        %get3A_971 = arith.constant 0 : index
        %get3A_972 = tpu.vector_load %arg5[%get3A_970, %get3A_971] {strides = array<i32>} : memref<4096x16xf32, #tpu.memory_space<vmem>>, vector<16xf32>,
        %get3A_973 = arith.constant 999 : i32
        %get3A_974 = arith.index_cast %get3A_973 : i32 to index
        %get3A_975 = arith.constant 0 : index
        %get3A_976 = tpu.vector_load %arg9[%get3A_974, %get3A_975] {strides = array<i32>} : memref<1000x16xf32, #tpu.memory_space<vmem>>, vector<16xf32>,
        %max3A_977 = arith.maximumf %get3A_972, %get3A_976 : vector<16xf32>
        %swap3A_978 = arith.index_cast %squeeze3A_600 : i32 to index
        %swap3A_979 = arith.constant 0 : index
        %swap3A_980 = tpu.vector_load %arg5[%swap3A_978, %swap3A_979] {strides = array<i32>} : memref<4096x16xf32, #tpu.memory_space<vmem>>, vector<16xf32>,
        tpu.vector_store %arg5[%swap3A_978, %swap3A_979], %max3A_977 {strides = array<i32>} : memref<4096x16xf32, #tpu.memory_space<vmem>>, vector<16xf32>,
      } else {
      }
      %add3A_798 = arith.constant 2 : i32
      %add3A_799 = arith.addi %add3A_552, %add3A_798 : i32
      %lt3A_800 = arith.constant 125 : i32
      %lt3A_801 = arith.cmpi slt, %add3A_799, %lt3A_800 : i32
      %convert_element_type3A_802 = arith.extui %lt3A_801 : i1 to i32
      %cond3A_803 = arith.constant 0 : i32
      %cond3A_804 = arith.cmpi ne, %convert_element_type3A_802, %cond3A_803 : i32
      scf.if %cond3A_804 {
        %add3A_805 = arith.constant 2 : i32
        %add3A_806 = arith.addi %add3A_552, %add3A_805 : i32
        %mul3A_807 = arith.constant 1000 : i32
        %mul3A_808 = arith.muli %add3A_806, %mul3A_807 : i32
        %add3A_809 = arith.addi %mul3A_40, %mul3A_808 : i32
        %dma_start3A_810 = tpu.memref_slice %arg3[%add3A_809] : memref<500000xi32, #tpu.memory_space<hbm>> -> memref<1000xi32, #tpu.memory_space<hbm>>
        %dma_start3A_811 = tpu.memref_slice %arg3[%add3A_809] : memref<500000xi32, #tpu.memory_space<hbm>> -> memref<1000xi32, #tpu.memory_space<hbm>>
        tpu.enqueue_dma source(%dma_start3A_811 : memref<1000xi32, #tpu.memory_space<hbm>>) target(%arg7 : memref<1000xi32, #tpu.memory_space<vmem>>) target_semaphore(%arg11 : memref<!tpu.dma_semaphore, #tpu.memory_space<semaphore_mem>>)
        %dma_start3A_812 = tpu.memref_slice %arg2[%add3A_809, %mul3A_32] : memref<500000x128xf32, #tpu.memory_space<hbm>> -> memref<1000x16xf32, #tpu.memory_space<hbm>>
        %dma_start3A_813 = tpu.memref_slice %arg2[%add3A_809, %mul3A_32] : memref<500000x128xf32, #tpu.memory_space<hbm>> -> memref<1000x16xf32, #tpu.memory_space<hbm>>
        tpu.enqueue_dma source(%dma_start3A_813 : memref<1000x16xf32, #tpu.memory_space<hbm>>) target(%arg9 : memref<1000x16xf32, #tpu.memory_space<vmem>>) target_semaphore(%arg11 : memref<!tpu.dma_semaphore, #tpu.memory_space<semaphore_mem>>)
      } else {
      }
    }
    %scan3A_57 = arith.constant 62 : i32
    %dma_wait3A = arith.constant 0 : i32
    %dma_wait3A_58 = tpu.memref_slice %arg3[%dma_wait3A] : memref<500000xi32, #tpu.memory_space<hbm>> -> memref<1000xi32, #tpu.memory_space<hbm>>
    %dma_wait3A_59 = arith.constant 0 : i32
    %dma_wait3A_60 = tpu.memref_slice %arg3[%dma_wait3A_59] : memref<500000xi32, #tpu.memory_space<hbm>> -> memref<1000xi32, #tpu.memory_space<hbm>>
    tpu.wait_dma2 semaphore(%arg10 : memref<!tpu.dma_semaphore, #tpu.memory_space<semaphore_mem>>) src(%dma_wait3A_60 : memref<1000xi32, #tpu.memory_space<hbm>>) dst(%arg6 : memref<1000xi32, #tpu.memory_space<vmem>>)
    %dma_wait3A_61 = arith.constant 0 : i32
    %dma_wait3A_62 = tpu.memref_slice %arg2[%dma_wait3A_61, %mul3A_32] : memref<500000x128xf32, #tpu.memory_space<hbm>> -> memref<1000x16xf32, #tpu.memory_space<hbm>>
    %dma_wait3A_63 = arith.constant 0 : i32
    %dma_wait3A_64 = tpu.memref_slice %arg2[%dma_wait3A_63, %mul3A_32] : memref<500000x128xf32, #tpu.memory_space<hbm>> -> memref<1000x16xf32, #tpu.memory_space<hbm>>
    tpu.wait_dma2 semaphore(%arg10 : memref<!tpu.dma_semaphore, #tpu.memory_space<semaphore_mem>>) src(%dma_wait3A_64 : memref<1000x16xf32, #tpu.memory_space<hbm>>) dst(%arg8 : memref<1000x16xf32, #tpu.memory_space<vmem>>)
    %scan3A_65 = arith.constant 0 : i32
    %scan3A_66 = arith.constant 0 : i32
    %scan3A_67 = arith.constant 62 : i32
    %scan3A_68 = arith.addi %scan3A_66, %scan3A_67 : i32
    %scan3A_69 = arith.constant 1 : i32
    scf.for %scan3A_292 = %scan3A_66 to %scan3A_68 step %scan3A_69  : i32 {
      %mul3A_293 = arith.constant 16 : i32
      %mul3A_294 = arith.muli %scan3A_292, %mul3A_293 : i32
      %get3A_295 = arith.index_cast %mul3A_294 : i32 to index
      %get3A_296 = tpu.vector_load %arg6[%get3A_295] {strides = array<i32>} : memref<1000xi32, #tpu.memory_space<vmem>>, vector<16xi32>,
      %slice3A_297 = vector.extract_strided_slice %get3A_296 {offsets = [0], sizes = [1], strides = [1]} : vector<16xi32> to vector<1xi32>
      %squeeze3A_298 = vector.extract %slice3A_297[0] : i32 from vector<1xi32>
      %slice3A_299 = vector.extract_strided_slice %get3A_296 {offsets = [1], sizes = [1], strides = [1]} : vector<16xi32> to vector<1xi32>
      %squeeze3A_300 = vector.extract %slice3A_299[0] : i32 from vector<1xi32>
      %slice3A_301 = vector.extract_strided_slice %get3A_296 {offsets = [2], sizes = [1], strides = [1]} : vector<16xi32> to vector<1xi32>
      %squeeze3A_302 = vector.extract %slice3A_301[0] : i32 from vector<1xi32>
      %slice3A_303 = vector.extract_strided_slice %get3A_296 {offsets = [3], sizes = [1], strides = [1]} : vector<16xi32> to vector<1xi32>
      %squeeze3A_304 = vector.extract %slice3A_303[0] : i32 from vector<1xi32>
      %slice3A_305 = vector.extract_strided_slice %get3A_296 {offsets = [4], sizes = [1], strides = [1]} : vector<16xi32> to vector<1xi32>
      %squeeze3A_306 = vector.extract %slice3A_305[0] : i32 from vector<1xi32>
      %slice3A_307 = vector.extract_strided_slice %get3A_296 {offsets = [5], sizes = [1], strides = [1]} : vector<16xi32> to vector<1xi32>
      %squeeze3A_308 = vector.extract %slice3A_307[0] : i32 from vector<1xi32>
      %slice3A_309 = vector.extract_strided_slice %get3A_296 {offsets = [6], sizes = [1], strides = [1]} : vector<16xi32> to vector<1xi32>
      %squeeze3A_310 = vector.extract %slice3A_309[0] : i32 from vector<1xi32>
      %slice3A_311 = vector.extract_strided_slice %get3A_296 {offsets = [7], sizes = [1], strides = [1]} : vector<16xi32> to vector<1xi32>
      %squeeze3A_312 = vector.extract %slice3A_311[0] : i32 from vector<1xi32>
      %slice3A_313 = vector.extract_strided_slice %get3A_296 {offsets = [8], sizes = [1], strides = [1]} : vector<16xi32> to vector<1xi32>
      %squeeze3A_314 = vector.extract %slice3A_313[0] : i32 from vector<1xi32>
      %slice3A_315 = vector.extract_strided_slice %get3A_296 {offsets = [9], sizes = [1], strides = [1]} : vector<16xi32> to vector<1xi32>
      %squeeze3A_316 = vector.extract %slice3A_315[0] : i32 from vector<1xi32>
      %slice3A_317 = vector.extract_strided_slice %get3A_296 {offsets = [10], sizes = [1], strides = [1]} : vector<16xi32> to vector<1xi32>
      %squeeze3A_318 = vector.extract %slice3A_317[0] : i32 from vector<1xi32>
      %slice3A_319 = vector.extract_strided_slice %get3A_296 {offsets = [11], sizes = [1], strides = [1]} : vector<16xi32> to vector<1xi32>
      %squeeze3A_320 = vector.extract %slice3A_319[0] : i32 from vector<1xi32>
      %slice3A_321 = vector.extract_strided_slice %get3A_296 {offsets = [12], sizes = [1], strides = [1]} : vector<16xi32> to vector<1xi32>
      %squeeze3A_322 = vector.extract %slice3A_321[0] : i32 from vector<1xi32>
      %slice3A_323 = vector.extract_strided_slice %get3A_296 {offsets = [13], sizes = [1], strides = [1]} : vector<16xi32> to vector<1xi32>
      %squeeze3A_324 = vector.extract %slice3A_323[0] : i32 from vector<1xi32>
      %slice3A_325 = vector.extract_strided_slice %get3A_296 {offsets = [14], sizes = [1], strides = [1]} : vector<16xi32> to vector<1xi32>
      %squeeze3A_326 = vector.extract %slice3A_325[0] : i32 from vector<1xi32>
      %slice3A_327 = vector.extract_strided_slice %get3A_296 {offsets = [15], sizes = [1], strides = [1]} : vector<16xi32> to vector<1xi32>
      %squeeze3A_328 = vector.extract %slice3A_327[0] : i32 from vector<1xi32>
      %get3A_329 = arith.index_cast %squeeze3A_298 : i32 to index
      %get3A_330 = arith.constant 0 : index
      %get3A_331 = tpu.vector_load %arg5[%get3A_329, %get3A_330] {strides = array<i32>} : memref<4096x16xf32, #tpu.memory_space<vmem>>, vector<16xf32>,
      %add3A_332 = arith.constant 0 : i32
      %add3A_333 = arith.addi %mul3A_294, %add3A_332 : i32
      %get3A_334 = arith.index_cast %add3A_333 : i32 to index
      %get3A_335 = arith.constant 0 : index
      %get3A_336 = tpu.vector_load %arg8[%get3A_334, %get3A_335] {strides = array<i32>} : memref<1000x16xf32, #tpu.memory_space<vmem>>, vector<16xf32>,
      %max3A_337 = arith.maximumf %get3A_331, %get3A_336 : vector<16xf32>
      %get3A_338 = arith.index_cast %squeeze3A_300 : i32 to index
      %get3A_339 = arith.constant 0 : index
      %get3A_340 = tpu.vector_load %arg5[%get3A_338, %get3A_339] {strides = array<i32>} : memref<4096x16xf32, #tpu.memory_space<vmem>>, vector<16xf32>,
      %add3A_341 = arith.constant 1 : i32
      %add3A_342 = arith.addi %mul3A_294, %add3A_341 : i32
      %get3A_343 = arith.index_cast %add3A_342 : i32 to index
      %get3A_344 = arith.constant 0 : index
      %get3A_345 = tpu.vector_load %arg8[%get3A_343, %get3A_344] {strides = array<i32>} : memref<1000x16xf32, #tpu.memory_space<vmem>>, vector<16xf32>,
      %max3A_346 = arith.maximumf %get3A_340, %get3A_345 : vector<16xf32>
      %get3A_347 = arith.index_cast %squeeze3A_302 : i32 to index
      %get3A_348 = arith.constant 0 : index
      %get3A_349 = tpu.vector_load %arg5[%get3A_347, %get3A_348] {strides = array<i32>} : memref<4096x16xf32, #tpu.memory_space<vmem>>, vector<16xf32>,
      %add3A_350 = arith.constant 2 : i32
      %add3A_351 = arith.addi %mul3A_294, %add3A_350 : i32
      %get3A_352 = arith.index_cast %add3A_351 : i32 to index
      %get3A_353 = arith.constant 0 : index
      %get3A_354 = tpu.vector_load %arg8[%get3A_352, %get3A_353] {strides = array<i32>} : memref<1000x16xf32, #tpu.memory_space<vmem>>, vector<16xf32>,
      %max3A_355 = arith.maximumf %get3A_349, %get3A_354 : vector<16xf32>
      %get3A_356 = arith.index_cast %squeeze3A_304 : i32 to index
      %get3A_357 = arith.constant 0 : index
      %get3A_358 = tpu.vector_load %arg5[%get3A_356, %get3A_357] {strides = array<i32>} : memref<4096x16xf32, #tpu.memory_space<vmem>>, vector<16xf32>,
      %add3A_359 = arith.constant 3 : i32
      %add3A_360 = arith.addi %mul3A_294, %add3A_359 : i32
      %get3A_361 = arith.index_cast %add3A_360 : i32 to index
      %get3A_362 = arith.constant 0 : index
      %get3A_363 = tpu.vector_load %arg8[%get3A_361, %get3A_362] {strides = array<i32>} : memref<1000x16xf32, #tpu.memory_space<vmem>>, vector<16xf32>,
      %max3A_364 = arith.maximumf %get3A_358, %get3A_363 : vector<16xf32>
      %get3A_365 = arith.index_cast %squeeze3A_306 : i32 to index
      %get3A_366 = arith.constant 0 : index
      %get3A_367 = tpu.vector_load %arg5[%get3A_365, %get3A_366] {strides = array<i32>} : memref<4096x16xf32, #tpu.memory_space<vmem>>, vector<16xf32>,
      %add3A_368 = arith.constant 4 : i32
      %add3A_369 = arith.addi %mul3A_294, %add3A_368 : i32
      %get3A_370 = arith.index_cast %add3A_369 : i32 to index
      %get3A_371 = arith.constant 0 : index
      %get3A_372 = tpu.vector_load %arg8[%get3A_370, %get3A_371] {strides = array<i32>} : memref<1000x16xf32, #tpu.memory_space<vmem>>, vector<16xf32>,
      %max3A_373 = arith.maximumf %get3A_367, %get3A_372 : vector<16xf32>
      %get3A_374 = arith.index_cast %squeeze3A_308 : i32 to index
      %get3A_375 = arith.constant 0 : index
      %get3A_376 = tpu.vector_load %arg5[%get3A_374, %get3A_375] {strides = array<i32>} : memref<4096x16xf32, #tpu.memory_space<vmem>>, vector<16xf32>,
      %add3A_377 = arith.constant 5 : i32
      %add3A_378 = arith.addi %mul3A_294, %add3A_377 : i32
      %get3A_379 = arith.index_cast %add3A_378 : i32 to index
      %get3A_380 = arith.constant 0 : index
      %get3A_381 = tpu.vector_load %arg8[%get3A_379, %get3A_380] {strides = array<i32>} : memref<1000x16xf32, #tpu.memory_space<vmem>>, vector<16xf32>,
      %max3A_382 = arith.maximumf %get3A_376, %get3A_381 : vector<16xf32>
      %get3A_383 = arith.index_cast %squeeze3A_310 : i32 to index
      %get3A_384 = arith.constant 0 : index
      %get3A_385 = tpu.vector_load %arg5[%get3A_383, %get3A_384] {strides = array<i32>} : memref<4096x16xf32, #tpu.memory_space<vmem>>, vector<16xf32>,
      %add3A_386 = arith.constant 6 : i32
      %add3A_387 = arith.addi %mul3A_294, %add3A_386 : i32
      %get3A_388 = arith.index_cast %add3A_387 : i32 to index
      %get3A_389 = arith.constant 0 : index
      %get3A_390 = tpu.vector_load %arg8[%get3A_388, %get3A_389] {strides = array<i32>} : memref<1000x16xf32, #tpu.memory_space<vmem>>, vector<16xf32>,
      %max3A_391 = arith.maximumf %get3A_385, %get3A_390 : vector<16xf32>
      %get3A_392 = arith.index_cast %squeeze3A_312 : i32 to index
      %get3A_393 = arith.constant 0 : index
      %get3A_394 = tpu.vector_load %arg5[%get3A_392, %get3A_393] {strides = array<i32>} : memref<4096x16xf32, #tpu.memory_space<vmem>>, vector<16xf32>,
      %add3A_395 = arith.constant 7 : i32
      %add3A_396 = arith.addi %mul3A_294, %add3A_395 : i32
      %get3A_397 = arith.index_cast %add3A_396 : i32 to index
      %get3A_398 = arith.constant 0 : index
      %get3A_399 = tpu.vector_load %arg8[%get3A_397, %get3A_398] {strides = array<i32>} : memref<1000x16xf32, #tpu.memory_space<vmem>>, vector<16xf32>,
      %max3A_400 = arith.maximumf %get3A_394, %get3A_399 : vector<16xf32>
      %get3A_401 = arith.index_cast %squeeze3A_314 : i32 to index
      %get3A_402 = arith.constant 0 : index
      %get3A_403 = tpu.vector_load %arg5[%get3A_401, %get3A_402] {strides = array<i32>} : memref<4096x16xf32, #tpu.memory_space<vmem>>, vector<16xf32>,
      %add3A_404 = arith.constant 8 : i32
      %add3A_405 = arith.addi %mul3A_294, %add3A_404 : i32
      %get3A_406 = arith.index_cast %add3A_405 : i32 to index
      %get3A_407 = arith.constant 0 : index
      %get3A_408 = tpu.vector_load %arg8[%get3A_406, %get3A_407] {strides = array<i32>} : memref<1000x16xf32, #tpu.memory_space<vmem>>, vector<16xf32>,
      %max3A_409 = arith.maximumf %get3A_403, %get3A_408 : vector<16xf32>
      %get3A_410 = arith.index_cast %squeeze3A_316 : i32 to index
      %get3A_411 = arith.constant 0 : index
      %get3A_412 = tpu.vector_load %arg5[%get3A_410, %get3A_411] {strides = array<i32>} : memref<4096x16xf32, #tpu.memory_space<vmem>>, vector<16xf32>,
      %add3A_413 = arith.constant 9 : i32
      %add3A_414 = arith.addi %mul3A_294, %add3A_413 : i32
      %get3A_415 = arith.index_cast %add3A_414 : i32 to index
      %get3A_416 = arith.constant 0 : index
      %get3A_417 = tpu.vector_load %arg8[%get3A_415, %get3A_416] {strides = array<i32>} : memref<1000x16xf32, #tpu.memory_space<vmem>>, vector<16xf32>,
      %max3A_418 = arith.maximumf %get3A_412, %get3A_417 : vector<16xf32>
      %get3A_419 = arith.index_cast %squeeze3A_318 : i32 to index
      %get3A_420 = arith.constant 0 : index
      %get3A_421 = tpu.vector_load %arg5[%get3A_419, %get3A_420] {strides = array<i32>} : memref<4096x16xf32, #tpu.memory_space<vmem>>, vector<16xf32>,
      %add3A_422 = arith.constant 10 : i32
      %add3A_423 = arith.addi %mul3A_294, %add3A_422 : i32
      %get3A_424 = arith.index_cast %add3A_423 : i32 to index
      %get3A_425 = arith.constant 0 : index
      %get3A_426 = tpu.vector_load %arg8[%get3A_424, %get3A_425] {strides = array<i32>} : memref<1000x16xf32, #tpu.memory_space<vmem>>, vector<16xf32>,
      %max3A_427 = arith.maximumf %get3A_421, %get3A_426 : vector<16xf32>
      %get3A_428 = arith.index_cast %squeeze3A_320 : i32 to index
      %get3A_429 = arith.constant 0 : index
      %get3A_430 = tpu.vector_load %arg5[%get3A_428, %get3A_429] {strides = array<i32>} : memref<4096x16xf32, #tpu.memory_space<vmem>>, vector<16xf32>,
      %add3A_431 = arith.constant 11 : i32
      %add3A_432 = arith.addi %mul3A_294, %add3A_431 : i32
      %get3A_433 = arith.index_cast %add3A_432 : i32 to index
      %get3A_434 = arith.constant 0 : index
      %get3A_435 = tpu.vector_load %arg8[%get3A_433, %get3A_434] {strides = array<i32>} : memref<1000x16xf32, #tpu.memory_space<vmem>>, vector<16xf32>,
      %max3A_436 = arith.maximumf %get3A_430, %get3A_435 : vector<16xf32>
      %get3A_437 = arith.index_cast %squeeze3A_322 : i32 to index
      %get3A_438 = arith.constant 0 : index
      %get3A_439 = tpu.vector_load %arg5[%get3A_437, %get3A_438] {strides = array<i32>} : memref<4096x16xf32, #tpu.memory_space<vmem>>, vector<16xf32>,
      %add3A_440 = arith.constant 12 : i32
      %add3A_441 = arith.addi %mul3A_294, %add3A_440 : i32
      %get3A_442 = arith.index_cast %add3A_441 : i32 to index
      %get3A_443 = arith.constant 0 : index
      %get3A_444 = tpu.vector_load %arg8[%get3A_442, %get3A_443] {strides = array<i32>} : memref<1000x16xf32, #tpu.memory_space<vmem>>, vector<16xf32>,
      %max3A_445 = arith.maximumf %get3A_439, %get3A_444 : vector<16xf32>
      %get3A_446 = arith.index_cast %squeeze3A_324 : i32 to index
      %get3A_447 = arith.constant 0 : index
      %get3A_448 = tpu.vector_load %arg5[%get3A_446, %get3A_447] {strides = array<i32>} : memref<4096x16xf32, #tpu.memory_space<vmem>>, vector<16xf32>,
      %add3A_449 = arith.constant 13 : i32
      %add3A_450 = arith.addi %mul3A_294, %add3A_449 : i32
      %get3A_451 = arith.index_cast %add3A_450 : i32 to index
      %get3A_452 = arith.constant 0 : index
      %get3A_453 = tpu.vector_load %arg8[%get3A_451, %get3A_452] {strides = array<i32>} : memref<1000x16xf32, #tpu.memory_space<vmem>>, vector<16xf32>,
      %max3A_454 = arith.maximumf %get3A_448, %get3A_453 : vector<16xf32>
      %get3A_455 = arith.index_cast %squeeze3A_326 : i32 to index
      %get3A_456 = arith.constant 0 : index
      %get3A_457 = tpu.vector_load %arg5[%get3A_455, %get3A_456] {strides = array<i32>} : memref<4096x16xf32, #tpu.memory_space<vmem>>, vector<16xf32>,
      %add3A_458 = arith.constant 14 : i32
      %add3A_459 = arith.addi %mul3A_294, %add3A_458 : i32
      %get3A_460 = arith.index_cast %add3A_459 : i32 to index
      %get3A_461 = arith.constant 0 : index
      %get3A_462 = tpu.vector_load %arg8[%get3A_460, %get3A_461] {strides = array<i32>} : memref<1000x16xf32, #tpu.memory_space<vmem>>, vector<16xf32>,
      %max3A_463 = arith.maximumf %get3A_457, %get3A_462 : vector<16xf32>
      %get3A_464 = arith.index_cast %squeeze3A_328 : i32 to index
      %get3A_465 = arith.constant 0 : index
      %get3A_466 = tpu.vector_load %arg5[%get3A_464, %get3A_465] {strides = array<i32>} : memref<4096x16xf32, #tpu.memory_space<vmem>>, vector<16xf32>,
      %add3A_467 = arith.constant 15 : i32
      %add3A_468 = arith.addi %mul3A_294, %add3A_467 : i32
      %get3A_469 = arith.index_cast %add3A_468 : i32 to index
      %get3A_470 = arith.constant 0 : index
      %get3A_471 = tpu.vector_load %arg8[%get3A_469, %get3A_470] {strides = array<i32>} : memref<1000x16xf32, #tpu.memory_space<vmem>>, vector<16xf32>,
      %max3A_472 = arith.maximumf %get3A_466, %get3A_471 : vector<16xf32>
      %broadcast_in_dim3A_473 = arith.constant true
      %broadcast_in_dim3A_474 = vector.broadcast %broadcast_in_dim3A_473 : i1 to vector<16xi1>
      %unique3A_475, %unique3A_476 = tpu.scan_count mask(%broadcast_in_dim3A_474 : vector<16xi1>) value(%get3A_296 : vector<16xi32>) : vector<16xi1>, vector<16xi32>
      %slice3A_477 = vector.extract_strided_slice %unique3A_476 {offsets = [0], sizes = [1], strides = [1]} : vector<16xi32> to vector<1xi32>
      %squeeze3A_478 = vector.extract %slice3A_477[0] : i32 from vector<1xi32>
      %broadcast_in_dim3A_479 = vector.broadcast %squeeze3A_478 : i32 to vector<16xi32>
      %ne3A_480 = arith.cmpi ne, %unique3A_476, %broadcast_in_dim3A_479 : vector<16xi32>
      %all_reduce_population_count3A_481 = tpu.all_reduce %ne3A_480 {dim = 0 : i64, kind = #tpu.reduction_kind<sum>} : vector<16xi1> -> vector<16xi32>
      %slice3A_482 = vector.extract_strided_slice %all_reduce_population_count3A_481 {offsets = [0], sizes = [1], strides = [1]} : vector<16xi32> to vector<1xi32>
      %squeeze3A_483 = vector.extract %slice3A_482[0] : i32 from vector<1xi32>
      %swap3A_484 = arith.index_cast %squeeze3A_298 : i32 to index
      %swap3A_485 = arith.constant 0 : index
      %swap3A_486 = tpu.vector_load %arg5[%swap3A_484, %swap3A_485] {strides = array<i32>} : memref<4096x16xf32, #tpu.memory_space<vmem>>, vector<16xf32>,
      tpu.vector_store %arg5[%swap3A_484, %swap3A_485], %max3A_337 {strides = array<i32>} : memref<4096x16xf32, #tpu.memory_space<vmem>>, vector<16xf32>,
      %swap3A_487 = arith.index_cast %squeeze3A_300 : i32 to index
      %swap3A_488 = arith.constant 0 : index
      %swap3A_489 = tpu.vector_load %arg5[%swap3A_487, %swap3A_488] {strides = array<i32>} : memref<4096x16xf32, #tpu.memory_space<vmem>>, vector<16xf32>,
      tpu.vector_store %arg5[%swap3A_487, %swap3A_488], %max3A_346 {strides = array<i32>} : memref<4096x16xf32, #tpu.memory_space<vmem>>, vector<16xf32>,
      %swap3A_490 = arith.index_cast %squeeze3A_302 : i32 to index
      %swap3A_491 = arith.constant 0 : index
      %swap3A_492 = tpu.vector_load %arg5[%swap3A_490, %swap3A_491] {strides = array<i32>} : memref<4096x16xf32, #tpu.memory_space<vmem>>, vector<16xf32>,
      tpu.vector_store %arg5[%swap3A_490, %swap3A_491], %max3A_355 {strides = array<i32>} : memref<4096x16xf32, #tpu.memory_space<vmem>>, vector<16xf32>,
      %swap3A_493 = arith.index_cast %squeeze3A_304 : i32 to index
      %swap3A_494 = arith.constant 0 : index
      %swap3A_495 = tpu.vector_load %arg5[%swap3A_493, %swap3A_494] {strides = array<i32>} : memref<4096x16xf32, #tpu.memory_space<vmem>>, vector<16xf32>,
      tpu.vector_store %arg5[%swap3A_493, %swap3A_494], %max3A_364 {strides = array<i32>} : memref<4096x16xf32, #tpu.memory_space<vmem>>, vector<16xf32>,
      %swap3A_496 = arith.index_cast %squeeze3A_306 : i32 to index
      %swap3A_497 = arith.constant 0 : index
      %swap3A_498 = tpu.vector_load %arg5[%swap3A_496, %swap3A_497] {strides = array<i32>} : memref<4096x16xf32, #tpu.memory_space<vmem>>, vector<16xf32>,
      tpu.vector_store %arg5[%swap3A_496, %swap3A_497], %max3A_373 {strides = array<i32>} : memref<4096x16xf32, #tpu.memory_space<vmem>>, vector<16xf32>,
      %swap3A_499 = arith.index_cast %squeeze3A_308 : i32 to index
      %swap3A_500 = arith.constant 0 : index
      %swap3A_501 = tpu.vector_load %arg5[%swap3A_499, %swap3A_500] {strides = array<i32>} : memref<4096x16xf32, #tpu.memory_space<vmem>>, vector<16xf32>,
      tpu.vector_store %arg5[%swap3A_499, %swap3A_500], %max3A_382 {strides = array<i32>} : memref<4096x16xf32, #tpu.memory_space<vmem>>, vector<16xf32>,
      %swap3A_502 = arith.index_cast %squeeze3A_310 : i32 to index
      %swap3A_503 = arith.constant 0 : index
      %swap3A_504 = tpu.vector_load %arg5[%swap3A_502, %swap3A_503] {strides = array<i32>} : memref<4096x16xf32, #tpu.memory_space<vmem>>, vector<16xf32>,
      tpu.vector_store %arg5[%swap3A_502, %swap3A_503], %max3A_391 {strides = array<i32>} : memref<4096x16xf32, #tpu.memory_space<vmem>>, vector<16xf32>,
      %swap3A_505 = arith.index_cast %squeeze3A_312 : i32 to index
      %swap3A_506 = arith.constant 0 : index
      %swap3A_507 = tpu.vector_load %arg5[%swap3A_505, %swap3A_506] {strides = array<i32>} : memref<4096x16xf32, #tpu.memory_space<vmem>>, vector<16xf32>,
      tpu.vector_store %arg5[%swap3A_505, %swap3A_506], %max3A_400 {strides = array<i32>} : memref<4096x16xf32, #tpu.memory_space<vmem>>, vector<16xf32>,
      %swap3A_508 = arith.index_cast %squeeze3A_314 : i32 to index
      %swap3A_509 = arith.constant 0 : index
      %swap3A_510 = tpu.vector_load %arg5[%swap3A_508, %swap3A_509] {strides = array<i32>} : memref<4096x16xf32, #tpu.memory_space<vmem>>, vector<16xf32>,
      tpu.vector_store %arg5[%swap3A_508, %swap3A_509], %max3A_409 {strides = array<i32>} : memref<4096x16xf32, #tpu.memory_space<vmem>>, vector<16xf32>,
      %swap3A_511 = arith.index_cast %squeeze3A_316 : i32 to index
      %swap3A_512 = arith.constant 0 : index
      %swap3A_513 = tpu.vector_load %arg5[%swap3A_511, %swap3A_512] {strides = array<i32>} : memref<4096x16xf32, #tpu.memory_space<vmem>>, vector<16xf32>,
      tpu.vector_store %arg5[%swap3A_511, %swap3A_512], %max3A_418 {strides = array<i32>} : memref<4096x16xf32, #tpu.memory_space<vmem>>, vector<16xf32>,
      %swap3A_514 = arith.index_cast %squeeze3A_318 : i32 to index
      %swap3A_515 = arith.constant 0 : index
      %swap3A_516 = tpu.vector_load %arg5[%swap3A_514, %swap3A_515] {strides = array<i32>} : memref<4096x16xf32, #tpu.memory_space<vmem>>, vector<16xf32>,
      tpu.vector_store %arg5[%swap3A_514, %swap3A_515], %max3A_427 {strides = array<i32>} : memref<4096x16xf32, #tpu.memory_space<vmem>>, vector<16xf32>,
      %swap3A_517 = arith.index_cast %squeeze3A_320 : i32 to index
      %swap3A_518 = arith.constant 0 : index
      %swap3A_519 = tpu.vector_load %arg5[%swap3A_517, %swap3A_518] {strides = array<i32>} : memref<4096x16xf32, #tpu.memory_space<vmem>>, vector<16xf32>,
      tpu.vector_store %arg5[%swap3A_517, %swap3A_518], %max3A_436 {strides = array<i32>} : memref<4096x16xf32, #tpu.memory_space<vmem>>, vector<16xf32>,
      %swap3A_520 = arith.index_cast %squeeze3A_322 : i32 to index
      %swap3A_521 = arith.constant 0 : index
      %swap3A_522 = tpu.vector_load %arg5[%swap3A_520, %swap3A_521] {strides = array<i32>} : memref<4096x16xf32, #tpu.memory_space<vmem>>, vector<16xf32>,
      tpu.vector_store %arg5[%swap3A_520, %swap3A_521], %max3A_445 {strides = array<i32>} : memref<4096x16xf32, #tpu.memory_space<vmem>>, vector<16xf32>,
      %swap3A_523 = arith.index_cast %squeeze3A_324 : i32 to index
      %swap3A_524 = arith.constant 0 : index
      %swap3A_525 = tpu.vector_load %arg5[%swap3A_523, %swap3A_524] {strides = array<i32>} : memref<4096x16xf32, #tpu.memory_space<vmem>>, vector<16xf32>,
      tpu.vector_store %arg5[%swap3A_523, %swap3A_524], %max3A_454 {strides = array<i32>} : memref<4096x16xf32, #tpu.memory_space<vmem>>, vector<16xf32>,
      %swap3A_526 = arith.index_cast %squeeze3A_326 : i32 to index
      %swap3A_527 = arith.constant 0 : index
      %swap3A_528 = tpu.vector_load %arg5[%swap3A_526, %swap3A_527] {strides = array<i32>} : memref<4096x16xf32, #tpu.memory_space<vmem>>, vector<16xf32>,
      tpu.vector_store %arg5[%swap3A_526, %swap3A_527], %max3A_463 {strides = array<i32>} : memref<4096x16xf32, #tpu.memory_space<vmem>>, vector<16xf32>,
      %swap3A_529 = arith.index_cast %squeeze3A_328 : i32 to index
      %swap3A_530 = arith.constant 0 : index
      %swap3A_531 = tpu.vector_load %arg5[%swap3A_529, %swap3A_530] {strides = array<i32>} : memref<4096x16xf32, #tpu.memory_space<vmem>>, vector<16xf32>,
      tpu.vector_store %arg5[%swap3A_529, %swap3A_530], %max3A_472 {strides = array<i32>} : memref<4096x16xf32, #tpu.memory_space<vmem>>, vector<16xf32>,
      %eq3A_532 = arith.constant 1 : i32
      %eq3A_533 = arith.cmpi eq, %squeeze3A_483, %eq3A_532 : i32
      %convert_element_type3A_534 = arith.extui %eq3A_533 : i1 to i32
      %cond3A_535 = arith.constant 0 : i32
      %cond3A_536 = arith.cmpi ne, %convert_element_type3A_534, %cond3A_535 : i32
      scf.if %cond3A_536 {
        %get3A_542 = arith.index_cast %squeeze3A_298 : i32 to index
        %get3A_543 = arith.constant 0 : index
        %get3A_544 = tpu.vector_load %arg5[%get3A_542, %get3A_543] {strides = array<i32>} : memref<4096x16xf32, #tpu.memory_space<vmem>>, vector<16xf32>,
        %add3A_545 = arith.constant 0 : i32
        %add3A_546 = arith.addi %mul3A_294, %add3A_545 : i32
        %get3A_547 = arith.index_cast %add3A_546 : i32 to index
        %get3A_548 = arith.constant 0 : index
        %get3A_549 = tpu.vector_load %arg8[%get3A_547, %get3A_548] {strides = array<i32>} : memref<1000x16xf32, #tpu.memory_space<vmem>>, vector<16xf32>,
        %max3A_550 = arith.maximumf %get3A_544, %get3A_549 : vector<16xf32>
        %get3A_551 = arith.index_cast %squeeze3A_300 : i32 to index
        %get3A_552 = arith.constant 0 : index
        %get3A_553 = tpu.vector_load %arg5[%get3A_551, %get3A_552] {strides = array<i32>} : memref<4096x16xf32, #tpu.memory_space<vmem>>, vector<16xf32>,
        %add3A_554 = arith.constant 1 : i32
        %add3A_555 = arith.addi %mul3A_294, %add3A_554 : i32
        %get3A_556 = arith.index_cast %add3A_555 : i32 to index
        %get3A_557 = arith.constant 0 : index
        %get3A_558 = tpu.vector_load %arg8[%get3A_556, %get3A_557] {strides = array<i32>} : memref<1000x16xf32, #tpu.memory_space<vmem>>, vector<16xf32>,
        %max3A_559 = arith.maximumf %get3A_553, %get3A_558 : vector<16xf32>
        %get3A_560 = arith.index_cast %squeeze3A_302 : i32 to index
        %get3A_561 = arith.constant 0 : index
        %get3A_562 = tpu.vector_load %arg5[%get3A_560, %get3A_561] {strides = array<i32>} : memref<4096x16xf32, #tpu.memory_space<vmem>>, vector<16xf32>,
        %add3A_563 = arith.constant 2 : i32
        %add3A_564 = arith.addi %mul3A_294, %add3A_563 : i32
        %get3A_565 = arith.index_cast %add3A_564 : i32 to index
        %get3A_566 = arith.constant 0 : index
        %get3A_567 = tpu.vector_load %arg8[%get3A_565, %get3A_566] {strides = array<i32>} : memref<1000x16xf32, #tpu.memory_space<vmem>>, vector<16xf32>,
        %max3A_568 = arith.maximumf %get3A_562, %get3A_567 : vector<16xf32>
        %get3A_569 = arith.index_cast %squeeze3A_304 : i32 to index
        %get3A_570 = arith.constant 0 : index
        %get3A_571 = tpu.vector_load %arg5[%get3A_569, %get3A_570] {strides = array<i32>} : memref<4096x16xf32, #tpu.memory_space<vmem>>, vector<16xf32>,
        %add3A_572 = arith.constant 3 : i32
        %add3A_573 = arith.addi %mul3A_294, %add3A_572 : i32
        %get3A_574 = arith.index_cast %add3A_573 : i32 to index
        %get3A_575 = arith.constant 0 : index
        %get3A_576 = tpu.vector_load %arg8[%get3A_574, %get3A_575] {strides = array<i32>} : memref<1000x16xf32, #tpu.memory_space<vmem>>, vector<16xf32>,
        %max3A_577 = arith.maximumf %get3A_571, %get3A_576 : vector<16xf32>
        %get3A_578 = arith.index_cast %squeeze3A_306 : i32 to index
        %get3A_579 = arith.constant 0 : index
        %get3A_580 = tpu.vector_load %arg5[%get3A_578, %get3A_579] {strides = array<i32>} : memref<4096x16xf32, #tpu.memory_space<vmem>>, vector<16xf32>,
        %add3A_581 = arith.constant 4 : i32
        %add3A_582 = arith.addi %mul3A_294, %add3A_581 : i32
        %get3A_583 = arith.index_cast %add3A_582 : i32 to index
        %get3A_584 = arith.constant 0 : index
        %get3A_585 = tpu.vector_load %arg8[%get3A_583, %get3A_584] {strides = array<i32>} : memref<1000x16xf32, #tpu.memory_space<vmem>>, vector<16xf32>,
        %max3A_586 = arith.maximumf %get3A_580, %get3A_585 : vector<16xf32>
        %get3A_587 = arith.index_cast %squeeze3A_308 : i32 to index
        %get3A_588 = arith.constant 0 : index
        %get3A_589 = tpu.vector_load %arg5[%get3A_587, %get3A_588] {strides = array<i32>} : memref<4096x16xf32, #tpu.memory_space<vmem>>, vector<16xf32>,
        %add3A_590 = arith.constant 5 : i32
        %add3A_591 = arith.addi %mul3A_294, %add3A_590 : i32
        %get3A_592 = arith.index_cast %add3A_591 : i32 to index
        %get3A_593 = arith.constant 0 : index
        %get3A_594 = tpu.vector_load %arg8[%get3A_592, %get3A_593] {strides = array<i32>} : memref<1000x16xf32, #tpu.memory_space<vmem>>, vector<16xf32>,
        %max3A_595 = arith.maximumf %get3A_589, %get3A_594 : vector<16xf32>
        %get3A_596 = arith.index_cast %squeeze3A_310 : i32 to index
        %get3A_597 = arith.constant 0 : index
        %get3A_598 = tpu.vector_load %arg5[%get3A_596, %get3A_597] {strides = array<i32>} : memref<4096x16xf32, #tpu.memory_space<vmem>>, vector<16xf32>,
        %add3A_599 = arith.constant 6 : i32
        %add3A_600 = arith.addi %mul3A_294, %add3A_599 : i32
        %get3A_601 = arith.index_cast %add3A_600 : i32 to index
        %get3A_602 = arith.constant 0 : index
        %get3A_603 = tpu.vector_load %arg8[%get3A_601, %get3A_602] {strides = array<i32>} : memref<1000x16xf32, #tpu.memory_space<vmem>>, vector<16xf32>,
        %max3A_604 = arith.maximumf %get3A_598, %get3A_603 : vector<16xf32>
        %get3A_605 = arith.index_cast %squeeze3A_312 : i32 to index
        %get3A_606 = arith.constant 0 : index
        %get3A_607 = tpu.vector_load %arg5[%get3A_605, %get3A_606] {strides = array<i32>} : memref<4096x16xf32, #tpu.memory_space<vmem>>, vector<16xf32>,
        %add3A_608 = arith.constant 7 : i32
        %add3A_609 = arith.addi %mul3A_294, %add3A_608 : i32
        %get3A_610 = arith.index_cast %add3A_609 : i32 to index
        %get3A_611 = arith.constant 0 : index
        %get3A_612 = tpu.vector_load %arg8[%get3A_610, %get3A_611] {strides = array<i32>} : memref<1000x16xf32, #tpu.memory_space<vmem>>, vector<16xf32>,
        %max3A_613 = arith.maximumf %get3A_607, %get3A_612 : vector<16xf32>
        %get3A_614 = arith.index_cast %squeeze3A_314 : i32 to index
        %get3A_615 = arith.constant 0 : index
        %get3A_616 = tpu.vector_load %arg5[%get3A_614, %get3A_615] {strides = array<i32>} : memref<4096x16xf32, #tpu.memory_space<vmem>>, vector<16xf32>,
        %add3A_617 = arith.constant 8 : i32
        %add3A_618 = arith.addi %mul3A_294, %add3A_617 : i32
        %get3A_619 = arith.index_cast %add3A_618 : i32 to index
        %get3A_620 = arith.constant 0 : index
        %get3A_621 = tpu.vector_load %arg8[%get3A_619, %get3A_620] {strides = array<i32>} : memref<1000x16xf32, #tpu.memory_space<vmem>>, vector<16xf32>,
        %max3A_622 = arith.maximumf %get3A_616, %get3A_621 : vector<16xf32>
        %get3A_623 = arith.index_cast %squeeze3A_316 : i32 to index
        %get3A_624 = arith.constant 0 : index
        %get3A_625 = tpu.vector_load %arg5[%get3A_623, %get3A_624] {strides = array<i32>} : memref<4096x16xf32, #tpu.memory_space<vmem>>, vector<16xf32>,
        %add3A_626 = arith.constant 9 : i32
        %add3A_627 = arith.addi %mul3A_294, %add3A_626 : i32
        %get3A_628 = arith.index_cast %add3A_627 : i32 to index
        %get3A_629 = arith.constant 0 : index
        %get3A_630 = tpu.vector_load %arg8[%get3A_628, %get3A_629] {strides = array<i32>} : memref<1000x16xf32, #tpu.memory_space<vmem>>, vector<16xf32>,
        %max3A_631 = arith.maximumf %get3A_625, %get3A_630 : vector<16xf32>
        %get3A_632 = arith.index_cast %squeeze3A_318 : i32 to index
        %get3A_633 = arith.constant 0 : index
        %get3A_634 = tpu.vector_load %arg5[%get3A_632, %get3A_633] {strides = array<i32>} : memref<4096x16xf32, #tpu.memory_space<vmem>>, vector<16xf32>,
        %add3A_635 = arith.constant 10 : i32
        %add3A_636 = arith.addi %mul3A_294, %add3A_635 : i32
        %get3A_637 = arith.index_cast %add3A_636 : i32 to index
        %get3A_638 = arith.constant 0 : index
        %get3A_639 = tpu.vector_load %arg8[%get3A_637, %get3A_638] {strides = array<i32>} : memref<1000x16xf32, #tpu.memory_space<vmem>>, vector<16xf32>,
        %max3A_640 = arith.maximumf %get3A_634, %get3A_639 : vector<16xf32>
        %get3A_641 = arith.index_cast %squeeze3A_320 : i32 to index
        %get3A_642 = arith.constant 0 : index
        %get3A_643 = tpu.vector_load %arg5[%get3A_641, %get3A_642] {strides = array<i32>} : memref<4096x16xf32, #tpu.memory_space<vmem>>, vector<16xf32>,
        %add3A_644 = arith.constant 11 : i32
        %add3A_645 = arith.addi %mul3A_294, %add3A_644 : i32
        %get3A_646 = arith.index_cast %add3A_645 : i32 to index
        %get3A_647 = arith.constant 0 : index
        %get3A_648 = tpu.vector_load %arg8[%get3A_646, %get3A_647] {strides = array<i32>} : memref<1000x16xf32, #tpu.memory_space<vmem>>, vector<16xf32>,
        %max3A_649 = arith.maximumf %get3A_643, %get3A_648 : vector<16xf32>
        %get3A_650 = arith.index_cast %squeeze3A_322 : i32 to index
        %get3A_651 = arith.constant 0 : index
        %get3A_652 = tpu.vector_load %arg5[%get3A_650, %get3A_651] {strides = array<i32>} : memref<4096x16xf32, #tpu.memory_space<vmem>>, vector<16xf32>,
        %add3A_653 = arith.constant 12 : i32
        %add3A_654 = arith.addi %mul3A_294, %add3A_653 : i32
        %get3A_655 = arith.index_cast %add3A_654 : i32 to index
        %get3A_656 = arith.constant 0 : index
        %get3A_657 = tpu.vector_load %arg8[%get3A_655, %get3A_656] {strides = array<i32>} : memref<1000x16xf32, #tpu.memory_space<vmem>>, vector<16xf32>,
        %max3A_658 = arith.maximumf %get3A_652, %get3A_657 : vector<16xf32>
        %get3A_659 = arith.index_cast %squeeze3A_324 : i32 to index
        %get3A_660 = arith.constant 0 : index
        %get3A_661 = tpu.vector_load %arg5[%get3A_659, %get3A_660] {strides = array<i32>} : memref<4096x16xf32, #tpu.memory_space<vmem>>, vector<16xf32>,
        %add3A_662 = arith.constant 13 : i32
        %add3A_663 = arith.addi %mul3A_294, %add3A_662 : i32
        %get3A_664 = arith.index_cast %add3A_663 : i32 to index
        %get3A_665 = arith.constant 0 : index
        %get3A_666 = tpu.vector_load %arg8[%get3A_664, %get3A_665] {strides = array<i32>} : memref<1000x16xf32, #tpu.memory_space<vmem>>, vector<16xf32>,
        %max3A_667 = arith.maximumf %get3A_661, %get3A_666 : vector<16xf32>
        %get3A_668 = arith.index_cast %squeeze3A_326 : i32 to index
        %get3A_669 = arith.constant 0 : index
        %get3A_670 = tpu.vector_load %arg5[%get3A_668, %get3A_669] {strides = array<i32>} : memref<4096x16xf32, #tpu.memory_space<vmem>>, vector<16xf32>,
        %add3A_671 = arith.constant 14 : i32
        %add3A_672 = arith.addi %mul3A_294, %add3A_671 : i32
        %get3A_673 = arith.index_cast %add3A_672 : i32 to index
        %get3A_674 = arith.constant 0 : index
        %get3A_675 = tpu.vector_load %arg8[%get3A_673, %get3A_674] {strides = array<i32>} : memref<1000x16xf32, #tpu.memory_space<vmem>>, vector<16xf32>,
        %max3A_676 = arith.maximumf %get3A_670, %get3A_675 : vector<16xf32>
        %get3A_677 = arith.index_cast %squeeze3A_328 : i32 to index
        %get3A_678 = arith.constant 0 : index
        %get3A_679 = tpu.vector_load %arg5[%get3A_677, %get3A_678] {strides = array<i32>} : memref<4096x16xf32, #tpu.memory_space<vmem>>, vector<16xf32>,
        %add3A_680 = arith.constant 15 : i32
        %add3A_681 = arith.addi %mul3A_294, %add3A_680 : i32
        %get3A_682 = arith.index_cast %add3A_681 : i32 to index
        %get3A_683 = arith.constant 0 : index
        %get3A_684 = tpu.vector_load %arg8[%get3A_682, %get3A_683] {strides = array<i32>} : memref<1000x16xf32, #tpu.memory_space<vmem>>, vector<16xf32>,
        %max3A_685 = arith.maximumf %get3A_679, %get3A_684 : vector<16xf32>
        %swap3A_686 = arith.index_cast %squeeze3A_328 : i32 to index
        %swap3A_687 = arith.constant 0 : index
        %swap3A_688 = tpu.vector_load %arg5[%swap3A_686, %swap3A_687] {strides = array<i32>} : memref<4096x16xf32, #tpu.memory_space<vmem>>, vector<16xf32>,
        tpu.vector_store %arg5[%swap3A_686, %swap3A_687], %max3A_685 {strides = array<i32>} : memref<4096x16xf32, #tpu.memory_space<vmem>>, vector<16xf32>,
        %swap3A_689 = arith.index_cast %squeeze3A_326 : i32 to index
        %swap3A_690 = arith.constant 0 : index
        %swap3A_691 = tpu.vector_load %arg5[%swap3A_689, %swap3A_690] {strides = array<i32>} : memref<4096x16xf32, #tpu.memory_space<vmem>>, vector<16xf32>,
        tpu.vector_store %arg5[%swap3A_689, %swap3A_690], %max3A_676 {strides = array<i32>} : memref<4096x16xf32, #tpu.memory_space<vmem>>, vector<16xf32>,
        %swap3A_692 = arith.index_cast %squeeze3A_324 : i32 to index
        %swap3A_693 = arith.constant 0 : index
        %swap3A_694 = tpu.vector_load %arg5[%swap3A_692, %swap3A_693] {strides = array<i32>} : memref<4096x16xf32, #tpu.memory_space<vmem>>, vector<16xf32>,
        tpu.vector_store %arg5[%swap3A_692, %swap3A_693], %max3A_667 {strides = array<i32>} : memref<4096x16xf32, #tpu.memory_space<vmem>>, vector<16xf32>,
        %swap3A_695 = arith.index_cast %squeeze3A_322 : i32 to index
        %swap3A_696 = arith.constant 0 : index
        %swap3A_697 = tpu.vector_load %arg5[%swap3A_695, %swap3A_696] {strides = array<i32>} : memref<4096x16xf32, #tpu.memory_space<vmem>>, vector<16xf32>,
        tpu.vector_store %arg5[%swap3A_695, %swap3A_696], %max3A_658 {strides = array<i32>} : memref<4096x16xf32, #tpu.memory_space<vmem>>, vector<16xf32>,
        %swap3A_698 = arith.index_cast %squeeze3A_320 : i32 to index
        %swap3A_699 = arith.constant 0 : index
        %swap3A_700 = tpu.vector_load %arg5[%swap3A_698, %swap3A_699] {strides = array<i32>} : memref<4096x16xf32, #tpu.memory_space<vmem>>, vector<16xf32>,
        tpu.vector_store %arg5[%swap3A_698, %swap3A_699], %max3A_649 {strides = array<i32>} : memref<4096x16xf32, #tpu.memory_space<vmem>>, vector<16xf32>,
        %swap3A_701 = arith.index_cast %squeeze3A_318 : i32 to index
        %swap3A_702 = arith.constant 0 : index
        %swap3A_703 = tpu.vector_load %arg5[%swap3A_701, %swap3A_702] {strides = array<i32>} : memref<4096x16xf32, #tpu.memory_space<vmem>>, vector<16xf32>,
        tpu.vector_store %arg5[%swap3A_701, %swap3A_702], %max3A_640 {strides = array<i32>} : memref<4096x16xf32, #tpu.memory_space<vmem>>, vector<16xf32>,
        %swap3A_704 = arith.index_cast %squeeze3A_316 : i32 to index
        %swap3A_705 = arith.constant 0 : index
        %swap3A_706 = tpu.vector_load %arg5[%swap3A_704, %swap3A_705] {strides = array<i32>} : memref<4096x16xf32, #tpu.memory_space<vmem>>, vector<16xf32>,
        tpu.vector_store %arg5[%swap3A_704, %swap3A_705], %max3A_631 {strides = array<i32>} : memref<4096x16xf32, #tpu.memory_space<vmem>>, vector<16xf32>,
        %swap3A_707 = arith.index_cast %squeeze3A_314 : i32 to index
        %swap3A_708 = arith.constant 0 : index
        %swap3A_709 = tpu.vector_load %arg5[%swap3A_707, %swap3A_708] {strides = array<i32>} : memref<4096x16xf32, #tpu.memory_space<vmem>>, vector<16xf32>,
        tpu.vector_store %arg5[%swap3A_707, %swap3A_708], %max3A_622 {strides = array<i32>} : memref<4096x16xf32, #tpu.memory_space<vmem>>, vector<16xf32>,
        %swap3A_710 = arith.index_cast %squeeze3A_312 : i32 to index
        %swap3A_711 = arith.constant 0 : index
        %swap3A_712 = tpu.vector_load %arg5[%swap3A_710, %swap3A_711] {strides = array<i32>} : memref<4096x16xf32, #tpu.memory_space<vmem>>, vector<16xf32>,
        tpu.vector_store %arg5[%swap3A_710, %swap3A_711], %max3A_613 {strides = array<i32>} : memref<4096x16xf32, #tpu.memory_space<vmem>>, vector<16xf32>,
        %swap3A_713 = arith.index_cast %squeeze3A_310 : i32 to index
        %swap3A_714 = arith.constant 0 : index
        %swap3A_715 = tpu.vector_load %arg5[%swap3A_713, %swap3A_714] {strides = array<i32>} : memref<4096x16xf32, #tpu.memory_space<vmem>>, vector<16xf32>,
        tpu.vector_store %arg5[%swap3A_713, %swap3A_714], %max3A_604 {strides = array<i32>} : memref<4096x16xf32, #tpu.memory_space<vmem>>, vector<16xf32>,
        %swap3A_716 = arith.index_cast %squeeze3A_308 : i32 to index
        %swap3A_717 = arith.constant 0 : index
        %swap3A_718 = tpu.vector_load %arg5[%swap3A_716, %swap3A_717] {strides = array<i32>} : memref<4096x16xf32, #tpu.memory_space<vmem>>, vector<16xf32>,
        tpu.vector_store %arg5[%swap3A_716, %swap3A_717], %max3A_595 {strides = array<i32>} : memref<4096x16xf32, #tpu.memory_space<vmem>>, vector<16xf32>,
        %swap3A_719 = arith.index_cast %squeeze3A_306 : i32 to index
        %swap3A_720 = arith.constant 0 : index
        %swap3A_721 = tpu.vector_load %arg5[%swap3A_719, %swap3A_720] {strides = array<i32>} : memref<4096x16xf32, #tpu.memory_space<vmem>>, vector<16xf32>,
        tpu.vector_store %arg5[%swap3A_719, %swap3A_720], %max3A_586 {strides = array<i32>} : memref<4096x16xf32, #tpu.memory_space<vmem>>, vector<16xf32>,
        %swap3A_722 = arith.index_cast %squeeze3A_304 : i32 to index
        %swap3A_723 = arith.constant 0 : index
        %swap3A_724 = tpu.vector_load %arg5[%swap3A_722, %swap3A_723] {strides = array<i32>} : memref<4096x16xf32, #tpu.memory_space<vmem>>, vector<16xf32>,
        tpu.vector_store %arg5[%swap3A_722, %swap3A_723], %max3A_577 {strides = array<i32>} : memref<4096x16xf32, #tpu.memory_space<vmem>>, vector<16xf32>,
        %swap3A_725 = arith.index_cast %squeeze3A_302 : i32 to index
        %swap3A_726 = arith.constant 0 : index
        %swap3A_727 = tpu.vector_load %arg5[%swap3A_725, %swap3A_726] {strides = array<i32>} : memref<4096x16xf32, #tpu.memory_space<vmem>>, vector<16xf32>,
        tpu.vector_store %arg5[%swap3A_725, %swap3A_726], %max3A_568 {strides = array<i32>} : memref<4096x16xf32, #tpu.memory_space<vmem>>, vector<16xf32>,
        %swap3A_728 = arith.index_cast %squeeze3A_300 : i32 to index
        %swap3A_729 = arith.constant 0 : index
        %swap3A_730 = tpu.vector_load %arg5[%swap3A_728, %swap3A_729] {strides = array<i32>} : memref<4096x16xf32, #tpu.memory_space<vmem>>, vector<16xf32>,
        tpu.vector_store %arg5[%swap3A_728, %swap3A_729], %max3A_559 {strides = array<i32>} : memref<4096x16xf32, #tpu.memory_space<vmem>>, vector<16xf32>,
        %swap3A_731 = arith.index_cast %squeeze3A_298 : i32 to index
        %swap3A_732 = arith.constant 0 : index
        %swap3A_733 = tpu.vector_load %arg5[%swap3A_731, %swap3A_732] {strides = array<i32>} : memref<4096x16xf32, #tpu.memory_space<vmem>>, vector<16xf32>,
        tpu.vector_store %arg5[%swap3A_731, %swap3A_732], %max3A_550 {strides = array<i32>} : memref<4096x16xf32, #tpu.memory_space<vmem>>, vector<16xf32>,
      } else {
      }
      %ge3A_537 = arith.constant 2 : i32
      %ge3A_538 = arith.cmpi sge, %squeeze3A_483, %ge3A_537 : i32
      %convert_element_type3A_539 = arith.extui %ge3A_538 : i1 to i32
      %cond3A_540 = arith.constant 0 : i32
      %cond3A_541 = arith.cmpi ne, %convert_element_type3A_539, %cond3A_540 : i32
      scf.if %cond3A_541 {
        %get3A_542 = arith.index_cast %squeeze3A_298 : i32 to index
        %get3A_543 = arith.constant 0 : index
        %get3A_544 = tpu.vector_load %arg5[%get3A_542, %get3A_543] {strides = array<i32>} : memref<4096x16xf32, #tpu.memory_space<vmem>>, vector<16xf32>,
        %add3A_545 = arith.constant 0 : i32
        %add3A_546 = arith.addi %mul3A_294, %add3A_545 : i32
        %get3A_547 = arith.index_cast %add3A_546 : i32 to index
        %get3A_548 = arith.constant 0 : index
        %get3A_549 = tpu.vector_load %arg8[%get3A_547, %get3A_548] {strides = array<i32>} : memref<1000x16xf32, #tpu.memory_space<vmem>>, vector<16xf32>,
        %max3A_550 = arith.maximumf %get3A_544, %get3A_549 : vector<16xf32>
        %swap3A_551 = arith.index_cast %squeeze3A_298 : i32 to index
        %swap3A_552 = arith.constant 0 : index
        %swap3A_553 = tpu.vector_load %arg5[%swap3A_551, %swap3A_552] {strides = array<i32>} : memref<4096x16xf32, #tpu.memory_space<vmem>>, vector<16xf32>,
        tpu.vector_store %arg5[%swap3A_551, %swap3A_552], %max3A_550 {strides = array<i32>} : memref<4096x16xf32, #tpu.memory_space<vmem>>, vector<16xf32>,
        %get3A_554 = arith.index_cast %squeeze3A_300 : i32 to index
        %get3A_555 = arith.constant 0 : index
        %get3A_556 = tpu.vector_load %arg5[%get3A_554, %get3A_555] {strides = array<i32>} : memref<4096x16xf32, #tpu.memory_space<vmem>>, vector<16xf32>,
        %add3A_557 = arith.constant 1 : i32
        %add3A_558 = arith.addi %mul3A_294, %add3A_557 : i32
        %get3A_559 = arith.index_cast %add3A_558 : i32 to index
        %get3A_560 = arith.constant 0 : index
        %get3A_561 = tpu.vector_load %arg8[%get3A_559, %get3A_560] {strides = array<i32>} : memref<1000x16xf32, #tpu.memory_space<vmem>>, vector<16xf32>,
        %max3A_562 = arith.maximumf %get3A_556, %get3A_561 : vector<16xf32>
        %swap3A_563 = arith.index_cast %squeeze3A_300 : i32 to index
        %swap3A_564 = arith.constant 0 : index
        %swap3A_565 = tpu.vector_load %arg5[%swap3A_563, %swap3A_564] {strides = array<i32>} : memref<4096x16xf32, #tpu.memory_space<vmem>>, vector<16xf32>,
        tpu.vector_store %arg5[%swap3A_563, %swap3A_564], %max3A_562 {strides = array<i32>} : memref<4096x16xf32, #tpu.memory_space<vmem>>, vector<16xf32>,
        %get3A_566 = arith.index_cast %squeeze3A_302 : i32 to index
        %get3A_567 = arith.constant 0 : index
        %get3A_568 = tpu.vector_load %arg5[%get3A_566, %get3A_567] {strides = array<i32>} : memref<4096x16xf32, #tpu.memory_space<vmem>>, vector<16xf32>,
        %add3A_569 = arith.constant 2 : i32
        %add3A_570 = arith.addi %mul3A_294, %add3A_569 : i32
        %get3A_571 = arith.index_cast %add3A_570 : i32 to index
        %get3A_572 = arith.constant 0 : index
        %get3A_573 = tpu.vector_load %arg8[%get3A_571, %get3A_572] {strides = array<i32>} : memref<1000x16xf32, #tpu.memory_space<vmem>>, vector<16xf32>,
        %max3A_574 = arith.maximumf %get3A_568, %get3A_573 : vector<16xf32>
        %swap3A_575 = arith.index_cast %squeeze3A_302 : i32 to index
        %swap3A_576 = arith.constant 0 : index
        %swap3A_577 = tpu.vector_load %arg5[%swap3A_575, %swap3A_576] {strides = array<i32>} : memref<4096x16xf32, #tpu.memory_space<vmem>>, vector<16xf32>,
        tpu.vector_store %arg5[%swap3A_575, %swap3A_576], %max3A_574 {strides = array<i32>} : memref<4096x16xf32, #tpu.memory_space<vmem>>, vector<16xf32>,
        %get3A_578 = arith.index_cast %squeeze3A_304 : i32 to index
        %get3A_579 = arith.constant 0 : index
        %get3A_580 = tpu.vector_load %arg5[%get3A_578, %get3A_579] {strides = array<i32>} : memref<4096x16xf32, #tpu.memory_space<vmem>>, vector<16xf32>,
        %add3A_581 = arith.constant 3 : i32
        %add3A_582 = arith.addi %mul3A_294, %add3A_581 : i32
        %get3A_583 = arith.index_cast %add3A_582 : i32 to index
        %get3A_584 = arith.constant 0 : index
        %get3A_585 = tpu.vector_load %arg8[%get3A_583, %get3A_584] {strides = array<i32>} : memref<1000x16xf32, #tpu.memory_space<vmem>>, vector<16xf32>,
        %max3A_586 = arith.maximumf %get3A_580, %get3A_585 : vector<16xf32>
        %swap3A_587 = arith.index_cast %squeeze3A_304 : i32 to index
        %swap3A_588 = arith.constant 0 : index
        %swap3A_589 = tpu.vector_load %arg5[%swap3A_587, %swap3A_588] {strides = array<i32>} : memref<4096x16xf32, #tpu.memory_space<vmem>>, vector<16xf32>,
        tpu.vector_store %arg5[%swap3A_587, %swap3A_588], %max3A_586 {strides = array<i32>} : memref<4096x16xf32, #tpu.memory_space<vmem>>, vector<16xf32>,
        %get3A_590 = arith.index_cast %squeeze3A_306 : i32 to index
        %get3A_591 = arith.constant 0 : index
        %get3A_592 = tpu.vector_load %arg5[%get3A_590, %get3A_591] {strides = array<i32>} : memref<4096x16xf32, #tpu.memory_space<vmem>>, vector<16xf32>,
        %add3A_593 = arith.constant 4 : i32
        %add3A_594 = arith.addi %mul3A_294, %add3A_593 : i32
        %get3A_595 = arith.index_cast %add3A_594 : i32 to index
        %get3A_596 = arith.constant 0 : index
        %get3A_597 = tpu.vector_load %arg8[%get3A_595, %get3A_596] {strides = array<i32>} : memref<1000x16xf32, #tpu.memory_space<vmem>>, vector<16xf32>,
        %max3A_598 = arith.maximumf %get3A_592, %get3A_597 : vector<16xf32>
        %swap3A_599 = arith.index_cast %squeeze3A_306 : i32 to index
        %swap3A_600 = arith.constant 0 : index
        %swap3A_601 = tpu.vector_load %arg5[%swap3A_599, %swap3A_600] {strides = array<i32>} : memref<4096x16xf32, #tpu.memory_space<vmem>>, vector<16xf32>,
        tpu.vector_store %arg5[%swap3A_599, %swap3A_600], %max3A_598 {strides = array<i32>} : memref<4096x16xf32, #tpu.memory_space<vmem>>, vector<16xf32>,
        %get3A_602 = arith.index_cast %squeeze3A_308 : i32 to index
        %get3A_603 = arith.constant 0 : index
        %get3A_604 = tpu.vector_load %arg5[%get3A_602, %get3A_603] {strides = array<i32>} : memref<4096x16xf32, #tpu.memory_space<vmem>>, vector<16xf32>,
        %add3A_605 = arith.constant 5 : i32
        %add3A_606 = arith.addi %mul3A_294, %add3A_605 : i32
        %get3A_607 = arith.index_cast %add3A_606 : i32 to index
        %get3A_608 = arith.constant 0 : index
        %get3A_609 = tpu.vector_load %arg8[%get3A_607, %get3A_608] {strides = array<i32>} : memref<1000x16xf32, #tpu.memory_space<vmem>>, vector<16xf32>,
        %max3A_610 = arith.maximumf %get3A_604, %get3A_609 : vector<16xf32>
        %swap3A_611 = arith.index_cast %squeeze3A_308 : i32 to index
        %swap3A_612 = arith.constant 0 : index
        %swap3A_613 = tpu.vector_load %arg5[%swap3A_611, %swap3A_612] {strides = array<i32>} : memref<4096x16xf32, #tpu.memory_space<vmem>>, vector<16xf32>,
        tpu.vector_store %arg5[%swap3A_611, %swap3A_612], %max3A_610 {strides = array<i32>} : memref<4096x16xf32, #tpu.memory_space<vmem>>, vector<16xf32>,
        %get3A_614 = arith.index_cast %squeeze3A_310 : i32 to index
        %get3A_615 = arith.constant 0 : index
        %get3A_616 = tpu.vector_load %arg5[%get3A_614, %get3A_615] {strides = array<i32>} : memref<4096x16xf32, #tpu.memory_space<vmem>>, vector<16xf32>,
        %add3A_617 = arith.constant 6 : i32
        %add3A_618 = arith.addi %mul3A_294, %add3A_617 : i32
        %get3A_619 = arith.index_cast %add3A_618 : i32 to index
        %get3A_620 = arith.constant 0 : index
        %get3A_621 = tpu.vector_load %arg8[%get3A_619, %get3A_620] {strides = array<i32>} : memref<1000x16xf32, #tpu.memory_space<vmem>>, vector<16xf32>,
        %max3A_622 = arith.maximumf %get3A_616, %get3A_621 : vector<16xf32>
        %swap3A_623 = arith.index_cast %squeeze3A_310 : i32 to index
        %swap3A_624 = arith.constant 0 : index
        %swap3A_625 = tpu.vector_load %arg5[%swap3A_623, %swap3A_624] {strides = array<i32>} : memref<4096x16xf32, #tpu.memory_space<vmem>>, vector<16xf32>,
        tpu.vector_store %arg5[%swap3A_623, %swap3A_624], %max3A_622 {strides = array<i32>} : memref<4096x16xf32, #tpu.memory_space<vmem>>, vector<16xf32>,
        %get3A_626 = arith.index_cast %squeeze3A_312 : i32 to index
        %get3A_627 = arith.constant 0 : index
        %get3A_628 = tpu.vector_load %arg5[%get3A_626, %get3A_627] {strides = array<i32>} : memref<4096x16xf32, #tpu.memory_space<vmem>>, vector<16xf32>,
        %add3A_629 = arith.constant 7 : i32
        %add3A_630 = arith.addi %mul3A_294, %add3A_629 : i32
        %get3A_631 = arith.index_cast %add3A_630 : i32 to index
        %get3A_632 = arith.constant 0 : index
        %get3A_633 = tpu.vector_load %arg8[%get3A_631, %get3A_632] {strides = array<i32>} : memref<1000x16xf32, #tpu.memory_space<vmem>>, vector<16xf32>,
        %max3A_634 = arith.maximumf %get3A_628, %get3A_633 : vector<16xf32>
        %swap3A_635 = arith.index_cast %squeeze3A_312 : i32 to index
        %swap3A_636 = arith.constant 0 : index
        %swap3A_637 = tpu.vector_load %arg5[%swap3A_635, %swap3A_636] {strides = array<i32>} : memref<4096x16xf32, #tpu.memory_space<vmem>>, vector<16xf32>,
        tpu.vector_store %arg5[%swap3A_635, %swap3A_636], %max3A_634 {strides = array<i32>} : memref<4096x16xf32, #tpu.memory_space<vmem>>, vector<16xf32>,
        %get3A_638 = arith.index_cast %squeeze3A_314 : i32 to index
        %get3A_639 = arith.constant 0 : index
        %get3A_640 = tpu.vector_load %arg5[%get3A_638, %get3A_639] {strides = array<i32>} : memref<4096x16xf32, #tpu.memory_space<vmem>>, vector<16xf32>,
        %add3A_641 = arith.constant 8 : i32
        %add3A_642 = arith.addi %mul3A_294, %add3A_641 : i32
        %get3A_643 = arith.index_cast %add3A_642 : i32 to index
        %get3A_644 = arith.constant 0 : index
        %get3A_645 = tpu.vector_load %arg8[%get3A_643, %get3A_644] {strides = array<i32>} : memref<1000x16xf32, #tpu.memory_space<vmem>>, vector<16xf32>,
        %max3A_646 = arith.maximumf %get3A_640, %get3A_645 : vector<16xf32>
        %swap3A_647 = arith.index_cast %squeeze3A_314 : i32 to index
        %swap3A_648 = arith.constant 0 : index
        %swap3A_649 = tpu.vector_load %arg5[%swap3A_647, %swap3A_648] {strides = array<i32>} : memref<4096x16xf32, #tpu.memory_space<vmem>>, vector<16xf32>,
        tpu.vector_store %arg5[%swap3A_647, %swap3A_648], %max3A_646 {strides = array<i32>} : memref<4096x16xf32, #tpu.memory_space<vmem>>, vector<16xf32>,
        %get3A_650 = arith.index_cast %squeeze3A_316 : i32 to index
        %get3A_651 = arith.constant 0 : index
        %get3A_652 = tpu.vector_load %arg5[%get3A_650, %get3A_651] {strides = array<i32>} : memref<4096x16xf32, #tpu.memory_space<vmem>>, vector<16xf32>,
        %add3A_653 = arith.constant 9 : i32
        %add3A_654 = arith.addi %mul3A_294, %add3A_653 : i32
        %get3A_655 = arith.index_cast %add3A_654 : i32 to index
        %get3A_656 = arith.constant 0 : index
        %get3A_657 = tpu.vector_load %arg8[%get3A_655, %get3A_656] {strides = array<i32>} : memref<1000x16xf32, #tpu.memory_space<vmem>>, vector<16xf32>,
        %max3A_658 = arith.maximumf %get3A_652, %get3A_657 : vector<16xf32>
        %swap3A_659 = arith.index_cast %squeeze3A_316 : i32 to index
        %swap3A_660 = arith.constant 0 : index
        %swap3A_661 = tpu.vector_load %arg5[%swap3A_659, %swap3A_660] {strides = array<i32>} : memref<4096x16xf32, #tpu.memory_space<vmem>>, vector<16xf32>,
        tpu.vector_store %arg5[%swap3A_659, %swap3A_660], %max3A_658 {strides = array<i32>} : memref<4096x16xf32, #tpu.memory_space<vmem>>, vector<16xf32>,
        %get3A_662 = arith.index_cast %squeeze3A_318 : i32 to index
        %get3A_663 = arith.constant 0 : index
        %get3A_664 = tpu.vector_load %arg5[%get3A_662, %get3A_663] {strides = array<i32>} : memref<4096x16xf32, #tpu.memory_space<vmem>>, vector<16xf32>,
        %add3A_665 = arith.constant 10 : i32
        %add3A_666 = arith.addi %mul3A_294, %add3A_665 : i32
        %get3A_667 = arith.index_cast %add3A_666 : i32 to index
        %get3A_668 = arith.constant 0 : index
        %get3A_669 = tpu.vector_load %arg8[%get3A_667, %get3A_668] {strides = array<i32>} : memref<1000x16xf32, #tpu.memory_space<vmem>>, vector<16xf32>,
        %max3A_670 = arith.maximumf %get3A_664, %get3A_669 : vector<16xf32>
        %swap3A_671 = arith.index_cast %squeeze3A_318 : i32 to index
        %swap3A_672 = arith.constant 0 : index
        %swap3A_673 = tpu.vector_load %arg5[%swap3A_671, %swap3A_672] {strides = array<i32>} : memref<4096x16xf32, #tpu.memory_space<vmem>>, vector<16xf32>,
        tpu.vector_store %arg5[%swap3A_671, %swap3A_672], %max3A_670 {strides = array<i32>} : memref<4096x16xf32, #tpu.memory_space<vmem>>, vector<16xf32>,
        %get3A_674 = arith.index_cast %squeeze3A_320 : i32 to index
        %get3A_675 = arith.constant 0 : index
        %get3A_676 = tpu.vector_load %arg5[%get3A_674, %get3A_675] {strides = array<i32>} : memref<4096x16xf32, #tpu.memory_space<vmem>>, vector<16xf32>,
        %add3A_677 = arith.constant 11 : i32
        %add3A_678 = arith.addi %mul3A_294, %add3A_677 : i32
        %get3A_679 = arith.index_cast %add3A_678 : i32 to index
        %get3A_680 = arith.constant 0 : index
        %get3A_681 = tpu.vector_load %arg8[%get3A_679, %get3A_680] {strides = array<i32>} : memref<1000x16xf32, #tpu.memory_space<vmem>>, vector<16xf32>,
        %max3A_682 = arith.maximumf %get3A_676, %get3A_681 : vector<16xf32>
        %swap3A_683 = arith.index_cast %squeeze3A_320 : i32 to index
        %swap3A_684 = arith.constant 0 : index
        %swap3A_685 = tpu.vector_load %arg5[%swap3A_683, %swap3A_684] {strides = array<i32>} : memref<4096x16xf32, #tpu.memory_space<vmem>>, vector<16xf32>,
        tpu.vector_store %arg5[%swap3A_683, %swap3A_684], %max3A_682 {strides = array<i32>} : memref<4096x16xf32, #tpu.memory_space<vmem>>, vector<16xf32>,
        %get3A_686 = arith.index_cast %squeeze3A_322 : i32 to index
        %get3A_687 = arith.constant 0 : index
        %get3A_688 = tpu.vector_load %arg5[%get3A_686, %get3A_687] {strides = array<i32>} : memref<4096x16xf32, #tpu.memory_space<vmem>>, vector<16xf32>,
        %add3A_689 = arith.constant 12 : i32
        %add3A_690 = arith.addi %mul3A_294, %add3A_689 : i32
        %get3A_691 = arith.index_cast %add3A_690 : i32 to index
        %get3A_692 = arith.constant 0 : index
        %get3A_693 = tpu.vector_load %arg8[%get3A_691, %get3A_692] {strides = array<i32>} : memref<1000x16xf32, #tpu.memory_space<vmem>>, vector<16xf32>,
        %max3A_694 = arith.maximumf %get3A_688, %get3A_693 : vector<16xf32>
        %swap3A_695 = arith.index_cast %squeeze3A_322 : i32 to index
        %swap3A_696 = arith.constant 0 : index
        %swap3A_697 = tpu.vector_load %arg5[%swap3A_695, %swap3A_696] {strides = array<i32>} : memref<4096x16xf32, #tpu.memory_space<vmem>>, vector<16xf32>,
        tpu.vector_store %arg5[%swap3A_695, %swap3A_696], %max3A_694 {strides = array<i32>} : memref<4096x16xf32, #tpu.memory_space<vmem>>, vector<16xf32>,
        %get3A_698 = arith.index_cast %squeeze3A_324 : i32 to index
        %get3A_699 = arith.constant 0 : index
        %get3A_700 = tpu.vector_load %arg5[%get3A_698, %get3A_699] {strides = array<i32>} : memref<4096x16xf32, #tpu.memory_space<vmem>>, vector<16xf32>,
        %add3A_701 = arith.constant 13 : i32
        %add3A_702 = arith.addi %mul3A_294, %add3A_701 : i32
        %get3A_703 = arith.index_cast %add3A_702 : i32 to index
        %get3A_704 = arith.constant 0 : index
        %get3A_705 = tpu.vector_load %arg8[%get3A_703, %get3A_704] {strides = array<i32>} : memref<1000x16xf32, #tpu.memory_space<vmem>>, vector<16xf32>,
        %max3A_706 = arith.maximumf %get3A_700, %get3A_705 : vector<16xf32>
        %swap3A_707 = arith.index_cast %squeeze3A_324 : i32 to index
        %swap3A_708 = arith.constant 0 : index
        %swap3A_709 = tpu.vector_load %arg5[%swap3A_707, %swap3A_708] {strides = array<i32>} : memref<4096x16xf32, #tpu.memory_space<vmem>>, vector<16xf32>,
        tpu.vector_store %arg5[%swap3A_707, %swap3A_708], %max3A_706 {strides = array<i32>} : memref<4096x16xf32, #tpu.memory_space<vmem>>, vector<16xf32>,
        %get3A_710 = arith.index_cast %squeeze3A_326 : i32 to index
        %get3A_711 = arith.constant 0 : index
        %get3A_712 = tpu.vector_load %arg5[%get3A_710, %get3A_711] {strides = array<i32>} : memref<4096x16xf32, #tpu.memory_space<vmem>>, vector<16xf32>,
        %add3A_713 = arith.constant 14 : i32
        %add3A_714 = arith.addi %mul3A_294, %add3A_713 : i32
        %get3A_715 = arith.index_cast %add3A_714 : i32 to index
        %get3A_716 = arith.constant 0 : index
        %get3A_717 = tpu.vector_load %arg8[%get3A_715, %get3A_716] {strides = array<i32>} : memref<1000x16xf32, #tpu.memory_space<vmem>>, vector<16xf32>,
        %max3A_718 = arith.maximumf %get3A_712, %get3A_717 : vector<16xf32>
        %swap3A_719 = arith.index_cast %squeeze3A_326 : i32 to index
        %swap3A_720 = arith.constant 0 : index
        %swap3A_721 = tpu.vector_load %arg5[%swap3A_719, %swap3A_720] {strides = array<i32>} : memref<4096x16xf32, #tpu.memory_space<vmem>>, vector<16xf32>,
        tpu.vector_store %arg5[%swap3A_719, %swap3A_720], %max3A_718 {strides = array<i32>} : memref<4096x16xf32, #tpu.memory_space<vmem>>, vector<16xf32>,
        %get3A_722 = arith.index_cast %squeeze3A_328 : i32 to index
        %get3A_723 = arith.constant 0 : index
        %get3A_724 = tpu.vector_load %arg5[%get3A_722, %get3A_723] {strides = array<i32>} : memref<4096x16xf32, #tpu.memory_space<vmem>>, vector<16xf32>,
        %add3A_725 = arith.constant 15 : i32
        %add3A_726 = arith.addi %mul3A_294, %add3A_725 : i32
        %get3A_727 = arith.index_cast %add3A_726 : i32 to index
        %get3A_728 = arith.constant 0 : index
        %get3A_729 = tpu.vector_load %arg8[%get3A_727, %get3A_728] {strides = array<i32>} : memref<1000x16xf32, #tpu.memory_space<vmem>>, vector<16xf32>,
        %max3A_730 = arith.maximumf %get3A_724, %get3A_729 : vector<16xf32>
        %swap3A_731 = arith.index_cast %squeeze3A_328 : i32 to index
        %swap3A_732 = arith.constant 0 : index
        %swap3A_733 = tpu.vector_load %arg5[%swap3A_731, %swap3A_732] {strides = array<i32>} : memref<4096x16xf32, #tpu.memory_space<vmem>>, vector<16xf32>,
        tpu.vector_store %arg5[%swap3A_731, %swap3A_732], %max3A_730 {strides = array<i32>} : memref<4096x16xf32, #tpu.memory_space<vmem>>, vector<16xf32>,
      } else {
      }
    }
    %scan3A_70 = arith.constant 62 : i32
    %get3A = arith.constant 984 : index
    %get3A_71 = tpu.vector_load %arg6[%get3A] {strides = array<i32>} : memref<1000xi32, #tpu.memory_space<vmem>>, vector<16xi32>,
    %slice3A = vector.extract_strided_slice %get3A_71 {offsets = [0], sizes = [1], strides = [1]} : vector<16xi32> to vector<1xi32>
    %squeeze3A = vector.extract %slice3A[0] : i32 from vector<1xi32>
    %slice3A_72 = vector.extract_strided_slice %get3A_71 {offsets = [1], sizes = [1], strides = [1]} : vector<16xi32> to vector<1xi32>
    %squeeze3A_73 = vector.extract %slice3A_72[0] : i32 from vector<1xi32>
    %slice3A_74 = vector.extract_strided_slice %get3A_71 {offsets = [2], sizes = [1], strides = [1]} : vector<16xi32> to vector<1xi32>
    %squeeze3A_75 = vector.extract %slice3A_74[0] : i32 from vector<1xi32>
    %slice3A_76 = vector.extract_strided_slice %get3A_71 {offsets = [3], sizes = [1], strides = [1]} : vector<16xi32> to vector<1xi32>
    %squeeze3A_77 = vector.extract %slice3A_76[0] : i32 from vector<1xi32>
    %slice3A_78 = vector.extract_strided_slice %get3A_71 {offsets = [4], sizes = [1], strides = [1]} : vector<16xi32> to vector<1xi32>
    %squeeze3A_79 = vector.extract %slice3A_78[0] : i32 from vector<1xi32>
    %slice3A_80 = vector.extract_strided_slice %get3A_71 {offsets = [5], sizes = [1], strides = [1]} : vector<16xi32> to vector<1xi32>
    %squeeze3A_81 = vector.extract %slice3A_80[0] : i32 from vector<1xi32>
    %slice3A_82 = vector.extract_strided_slice %get3A_71 {offsets = [6], sizes = [1], strides = [1]} : vector<16xi32> to vector<1xi32>
    %squeeze3A_83 = vector.extract %slice3A_82[0] : i32 from vector<1xi32>
    %slice3A_84 = vector.extract_strided_slice %get3A_71 {offsets = [7], sizes = [1], strides = [1]} : vector<16xi32> to vector<1xi32>
    %squeeze3A_85 = vector.extract %slice3A_84[0] : i32 from vector<1xi32>
    %slice3A_86 = vector.extract_strided_slice %get3A_71 {offsets = [8], sizes = [1], strides = [1]} : vector<16xi32> to vector<1xi32>
    %squeeze3A_87 = vector.extract %slice3A_86[0] : i32 from vector<1xi32>
    %slice3A_88 = vector.extract_strided_slice %get3A_71 {offsets = [9], sizes = [1], strides = [1]} : vector<16xi32> to vector<1xi32>
    %squeeze3A_89 = vector.extract %slice3A_88[0] : i32 from vector<1xi32>
    %slice3A_90 = vector.extract_strided_slice %get3A_71 {offsets = [10], sizes = [1], strides = [1]} : vector<16xi32> to vector<1xi32>
    %squeeze3A_91 = vector.extract %slice3A_90[0] : i32 from vector<1xi32>
    %slice3A_92 = vector.extract_strided_slice %get3A_71 {offsets = [11], sizes = [1], strides = [1]} : vector<16xi32> to vector<1xi32>
    %squeeze3A_93 = vector.extract %slice3A_92[0] : i32 from vector<1xi32>
    %slice3A_94 = vector.extract_strided_slice %get3A_71 {offsets = [12], sizes = [1], strides = [1]} : vector<16xi32> to vector<1xi32>
    %squeeze3A_95 = vector.extract %slice3A_94[0] : i32 from vector<1xi32>
    %slice3A_96 = vector.extract_strided_slice %get3A_71 {offsets = [13], sizes = [1], strides = [1]} : vector<16xi32> to vector<1xi32>
    %squeeze3A_97 = vector.extract %slice3A_96[0] : i32 from vector<1xi32>
    %slice3A_98 = vector.extract_strided_slice %get3A_71 {offsets = [14], sizes = [1], strides = [1]} : vector<16xi32> to vector<1xi32>
    %squeeze3A_99 = vector.extract %slice3A_98[0] : i32 from vector<1xi32>
    %slice3A_100 = vector.extract_strided_slice %get3A_71 {offsets = [15], sizes = [1], strides = [1]} : vector<16xi32> to vector<1xi32>
    %squeeze3A_101 = vector.extract %slice3A_100[0] : i32 from vector<1xi32>
    %get3A_102 = arith.index_cast %squeeze3A : i32 to index
    %get3A_103 = arith.constant 0 : index
    %get3A_104 = tpu.vector_load %arg5[%get3A_102, %get3A_103] {strides = array<i32>} : memref<4096x16xf32, #tpu.memory_space<vmem>>, vector<16xf32>,
    %get3A_105 = arith.constant 984 : i32
    %get3A_106 = arith.index_cast %get3A_105 : i32 to index
    %get3A_107 = arith.constant 0 : index
    %get3A_108 = tpu.vector_load %arg8[%get3A_106, %get3A_107] {strides = array<i32>} : memref<1000x16xf32, #tpu.memory_space<vmem>>, vector<16xf32>,
    %max3A = arith.maximumf %get3A_104, %get3A_108 : vector<16xf32>
    %get3A_109 = arith.index_cast %squeeze3A_73 : i32 to index
    %get3A_110 = arith.constant 0 : index
    %get3A_111 = tpu.vector_load %arg5[%get3A_109, %get3A_110] {strides = array<i32>} : memref<4096x16xf32, #tpu.memory_space<vmem>>, vector<16xf32>,
    %get3A_112 = arith.constant 985 : i32
    %get3A_113 = arith.index_cast %get3A_112 : i32 to index
    %get3A_114 = arith.constant 0 : index
    %get3A_115 = tpu.vector_load %arg8[%get3A_113, %get3A_114] {strides = array<i32>} : memref<1000x16xf32, #tpu.memory_space<vmem>>, vector<16xf32>,
    %max3A_116 = arith.maximumf %get3A_111, %get3A_115 : vector<16xf32>
    %get3A_117 = arith.index_cast %squeeze3A_75 : i32 to index
    %get3A_118 = arith.constant 0 : index
    %get3A_119 = tpu.vector_load %arg5[%get3A_117, %get3A_118] {strides = array<i32>} : memref<4096x16xf32, #tpu.memory_space<vmem>>, vector<16xf32>,
    %get3A_120 = arith.constant 986 : i32
    %get3A_121 = arith.index_cast %get3A_120 : i32 to index
    %get3A_122 = arith.constant 0 : index
    %get3A_123 = tpu.vector_load %arg8[%get3A_121, %get3A_122] {strides = array<i32>} : memref<1000x16xf32, #tpu.memory_space<vmem>>, vector<16xf32>,
    %max3A_124 = arith.maximumf %get3A_119, %get3A_123 : vector<16xf32>
    %get3A_125 = arith.index_cast %squeeze3A_77 : i32 to index
    %get3A_126 = arith.constant 0 : index
    %get3A_127 = tpu.vector_load %arg5[%get3A_125, %get3A_126] {strides = array<i32>} : memref<4096x16xf32, #tpu.memory_space<vmem>>, vector<16xf32>,
    %get3A_128 = arith.constant 987 : i32
    %get3A_129 = arith.index_cast %get3A_128 : i32 to index
    %get3A_130 = arith.constant 0 : index
    %get3A_131 = tpu.vector_load %arg8[%get3A_129, %get3A_130] {strides = array<i32>} : memref<1000x16xf32, #tpu.memory_space<vmem>>, vector<16xf32>,
    %max3A_132 = arith.maximumf %get3A_127, %get3A_131 : vector<16xf32>
    %get3A_133 = arith.index_cast %squeeze3A_79 : i32 to index
    %get3A_134 = arith.constant 0 : index
    %get3A_135 = tpu.vector_load %arg5[%get3A_133, %get3A_134] {strides = array<i32>} : memref<4096x16xf32, #tpu.memory_space<vmem>>, vector<16xf32>,
    %get3A_136 = arith.constant 988 : i32
    %get3A_137 = arith.index_cast %get3A_136 : i32 to index
    %get3A_138 = arith.constant 0 : index
    %get3A_139 = tpu.vector_load %arg8[%get3A_137, %get3A_138] {strides = array<i32>} : memref<1000x16xf32, #tpu.memory_space<vmem>>, vector<16xf32>,
    %max3A_140 = arith.maximumf %get3A_135, %get3A_139 : vector<16xf32>
    %get3A_141 = arith.index_cast %squeeze3A_81 : i32 to index
    %get3A_142 = arith.constant 0 : index
    %get3A_143 = tpu.vector_load %arg5[%get3A_141, %get3A_142] {strides = array<i32>} : memref<4096x16xf32, #tpu.memory_space<vmem>>, vector<16xf32>,
    %get3A_144 = arith.constant 989 : i32
    %get3A_145 = arith.index_cast %get3A_144 : i32 to index
    %get3A_146 = arith.constant 0 : index
    %get3A_147 = tpu.vector_load %arg8[%get3A_145, %get3A_146] {strides = array<i32>} : memref<1000x16xf32, #tpu.memory_space<vmem>>, vector<16xf32>,
    %max3A_148 = arith.maximumf %get3A_143, %get3A_147 : vector<16xf32>
    %get3A_149 = arith.index_cast %squeeze3A_83 : i32 to index
    %get3A_150 = arith.constant 0 : index
    %get3A_151 = tpu.vector_load %arg5[%get3A_149, %get3A_150] {strides = array<i32>} : memref<4096x16xf32, #tpu.memory_space<vmem>>, vector<16xf32>,
    %get3A_152 = arith.constant 990 : i32
    %get3A_153 = arith.index_cast %get3A_152 : i32 to index
    %get3A_154 = arith.constant 0 : index
    %get3A_155 = tpu.vector_load %arg8[%get3A_153, %get3A_154] {strides = array<i32>} : memref<1000x16xf32, #tpu.memory_space<vmem>>, vector<16xf32>,
    %max3A_156 = arith.maximumf %get3A_151, %get3A_155 : vector<16xf32>
    %get3A_157 = arith.index_cast %squeeze3A_85 : i32 to index
    %get3A_158 = arith.constant 0 : index
    %get3A_159 = tpu.vector_load %arg5[%get3A_157, %get3A_158] {strides = array<i32>} : memref<4096x16xf32, #tpu.memory_space<vmem>>, vector<16xf32>,
    %get3A_160 = arith.constant 991 : i32
    %get3A_161 = arith.index_cast %get3A_160 : i32 to index
    %get3A_162 = arith.constant 0 : index
    %get3A_163 = tpu.vector_load %arg8[%get3A_161, %get3A_162] {strides = array<i32>} : memref<1000x16xf32, #tpu.memory_space<vmem>>, vector<16xf32>,
    %max3A_164 = arith.maximumf %get3A_159, %get3A_163 : vector<16xf32>
    %get3A_165 = arith.index_cast %squeeze3A_87 : i32 to index
    %get3A_166 = arith.constant 0 : index
    %get3A_167 = tpu.vector_load %arg5[%get3A_165, %get3A_166] {strides = array<i32>} : memref<4096x16xf32, #tpu.memory_space<vmem>>, vector<16xf32>,
    %get3A_168 = arith.constant 992 : i32
    %get3A_169 = arith.index_cast %get3A_168 : i32 to index
    %get3A_170 = arith.constant 0 : index
    %get3A_171 = tpu.vector_load %arg8[%get3A_169, %get3A_170] {strides = array<i32>} : memref<1000x16xf32, #tpu.memory_space<vmem>>, vector<16xf32>,
    %max3A_172 = arith.maximumf %get3A_167, %get3A_171 : vector<16xf32>
    %get3A_173 = arith.index_cast %squeeze3A_89 : i32 to index
    %get3A_174 = arith.constant 0 : index
    %get3A_175 = tpu.vector_load %arg5[%get3A_173, %get3A_174] {strides = array<i32>} : memref<4096x16xf32, #tpu.memory_space<vmem>>, vector<16xf32>,
    %get3A_176 = arith.constant 993 : i32
    %get3A_177 = arith.index_cast %get3A_176 : i32 to index
    %get3A_178 = arith.constant 0 : index
    %get3A_179 = tpu.vector_load %arg8[%get3A_177, %get3A_178] {strides = array<i32>} : memref<1000x16xf32, #tpu.memory_space<vmem>>, vector<16xf32>,
    %max3A_180 = arith.maximumf %get3A_175, %get3A_179 : vector<16xf32>
    %get3A_181 = arith.index_cast %squeeze3A_91 : i32 to index
    %get3A_182 = arith.constant 0 : index
    %get3A_183 = tpu.vector_load %arg5[%get3A_181, %get3A_182] {strides = array<i32>} : memref<4096x16xf32, #tpu.memory_space<vmem>>, vector<16xf32>,
    %get3A_184 = arith.constant 994 : i32
    %get3A_185 = arith.index_cast %get3A_184 : i32 to index
    %get3A_186 = arith.constant 0 : index
    %get3A_187 = tpu.vector_load %arg8[%get3A_185, %get3A_186] {strides = array<i32>} : memref<1000x16xf32, #tpu.memory_space<vmem>>, vector<16xf32>,
    %max3A_188 = arith.maximumf %get3A_183, %get3A_187 : vector<16xf32>
    %get3A_189 = arith.index_cast %squeeze3A_93 : i32 to index
    %get3A_190 = arith.constant 0 : index
    %get3A_191 = tpu.vector_load %arg5[%get3A_189, %get3A_190] {strides = array<i32>} : memref<4096x16xf32, #tpu.memory_space<vmem>>, vector<16xf32>,
    %get3A_192 = arith.constant 995 : i32
    %get3A_193 = arith.index_cast %get3A_192 : i32 to index
    %get3A_194 = arith.constant 0 : index
    %get3A_195 = tpu.vector_load %arg8[%get3A_193, %get3A_194] {strides = array<i32>} : memref<1000x16xf32, #tpu.memory_space<vmem>>, vector<16xf32>,
    %max3A_196 = arith.maximumf %get3A_191, %get3A_195 : vector<16xf32>
    %get3A_197 = arith.index_cast %squeeze3A_95 : i32 to index
    %get3A_198 = arith.constant 0 : index
    %get3A_199 = tpu.vector_load %arg5[%get3A_197, %get3A_198] {strides = array<i32>} : memref<4096x16xf32, #tpu.memory_space<vmem>>, vector<16xf32>,
    %get3A_200 = arith.constant 996 : i32
    %get3A_201 = arith.index_cast %get3A_200 : i32 to index
    %get3A_202 = arith.constant 0 : index
    %get3A_203 = tpu.vector_load %arg8[%get3A_201, %get3A_202] {strides = array<i32>} : memref<1000x16xf32, #tpu.memory_space<vmem>>, vector<16xf32>,
    %max3A_204 = arith.maximumf %get3A_199, %get3A_203 : vector<16xf32>
    %get3A_205 = arith.index_cast %squeeze3A_97 : i32 to index
    %get3A_206 = arith.constant 0 : index
    %get3A_207 = tpu.vector_load %arg5[%get3A_205, %get3A_206] {strides = array<i32>} : memref<4096x16xf32, #tpu.memory_space<vmem>>, vector<16xf32>,
    %get3A_208 = arith.constant 997 : i32
    %get3A_209 = arith.index_cast %get3A_208 : i32 to index
    %get3A_210 = arith.constant 0 : index
    %get3A_211 = tpu.vector_load %arg8[%get3A_209, %get3A_210] {strides = array<i32>} : memref<1000x16xf32, #tpu.memory_space<vmem>>, vector<16xf32>,
    %max3A_212 = arith.maximumf %get3A_207, %get3A_211 : vector<16xf32>
    %get3A_213 = arith.index_cast %squeeze3A_99 : i32 to index
    %get3A_214 = arith.constant 0 : index
    %get3A_215 = tpu.vector_load %arg5[%get3A_213, %get3A_214] {strides = array<i32>} : memref<4096x16xf32, #tpu.memory_space<vmem>>, vector<16xf32>,
    %get3A_216 = arith.constant 998 : i32
    %get3A_217 = arith.index_cast %get3A_216 : i32 to index
    %get3A_218 = arith.constant 0 : index
    %get3A_219 = tpu.vector_load %arg8[%get3A_217, %get3A_218] {strides = array<i32>} : memref<1000x16xf32, #tpu.memory_space<vmem>>, vector<16xf32>,
    %max3A_220 = arith.maximumf %get3A_215, %get3A_219 : vector<16xf32>
    %get3A_221 = arith.index_cast %squeeze3A_101 : i32 to index
    %get3A_222 = arith.constant 0 : index
    %get3A_223 = tpu.vector_load %arg5[%get3A_221, %get3A_222] {strides = array<i32>} : memref<4096x16xf32, #tpu.memory_space<vmem>>, vector<16xf32>,
    %get3A_224 = arith.constant 999 : i32
    %get3A_225 = arith.index_cast %get3A_224 : i32 to index
    %get3A_226 = arith.constant 0 : index
    %get3A_227 = tpu.vector_load %arg8[%get3A_225, %get3A_226] {strides = array<i32>} : memref<1000x16xf32, #tpu.memory_space<vmem>>, vector<16xf32>,
    %max3A_228 = arith.maximumf %get3A_223, %get3A_227 : vector<16xf32>
    %broadcast_in_dim3A_229 = arith.constant true
    %broadcast_in_dim3A_230 = vector.broadcast %broadcast_in_dim3A_229 : i1 to vector<16xi1>
    %unique3A, %unique3A_231 = tpu.scan_count mask(%broadcast_in_dim3A_230 : vector<16xi1>) value(%get3A_71 : vector<16xi32>) : vector<16xi1>, vector<16xi32>
    %slice3A_232 = vector.extract_strided_slice %unique3A_231 {offsets = [0], sizes = [1], strides = [1]} : vector<16xi32> to vector<1xi32>
    %squeeze3A_233 = vector.extract %slice3A_232[0] : i32 from vector<1xi32>
    %broadcast_in_dim3A_234 = vector.broadcast %squeeze3A_233 : i32 to vector<16xi32>
    %ne3A_235 = arith.cmpi ne, %unique3A_231, %broadcast_in_dim3A_234 : vector<16xi32>
    %all_reduce_population_count3A = tpu.all_reduce %ne3A_235 {dim = 0 : i64, kind = #tpu.reduction_kind<sum>} : vector<16xi1> -> vector<16xi32>
    %slice3A_236 = vector.extract_strided_slice %all_reduce_population_count3A {offsets = [0], sizes = [1], strides = [1]} : vector<16xi32> to vector<1xi32>
    %squeeze3A_237 = vector.extract %slice3A_236[0] : i32 from vector<1xi32>
    %swap3A = arith.index_cast %squeeze3A : i32 to index
    %swap3A_238 = arith.constant 0 : index
    %swap3A_239 = tpu.vector_load %arg5[%swap3A, %swap3A_238] {strides = array<i32>} : memref<4096x16xf32, #tpu.memory_space<vmem>>, vector<16xf32>,
    tpu.vector_store %arg5[%swap3A, %swap3A_238], %max3A {strides = array<i32>} : memref<4096x16xf32, #tpu.memory_space<vmem>>, vector<16xf32>,
    %swap3A_240 = arith.index_cast %squeeze3A_73 : i32 to index
    %swap3A_241 = arith.constant 0 : index
    %swap3A_242 = tpu.vector_load %arg5[%swap3A_240, %swap3A_241] {strides = array<i32>} : memref<4096x16xf32, #tpu.memory_space<vmem>>, vector<16xf32>,
    tpu.vector_store %arg5[%swap3A_240, %swap3A_241], %max3A_116 {strides = array<i32>} : memref<4096x16xf32, #tpu.memory_space<vmem>>, vector<16xf32>,
    %swap3A_243 = arith.index_cast %squeeze3A_75 : i32 to index
    %swap3A_244 = arith.constant 0 : index
    %swap3A_245 = tpu.vector_load %arg5[%swap3A_243, %swap3A_244] {strides = array<i32>} : memref<4096x16xf32, #tpu.memory_space<vmem>>, vector<16xf32>,
    tpu.vector_store %arg5[%swap3A_243, %swap3A_244], %max3A_124 {strides = array<i32>} : memref<4096x16xf32, #tpu.memory_space<vmem>>, vector<16xf32>,
    %swap3A_246 = arith.index_cast %squeeze3A_77 : i32 to index
    %swap3A_247 = arith.constant 0 : index
    %swap3A_248 = tpu.vector_load %arg5[%swap3A_246, %swap3A_247] {strides = array<i32>} : memref<4096x16xf32, #tpu.memory_space<vmem>>, vector<16xf32>,
    tpu.vector_store %arg5[%swap3A_246, %swap3A_247], %max3A_132 {strides = array<i32>} : memref<4096x16xf32, #tpu.memory_space<vmem>>, vector<16xf32>,
    %swap3A_249 = arith.index_cast %squeeze3A_79 : i32 to index
    %swap3A_250 = arith.constant 0 : index
    %swap3A_251 = tpu.vector_load %arg5[%swap3A_249, %swap3A_250] {strides = array<i32>} : memref<4096x16xf32, #tpu.memory_space<vmem>>, vector<16xf32>,
    tpu.vector_store %arg5[%swap3A_249, %swap3A_250], %max3A_140 {strides = array<i32>} : memref<4096x16xf32, #tpu.memory_space<vmem>>, vector<16xf32>,
    %swap3A_252 = arith.index_cast %squeeze3A_81 : i32 to index
    %swap3A_253 = arith.constant 0 : index
    %swap3A_254 = tpu.vector_load %arg5[%swap3A_252, %swap3A_253] {strides = array<i32>} : memref<4096x16xf32, #tpu.memory_space<vmem>>, vector<16xf32>,
    tpu.vector_store %arg5[%swap3A_252, %swap3A_253], %max3A_148 {strides = array<i32>} : memref<4096x16xf32, #tpu.memory_space<vmem>>, vector<16xf32>,
    %swap3A_255 = arith.index_cast %squeeze3A_83 : i32 to index
    %swap3A_256 = arith.constant 0 : index
    %swap3A_257 = tpu.vector_load %arg5[%swap3A_255, %swap3A_256] {strides = array<i32>} : memref<4096x16xf32, #tpu.memory_space<vmem>>, vector<16xf32>,
    tpu.vector_store %arg5[%swap3A_255, %swap3A_256], %max3A_156 {strides = array<i32>} : memref<4096x16xf32, #tpu.memory_space<vmem>>, vector<16xf32>,
    %swap3A_258 = arith.index_cast %squeeze3A_85 : i32 to index
    %swap3A_259 = arith.constant 0 : index
    %swap3A_260 = tpu.vector_load %arg5[%swap3A_258, %swap3A_259] {strides = array<i32>} : memref<4096x16xf32, #tpu.memory_space<vmem>>, vector<16xf32>,
    tpu.vector_store %arg5[%swap3A_258, %swap3A_259], %max3A_164 {strides = array<i32>} : memref<4096x16xf32, #tpu.memory_space<vmem>>, vector<16xf32>,
    %swap3A_261 = arith.index_cast %squeeze3A_87 : i32 to index
    %swap3A_262 = arith.constant 0 : index
    %swap3A_263 = tpu.vector_load %arg5[%swap3A_261, %swap3A_262] {strides = array<i32>} : memref<4096x16xf32, #tpu.memory_space<vmem>>, vector<16xf32>,
    tpu.vector_store %arg5[%swap3A_261, %swap3A_262], %max3A_172 {strides = array<i32>} : memref<4096x16xf32, #tpu.memory_space<vmem>>, vector<16xf32>,
    %swap3A_264 = arith.index_cast %squeeze3A_89 : i32 to index
    %swap3A_265 = arith.constant 0 : index
    %swap3A_266 = tpu.vector_load %arg5[%swap3A_264, %swap3A_265] {strides = array<i32>} : memref<4096x16xf32, #tpu.memory_space<vmem>>, vector<16xf32>,
    tpu.vector_store %arg5[%swap3A_264, %swap3A_265], %max3A_180 {strides = array<i32>} : memref<4096x16xf32, #tpu.memory_space<vmem>>, vector<16xf32>,
    %swap3A_267 = arith.index_cast %squeeze3A_91 : i32 to index
    %swap3A_268 = arith.constant 0 : index
    %swap3A_269 = tpu.vector_load %arg5[%swap3A_267, %swap3A_268] {strides = array<i32>} : memref<4096x16xf32, #tpu.memory_space<vmem>>, vector<16xf32>,
    tpu.vector_store %arg5[%swap3A_267, %swap3A_268], %max3A_188 {strides = array<i32>} : memref<4096x16xf32, #tpu.memory_space<vmem>>, vector<16xf32>,
    %swap3A_270 = arith.index_cast %squeeze3A_93 : i32 to index
    %swap3A_271 = arith.constant 0 : index
    %swap3A_272 = tpu.vector_load %arg5[%swap3A_270, %swap3A_271] {strides = array<i32>} : memref<4096x16xf32, #tpu.memory_space<vmem>>, vector<16xf32>,
    tpu.vector_store %arg5[%swap3A_270, %swap3A_271], %max3A_196 {strides = array<i32>} : memref<4096x16xf32, #tpu.memory_space<vmem>>, vector<16xf32>,
    %swap3A_273 = arith.index_cast %squeeze3A_95 : i32 to index
    %swap3A_274 = arith.constant 0 : index
    %swap3A_275 = tpu.vector_load %arg5[%swap3A_273, %swap3A_274] {strides = array<i32>} : memref<4096x16xf32, #tpu.memory_space<vmem>>, vector<16xf32>,
    tpu.vector_store %arg5[%swap3A_273, %swap3A_274], %max3A_204 {strides = array<i32>} : memref<4096x16xf32, #tpu.memory_space<vmem>>, vector<16xf32>,
    %swap3A_276 = arith.index_cast %squeeze3A_97 : i32 to index
    %swap3A_277 = arith.constant 0 : index
    %swap3A_278 = tpu.vector_load %arg5[%swap3A_276, %swap3A_277] {strides = array<i32>} : memref<4096x16xf32, #tpu.memory_space<vmem>>, vector<16xf32>,
    tpu.vector_store %arg5[%swap3A_276, %swap3A_277], %max3A_212 {strides = array<i32>} : memref<4096x16xf32, #tpu.memory_space<vmem>>, vector<16xf32>,
    %swap3A_279 = arith.index_cast %squeeze3A_99 : i32 to index
    %swap3A_280 = arith.constant 0 : index
    %swap3A_281 = tpu.vector_load %arg5[%swap3A_279, %swap3A_280] {strides = array<i32>} : memref<4096x16xf32, #tpu.memory_space<vmem>>, vector<16xf32>,
    tpu.vector_store %arg5[%swap3A_279, %swap3A_280], %max3A_220 {strides = array<i32>} : memref<4096x16xf32, #tpu.memory_space<vmem>>, vector<16xf32>,
    %swap3A_282 = arith.index_cast %squeeze3A_101 : i32 to index
    %swap3A_283 = arith.constant 0 : index
    %swap3A_284 = tpu.vector_load %arg5[%swap3A_282, %swap3A_283] {strides = array<i32>} : memref<4096x16xf32, #tpu.memory_space<vmem>>, vector<16xf32>,
    tpu.vector_store %arg5[%swap3A_282, %swap3A_283], %max3A_228 {strides = array<i32>} : memref<4096x16xf32, #tpu.memory_space<vmem>>, vector<16xf32>,
    %eq3A_285 = arith.constant 1 : i32
    %eq3A_286 = arith.cmpi eq, %squeeze3A_237, %eq3A_285 : i32
    %convert_element_type3A = arith.extui %eq3A_286 : i1 to i32
    %cond3A = arith.constant 0 : i32
    %cond3A_287 = arith.cmpi ne, %convert_element_type3A, %cond3A : i32
    scf.if %cond3A_287 {
      %get3A_292 = arith.index_cast %squeeze3A : i32 to index
      %get3A_293 = arith.constant 0 : index
      %get3A_294 = tpu.vector_load %arg5[%get3A_292, %get3A_293] {strides = array<i32>} : memref<4096x16xf32, #tpu.memory_space<vmem>>, vector<16xf32>,
      %get3A_295 = arith.constant 984 : i32
      %get3A_296 = arith.index_cast %get3A_295 : i32 to index
      %get3A_297 = arith.constant 0 : index
      %get3A_298 = tpu.vector_load %arg8[%get3A_296, %get3A_297] {strides = array<i32>} : memref<1000x16xf32, #tpu.memory_space<vmem>>, vector<16xf32>,
      %max3A_299 = arith.maximumf %get3A_294, %get3A_298 : vector<16xf32>
      %get3A_300 = arith.index_cast %squeeze3A_73 : i32 to index
      %get3A_301 = arith.constant 0 : index
      %get3A_302 = tpu.vector_load %arg5[%get3A_300, %get3A_301] {strides = array<i32>} : memref<4096x16xf32, #tpu.memory_space<vmem>>, vector<16xf32>,
      %get3A_303 = arith.constant 985 : i32
      %get3A_304 = arith.index_cast %get3A_303 : i32 to index
      %get3A_305 = arith.constant 0 : index
      %get3A_306 = tpu.vector_load %arg8[%get3A_304, %get3A_305] {strides = array<i32>} : memref<1000x16xf32, #tpu.memory_space<vmem>>, vector<16xf32>,
      %max3A_307 = arith.maximumf %get3A_302, %get3A_306 : vector<16xf32>
      %get3A_308 = arith.index_cast %squeeze3A_75 : i32 to index
      %get3A_309 = arith.constant 0 : index
      %get3A_310 = tpu.vector_load %arg5[%get3A_308, %get3A_309] {strides = array<i32>} : memref<4096x16xf32, #tpu.memory_space<vmem>>, vector<16xf32>,
      %get3A_311 = arith.constant 986 : i32
      %get3A_312 = arith.index_cast %get3A_311 : i32 to index
      %get3A_313 = arith.constant 0 : index
      %get3A_314 = tpu.vector_load %arg8[%get3A_312, %get3A_313] {strides = array<i32>} : memref<1000x16xf32, #tpu.memory_space<vmem>>, vector<16xf32>,
      %max3A_315 = arith.maximumf %get3A_310, %get3A_314 : vector<16xf32>
      %get3A_316 = arith.index_cast %squeeze3A_77 : i32 to index
      %get3A_317 = arith.constant 0 : index
      %get3A_318 = tpu.vector_load %arg5[%get3A_316, %get3A_317] {strides = array<i32>} : memref<4096x16xf32, #tpu.memory_space<vmem>>, vector<16xf32>,
      %get3A_319 = arith.constant 987 : i32
      %get3A_320 = arith.index_cast %get3A_319 : i32 to index
      %get3A_321 = arith.constant 0 : index
      %get3A_322 = tpu.vector_load %arg8[%get3A_320, %get3A_321] {strides = array<i32>} : memref<1000x16xf32, #tpu.memory_space<vmem>>, vector<16xf32>,
      %max3A_323 = arith.maximumf %get3A_318, %get3A_322 : vector<16xf32>
      %get3A_324 = arith.index_cast %squeeze3A_79 : i32 to index
      %get3A_325 = arith.constant 0 : index
      %get3A_326 = tpu.vector_load %arg5[%get3A_324, %get3A_325] {strides = array<i32>} : memref<4096x16xf32, #tpu.memory_space<vmem>>, vector<16xf32>,
      %get3A_327 = arith.constant 988 : i32
      %get3A_328 = arith.index_cast %get3A_327 : i32 to index
      %get3A_329 = arith.constant 0 : index
      %get3A_330 = tpu.vector_load %arg8[%get3A_328, %get3A_329] {strides = array<i32>} : memref<1000x16xf32, #tpu.memory_space<vmem>>, vector<16xf32>,
      %max3A_331 = arith.maximumf %get3A_326, %get3A_330 : vector<16xf32>
      %get3A_332 = arith.index_cast %squeeze3A_81 : i32 to index
      %get3A_333 = arith.constant 0 : index
      %get3A_334 = tpu.vector_load %arg5[%get3A_332, %get3A_333] {strides = array<i32>} : memref<4096x16xf32, #tpu.memory_space<vmem>>, vector<16xf32>,
      %get3A_335 = arith.constant 989 : i32
      %get3A_336 = arith.index_cast %get3A_335 : i32 to index
      %get3A_337 = arith.constant 0 : index
      %get3A_338 = tpu.vector_load %arg8[%get3A_336, %get3A_337] {strides = array<i32>} : memref<1000x16xf32, #tpu.memory_space<vmem>>, vector<16xf32>,
      %max3A_339 = arith.maximumf %get3A_334, %get3A_338 : vector<16xf32>
      %get3A_340 = arith.index_cast %squeeze3A_83 : i32 to index
      %get3A_341 = arith.constant 0 : index
      %get3A_342 = tpu.vector_load %arg5[%get3A_340, %get3A_341] {strides = array<i32>} : memref<4096x16xf32, #tpu.memory_space<vmem>>, vector<16xf32>,
      %get3A_343 = arith.constant 990 : i32
      %get3A_344 = arith.index_cast %get3A_343 : i32 to index
      %get3A_345 = arith.constant 0 : index
      %get3A_346 = tpu.vector_load %arg8[%get3A_344, %get3A_345] {strides = array<i32>} : memref<1000x16xf32, #tpu.memory_space<vmem>>, vector<16xf32>,
      %max3A_347 = arith.maximumf %get3A_342, %get3A_346 : vector<16xf32>
      %get3A_348 = arith.index_cast %squeeze3A_85 : i32 to index
      %get3A_349 = arith.constant 0 : index
      %get3A_350 = tpu.vector_load %arg5[%get3A_348, %get3A_349] {strides = array<i32>} : memref<4096x16xf32, #tpu.memory_space<vmem>>, vector<16xf32>,
      %get3A_351 = arith.constant 991 : i32
      %get3A_352 = arith.index_cast %get3A_351 : i32 to index
      %get3A_353 = arith.constant 0 : index
      %get3A_354 = tpu.vector_load %arg8[%get3A_352, %get3A_353] {strides = array<i32>} : memref<1000x16xf32, #tpu.memory_space<vmem>>, vector<16xf32>,
      %max3A_355 = arith.maximumf %get3A_350, %get3A_354 : vector<16xf32>
      %get3A_356 = arith.index_cast %squeeze3A_87 : i32 to index
      %get3A_357 = arith.constant 0 : index
      %get3A_358 = tpu.vector_load %arg5[%get3A_356, %get3A_357] {strides = array<i32>} : memref<4096x16xf32, #tpu.memory_space<vmem>>, vector<16xf32>,
      %get3A_359 = arith.constant 992 : i32
      %get3A_360 = arith.index_cast %get3A_359 : i32 to index
      %get3A_361 = arith.constant 0 : index
      %get3A_362 = tpu.vector_load %arg8[%get3A_360, %get3A_361] {strides = array<i32>} : memref<1000x16xf32, #tpu.memory_space<vmem>>, vector<16xf32>,
      %max3A_363 = arith.maximumf %get3A_358, %get3A_362 : vector<16xf32>
      %get3A_364 = arith.index_cast %squeeze3A_89 : i32 to index
      %get3A_365 = arith.constant 0 : index
      %get3A_366 = tpu.vector_load %arg5[%get3A_364, %get3A_365] {strides = array<i32>} : memref<4096x16xf32, #tpu.memory_space<vmem>>, vector<16xf32>,
      %get3A_367 = arith.constant 993 : i32
      %get3A_368 = arith.index_cast %get3A_367 : i32 to index
      %get3A_369 = arith.constant 0 : index
      %get3A_370 = tpu.vector_load %arg8[%get3A_368, %get3A_369] {strides = array<i32>} : memref<1000x16xf32, #tpu.memory_space<vmem>>, vector<16xf32>,
      %max3A_371 = arith.maximumf %get3A_366, %get3A_370 : vector<16xf32>
      %get3A_372 = arith.index_cast %squeeze3A_91 : i32 to index
      %get3A_373 = arith.constant 0 : index
      %get3A_374 = tpu.vector_load %arg5[%get3A_372, %get3A_373] {strides = array<i32>} : memref<4096x16xf32, #tpu.memory_space<vmem>>, vector<16xf32>,
      %get3A_375 = arith.constant 994 : i32
      %get3A_376 = arith.index_cast %get3A_375 : i32 to index
      %get3A_377 = arith.constant 0 : index
      %get3A_378 = tpu.vector_load %arg8[%get3A_376, %get3A_377] {strides = array<i32>} : memref<1000x16xf32, #tpu.memory_space<vmem>>, vector<16xf32>,
      %max3A_379 = arith.maximumf %get3A_374, %get3A_378 : vector<16xf32>
      %get3A_380 = arith.index_cast %squeeze3A_93 : i32 to index
      %get3A_381 = arith.constant 0 : index
      %get3A_382 = tpu.vector_load %arg5[%get3A_380, %get3A_381] {strides = array<i32>} : memref<4096x16xf32, #tpu.memory_space<vmem>>, vector<16xf32>,
      %get3A_383 = arith.constant 995 : i32
      %get3A_384 = arith.index_cast %get3A_383 : i32 to index
      %get3A_385 = arith.constant 0 : index
      %get3A_386 = tpu.vector_load %arg8[%get3A_384, %get3A_385] {strides = array<i32>} : memref<1000x16xf32, #tpu.memory_space<vmem>>, vector<16xf32>,
      %max3A_387 = arith.maximumf %get3A_382, %get3A_386 : vector<16xf32>
      %get3A_388 = arith.index_cast %squeeze3A_95 : i32 to index
      %get3A_389 = arith.constant 0 : index
      %get3A_390 = tpu.vector_load %arg5[%get3A_388, %get3A_389] {strides = array<i32>} : memref<4096x16xf32, #tpu.memory_space<vmem>>, vector<16xf32>,
      %get3A_391 = arith.constant 996 : i32
      %get3A_392 = arith.index_cast %get3A_391 : i32 to index
      %get3A_393 = arith.constant 0 : index
      %get3A_394 = tpu.vector_load %arg8[%get3A_392, %get3A_393] {strides = array<i32>} : memref<1000x16xf32, #tpu.memory_space<vmem>>, vector<16xf32>,
      %max3A_395 = arith.maximumf %get3A_390, %get3A_394 : vector<16xf32>
      %get3A_396 = arith.index_cast %squeeze3A_97 : i32 to index
      %get3A_397 = arith.constant 0 : index
      %get3A_398 = tpu.vector_load %arg5[%get3A_396, %get3A_397] {strides = array<i32>} : memref<4096x16xf32, #tpu.memory_space<vmem>>, vector<16xf32>,
      %get3A_399 = arith.constant 997 : i32
      %get3A_400 = arith.index_cast %get3A_399 : i32 to index
      %get3A_401 = arith.constant 0 : index
      %get3A_402 = tpu.vector_load %arg8[%get3A_400, %get3A_401] {strides = array<i32>} : memref<1000x16xf32, #tpu.memory_space<vmem>>, vector<16xf32>,
      %max3A_403 = arith.maximumf %get3A_398, %get3A_402 : vector<16xf32>
      %get3A_404 = arith.index_cast %squeeze3A_99 : i32 to index
      %get3A_405 = arith.constant 0 : index
      %get3A_406 = tpu.vector_load %arg5[%get3A_404, %get3A_405] {strides = array<i32>} : memref<4096x16xf32, #tpu.memory_space<vmem>>, vector<16xf32>,
      %get3A_407 = arith.constant 998 : i32
      %get3A_408 = arith.index_cast %get3A_407 : i32 to index
      %get3A_409 = arith.constant 0 : index
      %get3A_410 = tpu.vector_load %arg8[%get3A_408, %get3A_409] {strides = array<i32>} : memref<1000x16xf32, #tpu.memory_space<vmem>>, vector<16xf32>,
      %max3A_411 = arith.maximumf %get3A_406, %get3A_410 : vector<16xf32>
      %get3A_412 = arith.index_cast %squeeze3A_101 : i32 to index
      %get3A_413 = arith.constant 0 : index
      %get3A_414 = tpu.vector_load %arg5[%get3A_412, %get3A_413] {strides = array<i32>} : memref<4096x16xf32, #tpu.memory_space<vmem>>, vector<16xf32>,
      %get3A_415 = arith.constant 999 : i32
      %get3A_416 = arith.index_cast %get3A_415 : i32 to index
      %get3A_417 = arith.constant 0 : index
      %get3A_418 = tpu.vector_load %arg8[%get3A_416, %get3A_417] {strides = array<i32>} : memref<1000x16xf32, #tpu.memory_space<vmem>>, vector<16xf32>,
      %max3A_419 = arith.maximumf %get3A_414, %get3A_418 : vector<16xf32>
      %swap3A_420 = arith.index_cast %squeeze3A_101 : i32 to index
      %swap3A_421 = arith.constant 0 : index
      %swap3A_422 = tpu.vector_load %arg5[%swap3A_420, %swap3A_421] {strides = array<i32>} : memref<4096x16xf32, #tpu.memory_space<vmem>>, vector<16xf32>,
      tpu.vector_store %arg5[%swap3A_420, %swap3A_421], %max3A_419 {strides = array<i32>} : memref<4096x16xf32, #tpu.memory_space<vmem>>, vector<16xf32>,
      %swap3A_423 = arith.index_cast %squeeze3A_99 : i32 to index
      %swap3A_424 = arith.constant 0 : index
      %swap3A_425 = tpu.vector_load %arg5[%swap3A_423, %swap3A_424] {strides = array<i32>} : memref<4096x16xf32, #tpu.memory_space<vmem>>, vector<16xf32>,
      tpu.vector_store %arg5[%swap3A_423, %swap3A_424], %max3A_411 {strides = array<i32>} : memref<4096x16xf32, #tpu.memory_space<vmem>>, vector<16xf32>,
      %swap3A_426 = arith.index_cast %squeeze3A_97 : i32 to index
      %swap3A_427 = arith.constant 0 : index
      %swap3A_428 = tpu.vector_load %arg5[%swap3A_426, %swap3A_427] {strides = array<i32>} : memref<4096x16xf32, #tpu.memory_space<vmem>>, vector<16xf32>,
      tpu.vector_store %arg5[%swap3A_426, %swap3A_427], %max3A_403 {strides = array<i32>} : memref<4096x16xf32, #tpu.memory_space<vmem>>, vector<16xf32>,
      %swap3A_429 = arith.index_cast %squeeze3A_95 : i32 to index
      %swap3A_430 = arith.constant 0 : index
      %swap3A_431 = tpu.vector_load %arg5[%swap3A_429, %swap3A_430] {strides = array<i32>} : memref<4096x16xf32, #tpu.memory_space<vmem>>, vector<16xf32>,
      tpu.vector_store %arg5[%swap3A_429, %swap3A_430], %max3A_395 {strides = array<i32>} : memref<4096x16xf32, #tpu.memory_space<vmem>>, vector<16xf32>,
      %swap3A_432 = arith.index_cast %squeeze3A_93 : i32 to index
      %swap3A_433 = arith.constant 0 : index
      %swap3A_434 = tpu.vector_load %arg5[%swap3A_432, %swap3A_433] {strides = array<i32>} : memref<4096x16xf32, #tpu.memory_space<vmem>>, vector<16xf32>,
      tpu.vector_store %arg5[%swap3A_432, %swap3A_433], %max3A_387 {strides = array<i32>} : memref<4096x16xf32, #tpu.memory_space<vmem>>, vector<16xf32>,
      %swap3A_435 = arith.index_cast %squeeze3A_91 : i32 to index
      %swap3A_436 = arith.constant 0 : index
      %swap3A_437 = tpu.vector_load %arg5[%swap3A_435, %swap3A_436] {strides = array<i32>} : memref<4096x16xf32, #tpu.memory_space<vmem>>, vector<16xf32>,
      tpu.vector_store %arg5[%swap3A_435, %swap3A_436], %max3A_379 {strides = array<i32>} : memref<4096x16xf32, #tpu.memory_space<vmem>>, vector<16xf32>,
      %swap3A_438 = arith.index_cast %squeeze3A_89 : i32 to index
      %swap3A_439 = arith.constant 0 : index
      %swap3A_440 = tpu.vector_load %arg5[%swap3A_438, %swap3A_439] {strides = array<i32>} : memref<4096x16xf32, #tpu.memory_space<vmem>>, vector<16xf32>,
      tpu.vector_store %arg5[%swap3A_438, %swap3A_439], %max3A_371 {strides = array<i32>} : memref<4096x16xf32, #tpu.memory_space<vmem>>, vector<16xf32>,
      %swap3A_441 = arith.index_cast %squeeze3A_87 : i32 to index
      %swap3A_442 = arith.constant 0 : index
      %swap3A_443 = tpu.vector_load %arg5[%swap3A_441, %swap3A_442] {strides = array<i32>} : memref<4096x16xf32, #tpu.memory_space<vmem>>, vector<16xf32>,
      tpu.vector_store %arg5[%swap3A_441, %swap3A_442], %max3A_363 {strides = array<i32>} : memref<4096x16xf32, #tpu.memory_space<vmem>>, vector<16xf32>,
      %swap3A_444 = arith.index_cast %squeeze3A_85 : i32 to index
      %swap3A_445 = arith.constant 0 : index
      %swap3A_446 = tpu.vector_load %arg5[%swap3A_444, %swap3A_445] {strides = array<i32>} : memref<4096x16xf32, #tpu.memory_space<vmem>>, vector<16xf32>,
      tpu.vector_store %arg5[%swap3A_444, %swap3A_445], %max3A_355 {strides = array<i32>} : memref<4096x16xf32, #tpu.memory_space<vmem>>, vector<16xf32>,
      %swap3A_447 = arith.index_cast %squeeze3A_83 : i32 to index
      %swap3A_448 = arith.constant 0 : index
      %swap3A_449 = tpu.vector_load %arg5[%swap3A_447, %swap3A_448] {strides = array<i32>} : memref<4096x16xf32, #tpu.memory_space<vmem>>, vector<16xf32>,
      tpu.vector_store %arg5[%swap3A_447, %swap3A_448], %max3A_347 {strides = array<i32>} : memref<4096x16xf32, #tpu.memory_space<vmem>>, vector<16xf32>,
      %swap3A_450 = arith.index_cast %squeeze3A_81 : i32 to index
      %swap3A_451 = arith.constant 0 : index
      %swap3A_452 = tpu.vector_load %arg5[%swap3A_450, %swap3A_451] {strides = array<i32>} : memref<4096x16xf32, #tpu.memory_space<vmem>>, vector<16xf32>,
      tpu.vector_store %arg5[%swap3A_450, %swap3A_451], %max3A_339 {strides = array<i32>} : memref<4096x16xf32, #tpu.memory_space<vmem>>, vector<16xf32>,
      %swap3A_453 = arith.index_cast %squeeze3A_79 : i32 to index
      %swap3A_454 = arith.constant 0 : index
      %swap3A_455 = tpu.vector_load %arg5[%swap3A_453, %swap3A_454] {strides = array<i32>} : memref<4096x16xf32, #tpu.memory_space<vmem>>, vector<16xf32>,
      tpu.vector_store %arg5[%swap3A_453, %swap3A_454], %max3A_331 {strides = array<i32>} : memref<4096x16xf32, #tpu.memory_space<vmem>>, vector<16xf32>,
      %swap3A_456 = arith.index_cast %squeeze3A_77 : i32 to index
      %swap3A_457 = arith.constant 0 : index
      %swap3A_458 = tpu.vector_load %arg5[%swap3A_456, %swap3A_457] {strides = array<i32>} : memref<4096x16xf32, #tpu.memory_space<vmem>>, vector<16xf32>,
      tpu.vector_store %arg5[%swap3A_456, %swap3A_457], %max3A_323 {strides = array<i32>} : memref<4096x16xf32, #tpu.memory_space<vmem>>, vector<16xf32>,
      %swap3A_459 = arith.index_cast %squeeze3A_75 : i32 to index
      %swap3A_460 = arith.constant 0 : index
      %swap3A_461 = tpu.vector_load %arg5[%swap3A_459, %swap3A_460] {strides = array<i32>} : memref<4096x16xf32, #tpu.memory_space<vmem>>, vector<16xf32>,
      tpu.vector_store %arg5[%swap3A_459, %swap3A_460], %max3A_315 {strides = array<i32>} : memref<4096x16xf32, #tpu.memory_space<vmem>>, vector<16xf32>,
      %swap3A_462 = arith.index_cast %squeeze3A_73 : i32 to index
      %swap3A_463 = arith.constant 0 : index
      %swap3A_464 = tpu.vector_load %arg5[%swap3A_462, %swap3A_463] {strides = array<i32>} : memref<4096x16xf32, #tpu.memory_space<vmem>>, vector<16xf32>,
      tpu.vector_store %arg5[%swap3A_462, %swap3A_463], %max3A_307 {strides = array<i32>} : memref<4096x16xf32, #tpu.memory_space<vmem>>, vector<16xf32>,
      %swap3A_465 = arith.index_cast %squeeze3A : i32 to index
      %swap3A_466 = arith.constant 0 : index
      %swap3A_467 = tpu.vector_load %arg5[%swap3A_465, %swap3A_466] {strides = array<i32>} : memref<4096x16xf32, #tpu.memory_space<vmem>>, vector<16xf32>,
      tpu.vector_store %arg5[%swap3A_465, %swap3A_466], %max3A_299 {strides = array<i32>} : memref<4096x16xf32, #tpu.memory_space<vmem>>, vector<16xf32>,
    } else {
    }
    %ge3A = arith.constant 2 : i32
    %ge3A_288 = arith.cmpi sge, %squeeze3A_237, %ge3A : i32
    %convert_element_type3A_289 = arith.extui %ge3A_288 : i1 to i32
    %cond3A_290 = arith.constant 0 : i32
    %cond3A_291 = arith.cmpi ne, %convert_element_type3A_289, %cond3A_290 : i32
    scf.if %cond3A_291 {
      %get3A_292 = arith.index_cast %squeeze3A : i32 to index
      %get3A_293 = arith.constant 0 : index
      %get3A_294 = tpu.vector_load %arg5[%get3A_292, %get3A_293] {strides = array<i32>} : memref<4096x16xf32, #tpu.memory_space<vmem>>, vector<16xf32>,
      %get3A_295 = arith.constant 984 : i32
      %get3A_296 = arith.index_cast %get3A_295 : i32 to index
      %get3A_297 = arith.constant 0 : index
      %get3A_298 = tpu.vector_load %arg8[%get3A_296, %get3A_297] {strides = array<i32>} : memref<1000x16xf32, #tpu.memory_space<vmem>>, vector<16xf32>,
      %max3A_299 = arith.maximumf %get3A_294, %get3A_298 : vector<16xf32>
      %swap3A_300 = arith.index_cast %squeeze3A : i32 to index
      %swap3A_301 = arith.constant 0 : index
      %swap3A_302 = tpu.vector_load %arg5[%swap3A_300, %swap3A_301] {strides = array<i32>} : memref<4096x16xf32, #tpu.memory_space<vmem>>, vector<16xf32>,
      tpu.vector_store %arg5[%swap3A_300, %swap3A_301], %max3A_299 {strides = array<i32>} : memref<4096x16xf32, #tpu.memory_space<vmem>>, vector<16xf32>,
      %get3A_303 = arith.index_cast %squeeze3A_73 : i32 to index
      %get3A_304 = arith.constant 0 : index
      %get3A_305 = tpu.vector_load %arg5[%get3A_303, %get3A_304] {strides = array<i32>} : memref<4096x16xf32, #tpu.memory_space<vmem>>, vector<16xf32>,
      %get3A_306 = arith.constant 985 : i32
      %get3A_307 = arith.index_cast %get3A_306 : i32 to index
      %get3A_308 = arith.constant 0 : index
      %get3A_309 = tpu.vector_load %arg8[%get3A_307, %get3A_308] {strides = array<i32>} : memref<1000x16xf32, #tpu.memory_space<vmem>>, vector<16xf32>,
      %max3A_310 = arith.maximumf %get3A_305, %get3A_309 : vector<16xf32>
      %swap3A_311 = arith.index_cast %squeeze3A_73 : i32 to index
      %swap3A_312 = arith.constant 0 : index
      %swap3A_313 = tpu.vector_load %arg5[%swap3A_311, %swap3A_312] {strides = array<i32>} : memref<4096x16xf32, #tpu.memory_space<vmem>>, vector<16xf32>,
      tpu.vector_store %arg5[%swap3A_311, %swap3A_312], %max3A_310 {strides = array<i32>} : memref<4096x16xf32, #tpu.memory_space<vmem>>, vector<16xf32>,
      %get3A_314 = arith.index_cast %squeeze3A_75 : i32 to index
      %get3A_315 = arith.constant 0 : index
      %get3A_316 = tpu.vector_load %arg5[%get3A_314, %get3A_315] {strides = array<i32>} : memref<4096x16xf32, #tpu.memory_space<vmem>>, vector<16xf32>,
      %get3A_317 = arith.constant 986 : i32
      %get3A_318 = arith.index_cast %get3A_317 : i32 to index
      %get3A_319 = arith.constant 0 : index
      %get3A_320 = tpu.vector_load %arg8[%get3A_318, %get3A_319] {strides = array<i32>} : memref<1000x16xf32, #tpu.memory_space<vmem>>, vector<16xf32>,
      %max3A_321 = arith.maximumf %get3A_316, %get3A_320 : vector<16xf32>
      %swap3A_322 = arith.index_cast %squeeze3A_75 : i32 to index
      %swap3A_323 = arith.constant 0 : index
      %swap3A_324 = tpu.vector_load %arg5[%swap3A_322, %swap3A_323] {strides = array<i32>} : memref<4096x16xf32, #tpu.memory_space<vmem>>, vector<16xf32>,
      tpu.vector_store %arg5[%swap3A_322, %swap3A_323], %max3A_321 {strides = array<i32>} : memref<4096x16xf32, #tpu.memory_space<vmem>>, vector<16xf32>,
      %get3A_325 = arith.index_cast %squeeze3A_77 : i32 to index
      %get3A_326 = arith.constant 0 : index
      %get3A_327 = tpu.vector_load %arg5[%get3A_325, %get3A_326] {strides = array<i32>} : memref<4096x16xf32, #tpu.memory_space<vmem>>, vector<16xf32>,
      %get3A_328 = arith.constant 987 : i32
      %get3A_329 = arith.index_cast %get3A_328 : i32 to index
      %get3A_330 = arith.constant 0 : index
      %get3A_331 = tpu.vector_load %arg8[%get3A_329, %get3A_330] {strides = array<i32>} : memref<1000x16xf32, #tpu.memory_space<vmem>>, vector<16xf32>,
      %max3A_332 = arith.maximumf %get3A_327, %get3A_331 : vector<16xf32>
      %swap3A_333 = arith.index_cast %squeeze3A_77 : i32 to index
      %swap3A_334 = arith.constant 0 : index
      %swap3A_335 = tpu.vector_load %arg5[%swap3A_333, %swap3A_334] {strides = array<i32>} : memref<4096x16xf32, #tpu.memory_space<vmem>>, vector<16xf32>,
      tpu.vector_store %arg5[%swap3A_333, %swap3A_334], %max3A_332 {strides = array<i32>} : memref<4096x16xf32, #tpu.memory_space<vmem>>, vector<16xf32>,
      %get3A_336 = arith.index_cast %squeeze3A_79 : i32 to index
      %get3A_337 = arith.constant 0 : index
      %get3A_338 = tpu.vector_load %arg5[%get3A_336, %get3A_337] {strides = array<i32>} : memref<4096x16xf32, #tpu.memory_space<vmem>>, vector<16xf32>,
      %get3A_339 = arith.constant 988 : i32
      %get3A_340 = arith.index_cast %get3A_339 : i32 to index
      %get3A_341 = arith.constant 0 : index
      %get3A_342 = tpu.vector_load %arg8[%get3A_340, %get3A_341] {strides = array<i32>} : memref<1000x16xf32, #tpu.memory_space<vmem>>, vector<16xf32>,
      %max3A_343 = arith.maximumf %get3A_338, %get3A_342 : vector<16xf32>
      %swap3A_344 = arith.index_cast %squeeze3A_79 : i32 to index
      %swap3A_345 = arith.constant 0 : index
      %swap3A_346 = tpu.vector_load %arg5[%swap3A_344, %swap3A_345] {strides = array<i32>} : memref<4096x16xf32, #tpu.memory_space<vmem>>, vector<16xf32>,
      tpu.vector_store %arg5[%swap3A_344, %swap3A_345], %max3A_343 {strides = array<i32>} : memref<4096x16xf32, #tpu.memory_space<vmem>>, vector<16xf32>,
      %get3A_347 = arith.index_cast %squeeze3A_81 : i32 to index
      %get3A_348 = arith.constant 0 : index
      %get3A_349 = tpu.vector_load %arg5[%get3A_347, %get3A_348] {strides = array<i32>} : memref<4096x16xf32, #tpu.memory_space<vmem>>, vector<16xf32>,
      %get3A_350 = arith.constant 989 : i32
      %get3A_351 = arith.index_cast %get3A_350 : i32 to index
      %get3A_352 = arith.constant 0 : index
      %get3A_353 = tpu.vector_load %arg8[%get3A_351, %get3A_352] {strides = array<i32>} : memref<1000x16xf32, #tpu.memory_space<vmem>>, vector<16xf32>,
      %max3A_354 = arith.maximumf %get3A_349, %get3A_353 : vector<16xf32>
      %swap3A_355 = arith.index_cast %squeeze3A_81 : i32 to index
      %swap3A_356 = arith.constant 0 : index
      %swap3A_357 = tpu.vector_load %arg5[%swap3A_355, %swap3A_356] {strides = array<i32>} : memref<4096x16xf32, #tpu.memory_space<vmem>>, vector<16xf32>,
      tpu.vector_store %arg5[%swap3A_355, %swap3A_356], %max3A_354 {strides = array<i32>} : memref<4096x16xf32, #tpu.memory_space<vmem>>, vector<16xf32>,
      %get3A_358 = arith.index_cast %squeeze3A_83 : i32 to index
      %get3A_359 = arith.constant 0 : index
      %get3A_360 = tpu.vector_load %arg5[%get3A_358, %get3A_359] {strides = array<i32>} : memref<4096x16xf32, #tpu.memory_space<vmem>>, vector<16xf32>,
      %get3A_361 = arith.constant 990 : i32
      %get3A_362 = arith.index_cast %get3A_361 : i32 to index
      %get3A_363 = arith.constant 0 : index
      %get3A_364 = tpu.vector_load %arg8[%get3A_362, %get3A_363] {strides = array<i32>} : memref<1000x16xf32, #tpu.memory_space<vmem>>, vector<16xf32>,
      %max3A_365 = arith.maximumf %get3A_360, %get3A_364 : vector<16xf32>
      %swap3A_366 = arith.index_cast %squeeze3A_83 : i32 to index
      %swap3A_367 = arith.constant 0 : index
      %swap3A_368 = tpu.vector_load %arg5[%swap3A_366, %swap3A_367] {strides = array<i32>} : memref<4096x16xf32, #tpu.memory_space<vmem>>, vector<16xf32>,
      tpu.vector_store %arg5[%swap3A_366, %swap3A_367], %max3A_365 {strides = array<i32>} : memref<4096x16xf32, #tpu.memory_space<vmem>>, vector<16xf32>,
      %get3A_369 = arith.index_cast %squeeze3A_85 : i32 to index
      %get3A_370 = arith.constant 0 : index
      %get3A_371 = tpu.vector_load %arg5[%get3A_369, %get3A_370] {strides = array<i32>} : memref<4096x16xf32, #tpu.memory_space<vmem>>, vector<16xf32>,
      %get3A_372 = arith.constant 991 : i32
      %get3A_373 = arith.index_cast %get3A_372 : i32 to index
      %get3A_374 = arith.constant 0 : index
      %get3A_375 = tpu.vector_load %arg8[%get3A_373, %get3A_374] {strides = array<i32>} : memref<1000x16xf32, #tpu.memory_space<vmem>>, vector<16xf32>,
      %max3A_376 = arith.maximumf %get3A_371, %get3A_375 : vector<16xf32>
      %swap3A_377 = arith.index_cast %squeeze3A_85 : i32 to index
      %swap3A_378 = arith.constant 0 : index
      %swap3A_379 = tpu.vector_load %arg5[%swap3A_377, %swap3A_378] {strides = array<i32>} : memref<4096x16xf32, #tpu.memory_space<vmem>>, vector<16xf32>,
      tpu.vector_store %arg5[%swap3A_377, %swap3A_378], %max3A_376 {strides = array<i32>} : memref<4096x16xf32, #tpu.memory_space<vmem>>, vector<16xf32>,
      %get3A_380 = arith.index_cast %squeeze3A_87 : i32 to index
      %get3A_381 = arith.constant 0 : index
      %get3A_382 = tpu.vector_load %arg5[%get3A_380, %get3A_381] {strides = array<i32>} : memref<4096x16xf32, #tpu.memory_space<vmem>>, vector<16xf32>,
      %get3A_383 = arith.constant 992 : i32
      %get3A_384 = arith.index_cast %get3A_383 : i32 to index
      %get3A_385 = arith.constant 0 : index
      %get3A_386 = tpu.vector_load %arg8[%get3A_384, %get3A_385] {strides = array<i32>} : memref<1000x16xf32, #tpu.memory_space<vmem>>, vector<16xf32>,
      %max3A_387 = arith.maximumf %get3A_382, %get3A_386 : vector<16xf32>
      %swap3A_388 = arith.index_cast %squeeze3A_87 : i32 to index
      %swap3A_389 = arith.constant 0 : index
      %swap3A_390 = tpu.vector_load %arg5[%swap3A_388, %swap3A_389] {strides = array<i32>} : memref<4096x16xf32, #tpu.memory_space<vmem>>, vector<16xf32>,
      tpu.vector_store %arg5[%swap3A_388, %swap3A_389], %max3A_387 {strides = array<i32>} : memref<4096x16xf32, #tpu.memory_space<vmem>>, vector<16xf32>,
      %get3A_391 = arith.index_cast %squeeze3A_89 : i32 to index
      %get3A_392 = arith.constant 0 : index
      %get3A_393 = tpu.vector_load %arg5[%get3A_391, %get3A_392] {strides = array<i32>} : memref<4096x16xf32, #tpu.memory_space<vmem>>, vector<16xf32>,
      %get3A_394 = arith.constant 993 : i32
      %get3A_395 = arith.index_cast %get3A_394 : i32 to index
      %get3A_396 = arith.constant 0 : index
      %get3A_397 = tpu.vector_load %arg8[%get3A_395, %get3A_396] {strides = array<i32>} : memref<1000x16xf32, #tpu.memory_space<vmem>>, vector<16xf32>,
      %max3A_398 = arith.maximumf %get3A_393, %get3A_397 : vector<16xf32>
      %swap3A_399 = arith.index_cast %squeeze3A_89 : i32 to index
      %swap3A_400 = arith.constant 0 : index
      %swap3A_401 = tpu.vector_load %arg5[%swap3A_399, %swap3A_400] {strides = array<i32>} : memref<4096x16xf32, #tpu.memory_space<vmem>>, vector<16xf32>,
      tpu.vector_store %arg5[%swap3A_399, %swap3A_400], %max3A_398 {strides = array<i32>} : memref<4096x16xf32, #tpu.memory_space<vmem>>, vector<16xf32>,
      %get3A_402 = arith.index_cast %squeeze3A_91 : i32 to index
      %get3A_403 = arith.constant 0 : index
      %get3A_404 = tpu.vector_load %arg5[%get3A_402, %get3A_403] {strides = array<i32>} : memref<4096x16xf32, #tpu.memory_space<vmem>>, vector<16xf32>,
      %get3A_405 = arith.constant 994 : i32
      %get3A_406 = arith.index_cast %get3A_405 : i32 to index
      %get3A_407 = arith.constant 0 : index
      %get3A_408 = tpu.vector_load %arg8[%get3A_406, %get3A_407] {strides = array<i32>} : memref<1000x16xf32, #tpu.memory_space<vmem>>, vector<16xf32>,
      %max3A_409 = arith.maximumf %get3A_404, %get3A_408 : vector<16xf32>
      %swap3A_410 = arith.index_cast %squeeze3A_91 : i32 to index
      %swap3A_411 = arith.constant 0 : index
      %swap3A_412 = tpu.vector_load %arg5[%swap3A_410, %swap3A_411] {strides = array<i32>} : memref<4096x16xf32, #tpu.memory_space<vmem>>, vector<16xf32>,
      tpu.vector_store %arg5[%swap3A_410, %swap3A_411], %max3A_409 {strides = array<i32>} : memref<4096x16xf32, #tpu.memory_space<vmem>>, vector<16xf32>,
      %get3A_413 = arith.index_cast %squeeze3A_93 : i32 to index
      %get3A_414 = arith.constant 0 : index
      %get3A_415 = tpu.vector_load %arg5[%get3A_413, %get3A_414] {strides = array<i32>} : memref<4096x16xf32, #tpu.memory_space<vmem>>, vector<16xf32>,
      %get3A_416 = arith.constant 995 : i32
      %get3A_417 = arith.index_cast %get3A_416 : i32 to index
      %get3A_418 = arith.constant 0 : index
      %get3A_419 = tpu.vector_load %arg8[%get3A_417, %get3A_418] {strides = array<i32>} : memref<1000x16xf32, #tpu.memory_space<vmem>>, vector<16xf32>,
      %max3A_420 = arith.maximumf %get3A_415, %get3A_419 : vector<16xf32>
      %swap3A_421 = arith.index_cast %squeeze3A_93 : i32 to index
      %swap3A_422 = arith.constant 0 : index
      %swap3A_423 = tpu.vector_load %arg5[%swap3A_421, %swap3A_422] {strides = array<i32>} : memref<4096x16xf32, #tpu.memory_space<vmem>>, vector<16xf32>,
      tpu.vector_store %arg5[%swap3A_421, %swap3A_422], %max3A_420 {strides = array<i32>} : memref<4096x16xf32, #tpu.memory_space<vmem>>, vector<16xf32>,
      %get3A_424 = arith.index_cast %squeeze3A_95 : i32 to index
      %get3A_425 = arith.constant 0 : index
      %get3A_426 = tpu.vector_load %arg5[%get3A_424, %get3A_425] {strides = array<i32>} : memref<4096x16xf32, #tpu.memory_space<vmem>>, vector<16xf32>,
      %get3A_427 = arith.constant 996 : i32
      %get3A_428 = arith.index_cast %get3A_427 : i32 to index
      %get3A_429 = arith.constant 0 : index
      %get3A_430 = tpu.vector_load %arg8[%get3A_428, %get3A_429] {strides = array<i32>} : memref<1000x16xf32, #tpu.memory_space<vmem>>, vector<16xf32>,
      %max3A_431 = arith.maximumf %get3A_426, %get3A_430 : vector<16xf32>
      %swap3A_432 = arith.index_cast %squeeze3A_95 : i32 to index
      %swap3A_433 = arith.constant 0 : index
      %swap3A_434 = tpu.vector_load %arg5[%swap3A_432, %swap3A_433] {strides = array<i32>} : memref<4096x16xf32, #tpu.memory_space<vmem>>, vector<16xf32>,
      tpu.vector_store %arg5[%swap3A_432, %swap3A_433], %max3A_431 {strides = array<i32>} : memref<4096x16xf32, #tpu.memory_space<vmem>>, vector<16xf32>,
      %get3A_435 = arith.index_cast %squeeze3A_97 : i32 to index
      %get3A_436 = arith.constant 0 : index
      %get3A_437 = tpu.vector_load %arg5[%get3A_435, %get3A_436] {strides = array<i32>} : memref<4096x16xf32, #tpu.memory_space<vmem>>, vector<16xf32>,
      %get3A_438 = arith.constant 997 : i32
      %get3A_439 = arith.index_cast %get3A_438 : i32 to index
      %get3A_440 = arith.constant 0 : index
      %get3A_441 = tpu.vector_load %arg8[%get3A_439, %get3A_440] {strides = array<i32>} : memref<1000x16xf32, #tpu.memory_space<vmem>>, vector<16xf32>,
      %max3A_442 = arith.maximumf %get3A_437, %get3A_441 : vector<16xf32>
      %swap3A_443 = arith.index_cast %squeeze3A_97 : i32 to index
      %swap3A_444 = arith.constant 0 : index
      %swap3A_445 = tpu.vector_load %arg5[%swap3A_443, %swap3A_444] {strides = array<i32>} : memref<4096x16xf32, #tpu.memory_space<vmem>>, vector<16xf32>,
      tpu.vector_store %arg5[%swap3A_443, %swap3A_444], %max3A_442 {strides = array<i32>} : memref<4096x16xf32, #tpu.memory_space<vmem>>, vector<16xf32>,
      %get3A_446 = arith.index_cast %squeeze3A_99 : i32 to index
      %get3A_447 = arith.constant 0 : index
      %get3A_448 = tpu.vector_load %arg5[%get3A_446, %get3A_447] {strides = array<i32>} : memref<4096x16xf32, #tpu.memory_space<vmem>>, vector<16xf32>,
      %get3A_449 = arith.constant 998 : i32
      %get3A_450 = arith.index_cast %get3A_449 : i32 to index
      %get3A_451 = arith.constant 0 : index
      %get3A_452 = tpu.vector_load %arg8[%get3A_450, %get3A_451] {strides = array<i32>} : memref<1000x16xf32, #tpu.memory_space<vmem>>, vector<16xf32>,
      %max3A_453 = arith.maximumf %get3A_448, %get3A_452 : vector<16xf32>
      %swap3A_454 = arith.index_cast %squeeze3A_99 : i32 to index
      %swap3A_455 = arith.constant 0 : index
      %swap3A_456 = tpu.vector_load %arg5[%swap3A_454, %swap3A_455] {strides = array<i32>} : memref<4096x16xf32, #tpu.memory_space<vmem>>, vector<16xf32>,
      tpu.vector_store %arg5[%swap3A_454, %swap3A_455], %max3A_453 {strides = array<i32>} : memref<4096x16xf32, #tpu.memory_space<vmem>>, vector<16xf32>,
      %get3A_457 = arith.index_cast %squeeze3A_101 : i32 to index
      %get3A_458 = arith.constant 0 : index
      %get3A_459 = tpu.vector_load %arg5[%get3A_457, %get3A_458] {strides = array<i32>} : memref<4096x16xf32, #tpu.memory_space<vmem>>, vector<16xf32>,
      %get3A_460 = arith.constant 999 : i32
      %get3A_461 = arith.index_cast %get3A_460 : i32 to index
      %get3A_462 = arith.constant 0 : index
      %get3A_463 = tpu.vector_load %arg8[%get3A_461, %get3A_462] {strides = array<i32>} : memref<1000x16xf32, #tpu.memory_space<vmem>>, vector<16xf32>,
      %max3A_464 = arith.maximumf %get3A_459, %get3A_463 : vector<16xf32>
      %swap3A_465 = arith.index_cast %squeeze3A_101 : i32 to index
      %swap3A_466 = arith.constant 0 : index
      %swap3A_467 = tpu.vector_load %arg5[%swap3A_465, %swap3A_466] {strides = array<i32>} : memref<4096x16xf32, #tpu.memory_space<vmem>>, vector<16xf32>,
      tpu.vector_store %arg5[%swap3A_465, %swap3A_466], %max3A_464 {strides = array<i32>} : memref<4096x16xf32, #tpu.memory_space<vmem>>, vector<16xf32>,
    } else {
    }
    "tpu.region"() ({
      %run_scoped3A = tpu.sem_alloc : memref<!tpu.dma_semaphore, #tpu.memory_space<semaphore_mem>>
      %dma_start3A_292 = arith.constant 0 : i32
      %dma_start3A_293 = tpu.memref_slice %arg4[%select_n3A, %dma_start3A_292, %mul3A_32] : memref<4x4096x128xf32, #tpu.memory_space<hbm>> -> memref<1x4096x16xf32, #tpu.memory_space<hbm>>
      %dma_start3A_294 = tpu.memref_squeeze %dma_start3A_293 : memref<1x4096x16xf32, #tpu.memory_space<hbm>> -> memref<4096x16xf32, #tpu.memory_space<hbm>>
      %dma_start3A_295 = arith.constant 0 : i32
      %dma_start3A_296 = tpu.memref_slice %arg4[%select_n3A, %dma_start3A_295, %mul3A_32] : memref<4x4096x128xf32, #tpu.memory_space<hbm>> -> memref<1x4096x16xf32, #tpu.memory_space<hbm>>
      %dma_start3A_297 = tpu.memref_squeeze %dma_start3A_296 : memref<1x4096x16xf32, #tpu.memory_space<hbm>> -> memref<4096x16xf32, #tpu.memory_space<hbm>>
      tpu.enqueue_dma source(%arg5 : memref<4096x16xf32, #tpu.memory_space<vmem>>) target(%dma_start3A_297 : memref<4096x16xf32, #tpu.memory_space<hbm>>) target_semaphore(%run_scoped3A : memref<!tpu.dma_semaphore, #tpu.memory_space<semaphore_mem>>)
      %dma_wait3A_298 = arith.constant 0 : i32
      %dma_wait3A_299 = tpu.memref_slice %arg4[%select_n3A, %dma_wait3A_298, %mul3A_32] : memref<4x4096x128xf32, #tpu.memory_space<hbm>> -> memref<1x4096x16xf32, #tpu.memory_space<hbm>>
      %dma_wait3A_300 = tpu.memref_squeeze %dma_wait3A_299 : memref<1x4096x16xf32, #tpu.memory_space<hbm>> -> memref<4096x16xf32, #tpu.memory_space<hbm>>
      %dma_wait3A_301 = arith.constant 0 : i32
      %dma_wait3A_302 = tpu.memref_slice %arg4[%select_n3A, %dma_wait3A_301, %mul3A_32] : memref<4x4096x128xf32, #tpu.memory_space<hbm>> -> memref<1x4096x16xf32, #tpu.memory_space<hbm>>
      %dma_wait3A_303 = tpu.memref_squeeze %dma_wait3A_302 : memref<1x4096x16xf32, #tpu.memory_space<hbm>> -> memref<4096x16xf32, #tpu.memory_space<hbm>>
      tpu.wait_dma2 semaphore(%run_scoped3A : memref<!tpu.dma_semaphore, #tpu.memory_space<semaphore_mem>>) src(%arg5 : memref<4096x16xf32, #tpu.memory_space<vmem>>) dst(%dma_wait3A_303 : memref<4096x16xf32, #tpu.memory_space<hbm>>)
      tpu.yield
    }) : () -> ()
    return
  }
}

module attributes {stable_mosaic.version = 14 : i64} {
  func.func @_cluster_body(%arg0: memref<4000x128xf32, #tpu.memory_space<vmem>>, %arg1: memref<4000x128xf32, #tpu.memory_space<vmem>>, %arg2: memref<4000x128xi32, #tpu.memory_space<vmem>>, %arg3: memref<4000x128xi32, #tpu.memory_space<vmem>>) attributes {dimension_semantics = [], scalar_prefetch = 0 : i64, scratch_operands = 0 : i64, tpu.core_type = #tpu.core_type<tc>} {
    %get3A = arith.constant 0 : index
    %get3A_0 = arith.constant 0 : index
    %get3A_1 = vector.load %arg0[%get3A, %get3A_0] : memref<4000x128xf32, #tpu.memory_space<vmem>>, vector<4000x128xf32>
    %mul3A = arith.constant 1.600000e+01 : f32
    %mul3A_2 = vector.broadcast %mul3A : f32 to vector<4000x128xf32>
    %mul3A_3 = arith.mulf %get3A_1, %mul3A_2 : vector<4000x128xf32>
    %floor3A = math.floor %mul3A_3 : vector<4000x128xf32>
    %jit3A = arith.constant 0.000000e+00 : f32
    %jit3A_4 = arith.constant 1.500000e+01 : f32
    %max3A = vector.broadcast %jit3A : f32 to vector<4000x128xf32>
    %max3A_5 = arith.maximumf %max3A, %floor3A : vector<4000x128xf32>
    %min3A = vector.broadcast %jit3A_4 : f32 to vector<4000x128xf32>
    %min3A_6 = arith.minimumf %min3A, %max3A_5 : vector<4000x128xf32>
    %convert_element_type3A = arith.fptosi %min3A_6 : vector<4000x128xf32> to vector<4000x128xi32>
    %get3A_7 = arith.constant 0 : index
    %get3A_8 = arith.constant 0 : index
    %get3A_9 = vector.load %arg1[%get3A_7, %get3A_8] : memref<4000x128xf32, #tpu.memory_space<vmem>>, vector<4000x128xf32>
    %mul3A_10 = arith.constant 1.600000e+01 : f32
    %mul3A_11 = vector.broadcast %mul3A_10 : f32 to vector<4000x128xf32>
    %mul3A_12 = arith.mulf %get3A_9, %mul3A_11 : vector<4000x128xf32>
    %floor3A_13 = math.floor %mul3A_12 : vector<4000x128xf32>
    %jit3A_14 = arith.constant 0.000000e+00 : f32
    %jit3A_15 = arith.constant 1.500000e+01 : f32
    %max3A_16 = vector.broadcast %jit3A_14 : f32 to vector<4000x128xf32>
    %max3A_17 = arith.maximumf %max3A_16, %floor3A_13 : vector<4000x128xf32>
    %min3A_18 = vector.broadcast %jit3A_15 : f32 to vector<4000x128xf32>
    %min3A_19 = arith.minimumf %min3A_18, %max3A_17 : vector<4000x128xf32>
    %convert_element_type3A_20 = arith.fptosi %min3A_19 : vector<4000x128xf32> to vector<4000x128xi32>
    %get3A_21 = arith.constant 0 : index
    %get3A_22 = arith.constant 0 : index
    %get3A_23 = vector.load %arg2[%get3A_21, %get3A_22] : memref<4000x128xi32, #tpu.memory_space<vmem>>, vector<4000x128xi32>
    %mul3A_24 = arith.constant 256 : i32
    %mul3A_25 = vector.broadcast %mul3A_24 : i32 to vector<4000x128xi32>
    %mul3A_26 = arith.muli %get3A_23, %mul3A_25 : vector<4000x128xi32>
    %mul3A_27 = arith.constant 16 : i32
    %mul3A_28 = vector.broadcast %mul3A_27 : i32 to vector<4000x128xi32>
    %mul3A_29 = arith.muli %convert_element_type3A, %mul3A_28 : vector<4000x128xi32>
    %add3A = arith.addi %mul3A_26, %mul3A_29 : vector<4000x128xi32>
    %add3A_30 = arith.addi %add3A, %convert_element_type3A_20 : vector<4000x128xi32>
    %swap3A = arith.constant 0 : index
    %swap3A_31 = arith.constant 0 : index
    %swap3A_32 = vector.load %arg3[%swap3A, %swap3A_31] : memref<4000x128xi32, #tpu.memory_space<vmem>>, vector<4000x128xi32>
    tpu.vector_store %arg3[%swap3A, %swap3A_31], %add3A_30 {strides = array<i32>} : memref<4000x128xi32, #tpu.memory_space<vmem>>, vector<4000x128xi32>,
    return
  }
}

module attributes {stable_mosaic.version = 14 : i64} {
  func.func @_merge_body(%arg0: memref<4x4096x128xf32, #tpu.memory_space<vmem>>, %arg1: memref<4096x128xf32, #tpu.memory_space<vmem>>) attributes {dimension_semantics = [], scalar_prefetch = 0 : i64, scratch_operands = 0 : i64, tpu.core_type = #tpu.core_type<tc>} {
    %get3A = arith.constant 0 : index
    %get3A_0 = arith.constant 0 : index
    %get3A_1 = arith.constant 0 : index
    %get3A_2 = vector.load %arg0[%get3A, %get3A_0, %get3A_1] : memref<4x4096x128xf32, #tpu.memory_space<vmem>>, vector<4x4096x128xf32>
    %reduce_max3A = arith.constant dense<0xFF800000> : vector<4096x128xf32>
    %reduce_max3A_3 = vector.multi_reduction <maximumf>, %get3A_2, %reduce_max3A [0] : vector<4x4096x128xf32> to vector<4096x128xf32>
    %eq3A = arith.constant 0xFF800000 : f32
    %eq3A_4 = vector.broadcast %eq3A : f32 to vector<4096x128xf32>
    %eq3A_5 = arith.cmpf oeq, %reduce_max3A_3, %eq3A_4 : vector<4096x128xf32>
    %broadcast_in_dim3A = arith.constant 0.000000e+00 : f32
    %broadcast_in_dim3A_6 = vector.broadcast %broadcast_in_dim3A : f32 to vector<4096x128xf32>
    %select_n3A = arith.select %eq3A_5, %broadcast_in_dim3A_6, %reduce_max3A_3 : vector<4096x128xi1>, vector<4096x128xf32>
    %swap3A = arith.constant 0 : index
    %swap3A_7 = arith.constant 0 : index
    %swap3A_8 = vector.load %arg1[%swap3A, %swap3A_7] : memref<4096x128xf32, #tpu.memory_space<vmem>>, vector<4096x128xf32>
    tpu.vector_store %arg1[%swap3A, %swap3A_7], %select_n3A {strides = array<i32>} : memref<4096x128xf32, #tpu.memory_space<vmem>>, vector<4096x128xf32>,
    return
  }
}

</mosaic_0001>

<sc_bundles>
// kernel: kernel.5.cloned.1.call-start
scs
__scs_entry_jumppad:
0x0: {  	(pc) =	sbr.rel $0x88, $3  }
0x1: {  	(tag) =	ssettag $0x0;
	lr =	simm.s32 $0x1  }
0x2: {  	[smem:$0x3F9E] =	sst lr;
	_ =	strace $0xD0000000  }
0x3: {  	_ = 	snop  }
0x4: {  	_ = 	snop  }
0x5: {  	_ = 	snop  }
0x6: {  	_ = 	snop  }
0x7: {  	_ = 	snop  }
__scs_overlays_trampoline_lowered:
0x8: {  	[smem:$0x3FAD] =	sst s0  }
0x9: {  	[smem:$0x3FAE] =	sst s1  }
0xa: {  	[smem:$0x3FAF] =	sst s2  }
0xb: {  	[smem:$0x3FB0] =	sst s3  }
0xc: {  	[smem:$0x3FB1] =	sst s4  }
0xd: {  	[smem:$0x3FB2] =	sst s5  }
0xe: {  	[smem:$0x3FB3] =	sst s6  }
0xf: {  	[smem:$0x3FB4] =	sst s7  }
0x10: {  	[smem:$0x3FB5] =	sst s8  }
0x11: {  	[smem:$0x3FB6] =	sst s9;
	s0 =	simm.s32 @!p0 $0x0  }
0x12: {  	s1 =	sld [smem:$0x3F9C];
	s0 =	simm.s32 @p0 $0x1  }
0x13: {  	[smem:$0x3FB7] =	sst s0;
	s0 =	simm.s32 @!p1 $0x0  }
0x14: {  	s2 =	sld [smem:$0x3F9B];
	s0 =	simm.s32 @p1 $0x1  }
0x15: {  	[smem:$0x3FB8] =	sst s0;
	s0 =	simm.s32 @!p2 $0x0  }
0x16: {  	s3 =	sld [smem:$0x3FDB];
	s0 =	simm.s32 @p2 $0x1  }
0x17: {  	s4 =	simm.s32 $0x1BF5;
	[smem:$0x3FBA] =	sst s0  }
0x18: {  	s0 =	sld [smem:$0x3F9D];
	_ =	swait.ge [sflag:s4], $0x0  }
0x19: {  	s7 =	sld [smem:$0x3F9E]  }
0x1a: {  	s8 =	sadd.s32 $0xFFFFE003, lr  }
0x1b: {  	s9 =	sadd.s32 $0xFFFFFEF7, lr;
	s5 =	simm.s32 $0xFFFFFFFF;
	p2 =	slt.u32 s8, $0xFFFFF086  }
0x1c: {  	p1 =	slt.u32 s9, $0xF7A;
	s5 =	simm.s32 @!p2 $0x0  }
0x1d: {  	s5 =	simm.s32 @p1 $0x1;
	p0 =	seq.s32 s7, s2  }
0x1e: {  	s7 =	smul.u32 @!p0 $0xF7A, s2;
	p2 =	seq.s32 @!p0 s5, $0x0  }
0x1f: {  	s9 =	smul.u32 $0xF7A, s1;
	s8 =	simm.s32 @!p0 $0x1BF5;
	p2 =	por !p2, p0  }
0x20: {  	[sflag:s8] =	ssyncset.s32 @!p0 $0xFFFFF086;
	s6 =	sadd.s32 @!p0 s3, s7;
	s7 =	simm.s32 @!p0 $0x108  }
0x21: {  	s3 =	sadd.s32 s3, s9;
	s6 =	sadd.s32 @!p0 $0x88, s6;
	s7 =	simm.s32 @p2 $0x1082  }
0x22: {  	[simem:s7], [sflag:s8] =	dma.local @!p0 [hbm:s6], $0xF7A  }
0x23: {  	s9 =	sor.u32 $0xD0000000, s2;
	s6 =	simm.s32 $0x108;
	_ =	swait.ge @!p0 [sflag:s8], $0x0  }
0x24: {  	s3 =	sadd.s32 $0x88, s3;
	s6 =	simm.s32 @!p1 $0x1082;
	[sflag:s4] =	ssyncset.s32 $0xFFFFF086  }
0x25: {  	[simem:s6], [sflag:s4] =	dma.local [hbm:s3], $0xF7A  }
0x26: {  	[smem:$0x3F9E] =	sst s1;
	(tag) =	ssettag s2;
	_ =	strace s9  }
0x27: {  	s1 =	sld [smem:$0x3FAE]  }
0x28: {  	s2 =	sld [smem:$0x3FAF]  }
0x29: {  	s4 =	sld [smem:$0x3FB1]  }
0x2a: {  	p0 =	seq.s32 s5, $0x0;
	s5 =	sld [smem:$0x3FB2]  }
0x2b: {  	s6 =	sld [smem:$0x3FB3]  }
0x2c: {  	s7 =	sld [smem:$0x3FB4]  }
0x2d: {  	s3 =	simm.s32 $0x108;
	s8 =	sld [smem:$0x3FB5]  }
0x2e: {  	s3 =	simm.s32 @!p0 $0x1082;
	s9 =	sld [smem:$0x3FB6]  }
0x2f: {  	lr =	sadd.s32 s0, s3;
	s0 =	sld [smem:$0x3FAD]  }
0x30: {  	s3 =	sld [smem:$0x3FB0]  }
0x31: {  	[smem:$0x3FB9] =	sst s10  }
0x32: {  	s10 =	sld [smem:$0x3FB7];
	_ =	sdelay $0x3  }
0x33: {  	p0 =	seq.s32 s10, $0x1;
	s10 =	sld [smem:$0x3FB9];
	_ =	sdelay $0x3  }
0x34: {  	[smem:$0x3FB9] =	sst s10  }
0x35: {  	s10 =	sld [smem:$0x3FB8];
	_ =	sdelay $0x3  }
0x36: {  	p1 =	seq.s32 s10, $0x1;
	s10 =	sld [smem:$0x3FB9];
	_ =	sdelay $0x3  }
0x37: {  	[smem:$0x3FB9] =	sst s10  }
0x38: {  	s10 =	sld [smem:$0x3FBA]  }
0x39: {  	_ = 	snop;
	(pc) =	sbr.ind lr, $3  }
0x3a: {  	_ = 	snop  }
0x3b: {  	_ = 	snop  }
0x3c: {  	p2 =	seq.s32 s10, $0x1;
	s10 =	sld [smem:$0x3FB9]  }
0x3d: {  	_ =	shalt  }
0x3e: {  	_ =	shalt  }
0x3f: {  	_ =	shalt  }
0x40: {  	_ =	shalt  }
0x41: {  	_ =	shalt  }
0x42: {  	_ =	shalt  }
0x43: {  	_ =	shalt  }
0x44: {  	_ =	shalt  }
0x45: {  	_ =	shalt  }
0x46: {  	_ =	shalt  }
0x47: {  	_ =	shalt  }
0x48: {  	_ =	shalt  }
0x49: {  	_ =	shalt  }
0x4a: {  	_ =	shalt  }
0x4b: {  	_ =	shalt  }
0x4c: {  	_ =	shalt  }
0x4d: {  	_ =	shalt  }
0x4e: {  	_ =	shalt  }
0x4f: {  	_ =	shalt  }
0x50: {  	_ =	shalt  }
0x51: {  	_ =	shalt  }
0x52: {  	_ =	shalt  }
0x53: {  	_ =	shalt  }
0x54: {  	_ =	shalt  }
0x55: {  	_ =	shalt  }
0x56: {  	_ =	shalt  }
0x57: {  	_ =	shalt  }
0x58: {  	_ =	shalt  }
0x59: {  	_ =	shalt  }
0x5a: {  	_ =	shalt  }
0x5b: {  	_ =	shalt  }
0x5c: {  	_ =	shalt  }
0x5d: {  	_ =	shalt  }
0x5e: {  	_ =	shalt  }
0x5f: {  	_ =	shalt  }
0x60: {  	_ =	shalt  }
0x61: {  	_ =	shalt  }
0x62: {  	_ =	shalt  }
0x63: {  	_ =	shalt  }
0x64: {  	_ =	shalt  }
0x65: {  	_ =	shalt  }
0x66: {  	_ =	shalt  }
0x67: {  	_ =	shalt  }
0x68: {  	_ =	shalt  }
0x69: {  	_ =	shalt  }
0x6a: {  	_ =	shalt  }
0x6b: {  	_ =	shalt  }
0x6c: {  	_ =	shalt  }
0x6d: {  	_ =	shalt  }
0x6e: {  	_ =	shalt  }
0x6f: {  	_ =	shalt  }
0x70: {  	_ =	shalt  }
0x71: {  	_ =	shalt  }
0x72: {  	_ =	shalt  }
0x73: {  	_ =	shalt  }
0x74: {  	_ =	shalt  }
0x75: {  	_ =	shalt  }
0x76: {  	_ =	shalt  }
0x77: {  	_ =	shalt  }
0x78: {  	_ =	shalt  }
0x79: {  	_ =	shalt  }
0x7a: {  	_ =	shalt  }
0x7b: {  	_ =	shalt  }
0x7c: {  	_ =	shalt  }
0x7d: {  	_ =	shalt  }
0x7e: {  	_ =	shalt  }
0x7f: {  	_ =	shalt  }
0x80: {  	_ =	shalt  }
0x81: {  	_ =	shalt  }
0x82: {  	_ =	shalt  }
0x83: {  	_ =	shalt  }
0x84: {  	_ =	shalt  }
0x85: {  	_ =	shalt  }
0x86: {  	_ =	shalt  }
0x87: {  	_ =	shalt  }
.Lfunc_end0:
.L_simem_size_0:
called_computation_lowered:
.L_overlay_start_0:
0x88: {  	s2 =	sld [smem:$0x3FD9]  }
0x89: {  	s3 =	sld [smem:$0x3FFE];
	_ =	sdelay $0x1  }
0x8a: {  	s1 =	srdreg.scid  }
0x8b: {  	s0 =	sand.u32 $0x1, s1  }
0x8c: {  	s14 =	sshll.u32 s0, $0xA;
	s2 =	sadd.s32 s3, s2  }
0x8d: {  	s2 =	sadd.s32 s2, s14  }
0x8e: {  	[smem:$0x3FC5] =	sst s2  }
0x8f: {  	_ = 	snop  }
0x90: {  	s2 =	sld [smem:$0x3FD0];
	_ =	sdelay $0x2  }
0x91: {  	s4 =	simm.s32 $0xA;
	s5 =	simm.s32 $0x10;
	s15 =	sld [smem:$0x3FC9]  }
0x92: {  	[smem:s5], [sflag:s4] =	dma.local [hbm:s2], $0x1  }
0x93: {  	_ =	swait.eq [sflag:s4], $0x1  }
0x94: {  	[sflag:s4] =	ssyncset.done $0x0  }
0x95: {  	[sflag:s4] =	ssyncadd.s32 $0xFFFFFFFF  }
0x96: {  	s16 =	sld [smem:$0x11];
	(tm) =	ssettm $0x1  }
0x97: {  	s17 =	sld [smem:$0x3FFB];
	_ =	sdelay $0x3  }
0x98: {  	_ =	strace s17  }
0x99: {  	s4 =	sld [smem:$0x3FFC];
	_ =	sdelay $0x3  }
0x9a: {  	_ =	strace s4  }
0x9b: {  	s4 =	sld [smem:$0x3FFD];
	_ =	sdelay $0x3  }
0x9c: {  	_ =	strace s4  }
0x9d: {  	_ =	strace $0x8FFFFFFF  }
0x9e: {  	s18 =	sld [smem:$0x3FDB];
	_ =	sdelay $0x1  }
0x9f: {  	s19 =	simm.s32 $_scs_section_size  }
0xa0: {  	s6 =	simm.s32 $_size__tile_overlayer_lowered;
	s7 =	simm.s32 $_tile_overlayer_lowered  }
0xa1: {  	s22 =	simm.s32 $0x1BFF;
	s21 =	sshll.u32 s7, $0x1;
	s4 =	sadd.s32 s19, s18  }
0xa2: {  	s8 =	simm.s32 $0x0;
	s20 =	sshll.u32 s6, $0x1;
	s6 =	sadd.s32 s21, s4  }
0xa3: {  	[timem:s8], [sflag:s22] =	dma.local [hbm:s6], s20  }
0xa4: {  	_ =	swait.ge [sflag:s22], s20  }
0xa5: {  	s5 =	ssub.s32 $0x0, s20;
	[sflag:s22] =	ssyncset.done $0x0  }
0xa6: {  	[sflag:s22] =	ssyncadd.s32 s5;
	_ =	sdelay $0x1  }
0xa7: {  	s23 =	simm.s32 $0x1B8B  }
0xa8: {  	_ =	swait.ge [sflag:s23], $0x1  }
0xa9: {  	[sflag:s23] =	ssyncset.done $0x0  }
0xaa: {  	s25 =	simm.s32 $0x1B8E;
	s24 =	sld [smem:$0x3FFE];
	[sflag:s23] =	ssyncadd.s32 $0xFFFFFFFF  }
0xab: {  	s26 =	simm.s32 $execute0_lowered;
	[smem:$0x3FD2] =	sst s25  }
0xac: {  	s6 =	sshll.u32 s26, $0x1;
	_ =	strace $0x80000046;
	[dreg:$0x1] =	wrdreg $0xFFFFFFFF  }
0xad: {  	s28 =	simm.s32 $_size_execute0_lowered;
	s4 =	sadd.s32 s4, s6;
	[dreg:$0x0] =	wrdreg $0x0  }
0xae: {  	s6 =	sshll.u32 s28, $0x1;
	[dreg:$0x2] =	wrdreg s4  }
0xaf: {  	[dreg:$0x3] =	wrdreg s6  }
0xb0: {  	[dreg:$0x4] =	wrdreg $0xC0  }
0xb1: {  	_ =	task [dreg:s8], $0x5FFFF  }
0xb2: {  	[dreg:$0x1] =	wrdreg $0xFFFFFFFF  }
0xb3: {  	[dreg:$0x0] =	wrdreg $0x60  }
0xb4: {  	[dreg:$0x2] =	wrdreg s15  }
0xb5: {  	[dreg:$0x3] =	wrdreg s16  }
0xb6: {  	[dreg:$0x4] =	wrdreg s24  }
0xb7: {  	[dreg:$0x5] =	wrdreg $0x9  }
0xb8: {  	_ =	task.clear_ibuf [dreg:s8], $0x6FFFF;
	_ =	strace $0x90000046  }
0xb9: {  	s29 =	simm.s32 $0x9;
	_ =	strace $0x80000048  }
0xba: {  	_ =	swait.ge [sflag:s29], $0x1  }
0xbb: {  	[sflag:s29] =	ssyncadd.s32 $0xFFFFFFFF  }
0xbc: {  	_ =	strace $0x90000048  }
0xbd: {  	_ =	sfence  }
0xbe: {  	s30 =	sld [smem:$0x0];
	_ =	sdelay $0x2  }
0xbf: {  	s31 =	sshll.u32 s1, $0xD;
	s1 =	sshrl.u32 s1, $0x2  }
0xc0: {  	s3 =	sand.u32 $0x4000, s31;
	s1 =	sadd.s32 s1, s30  }
0xc1: {  	s0 =	sor.u32 s3, s0;
	s1 =	sshll.u32 s1, $0x11  }
0xc2: {  	s0 =	sor.u32 s1, s0  }
0xc3: {  	s0 =	sadd.s32 $0x8F2B, s0  }
0xc4: {  	[sflag:s0] =	ssyncadd.remote.s32 $0x1  }
0xc5: {  	_ =	sfence.sel $0xFFFF  }
0xc6: {  	[dreg:$0x0] =	wrdreg $0xFFFFFFFF;
	(pc) =	sbr.abs _section_cstart, $3  }
0xc7: {  	[dreg:$0x1] =	wrdreg $0xFFFFFFFF  }
0xc8: {  	_ =	task.clear_ibuf [dreg:s8], $0x2FFFF;
	_ =	strace $0x9FFFFFFF  }
0xc9: {  	(tm) =	ssettm $0x7FFFFFFF  }
tec
execute0_lowered:
.L_overlay_start_1:
0x0: {  	(tag) =	ssettag $0x1  }
0x1: {  	s2 =	rddreg [dreg:$0x0]  }
0x2: {  	s3 =	rddreg [dreg:$0x1]  }
0x3: {  	s5 =	stileid.u32;
	s0 =	rddreg [dreg:$0x2]  }
0x4: {  	s1 =	srdreg.scid;
	s7 =	simm.s32 $0x0;
	s15 =	simm.s32 $0x10  }
0x5: {  	s16 =	simm.s32 $0x80;
	s17 =	simm.s32 $0x107D0;
	s20 =	simm.s32 $0x1  }
0x6: {  	s21 =	simm.s32 $0x2;
	s4 =	sshll.u32 s5, $0x1;
	s1 =	sand.u32 $0x1, s1  }
0x7: {  	s6 =	sshrl.u32 s5, $0x2;
	[smem:$0x7FF] =	sst s7;
	s4 =	sand.u32 $0x6, s4  }
0x8: {  	s22 =	sshll.u32 s6, $0x13;
	_ =	strace $0x80000047;
	s23 =	smul.u32 $0x1E848, s6  }
0x9: {  	s6 =	smul.u32 $0xF42400, s6;
	s4 =	sor.u32 s1, s4;
	s1 =	ssub.s32 $0x2, s1  }
0xa: {  	s5 =	sshll.u32 s4, $0x4;
	s24 =	sshrl.u32 s1, $0x1;
	s25 =	sshrl.u32 s23, $0x3  }
0xb: {  	s8 =	sadd.s32 $0x3E8, s23;
	s4 =	sor.u32 s22, s5;
	s1 =	ssub.s32 s1, s24  }
0xc: {  	s26 =	sor.u32 s6, s5;
	s28 =	sshll.u32 s8, $0x7;
	s8 =	sshrl.u32 s8, $0x3  }
0xd: {  	s4 =	sshrl.u32 s4, $0x3;
	s6 =	sor.u32 s5, s28;
	s29 =	sadd.s32 s3, s8  }
0xe: {  	s31 =	smax.u32 s1, $0x1;
	s0 =	sadd.s32 s4, s0;
	[dreg:$0x6] =	wrdreg s29  }
.Ltmp0:
0xf: {  	s4 =	sadd.s32 s3, s25;
	[dreg:$0x9] =	wrdreg s31;
	(pc) =	sbr.rel .LBB2_1-.Ltmp0, $4  }
0x10: {  	[dreg:$0x4] =	wrdreg s4;
	s4 =	sshrl.u32 s26, $0x3;
	s0 =	sadd.s32 $0x200, s0  }
0x11: {  	s30 =	sshrl.u32 s6, $0x3;
	s4 =	sadd.s32 s2, s4;
	[dreg:$0x8] =	wrdreg s0  }
0x12: {  	s14 =	simm.s32 $0x0;
	[dreg:$0x5] =	wrdreg s4;
	s4 =	sadd.s32 s2, s30  }
0x13: {  	v0 =	vimm.f32 $-Inf;
	s10 =	sadd.s32 $0x7D0, s23;
	s11 =	sadd.s32 $0xBB8, s23;
	[dreg:$0x7] =	wrdreg s4  }
.LBB2_33:
0x14: {  	v2 =	vld [tilespmem:s24+$0x0]  }
0x15: {  	v3 =	vld [tilespmem:$0x14550]  }
0x16: {  	v4 =	vld [tilespmem:s25+$0x0]  }
0x17: {  	v5 =	vld [tilespmem:$0x14560]  }
0x18: {  	v6 =	vld [tilespmem:s26+$0x0]  }
0x19: {  	v7 =	vld [tilespmem:$0x14570]  }
0x1a: {  	v8 =	vld [tilespmem:s1+$0x0]  }
0x1b: {  	v9 =	vld [tilespmem:$0x14580]  }
0x1c: {  	v10 =	vld [tilespmem:s0+$0x0]  }
0x1d: {  	v11 =	vld [tilespmem:$0x14590]  }
0x1e: {  	v12 =	vld [tilespmem:s6+$0x0]  }
0x1f: {  	v13 =	vld [tilespmem:$0x145A0]  }
0x20: {  	v14 =	vld [tilespmem:s7+$0x0]  }
0x21: {  	v15 =	vld [tilespmem:$0x145B0]  }
0x22: {  	v16 =	vld [tilespmem:s8+$0x0]  }
0x23: {  	v17 =	vld [tilespmem:$0x145C0]  }
0x24: {  	v18 =	vld [tilespmem:s9+$0x0]  }
0x25: {  	v19 =	vld [tilespmem:$0x145D0]  }
0x26: {  	v20 =	vld [tilespmem:s12+$0x0]  }
0x27: {  	v22 =	vld [tilespmem:s13+$0x0]  }
0x28: {  	v23 =	vld [tilespmem:s22+$0x0]  }
0x29: {  	v24 =	vld [tilespmem:s23+$0x0]  }
0x2a: {  	v25 =	vld [tilespmem:s4+$0x0]  }
0x2b: {  	v26 =	vld [tilespmem:s18+$0x0]  }
0x2c: {  	v27 =	vld [tilespmem:$0x14640]  }
0x2d: {  	v28 =	vld [tilespmem:$0x14630]  }
0x2e: {  	v29 =	vld [tilespmem:$0x14620]  }
0x2f: {  	v30 =	vld [tilespmem:$0x14610]  }
0x30: {  	v31 =	vld [tilespmem:$0x14600]  }
0x31: {  	v63 =	vld [tilespmem:$0x145F0];
	v1 =	vmax.f32 v1, v27  }
0x32: {  	v21 =	vld [tilespmem:$0x145E0];
	v26 =	vmax.f32 v26, v28;
	[tilespmem:s19+$0x0] =	vst v1  }
0x33: {  	v1 =	vmax.f32 v25, v29;
	[tilespmem:s18+$0x0] =	vst v26  }
0x34: {  	v24 =	vmax.f32 v24, v30;
	[tilespmem:s4+$0x0] =	vst v1  }
0x35: {  	v1 =	vmax.f32 v23, v31;
	[tilespmem:s23+$0x0] =	vst v24  }
0x36: {  	v22 =	vmax.f32 v22, v63;
	[tilespmem:s22+$0x0] =	vst v1  }
0x37: {  	v1 =	vmax.f32 v20, v21;
	[tilespmem:s13+$0x0] =	vst v22  }
0x38: {  	v18 =	vmax.f32 v18, v19;
	[tilespmem:s12+$0x0] =	vst v1  }
0x39: {  	v1 =	vmax.f32 v16, v17;
	[tilespmem:s9+$0x0] =	vst v18  }
0x3a: {  	v14 =	vmax.f32 v14, v15;
	[tilespmem:s8+$0x0] =	vst v1  }
0x3b: {  	v1 =	vmax.f32 v12, v13;
	[tilespmem:s7+$0x0] =	vst v14  }
0x3c: {  	v10 =	vmax.f32 v10, v11;
	[tilespmem:s6+$0x0] =	vst v1  }
0x3d: {  	v1 =	vmax.f32 v8, v9;
	[tilespmem:s0+$0x0] =	vst v10  }
0x3e: {  	v6 =	vmax.f32 v6, v7;
	[tilespmem:s1+$0x0] =	vst v1  }
0x3f: {  	v1 =	vmax.f32 v4, v5;
	[tilespmem:s26+$0x0] =	vst v6  }
0x40: {  	v2 =	vmax.f32 v2, v3;
	[tilespmem:s25+$0x0] =	vst v1  }
0x41: {  	s14 =	rddreg [dreg:$0xa];
	[tilespmem:s24+$0x0] =	vst v2  }
.LBB2_36:
0x42: {  	s0 =	simm.s32 $0x0;
	s1 =	rddreg [dreg:$0x8];
	s30 =	simm.s32 $0x3  }
0x43: {  	[hbm4b:s1+s15] =	stream.strided.scatter [tilespmem:s0], [sflag:$0x3], $0x10000, s16, s15, $0x38;
	[tilespmem:$0x184D0] =	vst v63  }
0x44: {  	_ =	swait.ge [sflag:s30], $0x10000  }
0x45: {  	s14 =	sadd.s32 $0x1, s14;
	s31 =	rddreg [dreg:$0x9]  }
0x46: {  	p0 =	sne.s32 s14, s31  }
.Ltmp1:
0x47: {  	_ = 	snop;
	(pc) =	sbr.rel @!p0 .LBB2_37-.Ltmp1, $3  }
0x48: {  	_ =	sdelay $0x1  }
0x49: {  	[sflag:s30] =	ssyncset.done $0x0  }
0x4a: {  	[sflag:s30] =	ssyncadd.s32 $0xFFFF0000  }
.LBB2_1:
0x4b: {  	[dreg:$0xa] =	wrdreg s14;
	s0 =	simm.s32 $0x40;
	s1 =	simm.s32 $0x0  }
.LBB2_2:
0x4c: {  	p0 =	sne.s32 s0, $0x3FFC0;
	[tilespmem:s1+$0x0] =	vst v0;
	s1 =	smov.u32 s0;
	s0 =	sadd.s32 $0x40, s0  }
.Ltmp2:
0x4d: {  	(pc) =	sbr.rel @p0 .LBB2_2-.Ltmp2, $2  }
0x4e: {  	_ =	sdelay $0x2  }
0x4f: {  	s1 =	sshra.s32 s1, $0x2  }
0x50: {  	[tilespmem:s1+$0x0] =	vst v0;
	s24 =	simm.s32 $0x0;
	s0 =	rddreg [dreg:$0x4];
	s25 =	simm.s32 $0x10000  }
0x51: {  	[tilespmem:s25], [sflag:$0x1] =	stream.linear.gather [hbm4b:s0+s24], $0x3E8, $0x38;
	[tilespmem:$0x184D0] =	vst v63  }
0x52: {  	s26 =	rddreg [dreg:$0x5]  }
0x53: {  	[tilespmem:s17], [sflag:$0x1] =	stream.strided.gather [hbm4b:s26+s15], $0x3E80, s16, s15, $0x38;
	[tilespmem:$0x184D0] =	vst v63  }
0x54: {  	s28 =	rddreg [dreg:$0x6];
	s29 =	simm.s32 $0x103E8  }
0x55: {  	[tilespmem:s29], [sflag:$0x2] =	stream.linear.gather [hbm4b:s28+s24], $0x3E8, $0x38;
	[tilespmem:$0x184D0] =	vst v63  }
0x56: {  	s30 =	rddreg [dreg:$0x7];
	s31 =	simm.s32 $0x14650  }
0x57: {  	[tilespmem:s31], [sflag:$0x2] =	stream.strided.gather [hbm4b:s30+s15], $0x3E80, s16, s15, $0x38;
	[tilespmem:$0x184D0] =	vst v63  }
.LBB2_4:
0x58: {  	_ =	swait.ge [sflag:s20], $0x3E8  }
.Ltmp3:
0x59: {  	[sflag:s20] =	ssyncset.done $0x0;
	(pc) =	sbr.rel .LBB2_5-.Ltmp3, $4  }
0x5a: {  	[sflag:s20] =	ssyncadd.s32 $0xFFFFFC18  }
0x5b: {  	_ =	swait.ge [sflag:s20], $0x3E80  }
0x5c: {  	[sflag:s20] =	ssyncset.done $0x0  }
0x5d: {  	s25 =	simm.s32 $0x10850;
	s26 =	simm.s32 $0x0;
	[sflag:s20] =	ssyncadd.s32 $0xFFFFC180  }
.LBB2_6:
0x5e: {  	v2 =	vld [tilespmem:s28+$0x0]  }
0x5f: {  	v3 =	vld [tilespmem:s25+$0xFFFFFF80]  }
0x60: {  	v4 =	vld [tilespmem:s29+$0x0]  }
0x61: {  	v5 =	vld [tilespmem:s25+$0xFFFFFF90]  }
0x62: {  	v6 =	vld [tilespmem:s30+$0x0]  }
0x63: {  	v7 =	vld [tilespmem:s25+$0xFFFFFFA0]  }
0x64: {  	v8 =	vld [tilespmem:s31+$0x0]  }
0x65: {  	v9 =	vld [tilespmem:s25+$0xFFFFFFB0]  }
0x66: {  	v10 =	vld [tilespmem:s1+$0x0]  }
0x67: {  	v11 =	vld [tilespmem:s25+$0xFFFFFFC0]  }
0x68: {  	v12 =	vld [tilespmem:s0+$0x0]  }
0x69: {  	v13 =	vld [tilespmem:s25+$0xFFFFFFD0]  }
0x6a: {  	v14 =	vld [tilespmem:s6+$0x0]  }
0x6b: {  	v15 =	vld [tilespmem:s25+$0xFFFFFFE0]  }
0x6c: {  	v16 =	vld [tilespmem:s7+$0x0]  }
0x6d: {  	v17 =	vld [tilespmem:s25+$0xFFFFFFF0]  }
0x6e: {  	v18 =	vld [tilespmem:s8+$0x0]  }
0x6f: {  	v19 =	vld [tilespmem:s25+$0x0]  }
0x70: {  	v20 =	vld [tilespmem:s9+$0x0]  }
0x71: {  	v22 =	vld [tilespmem:s12+$0x0]  }
0x72: {  	v23 =	vld [tilespmem:s13+$0x0]  }
0x73: {  	v24 =	vld [tilespmem:s22+$0x0]  }
0x74: {  	v25 =	vld [tilespmem:s23+$0x0]  }
0x75: {  	v26 =	vld [tilespmem:s4+$0x0]  }
0x76: {  	v27 =	vld [tilespmem:s25+$0x70]  }
0x77: {  	v28 =	vld [tilespmem:s25+$0x60]  }
0x78: {  	v29 =	vld [tilespmem:s25+$0x50]  }
0x79: {  	v30 =	vld [tilespmem:s25+$0x40]  }
0x7a: {  	v31 =	vld [tilespmem:s25+$0x30]  }
0x7b: {  	v63 =	vld [tilespmem:s25+$0x20];
	v1 =	vmax.f32 v1, v27  }
0x7c: {  	v21 =	vld [tilespmem:s25+$0x10];
	v26 =	vmax.f32 v26, v28;
	[tilespmem:s18+$0x0] =	vst v1  }
0x7d: {  	v1 =	vmax.f32 v25, v29;
	[tilespmem:s4+$0x0] =	vst v26  }
0x7e: {  	v24 =	vmax.f32 v24, v30;
	[tilespmem:s23+$0x0] =	vst v1  }
0x7f: {  	v1 =	vmax.f32 v23, v31;
	[tilespmem:s22+$0x0] =	vst v24  }
0x80: {  	v22 =	vmax.f32 v22, v63;
	[tilespmem:s13+$0x0] =	vst v1  }
0x81: {  	v1 =	vmax.f32 v20, v21;
	[tilespmem:s12+$0x0] =	vst v22  }
0x82: {  	v18 =	vmax.f32 v18, v19;
	[tilespmem:s9+$0x0] =	vst v1  }
0x83: {  	v1 =	vmax.f32 v16, v17;
	[tilespmem:s8+$0x0] =	vst v18  }
0x84: {  	v14 =	vmax.f32 v14, v15;
	[tilespmem:s7+$0x0] =	vst v1  }
0x85: {  	v1 =	vmax.f32 v12, v13;
	[tilespmem:s6+$0x0] =	vst v14  }
0x86: {  	v10 =	vmax.f32 v10, v11;
	[tilespmem:s0+$0x0] =	vst v1  }
0x87: {  	v1 =	vmax.f32 v8, v9;
	[tilespmem:s1+$0x0] =	vst v10  }
0x88: {  	v6 =	vmax.f32 v6, v7;
	[tilespmem:s31+$0x0] =	vst v1  }
0x89: {  	v1 =	vmax.f32 v4, v5;
	[tilespmem:s30+$0x0] =	vst v6  }
0x8a: {  	v2 =	vmax.f32 v2, v3;
	[tilespmem:s29+$0x0] =	vst v1  }
0x8b: {  	[tilespmem:s28+$0x0] =	vst v2  }
.LBB2_9:
0x8c: {  	s26 =	sadd.s32 $0x40, s26  }
0x8d: {  	p0 =	sne.s32 s26, $0xF80  }
.Ltmp4:
0x8e: {  	_ = 	snop;
	(pc) =	sbr.rel @!p0 .LBB2_10-.Ltmp4, $2  }
0x8f: {  	_ =	sdelay $0x2  }
0x90: {  	s25 =	sadd.s32 $0x100, s25  }
.LBB2_5:
0x91: {  	s0 =	sshra.s32 s26, $0x2  }
0x92: {  	v1 =	vld [tilespmem:s0+$0x10000];
	_ =	sdelay $0x4  }
0x93: {  	v2 =	vshll.u32 v1, $0x6  }
0x94: {  	(v2sf) =	vpush v2, $0x0  }
0x95: {  	(v2sf) =	vpush v2, $0x1  }
0x96: {  	(v2sf) =	vpush v2, $0x2  }
0x97: {  	(v2sf) =	vpush v2, $0x3  }
0x98: {  	(v2sf) =	vpush v2, $0x4  }
0x99: {  	(v2sf) =	vpush v2, $0x5  }
0x9a: {  	(v2sf) =	vpush v2, $0x6  }
0x9b: {  	(v2sf) =	vpush v2, $0x7  }
0x9c: {  	v4 =	vld [tilespmem:s25+$0xFFFFFF80]  }
0x9d: {  	v6 =	vld [tilespmem:s25+$0xFFFFFF90]  }
0x9e: {  	v8 =	vld [tilespmem:s25+$0xFFFFFFA0]  }
0x9f: {  	v10 =	vld [tilespmem:s25+$0xFFFFFFB0]  }
0xa0: {  	v12 =	vld [tilespmem:s25+$0xFFFFFFC0]  }
0xa1: {  	v15 =	vld [tilespmem:s25+$0xFFFFFFE0];
	(xrf1) =	vunique.msk.u32 $0xffff, v1  }
0xa2: {  	v16 =	vld [tilespmem:s25+$0xFFFFFFF0]  }
0xa3: {  	v18 =	vld [tilespmem:s25+$0x0];
	s19 =	spop (v2sf);
	(v2sf) =	vpush v2, $0x8  }
0xa4: {  	v20 =	vld [tilespmem:s25+$0x10];
	s22 =	spop (v2sf);
	(v2sf) =	vpush v2, $0x9  }
0xa5: {  	v22 =	vld [tilespmem:s25+$0x20];
	s23 =	spop (v2sf);
	(v2sf) =	vpush v2, $0xA  }
0xa6: {  	v24 =	vld [tilespmem:s25+$0x30];
	s1 =	spop (v2sf);
	(v2sf) =	vpush v2, $0xB  }
0xa7: {  	v27 =	vld [tilespmem:s25+$0x40];
	s4 =	spop (v2sf);
	(v2sf) =	vpush v2, $0xC  }
0xa8: {  	v30 =	vld [tilespmem:s25+$0x50];
	s6 =	spop (v2sf);
	(v2sf) =	vpush v2, $0xD  }
0xa9: {  	v31 =	vld [tilespmem:s25+$0x60];
	s31 =	sshra.s32 s1, $0x2;
	s1 =	sshra.s32 s4, $0x2;
	s4 =	spop (v2sf);
	(v2sf) =	vpush v2, $0xE  }
0xaa: {  	v62 =	vld [tilespmem:s25+$0x70];
	s7 =	spop (v2sf);
	(v2sf) =	vpush v2, $0xF  }
0xab: {  	v1 =	vld [tilespmem:s25+$0xFFFFFFD0];
	s28 =	sshra.s32 s19, $0x2  }
0xac: {  	v3 =	vld [tilespmem:s28+$0x0];
	s29 =	sshra.s32 s22, $0x2  }
0xad: {  	v5 =	vld [tilespmem:s29+$0x0];
	s30 =	sshra.s32 s23, $0x2  }
0xae: {  	v7 =	vld [tilespmem:s30+$0x0]  }
0xaf: {  	_, v26, _ =	vpop (xrf1);
	v9 =	vld [tilespmem:s31+$0x0]  }
0xb0: {  	v28 =	vbroadcast v26, $0x0;
	v11 =	vld [tilespmem:s1+$0x0];
	s0 =	sshra.s32 s6, $0x2  }
0xb1: {  	v13 =	vld [tilespmem:s0+$0x0];
	s6 =	sshra.s32 s4, $0x2  }
0xb2: {  	vm0 =	vne.s32 v26, v28;
	v14 =	vld [tilespmem:s6+$0x0];
	s7 =	sshra.s32 s7, $0x2;
	s8 =	spop (v2sf)  }
0xb3: {  	v28 =	vmpcnt.ones.xlane vm0;
	v2 =	vld [tilespmem:s7+$0x0];
	s8 =	sshra.s32 s8, $0x2;
	s9 =	spop (v2sf)  }
0xb4: {  	v17 =	vld [tilespmem:s8+$0x0];
	s9 =	sshra.s32 s9, $0x2;
	s12 =	spop (v2sf)  }
0xb5: {  	(v2sf) =	vpush v28, $0x0;
	v19 =	vld [tilespmem:s9+$0x0];
	s12 =	sshra.s32 s12, $0x2;
	s13 =	spop (v2sf)  }
0xb6: {  	v21 =	vld [tilespmem:s12+$0x0];
	s13 =	sshra.s32 s13, $0x2;
	s14 =	spop (v2sf)  }
0xb7: {  	v23 =	vld [tilespmem:s13+$0x0];
	s22 =	sshra.s32 s14, $0x2;
	s18 =	spop (v2sf)  }
0xb8: {  	v25 =	vld [tilespmem:s22+$0x0];
	s23 =	sshra.s32 s18, $0x2;
	s19 =	spop (v2sf)  }
0xb9: {  	v29 =	vld [tilespmem:s23+$0x0];
	s4 =	sshra.s32 s19, $0x2;
	s14 =	spop (v2sf)  }
0xba: {  	v3 =	vmax.f32 v3, v4;
	v60 =	vld [tilespmem:s4+$0x0];
	s18 =	sshra.s32 s14, $0x2  }
0xbb: {  	v5 =	vmax.f32 v5, v6;
	v61 =	vld [tilespmem:s18+$0x0];
	[tilespmem:s28+$0x0] =	vst v3  }
0xbc: {  	v3 =	vmax.f32 v7, v8;
	[tilespmem:s29+$0x0] =	vst v5  }
0xbd: {  	v63 =	vmax.f32 v9, v10;
	[tilespmem:s30+$0x0] =	vst v3  }
0xbe: {  	v3 =	vmax.f32 v11, v12;
	[tilespmem:s31+$0x0] =	vst v63  }
0xbf: {  	v1 =	vmax.f32 v13, v1;
	[tilespmem:s1+$0x0] =	vst v3  }
0xc0: {  	v3 =	vmax.f32 v14, v15;
	[tilespmem:s0+$0x0] =	vst v1  }
0xc1: {  	v1 =	vmax.f32 v2, v16;
	[tilespmem:s6+$0x0] =	vst v3  }
0xc2: {  	v2 =	vmax.f32 v17, v18;
	[tilespmem:s7+$0x0] =	vst v1  }
0xc3: {  	v1 =	vmax.f32 v19, v20;
	[tilespmem:s8+$0x0] =	vst v2  }
0xc4: {  	s19 =	spop (v2sf);
	v2 =	vmax.f32 v21, v22;
	[tilespmem:s9+$0x0] =	vst v1  }
0xc5: {  	p0 =	sne.s32 s19, $0x1;
	v1 =	vmax.f32 v23, v24;
	[tilespmem:s12+$0x0] =	vst v2  }
.Ltmp5:
0xc6: {  	v2 =	vmax.f32 v25, v27;
	[tilespmem:s13+$0x0] =	vst v1;
	(pc) =	sbr.rel @!p0 .LBB2_6-.Ltmp5, $4  }
0xc7: {  	v1 =	vmax.f32 v29, v30;
	[tilespmem:s22+$0x0] =	vst v2  }
0xc8: {  	v2 =	vmax.f32 v60, v31;
	[tilespmem:s23+$0x0] =	vst v1  }
0xc9: {  	v1 =	vmax.f32 v61, v62;
	[tilespmem:s4+$0x0] =	vst v2  }
0xca: {  	[tilespmem:s18+$0x0] =	vst v1  }
0xcb: {  	p0 =	slt.s32 s19, $0x2  }
.Ltmp6:
0xcc: {  	_ = 	snop;
	(pc) =	sbr.rel @p0 .LBB2_9-.Ltmp6, $1  }
0xcd: {  	_ =	sdelay $0x3  }
0xce: {  	v1 =	vld [tilespmem:s28+$0x0]  }
0xcf: {  	v2 =	vld [tilespmem:s25+$0xFFFFFF80];
	_ =	sdelay $0x4  }
0xd0: {  	v1 =	vmax.f32 v1, v2  }
0xd1: {  	[tilespmem:s28+$0x0] =	vst v1  }
0xd2: {  	v1 =	vld [tilespmem:s29+$0x0]  }
0xd3: {  	v2 =	vld [tilespmem:s25+$0xFFFFFF90];
	_ =	sdelay $0x4  }
0xd4: {  	v1 =	vmax.f32 v1, v2  }
0xd5: {  	[tilespmem:s29+$0x0] =	vst v1  }
0xd6: {  	v1 =	vld [tilespmem:s30+$0x0]  }
0xd7: {  	v2 =	vld [tilespmem:s25+$0xFFFFFFA0];
	_ =	sdelay $0x4  }
0xd8: {  	v1 =	vmax.f32 v1, v2  }
0xd9: {  	[tilespmem:s30+$0x0] =	vst v1  }
0xda: {  	v1 =	vld [tilespmem:s31+$0x0]  }
0xdb: {  	v2 =	vld [tilespmem:s25+$0xFFFFFFB0];
	_ =	sdelay $0x4  }
0xdc: {  	v1 =	vmax.f32 v1, v2  }
0xdd: {  	[tilespmem:s31+$0x0] =	vst v1  }
0xde: {  	v1 =	vld [tilespmem:s1+$0x0]  }
0xdf: {  	v2 =	vld [tilespmem:s25+$0xFFFFFFC0];
	_ =	sdelay $0x4  }
0xe0: {  	v1 =	vmax.f32 v1, v2  }
0xe1: {  	[tilespmem:s1+$0x0] =	vst v1  }
0xe2: {  	v1 =	vld [tilespmem:s0+$0x0]  }
0xe3: {  	v2 =	vld [tilespmem:s25+$0xFFFFFFD0];
	_ =	sdelay $0x4  }
0xe4: {  	v1 =	vmax.f32 v1, v2  }
0xe5: {  	[tilespmem:s0+$0x0] =	vst v1  }
0xe6: {  	v1 =	vld [tilespmem:s6+$0x0]  }
0xe7: {  	v2 =	vld [tilespmem:s25+$0xFFFFFFE0];
	_ =	sdelay $0x4  }
0xe8: {  	v1 =	vmax.f32 v1, v2  }
0xe9: {  	[tilespmem:s6+$0x0] =	vst v1  }
0xea: {  	v1 =	vld [tilespmem:s7+$0x0]  }
0xeb: {  	v2 =	vld [tilespmem:s25+$0xFFFFFFF0];
	_ =	sdelay $0x4  }
0xec: {  	v1 =	vmax.f32 v1, v2  }
0xed: {  	[tilespmem:s7+$0x0] =	vst v1  }
0xee: {  	v1 =	vld [tilespmem:s8+$0x0]  }
0xef: {  	v2 =	vld [tilespmem:s25+$0x0];
	_ =	sdelay $0x4  }
0xf0: {  	v1 =	vmax.f32 v1, v2  }
0xf1: {  	[tilespmem:s8+$0x0] =	vst v1  }
0xf2: {  	v1 =	vld [tilespmem:s9+$0x0]  }
0xf3: {  	v2 =	vld [tilespmem:s25+$0x10];
	_ =	sdelay $0x4  }
0xf4: {  	v1 =	vmax.f32 v1, v2  }
0xf5: {  	[tilespmem:s9+$0x0] =	vst v1  }
0xf6: {  	v1 =	vld [tilespmem:s12+$0x0]  }
0xf7: {  	v2 =	vld [tilespmem:s25+$0x20];
	_ =	sdelay $0x4  }
0xf8: {  	v1 =	vmax.f32 v1, v2  }
0xf9: {  	[tilespmem:s12+$0x0] =	vst v1  }
0xfa: {  	v1 =	vld [tilespmem:s13+$0x0]  }
0xfb: {  	v2 =	vld [tilespmem:s25+$0x30];
	_ =	sdelay $0x4  }
0xfc: {  	v1 =	vmax.f32 v1, v2  }
0xfd: {  	[tilespmem:s13+$0x0] =	vst v1  }
0xfe: {  	v1 =	vld [tilespmem:s22+$0x0]  }
0xff: {  	v2 =	vld [tilespmem:s25+$0x40];
	_ =	sdelay $0x4  }
0x100: {  	v1 =	vmax.f32 v1, v2  }
0x101: {  	[tilespmem:s22+$0x0] =	vst v1  }
0x102: {  	v1 =	vld [tilespmem:s23+$0x0]  }
0x103: {  	v2 =	vld [tilespmem:s25+$0x50];
	_ =	sdelay $0x4  }
0x104: {  	v1 =	vmax.f32 v1, v2  }
0x105: {  	[tilespmem:s23+$0x0] =	vst v1  }
0x106: {  	v1 =	vld [tilespmem:s4+$0x0]  }
0x107: {  	v2 =	vld [tilespmem:s25+$0x60];
	_ =	sdelay $0x4  }
0x108: {  	v1 =	vmax.f32 v1, v2  }
0x109: {  	[tilespmem:s4+$0x0] =	vst v1  }
0x10a: {  	v1 =	vld [tilespmem:s18+$0x0]  }
0x10b: {  	v2 =	vld [tilespmem:s25+$0x70];
	_ =	sdelay $0x1  }
.Ltmp7:
0x10c: {  	_ = 	snop;
	(pc) =	sbr.rel .LBB2_9-.Ltmp7, $3  }
0x10d: {  	_ =	sdelay $0x1  }
0x10e: {  	v1 =	vmax.f32 v1, v2  }
0x10f: {  	[tilespmem:s18+$0x0] =	vst v1  }
.LBB2_10:
0x110: {  	v1 =	vld [tilespmem:$0x103D8];
	_ =	sdelay $0x4  }
0x111: {  	v2 =	vshll.u32 v1, $0x6  }
0x112: {  	(v2sf) =	vpush v2, $0x0  }
0x113: {  	(v2sf) =	vpush v2, $0x1  }
0x114: {  	(v2sf) =	vpush v2, $0x2  }
0x115: {  	(v2sf) =	vpush v2, $0x3  }
0x116: {  	(v2sf) =	vpush v2, $0x4  }
0x117: {  	(v2sf) =	vpush v2, $0x5  }
0x118: {  	(v2sf) =	vpush v2, $0x6  }
0x119: {  	(v2sf) =	vpush v2, $0x7  }
0x11a: {  	v4 =	vld [tilespmem:$0x14550]  }
0x11b: {  	v6 =	vld [tilespmem:$0x14560]  }
0x11c: {  	v8 =	vld [tilespmem:$0x14570]  }
0x11d: {  	v10 =	vld [tilespmem:$0x14580]  }
0x11e: {  	v12 =	vld [tilespmem:$0x14590]  }
0x11f: {  	v15 =	vld [tilespmem:$0x145B0];
	(xrf1) =	vunique.msk.u32 $0xffff, v1  }
0x120: {  	v16 =	vld [tilespmem:$0x145C0]  }
0x121: {  	v18 =	vld [tilespmem:$0x145D0];
	s0 =	spop (v2sf);
	(v2sf) =	vpush v2, $0x8  }
0x122: {  	v20 =	vld [tilespmem:$0x145E0];
	s6 =	spop (v2sf);
	(v2sf) =	vpush v2, $0x9  }
0x123: {  	v22 =	vld [tilespmem:$0x145F0];
	s7 =	spop (v2sf);
	(v2sf) =	vpush v2, $0xA  }
0x124: {  	v24 =	vld [tilespmem:$0x14600];
	s8 =	spop (v2sf);
	(v2sf) =	vpush v2, $0xB  }
0x125: {  	v27 =	vld [tilespmem:$0x14610];
	s9 =	spop (v2sf);
	(v2sf) =	vpush v2, $0xC  }
0x126: {  	v30 =	vld [tilespmem:$0x14620];
	s12 =	spop (v2sf);
	(v2sf) =	vpush v2, $0xD  }
0x127: {  	v31 =	vld [tilespmem:$0x14630];
	s4 =	spop (v2sf);
	(v2sf) =	vpush v2, $0xE  }
0x128: {  	v62 =	vld [tilespmem:$0x14640];
	s13 =	spop (v2sf);
	(v2sf) =	vpush v2, $0xF  }
0x129: {  	v1 =	vld [tilespmem:$0x145A0];
	s25 =	sshra.s32 s0, $0x2  }
0x12a: {  	v3 =	vld [tilespmem:s25+$0x0];
	s26 =	sshra.s32 s6, $0x2  }
0x12b: {  	v5 =	vld [tilespmem:s26+$0x0];
	s28 =	sshra.s32 s7, $0x2  }
0x12c: {  	v7 =	vld [tilespmem:s28+$0x0];
	s29 =	sshra.s32 s8, $0x2  }
0x12d: {  	_, v26, _ =	vpop (xrf1);
	v9 =	vld [tilespmem:s29+$0x0];
	s1 =	sshra.s32 s9, $0x2  }
0x12e: {  	v28 =	vbroadcast v26, $0x0;
	v11 =	vld [tilespmem:s1+$0x0];
	s0 =	sshra.s32 s12, $0x2  }
0x12f: {  	v13 =	vld [tilespmem:s0+$0x0];
	s6 =	sshra.s32 s4, $0x2  }
0x130: {  	vm0 =	vne.s32 v26, v28;
	v14 =	vld [tilespmem:s6+$0x0];
	s7 =	sshra.s32 s13, $0x2;
	s14 =	spop (v2sf)  }
0x131: {  	v28 =	vmpcnt.ones.xlane vm0;
	v2 =	vld [tilespmem:s7+$0x0];
	s8 =	sshra.s32 s14, $0x2;
	s18 =	spop (v2sf)  }
0x132: {  	v17 =	vld [tilespmem:s8+$0x0];
	s9 =	sshra.s32 s18, $0x2;
	s19 =	spop (v2sf)  }
0x133: {  	(v2sf) =	vpush v28, $0x0;
	v19 =	vld [tilespmem:s9+$0x0];
	s12 =	sshra.s32 s19, $0x2;
	s22 =	spop (v2sf)  }
0x134: {  	v21 =	vld [tilespmem:s12+$0x0];
	s13 =	sshra.s32 s22, $0x2;
	s23 =	spop (v2sf)  }
0x135: {  	v23 =	vld [tilespmem:s13+$0x0];
	s22 =	sshra.s32 s23, $0x2;
	s30 =	spop (v2sf)  }
0x136: {  	v25 =	vld [tilespmem:s22+$0x0];
	s23 =	sshra.s32 s30, $0x2;
	s31 =	spop (v2sf)  }
0x137: {  	v29 =	vld [tilespmem:s23+$0x0];
	s4 =	sshra.s32 s31, $0x2;
	s14 =	spop (v2sf)  }
0x138: {  	v3 =	vmax.f32 v3, v4;
	v60 =	vld [tilespmem:s4+$0x0];
	s18 =	sshra.s32 s14, $0x2  }
0x139: {  	v5 =	vmax.f32 v5, v6;
	v61 =	vld [tilespmem:s18+$0x0];
	[tilespmem:s25+$0x0] =	vst v3  }
0x13a: {  	v3 =	vmax.f32 v7, v8;
	[tilespmem:s26+$0x0] =	vst v5  }
0x13b: {  	v63 =	vmax.f32 v9, v10;
	[tilespmem:s28+$0x0] =	vst v3  }
0x13c: {  	v3 =	vmax.f32 v11, v12;
	[tilespmem:s29+$0x0] =	vst v63  }
0x13d: {  	v1 =	vmax.f32 v13, v1;
	[tilespmem:s1+$0x0] =	vst v3  }
0x13e: {  	v3 =	vmax.f32 v14, v15;
	[tilespmem:s0+$0x0] =	vst v1  }
0x13f: {  	v1 =	vmax.f32 v2, v16;
	[tilespmem:s6+$0x0] =	vst v3  }
0x140: {  	v2 =	vmax.f32 v17, v18;
	[tilespmem:s7+$0x0] =	vst v1  }
0x141: {  	v1 =	vmax.f32 v19, v20;
	[tilespmem:s8+$0x0] =	vst v2  }
0x142: {  	s19 =	spop (v2sf);
	v2 =	vmax.f32 v21, v22;
	[tilespmem:s9+$0x0] =	vst v1  }
0x143: {  	p0 =	sne.s32 s19, $0x1;
	v1 =	vmax.f32 v23, v24;
	[tilespmem:s12+$0x0] =	vst v2  }
.Ltmp8:
0x144: {  	v2 =	vmax.f32 v25, v27;
	[tilespmem:s13+$0x0] =	vst v1;
	(pc) =	sbr.rel @p0 .LBB2_12-.Ltmp8, $4  }
0x145: {  	v1 =	vmax.f32 v29, v30;
	[tilespmem:s22+$0x0] =	vst v2  }
0x146: {  	v2 =	vmax.f32 v60, v31;
	[tilespmem:s23+$0x0] =	vst v1  }
0x147: {  	v1 =	vmax.f32 v61, v62;
	[tilespmem:s4+$0x0] =	vst v2  }
0x148: {  	[tilespmem:s18+$0x0] =	vst v1  }
0x149: {  	v2 =	vld [tilespmem:s25+$0x0]  }
0x14a: {  	v3 =	vld [tilespmem:$0x14550]  }
0x14b: {  	v4 =	vld [tilespmem:s26+$0x0]  }
0x14c: {  	v5 =	vld [tilespmem:$0x14560]  }
0x14d: {  	v6 =	vld [tilespmem:s28+$0x0]  }
0x14e: {  	v7 =	vld [tilespmem:$0x14570]  }
0x14f: {  	v8 =	vld [tilespmem:s29+$0x0]  }
0x150: {  	v9 =	vld [tilespmem:$0x14580]  }
0x151: {  	v10 =	vld [tilespmem:s1+$0x0]  }
0x152: {  	v11 =	vld [tilespmem:$0x14590]  }
0x153: {  	v12 =	vld [tilespmem:s0+$0x0]  }
0x154: {  	v13 =	vld [tilespmem:$0x145A0]  }
0x155: {  	v14 =	vld [tilespmem:s6+$0x0]  }
0x156: {  	v15 =	vld [tilespmem:$0x145B0]  }
0x157: {  	v16 =	vld [tilespmem:s7+$0x0]  }
0x158: {  	v17 =	vld [tilespmem:$0x145C0]  }
0x159: {  	v18 =	vld [tilespmem:s8+$0x0]  }
0x15a: {  	v19 =	vld [tilespmem:$0x145D0]  }
0x15b: {  	v20 =	vld [tilespmem:s9+$0x0]  }
0x15c: {  	v22 =	vld [tilespmem:s12+$0x0]  }
0x15d: {  	v23 =	vld [tilespmem:s13+$0x0]  }
0x15e: {  	v24 =	vld [tilespmem:s22+$0x0]  }
0x15f: {  	v25 =	vld [tilespmem:s23+$0x0]  }
0x160: {  	v26 =	vld [tilespmem:s4+$0x0]  }
0x161: {  	v27 =	vld [tilespmem:$0x14640]  }
0x162: {  	v28 =	vld [tilespmem:$0x14630]  }
0x163: {  	v29 =	vld [tilespmem:$0x14620]  }
0x164: {  	v30 =	vld [tilespmem:$0x14610]  }
0x165: {  	v31 =	vld [tilespmem:$0x14600]  }
0x166: {  	v63 =	vld [tilespmem:$0x145F0];
	v1 =	vmax.f32 v1, v27  }
0x167: {  	v21 =	vld [tilespmem:$0x145E0];
	v26 =	vmax.f32 v26, v28;
	[tilespmem:s18+$0x0] =	vst v1  }
0x168: {  	v1 =	vmax.f32 v25, v29;
	[tilespmem:s4+$0x0] =	vst v26  }
0x169: {  	v24 =	vmax.f32 v24, v30;
	[tilespmem:s23+$0x0] =	vst v1  }
0x16a: {  	v1 =	vmax.f32 v23, v31;
	[tilespmem:s22+$0x0] =	vst v24  }
0x16b: {  	v22 =	vmax.f32 v22, v63;
	[tilespmem:s13+$0x0] =	vst v1  }
0x16c: {  	v1 =	vmax.f32 v20, v21;
	[tilespmem:s12+$0x0] =	vst v22  }
0x16d: {  	v18 =	vmax.f32 v18, v19;
	[tilespmem:s9+$0x0] =	vst v1  }
0x16e: {  	v1 =	vmax.f32 v16, v17;
	[tilespmem:s8+$0x0] =	vst v18  }
0x16f: {  	v14 =	vmax.f32 v14, v15;
	[tilespmem:s7+$0x0] =	vst v1  }
0x170: {  	v1 =	vmax.f32 v12, v13;
	[tilespmem:s6+$0x0] =	vst v14  }
0x171: {  	v10 =	vmax.f32 v10, v11;
	[tilespmem:s0+$0x0] =	vst v1  }
.Ltmp9:
0x172: {  	v1 =	vmax.f32 v8, v9;
	[tilespmem:s1+$0x0] =	vst v10;
	(pc) =	sbr.rel .LBB2_14-.Ltmp9, $4  }
0x173: {  	v6 =	vmax.f32 v6, v7;
	[tilespmem:s29+$0x0] =	vst v1  }
0x174: {  	v1 =	vmax.f32 v4, v5;
	[tilespmem:s28+$0x0] =	vst v6  }
0x175: {  	v2 =	vmax.f32 v2, v3;
	[tilespmem:s26+$0x0] =	vst v1  }
0x176: {  	[tilespmem:s25+$0x0] =	vst v2  }
.LBB2_12:
0x177: {  	p0 =	slt.s32 s19, $0x2  }
.Ltmp10:
0x178: {  	_ = 	snop;
	(pc) =	sbr.rel @p0 .LBB2_14-.Ltmp10, $1  }
0x179: {  	_ =	sdelay $0x3  }
0x17a: {  	v1 =	vld [tilespmem:s25+$0x0]  }
0x17b: {  	v2 =	vld [tilespmem:$0x14550];
	_ =	sdelay $0x4  }
0x17c: {  	v1 =	vmax.f32 v1, v2  }
0x17d: {  	[tilespmem:s25+$0x0] =	vst v1  }
0x17e: {  	v1 =	vld [tilespmem:s26+$0x0]  }
0x17f: {  	v2 =	vld [tilespmem:$0x14560];
	_ =	sdelay $0x4  }
0x180: {  	v1 =	vmax.f32 v1, v2  }
0x181: {  	[tilespmem:s26+$0x0] =	vst v1  }
0x182: {  	v1 =	vld [tilespmem:s28+$0x0]  }
0x183: {  	v2 =	vld [tilespmem:$0x14570];
	_ =	sdelay $0x4  }
0x184: {  	v1 =	vmax.f32 v1, v2  }
0x185: {  	[tilespmem:s28+$0x0] =	vst v1  }
0x186: {  	v1 =	vld [tilespmem:s29+$0x0]  }
0x187: {  	v2 =	vld [tilespmem:$0x14580];
	_ =	sdelay $0x4  }
0x188: {  	v1 =	vmax.f32 v1, v2  }
0x189: {  	[tilespmem:s29+$0x0] =	vst v1  }
0x18a: {  	v1 =	vld [tilespmem:s1+$0x0]  }
0x18b: {  	v2 =	vld [tilespmem:$0x14590];
	_ =	sdelay $0x4  }
0x18c: {  	v1 =	vmax.f32 v1, v2  }
0x18d: {  	[tilespmem:s1+$0x0] =	vst v1  }
0x18e: {  	v1 =	vld [tilespmem:s0+$0x0]  }
0x18f: {  	v2 =	vld [tilespmem:$0x145A0];
	_ =	sdelay $0x4  }
0x190: {  	v1 =	vmax.f32 v1, v2  }
0x191: {  	[tilespmem:s0+$0x0] =	vst v1  }
0x192: {  	v1 =	vld [tilespmem:s6+$0x0]  }
0x193: {  	v2 =	vld [tilespmem:$0x145B0];
	_ =	sdelay $0x4  }
0x194: {  	v1 =	vmax.f32 v1, v2  }
0x195: {  	[tilespmem:s6+$0x0] =	vst v1  }
0x196: {  	v1 =	vld [tilespmem:s7+$0x0]  }
0x197: {  	v2 =	vld [tilespmem:$0x145C0];
	_ =	sdelay $0x4  }
0x198: {  	v1 =	vmax.f32 v1, v2  }
0x199: {  	[tilespmem:s7+$0x0] =	vst v1  }
0x19a: {  	v1 =	vld [tilespmem:s8+$0x0]  }
0x19b: {  	v2 =	vld [tilespmem:$0x145D0];
	_ =	sdelay $0x4  }
0x19c: {  	v1 =	vmax.f32 v1, v2  }
0x19d: {  	[tilespmem:s8+$0x0] =	vst v1  }
0x19e: {  	v1 =	vld [tilespmem:s9+$0x0]  }
0x19f: {  	v2 =	vld [tilespmem:$0x145E0];
	_ =	sdelay $0x4  }
0x1a0: {  	v1 =	vmax.f32 v1, v2  }
0x1a1: {  	[tilespmem:s9+$0x0] =	vst v1  }
0x1a2: {  	v1 =	vld [tilespmem:s12+$0x0]  }
0x1a3: {  	v2 =	vld [tilespmem:$0x145F0];
	_ =	sdelay $0x4  }
0x1a4: {  	v1 =	vmax.f32 v1, v2  }
0x1a5: {  	[tilespmem:s12+$0x0] =	vst v1  }
0x1a6: {  	v1 =	vld [tilespmem:s13+$0x0]  }
0x1a7: {  	v2 =	vld [tilespmem:$0x14600];
	_ =	sdelay $0x4  }
0x1a8: {  	v1 =	vmax.f32 v1, v2  }
0x1a9: {  	[tilespmem:s13+$0x0] =	vst v1  }
0x1aa: {  	v1 =	vld [tilespmem:s22+$0x0]  }
0x1ab: {  	v2 =	vld [tilespmem:$0x14610];
	_ =	sdelay $0x4  }
0x1ac: {  	v1 =	vmax.f32 v1, v2  }
0x1ad: {  	[tilespmem:s22+$0x0] =	vst v1  }
0x1ae: {  	v1 =	vld [tilespmem:s23+$0x0]  }
0x1af: {  	v2 =	vld [tilespmem:$0x14620];
	_ =	sdelay $0x4  }
0x1b0: {  	v1 =	vmax.f32 v1, v2  }
0x1b1: {  	[tilespmem:s23+$0x0] =	vst v1  }
0x1b2: {  	v1 =	vld [tilespmem:s4+$0x0]  }
0x1b3: {  	v2 =	vld [tilespmem:$0x14630];
	_ =	sdelay $0x4  }
0x1b4: {  	v1 =	vmax.f32 v1, v2  }
0x1b5: {  	[tilespmem:s4+$0x0] =	vst v1  }
0x1b6: {  	v1 =	vld [tilespmem:s18+$0x0]  }
0x1b7: {  	v2 =	vld [tilespmem:$0x14640];
	_ =	sdelay $0x4  }
0x1b8: {  	v1 =	vmax.f32 v1, v2  }
0x1b9: {  	[tilespmem:s18+$0x0] =	vst v1  }
.LBB2_14:
0x1ba: {  	s25 =	smul.u32 $0x7D0, s24;
	_ =	sdelay $0x1  }
0x1bb: {  	s0 =	sadd.s32 s25, s10  }
0x1bc: {  	s26 =	simm.s32 $0x0;
	s1 =	sshrl.u32 s0, $0x3;
	s0 =	sshll.u32 s0, $0x7  }
0x1bd: {  	s4 =	simm.s32 $0x10000;
	s1 =	sadd.s32 s3, s1;
	s0 =	sor.u32 s5, s0  }
0x1be: {  	[tilespmem:s4], [sflag:$0x1] =	stream.linear.gather [hbm4b:s1+s26], $0x3E8, $0x38;
	[tilespmem:$0x184D0] =	vst v63  }
0x1bf: {  	s0 =	sshrl.u32 s0, $0x3  }
0x1c0: {  	s0 =	sadd.s32 s2, s0  }
0x1c1: {  	[tilespmem:s17], [sflag:$0x1] =	stream.strided.gather [hbm4b:s0+s15], $0x3E80, s16, s15, $0x38;
	[tilespmem:$0x184D0] =	vst v63  }
0x1c2: {  	_ =	swait.ge [sflag:s21], $0x3E8  }
.Ltmp11:
0x1c3: {  	[sflag:s21] =	ssyncset.done $0x0;
	(pc) =	sbr.rel .LBB2_15-.Ltmp11, $4  }
0x1c4: {  	[sflag:s21] =	ssyncadd.s32 $0xFFFFFC18  }
0x1c5: {  	_ =	swait.ge [sflag:s21], $0x3E80  }
0x1c6: {  	[sflag:s21] =	ssyncset.done $0x0  }
0x1c7: {  	s28 =	simm.s32 $0x146D0;
	[sflag:s21] =	ssyncadd.s32 $0xFFFFC180  }
.LBB2_16:
0x1c8: {  	v2 =	vld [tilespmem:s29+$0x0]  }
0x1c9: {  	v3 =	vld [tilespmem:s28+$0xFFFFFF80]  }
0x1ca: {  	v4 =	vld [tilespmem:s30+$0x0]  }
0x1cb: {  	v5 =	vld [tilespmem:s28+$0xFFFFFF90]  }
0x1cc: {  	v6 =	vld [tilespmem:s31+$0x0]  }
0x1cd: {  	v7 =	vld [tilespmem:s28+$0xFFFFFFA0]  }
0x1ce: {  	v8 =	vld [tilespmem:s1+$0x0]  }
0x1cf: {  	v9 =	vld [tilespmem:s28+$0xFFFFFFB0]  }
0x1d0: {  	v10 =	vld [tilespmem:s0+$0x0]  }
0x1d1: {  	v11 =	vld [tilespmem:s28+$0xFFFFFFC0]  }
0x1d2: {  	v12 =	vld [tilespmem:s6+$0x0]  }
0x1d3: {  	v13 =	vld [tilespmem:s28+$0xFFFFFFD0]  }
0x1d4: {  	v14 =	vld [tilespmem:s7+$0x0]  }
0x1d5: {  	v15 =	vld [tilespmem:s28+$0xFFFFFFE0]  }
0x1d6: {  	v16 =	vld [tilespmem:s8+$0x0]  }
0x1d7: {  	v17 =	vld [tilespmem:s28+$0xFFFFFFF0]  }
0x1d8: {  	v18 =	vld [tilespmem:s9+$0x0]  }
0x1d9: {  	v19 =	vld [tilespmem:s28+$0x0]  }
0x1da: {  	v20 =	vld [tilespmem:s12+$0x0]  }
0x1db: {  	v22 =	vld [tilespmem:s13+$0x0]  }
0x1dc: {  	v23 =	vld [tilespmem:s22+$0x0]  }
0x1dd: {  	v24 =	vld [tilespmem:s23+$0x0]  }
0x1de: {  	v25 =	vld [tilespmem:s4+$0x0]  }
0x1df: {  	v26 =	vld [tilespmem:s18+$0x0]  }
0x1e0: {  	v27 =	vld [tilespmem:s28+$0x70]  }
0x1e1: {  	v28 =	vld [tilespmem:s28+$0x60]  }
0x1e2: {  	v29 =	vld [tilespmem:s28+$0x50]  }
0x1e3: {  	v30 =	vld [tilespmem:s28+$0x40]  }
0x1e4: {  	v31 =	vld [tilespmem:s28+$0x30]  }
0x1e5: {  	v63 =	vld [tilespmem:s28+$0x20];
	v1 =	vmax.f32 v1, v27  }
0x1e6: {  	v21 =	vld [tilespmem:s28+$0x10];
	v26 =	vmax.f32 v26, v28;
	[tilespmem:s19+$0x0] =	vst v1  }
0x1e7: {  	v1 =	vmax.f32 v25, v29;
	[tilespmem:s18+$0x0] =	vst v26  }
0x1e8: {  	v24 =	vmax.f32 v24, v30;
	[tilespmem:s4+$0x0] =	vst v1  }
0x1e9: {  	v1 =	vmax.f32 v23, v31;
	[tilespmem:s23+$0x0] =	vst v24  }
0x1ea: {  	v22 =	vmax.f32 v22, v63;
	[tilespmem:s22+$0x0] =	vst v1  }
0x1eb: {  	v1 =	vmax.f32 v20, v21;
	[tilespmem:s13+$0x0] =	vst v22  }
0x1ec: {  	v18 =	vmax.f32 v18, v19;
	[tilespmem:s12+$0x0] =	vst v1  }
0x1ed: {  	v1 =	vmax.f32 v16, v17;
	[tilespmem:s9+$0x0] =	vst v18  }
0x1ee: {  	v14 =	vmax.f32 v14, v15;
	[tilespmem:s8+$0x0] =	vst v1  }
0x1ef: {  	v1 =	vmax.f32 v12, v13;
	[tilespmem:s7+$0x0] =	vst v14  }
0x1f0: {  	v10 =	vmax.f32 v10, v11;
	[tilespmem:s6+$0x0] =	vst v1  }
0x1f1: {  	v1 =	vmax.f32 v8, v9;
	[tilespmem:s0+$0x0] =	vst v10  }
0x1f2: {  	v6 =	vmax.f32 v6, v7;
	[tilespmem:s1+$0x0] =	vst v1  }
0x1f3: {  	v1 =	vmax.f32 v4, v5;
	[tilespmem:s31+$0x0] =	vst v6  }
0x1f4: {  	v2 =	vmax.f32 v2, v3;
	[tilespmem:s30+$0x0] =	vst v1  }
0x1f5: {  	[tilespmem:s29+$0x0] =	vst v2  }
.LBB2_19:
0x1f6: {  	s26 =	sadd.s32 $0x40, s26  }
0x1f7: {  	p0 =	sne.s32 s26, $0xF80  }
.Ltmp12:
0x1f8: {  	_ = 	snop;
	(pc) =	sbr.rel @!p0 .LBB2_20-.Ltmp12, $2  }
0x1f9: {  	_ =	sdelay $0x2  }
0x1fa: {  	s28 =	sadd.s32 $0x100, s28  }
.LBB2_15:
0x1fb: {  	s0 =	sshra.s32 s26, $0x2  }
0x1fc: {  	v1 =	vld [tilespmem:s0+$0x103E8];
	_ =	sdelay $0x4  }
0x1fd: {  	v2 =	vshll.u32 v1, $0x6  }
0x1fe: {  	(v2sf) =	vpush v2, $0x0  }
0x1ff: {  	(v2sf) =	vpush v2, $0x1  }
0x200: {  	(v2sf) =	vpush v2, $0x2  }
0x201: {  	(v2sf) =	vpush v2, $0x3  }
0x202: {  	(v2sf) =	vpush v2, $0x4  }
0x203: {  	(v2sf) =	vpush v2, $0x5  }
0x204: {  	(v2sf) =	vpush v2, $0x6  }
0x205: {  	(v2sf) =	vpush v2, $0x7  }
0x206: {  	v4 =	vld [tilespmem:s28+$0xFFFFFF80]  }
0x207: {  	v6 =	vld [tilespmem:s28+$0xFFFFFF90]  }
0x208: {  	v8 =	vld [tilespmem:s28+$0xFFFFFFA0]  }
0x209: {  	v10 =	vld [tilespmem:s28+$0xFFFFFFB0]  }
0x20a: {  	v12 =	vld [tilespmem:s28+$0xFFFFFFC0]  }
0x20b: {  	v15 =	vld [tilespmem:s28+$0xFFFFFFE0];
	(xrf1) =	vunique.msk.u32 $0xffff, v1  }
0x20c: {  	v16 =	vld [tilespmem:s28+$0xFFFFFFF0]  }
0x20d: {  	v18 =	vld [tilespmem:s28+$0x0];
	s6 =	spop (v2sf);
	(v2sf) =	vpush v2, $0x8  }
0x20e: {  	v20 =	vld [tilespmem:s28+$0x10];
	s7 =	spop (v2sf);
	(v2sf) =	vpush v2, $0x9  }
0x20f: {  	v22 =	vld [tilespmem:s28+$0x20];
	s8 =	spop (v2sf);
	(v2sf) =	vpush v2, $0xA  }
0x210: {  	v24 =	vld [tilespmem:s28+$0x30];
	s9 =	spop (v2sf);
	(v2sf) =	vpush v2, $0xB  }
0x211: {  	v27 =	vld [tilespmem:s28+$0x40];
	s12 =	spop (v2sf);
	(v2sf) =	vpush v2, $0xC  }
0x212: {  	v30 =	vld [tilespmem:s28+$0x50];
	s4 =	spop (v2sf);
	(v2sf) =	vpush v2, $0xD  }
0x213: {  	v31 =	vld [tilespmem:s28+$0x60];
	s13 =	spop (v2sf);
	(v2sf) =	vpush v2, $0xE  }
0x214: {  	v62 =	vld [tilespmem:s28+$0x70];
	s14 =	spop (v2sf);
	(v2sf) =	vpush v2, $0xF  }
0x215: {  	v1 =	vld [tilespmem:s28+$0xFFFFFFD0];
	s29 =	sshra.s32 s6, $0x2  }
0x216: {  	v3 =	vld [tilespmem:s29+$0x0];
	s30 =	sshra.s32 s7, $0x2  }
0x217: {  	v5 =	vld [tilespmem:s30+$0x0];
	s31 =	sshra.s32 s8, $0x2  }
0x218: {  	v7 =	vld [tilespmem:s31+$0x0];
	s1 =	sshra.s32 s9, $0x2  }
0x219: {  	_, v26, _ =	vpop (xrf1);
	v9 =	vld [tilespmem:s1+$0x0];
	s0 =	sshra.s32 s12, $0x2  }
0x21a: {  	v28 =	vbroadcast v26, $0x0;
	v11 =	vld [tilespmem:s0+$0x0];
	s6 =	sshra.s32 s4, $0x2  }
0x21b: {  	v13 =	vld [tilespmem:s6+$0x0];
	s7 =	sshra.s32 s13, $0x2  }
0x21c: {  	vm0 =	vne.s32 v26, v28;
	v14 =	vld [tilespmem:s7+$0x0];
	s8 =	sshra.s32 s14, $0x2;
	s18 =	spop (v2sf)  }
0x21d: {  	v28 =	vmpcnt.ones.xlane vm0;
	v2 =	vld [tilespmem:s8+$0x0];
	s9 =	sshra.s32 s18, $0x2;
	s19 =	spop (v2sf)  }
0x21e: {  	v17 =	vld [tilespmem:s9+$0x0];
	s12 =	sshra.s32 s19, $0x2;
	s22 =	spop (v2sf)  }
0x21f: {  	(v2sf) =	vpush v28, $0x0;
	v19 =	vld [tilespmem:s12+$0x0];
	s13 =	sshra.s32 s22, $0x2;
	s23 =	spop (v2sf)  }
0x220: {  	v21 =	vld [tilespmem:s13+$0x0];
	s22 =	sshra.s32 s23, $0x2;
	s14 =	spop (v2sf)  }
0x221: {  	v23 =	vld [tilespmem:s22+$0x0];
	s23 =	sshra.s32 s14, $0x2;
	s18 =	spop (v2sf)  }
0x222: {  	v25 =	vld [tilespmem:s23+$0x0];
	s4 =	sshra.s32 s18, $0x2;
	s14 =	spop (v2sf)  }
0x223: {  	v29 =	vld [tilespmem:s4+$0x0];
	s18 =	sshra.s32 s14, $0x2;
	s19 =	spop (v2sf)  }
0x224: {  	v3 =	vmax.f32 v3, v4;
	v60 =	vld [tilespmem:s18+$0x0];
	s19 =	sshra.s32 s19, $0x2  }
0x225: {  	v5 =	vmax.f32 v5, v6;
	v61 =	vld [tilespmem:s19+$0x0];
	[tilespmem:s29+$0x0] =	vst v3  }
0x226: {  	v3 =	vmax.f32 v7, v8;
	[tilespmem:s30+$0x0] =	vst v5  }
0x227: {  	v63 =	vmax.f32 v9, v10;
	[tilespmem:s31+$0x0] =	vst v3  }
0x228: {  	v3 =	vmax.f32 v11, v12;
	[tilespmem:s1+$0x0] =	vst v63  }
0x229: {  	v1 =	vmax.f32 v13, v1;
	[tilespmem:s0+$0x0] =	vst v3  }
0x22a: {  	v3 =	vmax.f32 v14, v15;
	[tilespmem:s6+$0x0] =	vst v1  }
0x22b: {  	v1 =	vmax.f32 v2, v16;
	[tilespmem:s7+$0x0] =	vst v3  }
0x22c: {  	v2 =	vmax.f32 v17, v18;
	[tilespmem:s8+$0x0] =	vst v1  }
0x22d: {  	v1 =	vmax.f32 v19, v20;
	[tilespmem:s9+$0x0] =	vst v2  }
0x22e: {  	s14 =	spop (v2sf);
	v2 =	vmax.f32 v21, v22;
	[tilespmem:s12+$0x0] =	vst v1  }
0x22f: {  	p0 =	sne.s32 s14, $0x1;
	v1 =	vmax.f32 v23, v24;
	[tilespmem:s13+$0x0] =	vst v2  }
.Ltmp13:
0x230: {  	v2 =	vmax.f32 v25, v27;
	[tilespmem:s22+$0x0] =	vst v1;
	(pc) =	sbr.rel @!p0 .LBB2_16-.Ltmp13, $4  }
0x231: {  	v1 =	vmax.f32 v29, v30;
	[tilespmem:s23+$0x0] =	vst v2  }
0x232: {  	v2 =	vmax.f32 v60, v31;
	[tilespmem:s4+$0x0] =	vst v1  }
0x233: {  	v1 =	vmax.f32 v61, v62;
	[tilespmem:s18+$0x0] =	vst v2  }
0x234: {  	[tilespmem:s19+$0x0] =	vst v1  }
0x235: {  	p0 =	slt.s32 s14, $0x2  }
.Ltmp14:
0x236: {  	_ = 	snop;
	(pc) =	sbr.rel @p0 .LBB2_19-.Ltmp14, $1  }
0x237: {  	_ =	sdelay $0x3  }
0x238: {  	v1 =	vld [tilespmem:s29+$0x0]  }
0x239: {  	v2 =	vld [tilespmem:s28+$0xFFFFFF80];
	_ =	sdelay $0x4  }
0x23a: {  	v1 =	vmax.f32 v1, v2  }
0x23b: {  	[tilespmem:s29+$0x0] =	vst v1  }
0x23c: {  	v1 =	vld [tilespmem:s30+$0x0]  }
0x23d: {  	v2 =	vld [tilespmem:s28+$0xFFFFFF90];
	_ =	sdelay $0x4  }
0x23e: {  	v1 =	vmax.f32 v1, v2  }
0x23f: {  	[tilespmem:s30+$0x0] =	vst v1  }
0x240: {  	v1 =	vld [tilespmem:s31+$0x0]  }
0x241: {  	v2 =	vld [tilespmem:s28+$0xFFFFFFA0];
	_ =	sdelay $0x4  }
0x242: {  	v1 =	vmax.f32 v1, v2  }
0x243: {  	[tilespmem:s31+$0x0] =	vst v1  }
0x244: {  	v1 =	vld [tilespmem:s1+$0x0]  }
0x245: {  	v2 =	vld [tilespmem:s28+$0xFFFFFFB0];
	_ =	sdelay $0x4  }
0x246: {  	v1 =	vmax.f32 v1, v2  }
0x247: {  	[tilespmem:s1+$0x0] =	vst v1  }
0x248: {  	v1 =	vld [tilespmem:s0+$0x0]  }
0x249: {  	v2 =	vld [tilespmem:s28+$0xFFFFFFC0];
	_ =	sdelay $0x4  }
0x24a: {  	v1 =	vmax.f32 v1, v2  }
0x24b: {  	[tilespmem:s0+$0x0] =	vst v1  }
0x24c: {  	v1 =	vld [tilespmem:s6+$0x0]  }
0x24d: {  	v2 =	vld [tilespmem:s28+$0xFFFFFFD0];
	_ =	sdelay $0x4  }
0x24e: {  	v1 =	vmax.f32 v1, v2  }
0x24f: {  	[tilespmem:s6+$0x0] =	vst v1  }
0x250: {  	v1 =	vld [tilespmem:s7+$0x0]  }
0x251: {  	v2 =	vld [tilespmem:s28+$0xFFFFFFE0];
	_ =	sdelay $0x4  }
0x252: {  	v1 =	vmax.f32 v1, v2  }
0x253: {  	[tilespmem:s7+$0x0] =	vst v1  }
0x254: {  	v1 =	vld [tilespmem:s8+$0x0]  }
0x255: {  	v2 =	vld [tilespmem:s28+$0xFFFFFFF0];
	_ =	sdelay $0x4  }
0x256: {  	v1 =	vmax.f32 v1, v2  }
0x257: {  	[tilespmem:s8+$0x0] =	vst v1  }
0x258: {  	v1 =	vld [tilespmem:s9+$0x0]  }
0x259: {  	v2 =	vld [tilespmem:s28+$0x0];
	_ =	sdelay $0x4  }
0x25a: {  	v1 =	vmax.f32 v1, v2  }
0x25b: {  	[tilespmem:s9+$0x0] =	vst v1  }
0x25c: {  	v1 =	vld [tilespmem:s12+$0x0]  }
0x25d: {  	v2 =	vld [tilespmem:s28+$0x10];
	_ =	sdelay $0x4  }
0x25e: {  	v1 =	vmax.f32 v1, v2  }
0x25f: {  	[tilespmem:s12+$0x0] =	vst v1  }
0x260: {  	v1 =	vld [tilespmem:s13+$0x0]  }
0x261: {  	v2 =	vld [tilespmem:s28+$0x20];
	_ =	sdelay $0x4  }
0x262: {  	v1 =	vmax.f32 v1, v2  }
0x263: {  	[tilespmem:s13+$0x0] =	vst v1  }
0x264: {  	v1 =	vld [tilespmem:s22+$0x0]  }
0x265: {  	v2 =	vld [tilespmem:s28+$0x30];
	_ =	sdelay $0x4  }
0x266: {  	v1 =	vmax.f32 v1, v2  }
0x267: {  	[tilespmem:s22+$0x0] =	vst v1  }
0x268: {  	v1 =	vld [tilespmem:s23+$0x0]  }
0x269: {  	v2 =	vld [tilespmem:s28+$0x40];
	_ =	sdelay $0x4  }
0x26a: {  	v1 =	vmax.f32 v1, v2  }
0x26b: {  	[tilespmem:s23+$0x0] =	vst v1  }
0x26c: {  	v1 =	vld [tilespmem:s4+$0x0]  }
0x26d: {  	v2 =	vld [tilespmem:s28+$0x50];
	_ =	sdelay $0x4  }
0x26e: {  	v1 =	vmax.f32 v1, v2  }
0x26f: {  	[tilespmem:s4+$0x0] =	vst v1  }
0x270: {  	v1 =	vld [tilespmem:s18+$0x0]  }
0x271: {  	v2 =	vld [tilespmem:s28+$0x60];
	_ =	sdelay $0x4  }
0x272: {  	v1 =	vmax.f32 v1, v2  }
0x273: {  	[tilespmem:s18+$0x0] =	vst v1  }
0x274: {  	v1 =	vld [tilespmem:s19+$0x0]  }
0x275: {  	v2 =	vld [tilespmem:s28+$0x70];
	_ =	sdelay $0x1  }
.Ltmp15:
0x276: {  	_ = 	snop;
	(pc) =	sbr.rel .LBB2_19-.Ltmp15, $3  }
0x277: {  	_ =	sdelay $0x1  }
0x278: {  	v1 =	vmax.f32 v1, v2  }
0x279: {  	[tilespmem:s19+$0x0] =	vst v1  }
.LBB2_20:
0x27a: {  	v1 =	vld [tilespmem:$0x107C0];
	_ =	sdelay $0x4  }
0x27b: {  	v2 =	vshll.u32 v1, $0x6  }
0x27c: {  	(v2sf) =	vpush v2, $0x0  }
0x27d: {  	(v2sf) =	vpush v2, $0x1  }
0x27e: {  	(v2sf) =	vpush v2, $0x2  }
0x27f: {  	(v2sf) =	vpush v2, $0x3  }
0x280: {  	(v2sf) =	vpush v2, $0x4  }
0x281: {  	(v2sf) =	vpush v2, $0x5  }
0x282: {  	(v2sf) =	vpush v2, $0x6  }
0x283: {  	(v2sf) =	vpush v2, $0x7  }
0x284: {  	v4 =	vld [tilespmem:$0x183D0]  }
0x285: {  	v6 =	vld [tilespmem:$0x183E0]  }
0x286: {  	v8 =	vld [tilespmem:$0x183F0]  }
0x287: {  	v10 =	vld [tilespmem:$0x18400]  }
0x288: {  	v12 =	vld [tilespmem:$0x18410]  }
0x289: {  	v15 =	vld [tilespmem:$0x18430];
	(xrf1) =	vunique.msk.u32 $0xffff, v1  }
0x28a: {  	v16 =	vld [tilespmem:$0x18440]  }
0x28b: {  	v18 =	vld [tilespmem:$0x18450];
	s0 =	spop (v2sf);
	(v2sf) =	vpush v2, $0x8  }
0x28c: {  	v20 =	vld [tilespmem:$0x18460];
	s6 =	spop (v2sf);
	(v2sf) =	vpush v2, $0x9  }
0x28d: {  	v22 =	vld [tilespmem:$0x18470];
	s7 =	spop (v2sf);
	(v2sf) =	vpush v2, $0xA  }
0x28e: {  	v24 =	vld [tilespmem:$0x18480];
	s8 =	spop (v2sf);
	(v2sf) =	vpush v2, $0xB  }
0x28f: {  	v27 =	vld [tilespmem:$0x18490];
	s9 =	spop (v2sf);
	(v2sf) =	vpush v2, $0xC  }
0x290: {  	v30 =	vld [tilespmem:$0x184A0];
	s4 =	spop (v2sf);
	(v2sf) =	vpush v2, $0xD  }
0x291: {  	v31 =	vld [tilespmem:$0x184B0];
	s12 =	spop (v2sf);
	(v2sf) =	vpush v2, $0xE  }
0x292: {  	v62 =	vld [tilespmem:$0x184C0];
	s13 =	spop (v2sf);
	(v2sf) =	vpush v2, $0xF  }
0x293: {  	v1 =	vld [tilespmem:$0x18420];
	s26 =	sshra.s32 s0, $0x2  }
0x294: {  	v3 =	vld [tilespmem:s26+$0x0];
	s28 =	sshra.s32 s6, $0x2  }
0x295: {  	v5 =	vld [tilespmem:s28+$0x0];
	s29 =	sshra.s32 s7, $0x2  }
0x296: {  	v7 =	vld [tilespmem:s29+$0x0];
	s1 =	sshra.s32 s8, $0x2  }
0x297: {  	_, v26, _ =	vpop (xrf1);
	v9 =	vld [tilespmem:s1+$0x0];
	s0 =	sshra.s32 s9, $0x2  }
0x298: {  	v28 =	vbroadcast v26, $0x0;
	v11 =	vld [tilespmem:s0+$0x0];
	s6 =	sshra.s32 s4, $0x2  }
0x299: {  	v13 =	vld [tilespmem:s6+$0x0];
	s7 =	sshra.s32 s12, $0x2  }
0x29a: {  	vm0 =	vne.s32 v26, v28;
	v14 =	vld [tilespmem:s7+$0x0];
	s8 =	sshra.s32 s13, $0x2;
	s14 =	spop (v2sf)  }
0x29b: {  	v28 =	vmpcnt.ones.xlane vm0;
	v2 =	vld [tilespmem:s8+$0x0];
	s9 =	sshra.s32 s14, $0x2;
	s18 =	spop (v2sf)  }
0x29c: {  	v17 =	vld [tilespmem:s9+$0x0];
	s12 =	sshra.s32 s18, $0x2;
	s19 =	spop (v2sf)  }
0x29d: {  	(v2sf) =	vpush v28, $0x0;
	v19 =	vld [tilespmem:s12+$0x0];
	s13 =	sshra.s32 s19, $0x2;
	s22 =	spop (v2sf)  }
0x29e: {  	v21 =	vld [tilespmem:s13+$0x0];
	s22 =	sshra.s32 s22, $0x2;
	s23 =	spop (v2sf)  }
0x29f: {  	v23 =	vld [tilespmem:s22+$0x0];
	s23 =	sshra.s32 s23, $0x2;
	s30 =	spop (v2sf)  }
0x2a0: {  	v25 =	vld [tilespmem:s23+$0x0];
	s4 =	sshra.s32 s30, $0x2;
	s14 =	spop (v2sf)  }
0x2a1: {  	v29 =	vld [tilespmem:s4+$0x0];
	s18 =	sshra.s32 s14, $0x2;
	s31 =	spop (v2sf)  }
0x2a2: {  	v3 =	vmax.f32 v3, v4;
	v60 =	vld [tilespmem:s18+$0x0];
	s19 =	sshra.s32 s31, $0x2  }
0x2a3: {  	v5 =	vmax.f32 v5, v6;
	v61 =	vld [tilespmem:s19+$0x0];
	[tilespmem:s26+$0x0] =	vst v3  }
0x2a4: {  	v3 =	vmax.f32 v7, v8;
	[tilespmem:s28+$0x0] =	vst v5  }
0x2a5: {  	v63 =	vmax.f32 v9, v10;
	[tilespmem:s29+$0x0] =	vst v3  }
0x2a6: {  	v3 =	vmax.f32 v11, v12;
	[tilespmem:s1+$0x0] =	vst v63  }
0x2a7: {  	v1 =	vmax.f32 v13, v1;
	[tilespmem:s0+$0x0] =	vst v3  }
0x2a8: {  	v3 =	vmax.f32 v14, v15;
	[tilespmem:s6+$0x0] =	vst v1  }
0x2a9: {  	v1 =	vmax.f32 v2, v16;
	[tilespmem:s7+$0x0] =	vst v3  }
0x2aa: {  	v2 =	vmax.f32 v17, v18;
	[tilespmem:s8+$0x0] =	vst v1  }
0x2ab: {  	v1 =	vmax.f32 v19, v20;
	[tilespmem:s9+$0x0] =	vst v2  }
0x2ac: {  	s14 =	spop (v2sf);
	v2 =	vmax.f32 v21, v22;
	[tilespmem:s12+$0x0] =	vst v1  }
0x2ad: {  	p0 =	sne.s32 s14, $0x1;
	v1 =	vmax.f32 v23, v24;
	[tilespmem:s13+$0x0] =	vst v2  }
.Ltmp16:
0x2ae: {  	v2 =	vmax.f32 v25, v27;
	[tilespmem:s22+$0x0] =	vst v1;
	(pc) =	sbr.rel @p0 .LBB2_22-.Ltmp16, $4  }
0x2af: {  	v1 =	vmax.f32 v29, v30;
	[tilespmem:s23+$0x0] =	vst v2  }
0x2b0: {  	v2 =	vmax.f32 v60, v31;
	[tilespmem:s4+$0x0] =	vst v1  }
0x2b1: {  	v1 =	vmax.f32 v61, v62;
	[tilespmem:s18+$0x0] =	vst v2  }
0x2b2: {  	[tilespmem:s19+$0x0] =	vst v1  }
0x2b3: {  	v2 =	vld [tilespmem:s26+$0x0]  }
0x2b4: {  	v3 =	vld [tilespmem:$0x183D0]  }
0x2b5: {  	v4 =	vld [tilespmem:s28+$0x0]  }
0x2b6: {  	v5 =	vld [tilespmem:$0x183E0]  }
0x2b7: {  	v6 =	vld [tilespmem:s29+$0x0]  }
0x2b8: {  	v7 =	vld [tilespmem:$0x183F0]  }
0x2b9: {  	v8 =	vld [tilespmem:s1+$0x0]  }
0x2ba: {  	v9 =	vld [tilespmem:$0x18400]  }
0x2bb: {  	v10 =	vld [tilespmem:s0+$0x0]  }
0x2bc: {  	v11 =	vld [tilespmem:$0x18410]  }
0x2bd: {  	v12 =	vld [tilespmem:s6+$0x0]  }
0x2be: {  	v13 =	vld [tilespmem:$0x18420]  }
0x2bf: {  	v14 =	vld [tilespmem:s7+$0x0]  }
0x2c0: {  	v15 =	vld [tilespmem:$0x18430]  }
0x2c1: {  	v16 =	vld [tilespmem:s8+$0x0]  }
0x2c2: {  	v17 =	vld [tilespmem:$0x18440]  }
0x2c3: {  	v18 =	vld [tilespmem:s9+$0x0]  }
0x2c4: {  	v19 =	vld [tilespmem:$0x18450]  }
0x2c5: {  	v20 =	vld [tilespmem:s12+$0x0]  }
0x2c6: {  	v22 =	vld [tilespmem:s13+$0x0]  }
0x2c7: {  	v23 =	vld [tilespmem:s22+$0x0]  }
0x2c8: {  	v24 =	vld [tilespmem:s23+$0x0]  }
0x2c9: {  	v25 =	vld [tilespmem:s4+$0x0]  }
0x2ca: {  	v26 =	vld [tilespmem:s18+$0x0]  }
0x2cb: {  	v27 =	vld [tilespmem:$0x184C0]  }
0x2cc: {  	v28 =	vld [tilespmem:$0x184B0]  }
0x2cd: {  	v29 =	vld [tilespmem:$0x184A0]  }
0x2ce: {  	v30 =	vld [tilespmem:$0x18490]  }
0x2cf: {  	v31 =	vld [tilespmem:$0x18480]  }
0x2d0: {  	v63 =	vld [tilespmem:$0x18470];
	v1 =	vmax.f32 v1, v27  }
0x2d1: {  	v21 =	vld [tilespmem:$0x18460];
	v26 =	vmax.f32 v26, v28;
	[tilespmem:s19+$0x0] =	vst v1  }
0x2d2: {  	v1 =	vmax.f32 v25, v29;
	[tilespmem:s18+$0x0] =	vst v26  }
0x2d3: {  	v24 =	vmax.f32 v24, v30;
	[tilespmem:s4+$0x0] =	vst v1  }
0x2d4: {  	v1 =	vmax.f32 v23, v31;
	[tilespmem:s23+$0x0] =	vst v24  }
0x2d5: {  	v22 =	vmax.f32 v22, v63;
	[tilespmem:s22+$0x0] =	vst v1  }
0x2d6: {  	v1 =	vmax.f32 v20, v21;
	[tilespmem:s13+$0x0] =	vst v22  }
0x2d7: {  	v18 =	vmax.f32 v18, v19;
	[tilespmem:s12+$0x0] =	vst v1  }
0x2d8: {  	v1 =	vmax.f32 v16, v17;
	[tilespmem:s9+$0x0] =	vst v18  }
0x2d9: {  	v14 =	vmax.f32 v14, v15;
	[tilespmem:s8+$0x0] =	vst v1  }
0x2da: {  	v1 =	vmax.f32 v12, v13;
	[tilespmem:s7+$0x0] =	vst v14  }
0x2db: {  	v10 =	vmax.f32 v10, v11;
	[tilespmem:s6+$0x0] =	vst v1  }
.Ltmp17:
0x2dc: {  	v1 =	vmax.f32 v8, v9;
	[tilespmem:s0+$0x0] =	vst v10;
	(pc) =	sbr.rel .LBB2_24-.Ltmp17, $4  }
0x2dd: {  	v6 =	vmax.f32 v6, v7;
	[tilespmem:s1+$0x0] =	vst v1  }
0x2de: {  	v1 =	vmax.f32 v4, v5;
	[tilespmem:s29+$0x0] =	vst v6  }
0x2df: {  	v2 =	vmax.f32 v2, v3;
	[tilespmem:s28+$0x0] =	vst v1  }
0x2e0: {  	[tilespmem:s26+$0x0] =	vst v2  }
.LBB2_22:
0x2e1: {  	p0 =	slt.s32 s14, $0x2  }
.Ltmp18:
0x2e2: {  	_ = 	snop;
	(pc) =	sbr.rel @p0 .LBB2_24-.Ltmp18, $1  }
0x2e3: {  	_ =	sdelay $0x3  }
0x2e4: {  	v1 =	vld [tilespmem:s26+$0x0]  }
0x2e5: {  	v2 =	vld [tilespmem:$0x183D0];
	_ =	sdelay $0x4  }
0x2e6: {  	v1 =	vmax.f32 v1, v2  }
0x2e7: {  	[tilespmem:s26+$0x0] =	vst v1  }
0x2e8: {  	v1 =	vld [tilespmem:s28+$0x0]  }
0x2e9: {  	v2 =	vld [tilespmem:$0x183E0];
	_ =	sdelay $0x4  }
0x2ea: {  	v1 =	vmax.f32 v1, v2  }
0x2eb: {  	[tilespmem:s28+$0x0] =	vst v1  }
0x2ec: {  	v1 =	vld [tilespmem:s29+$0x0]  }
0x2ed: {  	v2 =	vld [tilespmem:$0x183F0];
	_ =	sdelay $0x4  }
0x2ee: {  	v1 =	vmax.f32 v1, v2  }
0x2ef: {  	[tilespmem:s29+$0x0] =	vst v1  }
0x2f0: {  	v1 =	vld [tilespmem:s1+$0x0]  }
0x2f1: {  	v2 =	vld [tilespmem:$0x18400];
	_ =	sdelay $0x4  }
0x2f2: {  	v1 =	vmax.f32 v1, v2  }
0x2f3: {  	[tilespmem:s1+$0x0] =	vst v1  }
0x2f4: {  	v1 =	vld [tilespmem:s0+$0x0]  }
0x2f5: {  	v2 =	vld [tilespmem:$0x18410];
	_ =	sdelay $0x4  }
0x2f6: {  	v1 =	vmax.f32 v1, v2  }
0x2f7: {  	[tilespmem:s0+$0x0] =	vst v1  }
0x2f8: {  	v1 =	vld [tilespmem:s6+$0x0]  }
0x2f9: {  	v2 =	vld [tilespmem:$0x18420];
	_ =	sdelay $0x4  }
0x2fa: {  	v1 =	vmax.f32 v1, v2  }
0x2fb: {  	[tilespmem:s6+$0x0] =	vst v1  }
0x2fc: {  	v1 =	vld [tilespmem:s7+$0x0]  }
0x2fd: {  	v2 =	vld [tilespmem:$0x18430];
	_ =	sdelay $0x4  }
0x2fe: {  	v1 =	vmax.f32 v1, v2  }
0x2ff: {  	[tilespmem:s7+$0x0] =	vst v1  }
0x300: {  	v1 =	vld [tilespmem:s8+$0x0]  }
0x301: {  	v2 =	vld [tilespmem:$0x18440];
	_ =	sdelay $0x4  }
0x302: {  	v1 =	vmax.f32 v1, v2  }
0x303: {  	[tilespmem:s8+$0x0] =	vst v1  }
0x304: {  	v1 =	vld [tilespmem:s9+$0x0]  }
0x305: {  	v2 =	vld [tilespmem:$0x18450];
	_ =	sdelay $0x4  }
0x306: {  	v1 =	vmax.f32 v1, v2  }
0x307: {  	[tilespmem:s9+$0x0] =	vst v1  }
0x308: {  	v1 =	vld [tilespmem:s12+$0x0]  }
0x309: {  	v2 =	vld [tilespmem:$0x18460];
	_ =	sdelay $0x4  }
0x30a: {  	v1 =	vmax.f32 v1, v2  }
0x30b: {  	[tilespmem:s12+$0x0] =	vst v1  }
0x30c: {  	v1 =	vld [tilespmem:s13+$0x0]  }
0x30d: {  	v2 =	vld [tilespmem:$0x18470];
	_ =	sdelay $0x4  }
0x30e: {  	v1 =	vmax.f32 v1, v2  }
0x30f: {  	[tilespmem:s13+$0x0] =	vst v1  }
0x310: {  	v1 =	vld [tilespmem:s22+$0x0]  }
0x311: {  	v2 =	vld [tilespmem:$0x18480];
	_ =	sdelay $0x4  }
0x312: {  	v1 =	vmax.f32 v1, v2  }
0x313: {  	[tilespmem:s22+$0x0] =	vst v1  }
0x314: {  	v1 =	vld [tilespmem:s23+$0x0]  }
0x315: {  	v2 =	vld [tilespmem:$0x18490];
	_ =	sdelay $0x4  }
0x316: {  	v1 =	vmax.f32 v1, v2  }
0x317: {  	[tilespmem:s23+$0x0] =	vst v1  }
0x318: {  	v1 =	vld [tilespmem:s4+$0x0]  }
0x319: {  	v2 =	vld [tilespmem:$0x184A0];
	_ =	sdelay $0x4  }
0x31a: {  	v1 =	vmax.f32 v1, v2  }
0x31b: {  	[tilespmem:s4+$0x0] =	vst v1  }
0x31c: {  	v1 =	vld [tilespmem:s18+$0x0]  }
0x31d: {  	v2 =	vld [tilespmem:$0x184B0];
	_ =	sdelay $0x4  }
0x31e: {  	v1 =	vmax.f32 v1, v2  }
0x31f: {  	[tilespmem:s18+$0x0] =	vst v1  }
0x320: {  	v1 =	vld [tilespmem:s19+$0x0]  }
0x321: {  	v2 =	vld [tilespmem:$0x184C0];
	_ =	sdelay $0x4  }
0x322: {  	v1 =	vmax.f32 v1, v2  }
0x323: {  	[tilespmem:s19+$0x0] =	vst v1  }
.LBB2_24:
0x324: {  	p0 =	seq.s32 s24, $0x3D  }
.Ltmp19:
0x325: {  	_ = 	snop;
	(pc) =	sbr.rel @p0 .LBB2_26-.Ltmp19, $1  }
0x326: {  	_ =	sdelay $0x3  }
0x327: {  	s0 =	sadd.s32 s25, s11;
	s4 =	simm.s32 $0x0  }
0x328: {  	s6 =	simm.s32 $0x103E8;
	s1 =	sshrl.u32 s0, $0x3;
	s0 =	sshll.u32 s0, $0x7  }
.Ltmp20:
0x329: {  	s1 =	sadd.s32 s3, s1;
	s0 =	sor.u32 s5, s0;
	(pc) =	sbr.rel .LBB2_4-.Ltmp20, $4  }
0x32a: {  	[tilespmem:s6], [sflag:$0x2] =	stream.linear.gather [hbm4b:s1+s4], $0x3E8, $0x38;
	[tilespmem:$0x184D0] =	vst v63  }
0x32b: {  	s0 =	sshrl.u32 s0, $0x3  }
0x32c: {  	s31 =	simm.s32 $0x14650;
	s24 =	sadd.s32 $0x1, s24;
	s0 =	sadd.s32 s2, s0  }
0x32d: {  	[tilespmem:s31], [sflag:$0x2] =	stream.strided.gather [hbm4b:s0+s15], $0x3E80, s16, s15, $0x38;
	[tilespmem:$0x184D0] =	vst v63  }
.LBB2_26:
0x32e: {  	_ =	swait.ge [sflag:s20], $0x3E8  }
.Ltmp21:
0x32f: {  	[sflag:s20] =	ssyncset.done $0x0;
	(pc) =	sbr.rel .LBB2_27-.Ltmp21, $4  }
0x330: {  	[sflag:s20] =	ssyncadd.s32 $0xFFFFFC18  }
0x331: {  	_ =	swait.ge [sflag:s20], $0x3E80  }
0x332: {  	[sflag:s20] =	ssyncset.done $0x0  }
0x333: {  	s24 =	simm.s32 $0x0;
	s25 =	simm.s32 $0x10850;
	[sflag:s20] =	ssyncadd.s32 $0xFFFFC180  }
.LBB2_28:
0x334: {  	v2 =	vld [tilespmem:s26+$0x0]  }
0x335: {  	v3 =	vld [tilespmem:s25+$0xFFFFFF80]  }
0x336: {  	v4 =	vld [tilespmem:s28+$0x0]  }
0x337: {  	v5 =	vld [tilespmem:s25+$0xFFFFFF90]  }
0x338: {  	v6 =	vld [tilespmem:s29+$0x0]  }
0x339: {  	v7 =	vld [tilespmem:s25+$0xFFFFFFA0]  }
0x33a: {  	v8 =	vld [tilespmem:s1+$0x0]  }
0x33b: {  	v9 =	vld [tilespmem:s25+$0xFFFFFFB0]  }
0x33c: {  	v10 =	vld [tilespmem:s0+$0x0]  }
0x33d: {  	v11 =	vld [tilespmem:s25+$0xFFFFFFC0]  }
0x33e: {  	v12 =	vld [tilespmem:s6+$0x0]  }
0x33f: {  	v13 =	vld [tilespmem:s25+$0xFFFFFFD0]  }
0x340: {  	v14 =	vld [tilespmem:s7+$0x0]  }
0x341: {  	v15 =	vld [tilespmem:s25+$0xFFFFFFE0]  }
0x342: {  	v16 =	vld [tilespmem:s8+$0x0]  }
0x343: {  	v17 =	vld [tilespmem:s25+$0xFFFFFFF0]  }
0x344: {  	v18 =	vld [tilespmem:s9+$0x0]  }
0x345: {  	v19 =	vld [tilespmem:s25+$0x0]  }
0x346: {  	v20 =	vld [tilespmem:s12+$0x0]  }
0x347: {  	v22 =	vld [tilespmem:s13+$0x0]  }
0x348: {  	v23 =	vld [tilespmem:s22+$0x0]  }
0x349: {  	v24 =	vld [tilespmem:s23+$0x0]  }
0x34a: {  	v25 =	vld [tilespmem:s4+$0x0]  }
0x34b: {  	v26 =	vld [tilespmem:s18+$0x0]  }
0x34c: {  	v27 =	vld [tilespmem:s25+$0x70]  }
0x34d: {  	v28 =	vld [tilespmem:s25+$0x60]  }
0x34e: {  	v29 =	vld [tilespmem:s25+$0x50]  }
0x34f: {  	v30 =	vld [tilespmem:s25+$0x40]  }
0x350: {  	v31 =	vld [tilespmem:s25+$0x30]  }
0x351: {  	v63 =	vld [tilespmem:s25+$0x20];
	v1 =	vmax.f32 v1, v27  }
0x352: {  	v21 =	vld [tilespmem:s25+$0x10];
	v26 =	vmax.f32 v26, v28;
	[tilespmem:s19+$0x0] =	vst v1  }
0x353: {  	v1 =	vmax.f32 v25, v29;
	[tilespmem:s18+$0x0] =	vst v26  }
0x354: {  	v24 =	vmax.f32 v24, v30;
	[tilespmem:s4+$0x0] =	vst v1  }
0x355: {  	v1 =	vmax.f32 v23, v31;
	[tilespmem:s23+$0x0] =	vst v24  }
0x356: {  	v22 =	vmax.f32 v22, v63;
	[tilespmem:s22+$0x0] =	vst v1  }
0x357: {  	v1 =	vmax.f32 v20, v21;
	[tilespmem:s13+$0x0] =	vst v22  }
0x358: {  	v18 =	vmax.f32 v18, v19;
	[tilespmem:s12+$0x0] =	vst v1  }
0x359: {  	v1 =	vmax.f32 v16, v17;
	[tilespmem:s9+$0x0] =	vst v18  }
0x35a: {  	v14 =	vmax.f32 v14, v15;
	[tilespmem:s8+$0x0] =	vst v1  }
0x35b: {  	v1 =	vmax.f32 v12, v13;
	[tilespmem:s7+$0x0] =	vst v14  }
0x35c: {  	v10 =	vmax.f32 v10, v11;
	[tilespmem:s6+$0x0] =	vst v1  }
0x35d: {  	v1 =	vmax.f32 v8, v9;
	[tilespmem:s0+$0x0] =	vst v10  }
0x35e: {  	v6 =	vmax.f32 v6, v7;
	[tilespmem:s1+$0x0] =	vst v1  }
0x35f: {  	v1 =	vmax.f32 v4, v5;
	[tilespmem:s29+$0x0] =	vst v6  }
0x360: {  	v2 =	vmax.f32 v2, v3;
	[tilespmem:s28+$0x0] =	vst v1  }
0x361: {  	[tilespmem:s26+$0x0] =	vst v2  }
.LBB2_31:
0x362: {  	s24 =	sadd.s32 $0x40, s24  }
0x363: {  	p0 =	sne.s32 s24, $0xF80  }
.Ltmp22:
0x364: {  	_ = 	snop;
	(pc) =	sbr.rel @!p0 .LBB2_32-.Ltmp22, $2  }
0x365: {  	_ =	sdelay $0x2  }
0x366: {  	s25 =	sadd.s32 $0x100, s25  }
.LBB2_27:
0x367: {  	s0 =	sshra.s32 s24, $0x2  }
0x368: {  	v1 =	vld [tilespmem:s0+$0x10000];
	_ =	sdelay $0x4  }
0x369: {  	v2 =	vshll.u32 v1, $0x6  }
0x36a: {  	(v2sf) =	vpush v2, $0x0  }
0x36b: {  	(v2sf) =	vpush v2, $0x1  }
0x36c: {  	(v2sf) =	vpush v2, $0x2  }
0x36d: {  	(v2sf) =	vpush v2, $0x3  }
0x36e: {  	(v2sf) =	vpush v2, $0x4  }
0x36f: {  	(v2sf) =	vpush v2, $0x5  }
0x370: {  	(v2sf) =	vpush v2, $0x6  }
0x371: {  	(v2sf) =	vpush v2, $0x7  }
0x372: {  	v4 =	vld [tilespmem:s25+$0xFFFFFF80]  }
0x373: {  	v6 =	vld [tilespmem:s25+$0xFFFFFF90]  }
0x374: {  	v8 =	vld [tilespmem:s25+$0xFFFFFFA0]  }
0x375: {  	v10 =	vld [tilespmem:s25+$0xFFFFFFB0]  }
0x376: {  	v12 =	vld [tilespmem:s25+$0xFFFFFFC0]  }
0x377: {  	v15 =	vld [tilespmem:s25+$0xFFFFFFE0];
	(xrf1) =	vunique.msk.u32 $0xffff, v1  }
0x378: {  	v16 =	vld [tilespmem:s25+$0xFFFFFFF0]  }
0x379: {  	v18 =	vld [tilespmem:s25+$0x0];
	s4 =	spop (v2sf);
	(v2sf) =	vpush v2, $0x8  }
0x37a: {  	v20 =	vld [tilespmem:s25+$0x10];
	s6 =	spop (v2sf);
	(v2sf) =	vpush v2, $0x9  }
0x37b: {  	v22 =	vld [tilespmem:s25+$0x20];
	s7 =	spop (v2sf);
	(v2sf) =	vpush v2, $0xA  }
0x37c: {  	v24 =	vld [tilespmem:s25+$0x30];
	s8 =	spop (v2sf);
	(v2sf) =	vpush v2, $0xB  }
0x37d: {  	v27 =	vld [tilespmem:s25+$0x40];
	s9 =	spop (v2sf);
	(v2sf) =	vpush v2, $0xC  }
0x37e: {  	v30 =	vld [tilespmem:s25+$0x50];
	s26 =	sshra.s32 s4, $0x2;
	s4 =	spop (v2sf);
	(v2sf) =	vpush v2, $0xD  }
0x37f: {  	v31 =	vld [tilespmem:s25+$0x60];
	s12 =	spop (v2sf);
	(v2sf) =	vpush v2, $0xE  }
0x380: {  	v62 =	vld [tilespmem:s25+$0x70];
	s13 =	spop (v2sf);
	(v2sf) =	vpush v2, $0xF  }
0x381: {  	v1 =	vld [tilespmem:s25+$0xFFFFFFD0]  }
0x382: {  	v3 =	vld [tilespmem:s26+$0x0];
	s28 =	sshra.s32 s6, $0x2  }
0x383: {  	v5 =	vld [tilespmem:s28+$0x0];
	s29 =	sshra.s32 s7, $0x2  }
0x384: {  	v7 =	vld [tilespmem:s29+$0x0];
	s1 =	sshra.s32 s8, $0x2  }
0x385: {  	_, v26, _ =	vpop (xrf1);
	v9 =	vld [tilespmem:s1+$0x0];
	s0 =	sshra.s32 s9, $0x2  }
0x386: {  	v28 =	vbroadcast v26, $0x0;
	v11 =	vld [tilespmem:s0+$0x0];
	s6 =	sshra.s32 s4, $0x2  }
0x387: {  	v13 =	vld [tilespmem:s6+$0x0];
	s7 =	sshra.s32 s12, $0x2  }
0x388: {  	vm0 =	vne.s32 v26, v28;
	v14 =	vld [tilespmem:s7+$0x0];
	s8 =	sshra.s32 s13, $0x2;
	s14 =	spop (v2sf)  }
0x389: {  	v28 =	vmpcnt.ones.xlane vm0;
	v2 =	vld [tilespmem:s8+$0x0];
	s9 =	sshra.s32 s14, $0x2;
	s18 =	spop (v2sf)  }
0x38a: {  	v17 =	vld [tilespmem:s9+$0x0];
	s12 =	sshra.s32 s18, $0x2;
	s19 =	spop (v2sf)  }
0x38b: {  	(v2sf) =	vpush v28, $0x0;
	v19 =	vld [tilespmem:s12+$0x0];
	s13 =	sshra.s32 s19, $0x2;
	s22 =	spop (v2sf)  }
0x38c: {  	v21 =	vld [tilespmem:s13+$0x0];
	s22 =	sshra.s32 s22, $0x2;
	s23 =	spop (v2sf)  }
0x38d: {  	v23 =	vld [tilespmem:s22+$0x0];
	s23 =	sshra.s32 s23, $0x2;
	s30 =	spop (v2sf)  }
0x38e: {  	v25 =	vld [tilespmem:s23+$0x0];
	s4 =	sshra.s32 s30, $0x2;
	s14 =	spop (v2sf)  }
0x38f: {  	v29 =	vld [tilespmem:s4+$0x0];
	s18 =	sshra.s32 s14, $0x2;
	s31 =	spop (v2sf)  }
0x390: {  	v3 =	vmax.f32 v3, v4;
	v60 =	vld [tilespmem:s18+$0x0];
	s19 =	sshra.s32 s31, $0x2  }
0x391: {  	v5 =	vmax.f32 v5, v6;
	v61 =	vld [tilespmem:s19+$0x0];
	[tilespmem:s26+$0x0] =	vst v3  }
0x392: {  	v3 =	vmax.f32 v7, v8;
	[tilespmem:s28+$0x0] =	vst v5  }
0x393: {  	v63 =	vmax.f32 v9, v10;
	[tilespmem:s29+$0x0] =	vst v3  }
0x394: {  	v3 =	vmax.f32 v11, v12;
	[tilespmem:s1+$0x0] =	vst v63  }
0x395: {  	v1 =	vmax.f32 v13, v1;
	[tilespmem:s0+$0x0] =	vst v3  }
0x396: {  	v3 =	vmax.f32 v14, v15;
	[tilespmem:s6+$0x0] =	vst v1  }
0x397: {  	v1 =	vmax.f32 v2, v16;
	[tilespmem:s7+$0x0] =	vst v3  }
0x398: {  	v2 =	vmax.f32 v17, v18;
	[tilespmem:s8+$0x0] =	vst v1  }
0x399: {  	v1 =	vmax.f32 v19, v20;
	[tilespmem:s9+$0x0] =	vst v2  }
0x39a: {  	s14 =	spop (v2sf);
	v2 =	vmax.f32 v21, v22;
	[tilespmem:s12+$0x0] =	vst v1  }
0x39b: {  	p0 =	sne.s32 s14, $0x1;
	v1 =	vmax.f32 v23, v24;
	[tilespmem:s13+$0x0] =	vst v2  }
.Ltmp23:
0x39c: {  	v2 =	vmax.f32 v25, v27;
	[tilespmem:s22+$0x0] =	vst v1;
	(pc) =	sbr.rel @!p0 .LBB2_28-.Ltmp23, $4  }
0x39d: {  	v1 =	vmax.f32 v29, v30;
	[tilespmem:s23+$0x0] =	vst v2  }
0x39e: {  	v2 =	vmax.f32 v60, v31;
	[tilespmem:s4+$0x0] =	vst v1  }
0x39f: {  	v1 =	vmax.f32 v61, v62;
	[tilespmem:s18+$0x0] =	vst v2  }
0x3a0: {  	[tilespmem:s19+$0x0] =	vst v1  }
0x3a1: {  	p0 =	slt.s32 s14, $0x2  }
.Ltmp24:
0x3a2: {  	_ = 	snop;
	(pc) =	sbr.rel @p0 .LBB2_31-.Ltmp24, $1  }
0x3a3: {  	_ =	sdelay $0x3  }
0x3a4: {  	v1 =	vld [tilespmem:s26+$0x0]  }
0x3a5: {  	v2 =	vld [tilespmem:s25+$0xFFFFFF80];
	_ =	sdelay $0x4  }
0x3a6: {  	v1 =	vmax.f32 v1, v2  }
0x3a7: {  	[tilespmem:s26+$0x0] =	vst v1  }
0x3a8: {  	v1 =	vld [tilespmem:s28+$0x0]  }
0x3a9: {  	v2 =	vld [tilespmem:s25+$0xFFFFFF90];
	_ =	sdelay $0x4  }
0x3aa: {  	v1 =	vmax.f32 v1, v2  }
0x3ab: {  	[tilespmem:s28+$0x0] =	vst v1  }
0x3ac: {  	v1 =	vld [tilespmem:s29+$0x0]  }
0x3ad: {  	v2 =	vld [tilespmem:s25+$0xFFFFFFA0];
	_ =	sdelay $0x4  }
0x3ae: {  	v1 =	vmax.f32 v1, v2  }
0x3af: {  	[tilespmem:s29+$0x0] =	vst v1  }
0x3b0: {  	v1 =	vld [tilespmem:s1+$0x0]  }
0x3b1: {  	v2 =	vld [tilespmem:s25+$0xFFFFFFB0];
	_ =	sdelay $0x4  }
0x3b2: {  	v1 =	vmax.f32 v1, v2  }
0x3b3: {  	[tilespmem:s1+$0x0] =	vst v1  }
0x3b4: {  	v1 =	vld [tilespmem:s0+$0x0]  }
0x3b5: {  	v2 =	vld [tilespmem:s25+$0xFFFFFFC0];
	_ =	sdelay $0x4  }
0x3b6: {  	v1 =	vmax.f32 v1, v2  }
0x3b7: {  	[tilespmem:s0+$0x0] =	vst v1  }
0x3b8: {  	v1 =	vld [tilespmem:s6+$0x0]  }
0x3b9: {  	v2 =	vld [tilespmem:s25+$0xFFFFFFD0];
	_ =	sdelay $0x4  }
0x3ba: {  	v1 =	vmax.f32 v1, v2  }
0x3bb: {  	[tilespmem:s6+$0x0] =	vst v1  }
0x3bc: {  	v1 =	vld [tilespmem:s7+$0x0]  }
0x3bd: {  	v2 =	vld [tilespmem:s25+$0xFFFFFFE0];
	_ =	sdelay $0x4  }
0x3be: {  	v1 =	vmax.f32 v1, v2  }
0x3bf: {  	[tilespmem:s7+$0x0] =	vst v1  }
0x3c0: {  	v1 =	vld [tilespmem:s8+$0x0]  }
0x3c1: {  	v2 =	vld [tilespmem:s25+$0xFFFFFFF0];
	_ =	sdelay $0x4  }
0x3c2: {  	v1 =	vmax.f32 v1, v2  }
0x3c3: {  	[tilespmem:s8+$0x0] =	vst v1  }
0x3c4: {  	v1 =	vld [tilespmem:s9+$0x0]  }
0x3c5: {  	v2 =	vld [tilespmem:s25+$0x0];
	_ =	sdelay $0x4  }
0x3c6: {  	v1 =	vmax.f32 v1, v2  }
0x3c7: {  	[tilespmem:s9+$0x0] =	vst v1  }
0x3c8: {  	v1 =	vld [tilespmem:s12+$0x0]  }
0x3c9: {  	v2 =	vld [tilespmem:s25+$0x10];
	_ =	sdelay $0x4  }
0x3ca: {  	v1 =	vmax.f32 v1, v2  }
0x3cb: {  	[tilespmem:s12+$0x0] =	vst v1  }
0x3cc: {  	v1 =	vld [tilespmem:s13+$0x0]  }
0x3cd: {  	v2 =	vld [tilespmem:s25+$0x20];
	_ =	sdelay $0x4  }
0x3ce: {  	v1 =	vmax.f32 v1, v2  }
0x3cf: {  	[tilespmem:s13+$0x0] =	vst v1  }
0x3d0: {  	v1 =	vld [tilespmem:s22+$0x0]  }
0x3d1: {  	v2 =	vld [tilespmem:s25+$0x30];
	_ =	sdelay $0x4  }
0x3d2: {  	v1 =	vmax.f32 v1, v2  }
0x3d3: {  	[tilespmem:s22+$0x0] =	vst v1  }
0x3d4: {  	v1 =	vld [tilespmem:s23+$0x0]  }
0x3d5: {  	v2 =	vld [tilespmem:s25+$0x40];
	_ =	sdelay $0x4  }
0x3d6: {  	v1 =	vmax.f32 v1, v2  }
0x3d7: {  	[tilespmem:s23+$0x0] =	vst v1  }
0x3d8: {  	v1 =	vld [tilespmem:s4+$0x0]  }
0x3d9: {  	v2 =	vld [tilespmem:s25+$0x50];
	_ =	sdelay $0x4  }
0x3da: {  	v1 =	vmax.f32 v1, v2  }
0x3db: {  	[tilespmem:s4+$0x0] =	vst v1  }
0x3dc: {  	v1 =	vld [tilespmem:s18+$0x0]  }
0x3dd: {  	v2 =	vld [tilespmem:s25+$0x60];
	_ =	sdelay $0x4  }
0x3de: {  	v1 =	vmax.f32 v1, v2  }
0x3df: {  	[tilespmem:s18+$0x0] =	vst v1  }
0x3e0: {  	v1 =	vld [tilespmem:s19+$0x0]  }
0x3e1: {  	v2 =	vld [tilespmem:s25+$0x70];
	_ =	sdelay $0x1  }
.Ltmp25:
0x3e2: {  	_ = 	snop;
	(pc) =	sbr.rel .LBB2_31-.Ltmp25, $3  }
0x3e3: {  	_ =	sdelay $0x1  }
0x3e4: {  	v1 =	vmax.f32 v1, v2  }
0x3e5: {  	[tilespmem:s19+$0x0] =	vst v1  }
.LBB2_32:
0x3e6: {  	v1 =	vld [tilespmem:$0x103D8];
	_ =	sdelay $0x4  }
0x3e7: {  	v2 =	vshll.u32 v1, $0x6  }
0x3e8: {  	(v2sf) =	vpush v2, $0x0  }
0x3e9: {  	(v2sf) =	vpush v2, $0x1  }
0x3ea: {  	(v2sf) =	vpush v2, $0x2  }
0x3eb: {  	(v2sf) =	vpush v2, $0x3  }
0x3ec: {  	(v2sf) =	vpush v2, $0x4  }
0x3ed: {  	(v2sf) =	vpush v2, $0x5  }
0x3ee: {  	(v2sf) =	vpush v2, $0x6  }
0x3ef: {  	(v2sf) =	vpush v2, $0x7  }
0x3f0: {  	v4 =	vld [tilespmem:$0x14550]  }
0x3f1: {  	v6 =	vld [tilespmem:$0x14560]  }
0x3f2: {  	v8 =	vld [tilespmem:$0x14570]  }
0x3f3: {  	v10 =	vld [tilespmem:$0x14580]  }
0x3f4: {  	v12 =	vld [tilespmem:$0x14590]  }
0x3f5: {  	v15 =	vld [tilespmem:$0x145B0];
	(xrf1) =	vunique.msk.u32 $0xffff, v1  }
0x3f6: {  	v16 =	vld [tilespmem:$0x145C0]  }
0x3f7: {  	v18 =	vld [tilespmem:$0x145D0];
	s0 =	spop (v2sf);
	(v2sf) =	vpush v2, $0x8  }
0x3f8: {  	v20 =	vld [tilespmem:$0x145E0];
	s8 =	spop (v2sf);
	(v2sf) =	vpush v2, $0x9  }
0x3f9: {  	v22 =	vld [tilespmem:$0x145F0];
	s9 =	spop (v2sf);
	(v2sf) =	vpush v2, $0xA  }
0x3fa: {  	v24 =	vld [tilespmem:$0x14600];
	s12 =	spop (v2sf);
	(v2sf) =	vpush v2, $0xB  }
0x3fb: {  	v27 =	vld [tilespmem:$0x14610];
	s13 =	spop (v2sf);
	(v2sf) =	vpush v2, $0xC  }
0x3fc: {  	v30 =	vld [tilespmem:$0x14620];
	s4 =	spop (v2sf);
	(v2sf) =	vpush v2, $0xD  }
0x3fd: {  	v31 =	vld [tilespmem:$0x14630];
	s14 =	spop (v2sf);
	(v2sf) =	vpush v2, $0xE  }
0x3fe: {  	v62 =	vld [tilespmem:$0x14640];
	s18 =	spop (v2sf);
	(v2sf) =	vpush v2, $0xF  }
0x3ff: {  	v1 =	vld [tilespmem:$0x145A0];
	s24 =	sshra.s32 s0, $0x2  }
0x400: {  	v3 =	vld [tilespmem:s24+$0x0];
	s25 =	sshra.s32 s8, $0x2  }
0x401: {  	v5 =	vld [tilespmem:s25+$0x0];
	s26 =	sshra.s32 s9, $0x2  }
0x402: {  	v7 =	vld [tilespmem:s26+$0x0];
	s1 =	sshra.s32 s12, $0x2  }
0x403: {  	_, v26, _ =	vpop (xrf1);
	v9 =	vld [tilespmem:s1+$0x0];
	s0 =	sshra.s32 s13, $0x2  }
0x404: {  	v28 =	vbroadcast v26, $0x0;
	v11 =	vld [tilespmem:s0+$0x0];
	s6 =	sshra.s32 s4, $0x2  }
0x405: {  	v13 =	vld [tilespmem:s6+$0x0];
	s7 =	sshra.s32 s14, $0x2  }
0x406: {  	vm0 =	vne.s32 v26, v28;
	v14 =	vld [tilespmem:s7+$0x0];
	s8 =	sshra.s32 s18, $0x2;
	s19 =	spop (v2sf)  }
0x407: {  	v28 =	vmpcnt.ones.xlane vm0;
	v2 =	vld [tilespmem:s8+$0x0];
	s9 =	sshra.s32 s19, $0x2;
	s22 =	spop (v2sf)  }
0x408: {  	v17 =	vld [tilespmem:s9+$0x0];
	s12 =	sshra.s32 s22, $0x2;
	s23 =	spop (v2sf)  }
0x409: {  	(v2sf) =	vpush v28, $0x0;
	v19 =	vld [tilespmem:s12+$0x0];
	s13 =	sshra.s32 s23, $0x2;
	s28 =	spop (v2sf)  }
0x40a: {  	v21 =	vld [tilespmem:s13+$0x0];
	s22 =	sshra.s32 s28, $0x2;
	s29 =	spop (v2sf)  }
0x40b: {  	v23 =	vld [tilespmem:s22+$0x0];
	s23 =	sshra.s32 s29, $0x2;
	s30 =	spop (v2sf)  }
0x40c: {  	v25 =	vld [tilespmem:s23+$0x0];
	s4 =	sshra.s32 s30, $0x2;
	s14 =	spop (v2sf)  }
0x40d: {  	v29 =	vld [tilespmem:s4+$0x0];
	s18 =	sshra.s32 s14, $0x2;
	s31 =	spop (v2sf)  }
0x40e: {  	v3 =	vmax.f32 v3, v4;
	v60 =	vld [tilespmem:s18+$0x0];
	s19 =	sshra.s32 s31, $0x2  }
0x40f: {  	v5 =	vmax.f32 v5, v6;
	v61 =	vld [tilespmem:s19+$0x0];
	[tilespmem:s24+$0x0] =	vst v3  }
0x410: {  	v3 =	vmax.f32 v7, v8;
	[tilespmem:s25+$0x0] =	vst v5  }
0x411: {  	v63 =	vmax.f32 v9, v10;
	[tilespmem:s26+$0x0] =	vst v3  }
0x412: {  	v3 =	vmax.f32 v11, v12;
	[tilespmem:s1+$0x0] =	vst v63  }
0x413: {  	v1 =	vmax.f32 v13, v1;
	[tilespmem:s0+$0x0] =	vst v3  }
0x414: {  	v3 =	vmax.f32 v14, v15;
	[tilespmem:s6+$0x0] =	vst v1  }
0x415: {  	v1 =	vmax.f32 v2, v16;
	[tilespmem:s7+$0x0] =	vst v3  }
0x416: {  	v2 =	vmax.f32 v17, v18;
	[tilespmem:s8+$0x0] =	vst v1  }
0x417: {  	v1 =	vmax.f32 v19, v20;
	[tilespmem:s9+$0x0] =	vst v2  }
0x418: {  	s14 =	spop (v2sf);
	v2 =	vmax.f32 v21, v22;
	[tilespmem:s12+$0x0] =	vst v1  }
0x419: {  	p0 =	sne.s32 s14, $0x1;
	v1 =	vmax.f32 v23, v24;
	[tilespmem:s13+$0x0] =	vst v2  }
.Ltmp26:
0x41a: {  	v2 =	vmax.f32 v25, v27;
	[tilespmem:s22+$0x0] =	vst v1;
	(pc) =	sbr.rel @!p0 .LBB2_33-.Ltmp26, $4  }
0x41b: {  	v1 =	vmax.f32 v29, v30;
	[tilespmem:s23+$0x0] =	vst v2  }
0x41c: {  	v2 =	vmax.f32 v60, v31;
	[tilespmem:s4+$0x0] =	vst v1  }
0x41d: {  	v1 =	vmax.f32 v61, v62;
	[tilespmem:s18+$0x0] =	vst v2  }
0x41e: {  	[tilespmem:s19+$0x0] =	vst v1  }
0x41f: {  	p0 =	slt.s32 s14, $0x2  }
.Ltmp27:
0x420: {  	_ = 	snop;
	(pc) =	sbr.rel @p0 .LBB2_36-.Ltmp27, $2  }
0x421: {  	_ =	sdelay $0x2  }
0x422: {  	s14 =	rddreg [dreg:$0xa]  }
0x423: {  	v1 =	vld [tilespmem:s24+$0x0]  }
0x424: {  	v2 =	vld [tilespmem:$0x14550];
	_ =	sdelay $0x4  }
0x425: {  	v1 =	vmax.f32 v1, v2  }
0x426: {  	[tilespmem:s24+$0x0] =	vst v1  }
0x427: {  	v1 =	vld [tilespmem:s25+$0x0]  }
0x428: {  	v2 =	vld [tilespmem:$0x14560];
	_ =	sdelay $0x4  }
0x429: {  	v1 =	vmax.f32 v1, v2  }
0x42a: {  	[tilespmem:s25+$0x0] =	vst v1  }
0x42b: {  	v1 =	vld [tilespmem:s26+$0x0]  }
0x42c: {  	v2 =	vld [tilespmem:$0x14570];
	_ =	sdelay $0x4  }
0x42d: {  	v1 =	vmax.f32 v1, v2  }
0x42e: {  	[tilespmem:s26+$0x0] =	vst v1  }
0x42f: {  	v1 =	vld [tilespmem:s1+$0x0]  }
0x430: {  	v2 =	vld [tilespmem:$0x14580];
	_ =	sdelay $0x4  }
0x431: {  	v1 =	vmax.f32 v1, v2  }
0x432: {  	[tilespmem:s1+$0x0] =	vst v1  }
0x433: {  	v1 =	vld [tilespmem:s0+$0x0]  }
0x434: {  	v2 =	vld [tilespmem:$0x14590];
	_ =	sdelay $0x4  }
0x435: {  	v1 =	vmax.f32 v1, v2  }
0x436: {  	[tilespmem:s0+$0x0] =	vst v1  }
0x437: {  	v1 =	vld [tilespmem:s6+$0x0]  }
0x438: {  	v2 =	vld [tilespmem:$0x145A0];
	_ =	sdelay $0x4  }
0x439: {  	v1 =	vmax.f32 v1, v2  }
0x43a: {  	[tilespmem:s6+$0x0] =	vst v1  }
0x43b: {  	v1 =	vld [tilespmem:s7+$0x0]  }
0x43c: {  	v2 =	vld [tilespmem:$0x145B0];
	_ =	sdelay $0x4  }
0x43d: {  	v1 =	vmax.f32 v1, v2  }
0x43e: {  	[tilespmem:s7+$0x0] =	vst v1  }
0x43f: {  	v1 =	vld [tilespmem:s8+$0x0]  }
0x440: {  	v2 =	vld [tilespmem:$0x145C0];
	_ =	sdelay $0x4  }
0x441: {  	v1 =	vmax.f32 v1, v2  }
0x442: {  	[tilespmem:s8+$0x0] =	vst v1  }
0x443: {  	v1 =	vld [tilespmem:s9+$0x0]  }
0x444: {  	v2 =	vld [tilespmem:$0x145D0];
	_ =	sdelay $0x4  }
0x445: {  	v1 =	vmax.f32 v1, v2  }
0x446: {  	[tilespmem:s9+$0x0] =	vst v1  }
0x447: {  	v1 =	vld [tilespmem:s12+$0x0]  }
0x448: {  	v2 =	vld [tilespmem:$0x145E0];
	_ =	sdelay $0x4  }
0x449: {  	v1 =	vmax.f32 v1, v2  }
0x44a: {  	[tilespmem:s12+$0x0] =	vst v1  }
0x44b: {  	v1 =	vld [tilespmem:s13+$0x0]  }
0x44c: {  	v2 =	vld [tilespmem:$0x145F0];
	_ =	sdelay $0x4  }
0x44d: {  	v1 =	vmax.f32 v1, v2  }
0x44e: {  	[tilespmem:s13+$0x0] =	vst v1  }
0x44f: {  	v1 =	vld [tilespmem:s22+$0x0]  }
0x450: {  	v2 =	vld [tilespmem:$0x14600];
	_ =	sdelay $0x4  }
0x451: {  	v1 =	vmax.f32 v1, v2  }
0x452: {  	[tilespmem:s22+$0x0] =	vst v1  }
0x453: {  	v1 =	vld [tilespmem:s23+$0x0]  }
0x454: {  	v2 =	vld [tilespmem:$0x14610];
	_ =	sdelay $0x4  }
0x455: {  	v1 =	vmax.f32 v1, v2  }
0x456: {  	[tilespmem:s23+$0x0] =	vst v1  }
0x457: {  	v1 =	vld [tilespmem:s4+$0x0]  }
0x458: {  	v2 =	vld [tilespmem:$0x14620];
	_ =	sdelay $0x4  }
0x459: {  	v1 =	vmax.f32 v1, v2  }
0x45a: {  	[tilespmem:s4+$0x0] =	vst v1  }
0x45b: {  	v1 =	vld [tilespmem:s18+$0x0]  }
0x45c: {  	v2 =	vld [tilespmem:$0x14630];
	_ =	sdelay $0x4  }
0x45d: {  	v1 =	vmax.f32 v1, v2  }
0x45e: {  	[tilespmem:s18+$0x0] =	vst v1  }
0x45f: {  	v1 =	vld [tilespmem:s19+$0x0]  }
0x460: {  	v2 =	vld [tilespmem:$0x14640];
	_ =	sdelay $0x1  }
.Ltmp28:
0x461: {  	_ = 	snop;
	(pc) =	sbr.rel .LBB2_36-.Ltmp28, $3  }
0x462: {  	_ =	sdelay $0x1  }
0x463: {  	v1 =	vmax.f32 v1, v2  }
0x464: {  	[tilespmem:s19+$0x0] =	vst v1  }
.LBB2_37:
0x465: {  	_ =	sfence.sel $0x180000  }
0x466: {  	[bflag:$0x0] =	sbarrier.arrive $0xFFFF  }
0x467: {  	_ =	strace $0x90000047  }
0x468: {  	s0 =	stileid.u32;
	[bflag:$0x2] =	sbarrier.arrive $0xFFFF  }
0x469: {  	p0 =	sne.s32 s0, $0x0;
	s0 =	rddreg [dreg:$0x3]  }
0x46a: {  	s0 =	sadd.s32 @!p0 $0x100000, s0  }
0x46b: {  	[sflag:s0] =	ssyncadd.tile.s32 @!p0 $0x1;
	_ =	shalt  }
.Lfunc_end2:
_tile_overlayer_lowered:
.L_overlay_start_2:
0x46c: {  	(tag) =	ssettag $0x2  }
0x46d: {  	s0 =	rddreg [dreg:$0x0];
	s2 =	stileid.u32  }
0x46e: {  	s1 =	rddreg [dreg:$0x1];
	p0 =	sne.s32 s2, $0x0  }
0x46f: {  	s3 =	rddreg [dreg:$0x2];
	[bflag:$0x3] =	sbarrier.arrive $0xFFFF;
	s2 =	simm.s32 @!p0 $0x1C03  }
0x470: {  	[timem:s3], [sflag:s2] =	dma.local @!p0 [hbm:s0], s1  }
0x471: {  	s0 =	simm.s32 @!p0 $0x3  }
0x472: {  	_ =	swait.ge @!p0 [sflag:s0], s1  }
0x473: {  	s1 =	ssub.s32 @!p0 $0x0, s1;
	[sflag:s0] =	ssyncset.done @!p0 $0x0  }
0x474: {  	[sflag:s0] =	ssyncadd.s32 @!p0 s1  }
0x475: {  	[bflag:$0x3] =	sbarrier.arrive $0xFFFF  }
0x476: {  	_ =	shalt  }

</sc_bundles>
